<compile_context>
chip_gen: v7x
topology: tpu7x:2x2x1
jax: 0.10.2.dev20260603
libtpu: 0.0.44.dev20260713+nightly
codegen_flags: <defaults>
</compile_context>

<pallas_src>
import functools

import jax
import jax.numpy as jnp
from jax import lax
from jax.experimental import pallas as pl
from jax.experimental.pallas import tpu as pltpu
from jax.experimental.pallas import tpu_sc as plsc

_N = 10000
_D = 128
_E = 320000
_NC = 2
_NS = 16
_NW = _NC * _NS
_EPW = _E // _NW
_C = 80
_NCHUNK = _EPW // _C
_NB = 4
_NI = 2 * _NB
_RPT = 624
_REM = _N - _RPT * _NS


def _seg_sum_sc(h, src, dst):
    mesh = plsc.VectorSubcoreMesh(core_axis_name="c", subcore_axis_name="s",
                                  num_cores=_NC, num_subcores=_NS)

    @functools.partial(
        pl.kernel,
        out_type=jax.ShapeDtypeStruct((_NC, _N, _D), jnp.float32),
        mesh=mesh,
        scratch_types=[
            pltpu.VMEM((_NB, _C), jnp.int32),
            pltpu.VMEM((_NB, _C), jnp.int32),
            pltpu.VMEM((_NB, _C, _D), jnp.float32),
            pltpu.VMEM_SHARED((_N, _D), jnp.float32),
            pltpu.SemaphoreType.DMA((_NB,)),
            pltpu.SemaphoreType.DMA((_NB,)),
        ],
    )
    def body(h_hbm, src_hbm, dst_hbm, out_hbm, idx_s, idx_d, rows, agg,
             sem_i, sem_g):
        c = lax.axis_index("c")
        s = lax.axis_index("s")
        wid = s * _NC + c
        base = wid * _EPW

        for b in range(_NB):
            off = base + b * _C
            pltpu.async_copy(src_hbm.at[pl.ds(off, _C)], idx_s.at[b],
                             sem_i.at[b])
            pltpu.async_copy(dst_hbm.at[pl.ds(off, _C)], idx_d.at[b],
                             sem_i.at[b])
        zb = rows.at[_NB - 1]

        def zstore(i, carry):
            r = i // (_D // 16)
            col = (i % (_D // 16)) * 16
            zb[r, pl.ds(col, 16)] = jnp.zeros((16,), jnp.float32)
            return carry

        lax.fori_loop(0, _C * (_D // 16), zstore, 0)
        for b in range(_NB - 1):
            off = base + b * _C
            pltpu.make_async_copy(src_hbm.at[pl.ds(off, _C)],
                                  idx_s.at[b], sem_i.at[b]).wait()
            pltpu.make_async_copy(dst_hbm.at[pl.ds(off, _C)],
                                  idx_d.at[b], sem_i.at[b]).wait()
            pltpu.async_copy(h_hbm.at[idx_s.at[b]], rows.at[b], sem_g.at[b])
        row0 = s * _RPT
        for k in range(_RPT // _C):
            pltpu.sync_copy(zb, agg.at[pl.ds(row0 + k * _C, _C)])
        pltpu.sync_copy(zb.at[pl.ds(0, _RPT % _C)],
                        agg.at[pl.ds(row0 + (_RPT // _C) * _C, _RPT % _C)])

        @pl.when(s == 0)
        def _():
            pltpu.sync_copy(zb.at[pl.ds(0, _REM)],
                            agg.at[pl.ds(_RPT * _NS, _REM)])

        plsc.subcore_barrier()

        def group(g, carry):
            for b in range(_NB):
                i = g * _NB + b
                ci, cg, cs = i, i - 1, i - 3

                @pl.when(jnp.logical_and(ci >= _NB, ci < _NCHUNK))
                def _():
                    off = base + ci * _C
                    pltpu.async_copy(src_hbm.at[pl.ds(off, _C)],
                                     idx_s.at[b], sem_i.at[b])
                    pltpu.async_copy(dst_hbm.at[pl.ds(off, _C)],
                                     idx_d.at[b], sem_i.at[b])

                bg = (b - 1) % _NB

                @pl.when(jnp.logical_and(cg >= _NB - 1, cg < _NCHUNK))
                def _():
                    off = base + cg * _C
                    pltpu.make_async_copy(src_hbm.at[pl.ds(off, _C)],
                                          idx_s.at[bg], sem_i.at[bg]).wait()
                    pltpu.make_async_copy(dst_hbm.at[pl.ds(off, _C)],
                                          idx_d.at[bg], sem_i.at[bg]).wait()
                    pltpu.async_copy(h_hbm.at[idx_s.at[bg]], rows.at[bg],
                                     sem_g.at[bg])

                bs = (b - 3) % _NB

                @pl.when(jnp.logical_and(cs >= 0, cs < _NCHUNK))
                def _():
                    pltpu.make_async_copy(h_hbm.at[idx_s.at[bs]],
                                          rows.at[bs], sem_g.at[bs]).wait()
                    pltpu.sync_copy(rows.at[bs], agg.at[idx_d.at[bs]],
                                    add=True)
            return carry

        lax.fori_loop(0, (_NCHUNK + _NB - 1) // _NB + 1, group, 0)

        plsc.subcore_barrier()
        pltpu.sync_copy(agg.at[pl.ds(row0, _RPT)],
                        out_hbm.at[c, pl.ds(row0, _RPT)])

        @pl.when(s == 0)
        def _():
            pltpu.sync_copy(agg.at[pl.ds(_RPT * _NS, _REM)],
                            out_hbm.at[c, pl.ds(_RPT * _NS, _REM)])

    return body(h, src, dst)


def _gin_mlp(h_ref, p_ref, eps_ref, w1_ref, b1_ref, g_ref, be_ref, w2_ref, b2_ref):
    eps = eps_ref[0]
    comb = (1.0 + eps) * h_ref[...] + p_ref[0] + p_ref[1]
    y = jnp.dot(comb, w1_ref[...], preferred_element_type=jnp.float32) + b1_ref[...]
    mu = jnp.mean(y, axis=0, keepdims=True)
    var = jnp.mean((y - mu) ** 2, axis=0, keepdims=True)
    yn = (y - mu) * lax.rsqrt(var + 1e-5) * g_ref[...] + be_ref[...]
    z = jnp.maximum(yn, 0.0)
    h2 = jnp.dot(z, w2_ref[...], preferred_element_type=jnp.float32) + b2_ref[...]
    return jnp.maximum(h2, 0.0)


def _tc_layer(h, p, eps, w1, b1, g, be, w2, b2):
    def kfn(h_ref, p_ref, eps_ref, w1_ref, b1_ref, g_ref, be_ref, w2_ref,
            b2_ref, o_ref):
        o_ref[...] = _gin_mlp(h_ref, p_ref, eps_ref, w1_ref, b1_ref, g_ref,
                              be_ref, w2_ref, b2_ref)

    specs = [pl.BlockSpec(memory_space=pltpu.VMEM) for _ in range(9)]
    specs[2] = pl.BlockSpec(memory_space=pltpu.SMEM)
    return pl.pallas_call(
        kfn,
        out_shape=jax.ShapeDtypeStruct((_N, _D), jnp.float32),
        in_specs=specs,
        out_specs=pl.BlockSpec(memory_space=pltpu.VMEM),
    )(h, p, eps.reshape(1), w1, b1.reshape(1, -1), g.reshape(1, -1),
      be.reshape(1, -1), w2, b2.reshape(1, -1))


def _tc_layer_final(h, p, eps, w1, b1, g, be, w2, b2, wf1, bf1, wf2, bf2):
    def kfn(h_ref, p_ref, eps_ref, w1_ref, b1_ref, g_ref, be_ref, w2_ref,
            b2_ref, wf1_ref, bf1_ref, wf2_ref, bf2_ref, o_ref):
        h2 = _gin_mlp(h_ref, p_ref, eps_ref, w1_ref, b1_ref, g_ref, be_ref,
                      w2_ref, b2_ref)
        t = jnp.maximum(
            jnp.dot(h2, wf1_ref[...], preferred_element_type=jnp.float32)
            + bf1_ref[...], 0.0)
        o_ref[...] = (jnp.dot(t, wf2_ref[...], preferred_element_type=jnp.float32)
                      + bf2_ref[...])

    specs = [pl.BlockSpec(memory_space=pltpu.VMEM) for _ in range(13)]
    specs[2] = pl.BlockSpec(memory_space=pltpu.SMEM)
    return pl.pallas_call(
        kfn,
        out_shape=jax.ShapeDtypeStruct((_N, _D), jnp.float32),
        in_specs=specs,
        out_specs=pl.BlockSpec(memory_space=pltpu.VMEM),
    )(h, p, eps.reshape(1), w1, b1.reshape(1, -1), g.reshape(1, -1),
      be.reshape(1, -1), w2, b2.reshape(1, -1), wf1, bf1.reshape(1, -1),
      wf2, bf2.reshape(1, -1))


def kernel(x, edge_index,
           eps0, W1_0, b1_0, g_0, be_0, W2_0, b2_0,
           eps1, W1_1, b1_1, g_1, be_1, W2_1, b2_1,
           eps2, W1_2, b1_2, g_2, be_2, W2_2, b2_2,
           Wf1, bf1, Wf2, bf2):
    src = edge_index[0]
    dst = edge_index[1]
    layers = [
        (eps0, W1_0, b1_0, g_0, be_0, W2_0, b2_0),
        (eps1, W1_1, b1_1, g_1, be_1, W2_1, b2_1),
        (eps2, W1_2, b1_2, g_2, be_2, W2_2, b2_2),
    ]
    h = x
    for l, (eps, w1, b1, g, be, w2, b2) in enumerate(layers):
        p = _seg_sum_sc(h, src, dst)
        if l < 2:
            h = _tc_layer(h, p, eps, w1, b1, g, be, w2, b2)
        else:
            h = _tc_layer_final(h, p, eps, w1, b1, g, be, w2, b2,
                                Wf1, bf1, Wf2, bf2)
    return h

# --- scband reference (transcript-rebuilt; emitter-appended) ---
"""Pipeline reference for scband-gin-75608604279030 (READ-ONLY COPY).

The authoritative reference and input builder live on the scoring server;
editing this copy changes nothing except your own understanding.
"""

import jax, jax.numpy as jnp
import numpy as np

N = 10000
D = 128
E = 320000
H = 128
O = 128
L = 3


def setup_inputs(seed: int = 0) -> dict:
    key = jax.random.key(seed)
    ks = jax.random.split(key, 32)
    inp = {}
    inp["x"] = jax.random.normal(ks[0], (N, D), dtype=jnp.float32)
    inp["edge_index"] = jax.random.randint(ks[1], (2, E), 0, N, dtype=jnp.int32)
    k = 2
    for l in range(L):
        fan_in = D if l == 0 else H
        inp[f"eps{l}"] = jnp.zeros((), dtype=jnp.float32)
        inp[f"W1_{l}"] = jax.random.normal(ks[k], (fan_in, H), dtype=jnp.float32) / np.sqrt(fan_in); k += 1
        inp[f"b1_{l}"] = jnp.zeros((H,), dtype=jnp.float32)
        inp[f"g_{l}"] = jnp.ones((H,), dtype=jnp.float32)
        inp[f"be_{l}"] = jnp.zeros((H,), dtype=jnp.float32)
        inp[f"W2_{l}"] = jax.random.normal(ks[k], (H, H), dtype=jnp.float32) / np.sqrt(H); k += 1
        inp[f"b2_{l}"] = jnp.zeros((H,), dtype=jnp.float32)
    inp["Wf1"] = jax.random.normal(ks[k], (H, H), dtype=jnp.float32) / np.sqrt(H); k += 1
    inp["bf1"] = jnp.zeros((H,), dtype=jnp.float32)
    inp["Wf2"] = jax.random.normal(ks[k], (H, O), dtype=jnp.float32) / np.sqrt(H); k += 1
    inp["bf2"] = jnp.zeros((O,), dtype=jnp.float32)
    return inp


def _mlp_bn(h, W1, b1, g, be, W2, b2):
    # torch_geometric MLP([in, hid, hid]): Lin -> BatchNorm -> ReLU -> Lin (plain last)
    h = h @ W1 + b1
    mu = jnp.mean(h, axis=0)
    var = jnp.var(h, axis=0)
    h = (h - mu) / jnp.sqrt(var + 1e-5) * g + be
    h = jax.nn.relu(h)
    return h @ W2 + b2


def reference(x, edge_index,
              eps0, W1_0, b1_0, g_0, be_0, W2_0, b2_0,
              eps1, W1_1, b1_1, g_1, be_1, W2_1, b2_1,
              eps2, W1_2, b1_2, g_2, be_2, W2_2, b2_2,
              Wf1, bf1, Wf2, bf2):
    src = edge_index[0]
    dst = edge_index[1]
    layers = [
        (eps0, W1_0, b1_0, g_0, be_0, W2_0, b2_0),
        (eps1, W1_1, b1_1, g_1, be_1, W2_1, b2_1),
        (eps2, W1_2, b1_2, g_2, be_2, W2_2, b2_2),
    ]
    h = x
    for (eps, W1, b1, g, be, W2, b2) in layers:
        # GINConv: mlp((1 + eps) * x_i + sum_{j in N(i)} x_j)
        agg = jax.ops.segment_sum(h[src], dst, num_segments=N)
        h = (1.0 + eps) * h + agg
        h = _mlp_bn(h, W1, b1, g, be, W2, b2)
        h = jax.nn.relu(h)  # activation; dropout p=0.0 -> identity
    # final MLP([hid, hid, out], norm=None, dropout=0): Lin -> ReLU -> Lin
    h = jax.nn.relu(h @ Wf1 + bf1)
    return h @ Wf2 + bf2

if __name__ == "__main__":
    import jax
    _d = setup_inputs()
    print(jax.jit(kernel)(*tuple(_d.values())))

</pallas_src>

<mosaic_0001>
#map = affine_map<(d0, d1) -> (0, 0)>
#map1 = affine_map<(d0, d1) -> (0)>
#map2 = affine_map<(d0, d1) -> (0, 0, 0)>
module attributes {stable_mosaic.version = 14 : i64} {
  func.func @body(%arg0: i32, %arg1: i32, %arg2: memref<10000x128xf32, #tpu.memory_space<hbm>>, %arg3: memref<320000xi32, #tpu.memory_space<hbm>>, %arg4: memref<320000xi32, #tpu.memory_space<hbm>>, %arg5: memref<2x10000x128xf32, #tpu.memory_space<hbm>>, %arg6: memref<4x80xi32, #tpu.memory_space<vmem>>, %arg7: memref<4x80xi32, #tpu.memory_space<vmem>>, %arg8: memref<4x80x128xf32, #tpu.memory_space<vmem>>, %arg9: memref<10000x128xf32, #tpu.memory_space<vmem_shared>>, %arg10: memref<4x!tpu.dma_semaphore, #tpu.memory_space<semaphore_mem>>, %arg11: memref<4x!tpu.dma_semaphore, #tpu.memory_space<semaphore_mem>>) attributes {dimension_semantics = [#tpu.dimension_semantics<core_parallel>, #tpu.dimension_semantics<subcore_parallel>], iteration_bounds = array<i64: 2, 16>, scalar_prefetch = 0 : i64, scratch_operands = 6 : i64, tpu.core_type = #tpu.core_type<sc_vector_subcore>, window_params = [{transform_indices = #map}, {transform_indices = #map1}, {transform_indices = #map1}, {transform_indices = #map2}]} {
    %mul3A = arith.constant 2 : i32
    %mul3A_0 = arith.muli %arg1, %mul3A : i32
    %add3A = arith.addi %mul3A_0, %arg0 : i32
    %mul3A_1 = arith.constant 10000 : i32
    %mul3A_2 = arith.muli %add3A, %mul3A_1 : i32
    %add3A_3 = arith.constant 0 : i32
    %add3A_4 = arith.addi %mul3A_2, %add3A_3 : i32
    %dma_start3A = arith.constant 0 : i32
    %dma_start3A_5 = arith.constant 0 : i32
    %dma_start3A_6 = arith.constant 0 : i32
    %dma_start3A_7 = tpu.memref_slice %arg6[%dma_start3A, %dma_start3A_6] : memref<4x80xi32, #tpu.memory_space<vmem>> -> memref<1x80xi32, #tpu.memory_space<vmem>>
    %dma_start3A_8 = tpu.memref_squeeze %dma_start3A_7 : memref<1x80xi32, #tpu.memory_space<vmem>> -> memref<80xi32, #tpu.memory_space<vmem>>
    %dma_start3A_9 = tpu.memref_slice %arg3[%add3A_4] : memref<320000xi32, #tpu.memory_space<hbm>> -> memref<80xi32, #tpu.memory_space<hbm>>
    %dma_start3A_10 = tpu.memref_slice %arg10[%dma_start3A_5] : memref<4x!tpu.dma_semaphore, #tpu.memory_space<semaphore_mem>> -> memref<1x!tpu.dma_semaphore, #tpu.memory_space<semaphore_mem>>
    %dma_start3A_11 = tpu.memref_squeeze %dma_start3A_10 : memref<1x!tpu.dma_semaphore, #tpu.memory_space<semaphore_mem>> -> memref<!tpu.dma_semaphore, #tpu.memory_space<semaphore_mem>>
    %dma_start3A_12 = arith.constant 0 : i32
    %dma_start3A_13 = tpu.memref_slice %arg6[%dma_start3A, %dma_start3A_12] : memref<4x80xi32, #tpu.memory_space<vmem>> -> memref<1x80xi32, #tpu.memory_space<vmem>>
    %dma_start3A_14 = tpu.memref_squeeze %dma_start3A_13 : memref<1x80xi32, #tpu.memory_space<vmem>> -> memref<80xi32, #tpu.memory_space<vmem>>
    %dma_start3A_15 = tpu.memref_slice %arg3[%add3A_4] : memref<320000xi32, #tpu.memory_space<hbm>> -> memref<80xi32, #tpu.memory_space<hbm>>
    tpu.enqueue_dma source(%dma_start3A_15 : memref<80xi32, #tpu.memory_space<hbm>>) target(%dma_start3A_14 : memref<80xi32, #tpu.memory_space<vmem>>) target_semaphore(%dma_start3A_11 : memref<!tpu.dma_semaphore, #tpu.memory_space<semaphore_mem>>)
    %dma_start3A_16 = arith.constant 0 : i32
    %dma_start3A_17 = arith.constant 0 : i32
    %dma_start3A_18 = arith.constant 0 : i32
    %dma_start3A_19 = tpu.memref_slice %arg7[%dma_start3A_16, %dma_start3A_18] : memref<4x80xi32, #tpu.memory_space<vmem>> -> memref<1x80xi32, #tpu.memory_space<vmem>>
    %dma_start3A_20 = tpu.memref_squeeze %dma_start3A_19 : memref<1x80xi32, #tpu.memory_space<vmem>> -> memref<80xi32, #tpu.memory_space<vmem>>
    %dma_start3A_21 = tpu.memref_slice %arg4[%add3A_4] : memref<320000xi32, #tpu.memory_space<hbm>> -> memref<80xi32, #tpu.memory_space<hbm>>
    %dma_start3A_22 = tpu.memref_slice %arg10[%dma_start3A_17] : memref<4x!tpu.dma_semaphore, #tpu.memory_space<semaphore_mem>> -> memref<1x!tpu.dma_semaphore, #tpu.memory_space<semaphore_mem>>
    %dma_start3A_23 = tpu.memref_squeeze %dma_start3A_22 : memref<1x!tpu.dma_semaphore, #tpu.memory_space<semaphore_mem>> -> memref<!tpu.dma_semaphore, #tpu.memory_space<semaphore_mem>>
    %dma_start3A_24 = arith.constant 0 : i32
    %dma_start3A_25 = tpu.memref_slice %arg7[%dma_start3A_16, %dma_start3A_24] : memref<4x80xi32, #tpu.memory_space<vmem>> -> memref<1x80xi32, #tpu.memory_space<vmem>>
    %dma_start3A_26 = tpu.memref_squeeze %dma_start3A_25 : memref<1x80xi32, #tpu.memory_space<vmem>> -> memref<80xi32, #tpu.memory_space<vmem>>
    %dma_start3A_27 = tpu.memref_slice %arg4[%add3A_4] : memref<320000xi32, #tpu.memory_space<hbm>> -> memref<80xi32, #tpu.memory_space<hbm>>
    tpu.enqueue_dma source(%dma_start3A_27 : memref<80xi32, #tpu.memory_space<hbm>>) target(%dma_start3A_26 : memref<80xi32, #tpu.memory_space<vmem>>) target_semaphore(%dma_start3A_23 : memref<!tpu.dma_semaphore, #tpu.memory_space<semaphore_mem>>)
    %add3A_28 = arith.constant 80 : i32
    %add3A_29 = arith.addi %mul3A_2, %add3A_28 : i32
    %dma_start3A_30 = arith.constant 1 : i32
    %dma_start3A_31 = arith.constant 1 : i32
    %dma_start3A_32 = arith.constant 0 : i32
    %dma_start3A_33 = tpu.memref_slice %arg6[%dma_start3A_30, %dma_start3A_32] : memref<4x80xi32, #tpu.memory_space<vmem>> -> memref<1x80xi32, #tpu.memory_space<vmem>>
    %dma_start3A_34 = tpu.memref_squeeze %dma_start3A_33 : memref<1x80xi32, #tpu.memory_space<vmem>> -> memref<80xi32, #tpu.memory_space<vmem>>
    %dma_start3A_35 = tpu.memref_slice %arg3[%add3A_29] : memref<320000xi32, #tpu.memory_space<hbm>> -> memref<80xi32, #tpu.memory_space<hbm>>
    %dma_start3A_36 = tpu.memref_slice %arg10[%dma_start3A_31] : memref<4x!tpu.dma_semaphore, #tpu.memory_space<semaphore_mem>> -> memref<1x!tpu.dma_semaphore, #tpu.memory_space<semaphore_mem>>
    %dma_start3A_37 = tpu.memref_squeeze %dma_start3A_36 : memref<1x!tpu.dma_semaphore, #tpu.memory_space<semaphore_mem>> -> memref<!tpu.dma_semaphore, #tpu.memory_space<semaphore_mem>>
    %dma_start3A_38 = arith.constant 0 : i32
    %dma_start3A_39 = tpu.memref_slice %arg6[%dma_start3A_30, %dma_start3A_38] : memref<4x80xi32, #tpu.memory_space<vmem>> -> memref<1x80xi32, #tpu.memory_space<vmem>>
    %dma_start3A_40 = tpu.memref_squeeze %dma_start3A_39 : memref<1x80xi32, #tpu.memory_space<vmem>> -> memref<80xi32, #tpu.memory_space<vmem>>
    %dma_start3A_41 = tpu.memref_slice %arg3[%add3A_29] : memref<320000xi32, #tpu.memory_space<hbm>> -> memref<80xi32, #tpu.memory_space<hbm>>
    tpu.enqueue_dma source(%dma_start3A_41 : memref<80xi32, #tpu.memory_space<hbm>>) target(%dma_start3A_40 : memref<80xi32, #tpu.memory_space<vmem>>) target_semaphore(%dma_start3A_37 : memref<!tpu.dma_semaphore, #tpu.memory_space<semaphore_mem>>)
    %dma_start3A_42 = arith.constant 1 : i32
    %dma_start3A_43 = arith.constant 1 : i32
    %dma_start3A_44 = arith.constant 0 : i32
    %dma_start3A_45 = tpu.memref_slice %arg7[%dma_start3A_42, %dma_start3A_44] : memref<4x80xi32, #tpu.memory_space<vmem>> -> memref<1x80xi32, #tpu.memory_space<vmem>>
    %dma_start3A_46 = tpu.memref_squeeze %dma_start3A_45 : memref<1x80xi32, #tpu.memory_space<vmem>> -> memref<80xi32, #tpu.memory_space<vmem>>
    %dma_start3A_47 = tpu.memref_slice %arg4[%add3A_29] : memref<320000xi32, #tpu.memory_space<hbm>> -> memref<80xi32, #tpu.memory_space<hbm>>
    %dma_start3A_48 = tpu.memref_slice %arg10[%dma_start3A_43] : memref<4x!tpu.dma_semaphore, #tpu.memory_space<semaphore_mem>> -> memref<1x!tpu.dma_semaphore, #tpu.memory_space<semaphore_mem>>
    %dma_start3A_49 = tpu.memref_squeeze %dma_start3A_48 : memref<1x!tpu.dma_semaphore, #tpu.memory_space<semaphore_mem>> -> memref<!tpu.dma_semaphore, #tpu.memory_space<semaphore_mem>>
    %dma_start3A_50 = arith.constant 0 : i32
    %dma_start3A_51 = tpu.memref_slice %arg7[%dma_start3A_42, %dma_start3A_50] : memref<4x80xi32, #tpu.memory_space<vmem>> -> memref<1x80xi32, #tpu.memory_space<vmem>>
    %dma_start3A_52 = tpu.memref_squeeze %dma_start3A_51 : memref<1x80xi32, #tpu.memory_space<vmem>> -> memref<80xi32, #tpu.memory_space<vmem>>
    %dma_start3A_53 = tpu.memref_slice %arg4[%add3A_29] : memref<320000xi32, #tpu.memory_space<hbm>> -> memref<80xi32, #tpu.memory_space<hbm>>
    tpu.enqueue_dma source(%dma_start3A_53 : memref<80xi32, #tpu.memory_space<hbm>>) target(%dma_start3A_52 : memref<80xi32, #tpu.memory_space<vmem>>) target_semaphore(%dma_start3A_49 : memref<!tpu.dma_semaphore, #tpu.memory_space<semaphore_mem>>)
    %add3A_54 = arith.constant 160 : i32
    %add3A_55 = arith.addi %mul3A_2, %add3A_54 : i32
    %dma_start3A_56 = arith.constant 2 : i32
    %dma_start3A_57 = arith.constant 2 : i32
    %dma_start3A_58 = arith.constant 0 : i32
    %dma_start3A_59 = tpu.memref_slice %arg6[%dma_start3A_56, %dma_start3A_58] : memref<4x80xi32, #tpu.memory_space<vmem>> -> memref<1x80xi32, #tpu.memory_space<vmem>>
    %dma_start3A_60 = tpu.memref_squeeze %dma_start3A_59 : memref<1x80xi32, #tpu.memory_space<vmem>> -> memref<80xi32, #tpu.memory_space<vmem>>
    %dma_start3A_61 = tpu.memref_slice %arg3[%add3A_55] : memref<320000xi32, #tpu.memory_space<hbm>> -> memref<80xi32, #tpu.memory_space<hbm>>
    %dma_start3A_62 = tpu.memref_slice %arg10[%dma_start3A_57] : memref<4x!tpu.dma_semaphore, #tpu.memory_space<semaphore_mem>> -> memref<1x!tpu.dma_semaphore, #tpu.memory_space<semaphore_mem>>
    %dma_start3A_63 = tpu.memref_squeeze %dma_start3A_62 : memref<1x!tpu.dma_semaphore, #tpu.memory_space<semaphore_mem>> -> memref<!tpu.dma_semaphore, #tpu.memory_space<semaphore_mem>>
    %dma_start3A_64 = arith.constant 0 : i32
    %dma_start3A_65 = tpu.memref_slice %arg6[%dma_start3A_56, %dma_start3A_64] : memref<4x80xi32, #tpu.memory_space<vmem>> -> memref<1x80xi32, #tpu.memory_space<vmem>>
    %dma_start3A_66 = tpu.memref_squeeze %dma_start3A_65 : memref<1x80xi32, #tpu.memory_space<vmem>> -> memref<80xi32, #tpu.memory_space<vmem>>
    %dma_start3A_67 = tpu.memref_slice %arg3[%add3A_55] : memref<320000xi32, #tpu.memory_space<hbm>> -> memref<80xi32, #tpu.memory_space<hbm>>
    tpu.enqueue_dma source(%dma_start3A_67 : memref<80xi32, #tpu.memory_space<hbm>>) target(%dma_start3A_66 : memref<80xi32, #tpu.memory_space<vmem>>) target_semaphore(%dma_start3A_63 : memref<!tpu.dma_semaphore, #tpu.memory_space<semaphore_mem>>)
    %dma_start3A_68 = arith.constant 2 : i32
    %dma_start3A_69 = arith.constant 2 : i32
    %dma_start3A_70 = arith.constant 0 : i32
    %dma_start3A_71 = tpu.memref_slice %arg7[%dma_start3A_68, %dma_start3A_70] : memref<4x80xi32, #tpu.memory_space<vmem>> -> memref<1x80xi32, #tpu.memory_space<vmem>>
    %dma_start3A_72 = tpu.memref_squeeze %dma_start3A_71 : memref<1x80xi32, #tpu.memory_space<vmem>> -> memref<80xi32, #tpu.memory_space<vmem>>
    %dma_start3A_73 = tpu.memref_slice %arg4[%add3A_55] : memref<320000xi32, #tpu.memory_space<hbm>> -> memref<80xi32, #tpu.memory_space<hbm>>
    %dma_start3A_74 = tpu.memref_slice %arg10[%dma_start3A_69] : memref<4x!tpu.dma_semaphore, #tpu.memory_space<semaphore_mem>> -> memref<1x!tpu.dma_semaphore, #tpu.memory_space<semaphore_mem>>
    %dma_start3A_75 = tpu.memref_squeeze %dma_start3A_74 : memref<1x!tpu.dma_semaphore, #tpu.memory_space<semaphore_mem>> -> memref<!tpu.dma_semaphore, #tpu.memory_space<semaphore_mem>>
    %dma_start3A_76 = arith.constant 0 : i32
    %dma_start3A_77 = tpu.memref_slice %arg7[%dma_start3A_68, %dma_start3A_76] : memref<4x80xi32, #tpu.memory_space<vmem>> -> memref<1x80xi32, #tpu.memory_space<vmem>>
    %dma_start3A_78 = tpu.memref_squeeze %dma_start3A_77 : memref<1x80xi32, #tpu.memory_space<vmem>> -> memref<80xi32, #tpu.memory_space<vmem>>
    %dma_start3A_79 = tpu.memref_slice %arg4[%add3A_55] : memref<320000xi32, #tpu.memory_space<hbm>> -> memref<80xi32, #tpu.memory_space<hbm>>
    tpu.enqueue_dma source(%dma_start3A_79 : memref<80xi32, #tpu.memory_space<hbm>>) target(%dma_start3A_78 : memref<80xi32, #tpu.memory_space<vmem>>) target_semaphore(%dma_start3A_75 : memref<!tpu.dma_semaphore, #tpu.memory_space<semaphore_mem>>)
    %add3A_80 = arith.constant 240 : i32
    %add3A_81 = arith.addi %mul3A_2, %add3A_80 : i32
    %dma_start3A_82 = arith.constant 3 : i32
    %dma_start3A_83 = arith.constant 3 : i32
    %dma_start3A_84 = arith.constant 0 : i32
    %dma_start3A_85 = tpu.memref_slice %arg6[%dma_start3A_82, %dma_start3A_84] : memref<4x80xi32, #tpu.memory_space<vmem>> -> memref<1x80xi32, #tpu.memory_space<vmem>>
    %dma_start3A_86 = tpu.memref_squeeze %dma_start3A_85 : memref<1x80xi32, #tpu.memory_space<vmem>> -> memref<80xi32, #tpu.memory_space<vmem>>
    %dma_start3A_87 = tpu.memref_slice %arg3[%add3A_81] : memref<320000xi32, #tpu.memory_space<hbm>> -> memref<80xi32, #tpu.memory_space<hbm>>
    %dma_start3A_88 = tpu.memref_slice %arg10[%dma_start3A_83] : memref<4x!tpu.dma_semaphore, #tpu.memory_space<semaphore_mem>> -> memref<1x!tpu.dma_semaphore, #tpu.memory_space<semaphore_mem>>
    %dma_start3A_89 = tpu.memref_squeeze %dma_start3A_88 : memref<1x!tpu.dma_semaphore, #tpu.memory_space<semaphore_mem>> -> memref<!tpu.dma_semaphore, #tpu.memory_space<semaphore_mem>>
    %dma_start3A_90 = arith.constant 0 : i32
    %dma_start3A_91 = tpu.memref_slice %arg6[%dma_start3A_82, %dma_start3A_90] : memref<4x80xi32, #tpu.memory_space<vmem>> -> memref<1x80xi32, #tpu.memory_space<vmem>>
    %dma_start3A_92 = tpu.memref_squeeze %dma_start3A_91 : memref<1x80xi32, #tpu.memory_space<vmem>> -> memref<80xi32, #tpu.memory_space<vmem>>
    %dma_start3A_93 = tpu.memref_slice %arg3[%add3A_81] : memref<320000xi32, #tpu.memory_space<hbm>> -> memref<80xi32, #tpu.memory_space<hbm>>
    tpu.enqueue_dma source(%dma_start3A_93 : memref<80xi32, #tpu.memory_space<hbm>>) target(%dma_start3A_92 : memref<80xi32, #tpu.memory_space<vmem>>) target_semaphore(%dma_start3A_89 : memref<!tpu.dma_semaphore, #tpu.memory_space<semaphore_mem>>)
    %dma_start3A_94 = arith.constant 3 : i32
    %dma_start3A_95 = arith.constant 3 : i32
    %dma_start3A_96 = arith.constant 0 : i32
    %dma_start3A_97 = tpu.memref_slice %arg7[%dma_start3A_94, %dma_start3A_96] : memref<4x80xi32, #tpu.memory_space<vmem>> -> memref<1x80xi32, #tpu.memory_space<vmem>>
    %dma_start3A_98 = tpu.memref_squeeze %dma_start3A_97 : memref<1x80xi32, #tpu.memory_space<vmem>> -> memref<80xi32, #tpu.memory_space<vmem>>
    %dma_start3A_99 = tpu.memref_slice %arg4[%add3A_81] : memref<320000xi32, #tpu.memory_space<hbm>> -> memref<80xi32, #tpu.memory_space<hbm>>
    %dma_start3A_100 = tpu.memref_slice %arg10[%dma_start3A_95] : memref<4x!tpu.dma_semaphore, #tpu.memory_space<semaphore_mem>> -> memref<1x!tpu.dma_semaphore, #tpu.memory_space<semaphore_mem>>
    %dma_start3A_101 = tpu.memref_squeeze %dma_start3A_100 : memref<1x!tpu.dma_semaphore, #tpu.memory_space<semaphore_mem>> -> memref<!tpu.dma_semaphore, #tpu.memory_space<semaphore_mem>>
    %dma_start3A_102 = arith.constant 0 : i32
    %dma_start3A_103 = tpu.memref_slice %arg7[%dma_start3A_94, %dma_start3A_102] : memref<4x80xi32, #tpu.memory_space<vmem>> -> memref<1x80xi32, #tpu.memory_space<vmem>>
    %dma_start3A_104 = tpu.memref_squeeze %dma_start3A_103 : memref<1x80xi32, #tpu.memory_space<vmem>> -> memref<80xi32, #tpu.memory_space<vmem>>
    %dma_start3A_105 = tpu.memref_slice %arg4[%add3A_81] : memref<320000xi32, #tpu.memory_space<hbm>> -> memref<80xi32, #tpu.memory_space<hbm>>
    tpu.enqueue_dma source(%dma_start3A_105 : memref<80xi32, #tpu.memory_space<hbm>>) target(%dma_start3A_104 : memref<80xi32, #tpu.memory_space<vmem>>) target_semaphore(%dma_start3A_101 : memref<!tpu.dma_semaphore, #tpu.memory_space<semaphore_mem>>)
    %scan3A = arith.constant 0 : i32
    %scan3A_106 = arith.constant 3 : i32
    %scan3A_107 = arith.constant 0 : i32
    %scan3A_108 = arith.constant 640 : i32
    %scan3A_109 = arith.addi %scan3A_107, %scan3A_108 : i32
    %scan3A_110 = arith.constant 1 : i32
    scf.for %scan3A_274 = %scan3A_107 to %scan3A_109 step %scan3A_110  : i32 {
      %jit3A = arith.constant 8 : i32
      %div3A = arith.divsi %scan3A_274, %jit3A : i32
      %sign3A = arith.constant 0 : i32
      %sign3A_275 = arith.cmpi sgt, %scan3A_274, %sign3A : i32
      %sign3A_276 = arith.extui %sign3A_275 : i1 to i32
      %sign3A_277 = arith.constant 0 : i32
      %sign3A_278 = arith.cmpi slt, %scan3A_274, %sign3A_277 : i32
      %sign3A_279 = arith.extui %sign3A_278 : i1 to i32
      %sign3A_280 = arith.subi %sign3A_276, %sign3A_279 : i32
      %sign3A_281 = arith.constant 0 : i32
      %sign3A_282 = arith.cmpi sgt, %jit3A, %sign3A_281 : i32
      %sign3A_283 = arith.extui %sign3A_282 : i1 to i32
      %sign3A_284 = arith.constant 0 : i32
      %sign3A_285 = arith.cmpi slt, %jit3A, %sign3A_284 : i32
      %sign3A_286 = arith.extui %sign3A_285 : i1 to i32
      %sign3A_287 = arith.subi %sign3A_283, %sign3A_286 : i32
      %ne3A = arith.cmpi ne, %sign3A_280, %sign3A_287 : i32
      %rem3A = arith.remsi %scan3A_274, %jit3A : i32
      %ne3A_288 = arith.constant 0 : i32
      %ne3A_289 = arith.cmpi ne, %rem3A, %ne3A_288 : i32
      %and3A = arith.andi %ne3A, %ne3A_289 : i1
      %sub3A = arith.constant 1 : i32
      %sub3A_290 = arith.subi %div3A, %sub3A : i32
      %select_n3A = arith.select %and3A, %sub3A_290, %div3A : i32
      %jit3A_291 = arith.constant 8 : i32
      %eq3A_292 = arith.constant 0 : i32
      %eq3A_293 = arith.cmpi eq, %jit3A_291, %eq3A_292 : i32
      %jit3A_294 = arith.constant 1 : i32
      %select_n3A_295 = arith.select %eq3A_293, %jit3A_294, %jit3A_291 : i32
      %rem3A_296 = arith.remsi %scan3A_274, %select_n3A_295 : i32
      %ne3A_297 = arith.constant 0 : i32
      %ne3A_298 = arith.cmpi ne, %rem3A_296, %ne3A_297 : i32
      %lt3A = arith.constant 0 : i32
      %lt3A_299 = arith.cmpi slt, %rem3A_296, %lt3A : i32
      %lt3A_300 = arith.constant 0 : i32
      %lt3A_301 = arith.cmpi slt, %select_n3A_295, %lt3A_300 : i32
      %ne3A_302 = arith.xori %lt3A_299, %lt3A_301 : i1
      %and3A_303 = arith.andi %ne3A_302, %ne3A_298 : i1
      %add3A_304 = arith.addi %rem3A_296, %select_n3A_295 : i32
      %select_n3A_305 = arith.select %and3A_303, %add3A_304, %rem3A_296 : i32
      %mul3A_306 = arith.constant 16 : i32
      %mul3A_307 = arith.muli %select_n3A_305, %mul3A_306 : i32
      %broadcast_in_dim3A = arith.constant 0.000000e+00 : f32
      %broadcast_in_dim3A_308 = vector.broadcast %broadcast_in_dim3A : f32 to vector<16xf32>
      %swap3A = arith.constant 0 : i32
      %swap3A_309 = arith.constant 0 : i32
      %swap3A_310 = tpu.memref_slice %arg8[%scan3A_106, %swap3A, %swap3A_309] : memref<4x80x128xf32, #tpu.memory_space<vmem>> -> memref<1x80x128xf32, #tpu.memory_space<vmem>>
      %swap3A_311 = tpu.memref_squeeze %swap3A_310 : memref<1x80x128xf32, #tpu.memory_space<vmem>> -> memref<80x128xf32, #tpu.memory_space<vmem>>
      %swap3A_312 = arith.index_cast %select_n3A : i32 to index
      %swap3A_313 = arith.index_cast %mul3A_307 : i32 to index
      %swap3A_314 = tpu.vector_load %swap3A_311[%swap3A_312, %swap3A_313] {strides = array<i32>} : memref<80x128xf32, #tpu.memory_space<vmem>>, vector<1x16xf32>,
      %swap3A_315 = vector.shape_cast %swap3A_314 : vector<1x16xf32> to vector<16xf32>
      %swap3A_316 = vector.shape_cast %broadcast_in_dim3A_308 : vector<16xf32> to vector<1x16xf32>
      tpu.vector_store %swap3A_311[%swap3A_312, %swap3A_313], %swap3A_316 {strides = array<i32>} : memref<80x128xf32, #tpu.memory_space<vmem>>, vector<1x16xf32>,
    }
    %scan3A_111 = arith.constant 640 : i32
    %add3A_112 = arith.constant 0 : i32
    %add3A_113 = arith.addi %mul3A_2, %add3A_112 : i32
    %dma_wait3A = arith.constant 0 : i32
    %dma_wait3A_114 = arith.constant 0 : i32
    %dma_wait3A_115 = arith.constant 0 : i32
    %dma_wait3A_116 = tpu.memref_slice %arg6[%dma_wait3A, %dma_wait3A_115] : memref<4x80xi32, #tpu.memory_space<vmem>> -> memref<1x80xi32, #tpu.memory_space<vmem>>
    %dma_wait3A_117 = tpu.memref_squeeze %dma_wait3A_116 : memref<1x80xi32, #tpu.memory_space<vmem>> -> memref<80xi32, #tpu.memory_space<vmem>>
    %dma_wait3A_118 = tpu.memref_slice %arg3[%add3A_113] : memref<320000xi32, #tpu.memory_space<hbm>> -> memref<80xi32, #tpu.memory_space<hbm>>
    %dma_wait3A_119 = tpu.memref_slice %arg10[%dma_wait3A_114] : memref<4x!tpu.dma_semaphore, #tpu.memory_space<semaphore_mem>> -> memref<1x!tpu.dma_semaphore, #tpu.memory_space<semaphore_mem>>
    %dma_wait3A_120 = tpu.memref_squeeze %dma_wait3A_119 : memref<1x!tpu.dma_semaphore, #tpu.memory_space<semaphore_mem>> -> memref<!tpu.dma_semaphore, #tpu.memory_space<semaphore_mem>>
    %dma_wait3A_121 = arith.constant 0 : i32
    %dma_wait3A_122 = tpu.memref_slice %arg6[%dma_wait3A, %dma_wait3A_121] : memref<4x80xi32, #tpu.memory_space<vmem>> -> memref<1x80xi32, #tpu.memory_space<vmem>>
    %dma_wait3A_123 = tpu.memref_squeeze %dma_wait3A_122 : memref<1x80xi32, #tpu.memory_space<vmem>> -> memref<80xi32, #tpu.memory_space<vmem>>
    %dma_wait3A_124 = tpu.memref_slice %arg3[%add3A_113] : memref<320000xi32, #tpu.memory_space<hbm>> -> memref<80xi32, #tpu.memory_space<hbm>>
    tpu.wait_dma2 semaphore(%dma_wait3A_120 : memref<!tpu.dma_semaphore, #tpu.memory_space<semaphore_mem>>) src(%dma_wait3A_124 : memref<80xi32, #tpu.memory_space<hbm>>) dst(%dma_wait3A_123 : memref<80xi32, #tpu.memory_space<vmem>>)
    %dma_wait3A_125 = arith.constant 0 : i32
    %dma_wait3A_126 = arith.constant 0 : i32
    %dma_wait3A_127 = arith.constant 0 : i32
    %dma_wait3A_128 = tpu.memref_slice %arg7[%dma_wait3A_125, %dma_wait3A_127] : memref<4x80xi32, #tpu.memory_space<vmem>> -> memref<1x80xi32, #tpu.memory_space<vmem>>
    %dma_wait3A_129 = tpu.memref_squeeze %dma_wait3A_128 : memref<1x80xi32, #tpu.memory_space<vmem>> -> memref<80xi32, #tpu.memory_space<vmem>>
    %dma_wait3A_130 = tpu.memref_slice %arg4[%add3A_113] : memref<320000xi32, #tpu.memory_space<hbm>> -> memref<80xi32, #tpu.memory_space<hbm>>
    %dma_wait3A_131 = tpu.memref_slice %arg10[%dma_wait3A_126] : memref<4x!tpu.dma_semaphore, #tpu.memory_space<semaphore_mem>> -> memref<1x!tpu.dma_semaphore, #tpu.memory_space<semaphore_mem>>
    %dma_wait3A_132 = tpu.memref_squeeze %dma_wait3A_131 : memref<1x!tpu.dma_semaphore, #tpu.memory_space<semaphore_mem>> -> memref<!tpu.dma_semaphore, #tpu.memory_space<semaphore_mem>>
    %dma_wait3A_133 = arith.constant 0 : i32
    %dma_wait3A_134 = tpu.memref_slice %arg7[%dma_wait3A_125, %dma_wait3A_133] : memref<4x80xi32, #tpu.memory_space<vmem>> -> memref<1x80xi32, #tpu.memory_space<vmem>>
    %dma_wait3A_135 = tpu.memref_squeeze %dma_wait3A_134 : memref<1x80xi32, #tpu.memory_space<vmem>> -> memref<80xi32, #tpu.memory_space<vmem>>
    %dma_wait3A_136 = tpu.memref_slice %arg4[%add3A_113] : memref<320000xi32, #tpu.memory_space<hbm>> -> memref<80xi32, #tpu.memory_space<hbm>>
    tpu.wait_dma2 semaphore(%dma_wait3A_132 : memref<!tpu.dma_semaphore, #tpu.memory_space<semaphore_mem>>) src(%dma_wait3A_136 : memref<80xi32, #tpu.memory_space<hbm>>) dst(%dma_wait3A_135 : memref<80xi32, #tpu.memory_space<vmem>>)
    %dma_start3A_137 = arith.constant 0 : i32
    %dma_start3A_138 = arith.constant 0 : i32
    %dma_start3A_139 = arith.constant 0 : i32
    %dma_start3A_140 = arith.constant 0 : i32
    %dma_start3A_141 = arith.constant 0 : i32
    %dma_start3A_142 = tpu.memref_slice %arg8[%dma_start3A_138, %dma_start3A_140, %dma_start3A_141] : memref<4x80x128xf32, #tpu.memory_space<vmem>> -> memref<1x80x128xf32, #tpu.memory_space<vmem>>
    %dma_start3A_143 = tpu.memref_squeeze %dma_start3A_142 : memref<1x80x128xf32, #tpu.memory_space<vmem>> -> memref<80x128xf32, #tpu.memory_space<vmem>>
    %dma_start3A_144 = arith.constant 0 : i32
    %dma_start3A_145 = tpu.memref_slice %arg6[%dma_start3A_137, %dma_start3A_144] : memref<4x80xi32, #tpu.memory_space<vmem>> -> memref<1x80xi32, #tpu.memory_space<vmem>>
    %dma_start3A_146 = tpu.memref_squeeze %dma_start3A_145 : memref<1x80xi32, #tpu.memory_space<vmem>> -> memref<80xi32, #tpu.memory_space<vmem>>
    %dma_start3A_147 = arith.constant 0 : i32
    %dma_start3A_148 = arith.constant 0 : i32
    %dma_start3A_149 = tpu.memref_slice %arg2[%dma_start3A_147, %dma_start3A_148] : memref<10000x128xf32, #tpu.memory_space<hbm>> -> memref<10000x128xf32, #tpu.memory_space<hbm>>
    %dma_start3A_150 = tpu.memref_slice %arg11[%dma_start3A_139] : memref<4x!tpu.dma_semaphore, #tpu.memory_space<semaphore_mem>> -> memref<1x!tpu.dma_semaphore, #tpu.memory_space<semaphore_mem>>
    %dma_start3A_151 = tpu.memref_squeeze %dma_start3A_150 : memref<1x!tpu.dma_semaphore, #tpu.memory_space<semaphore_mem>> -> memref<!tpu.dma_semaphore, #tpu.memory_space<semaphore_mem>>
    tpu.enqueue_indirect_dma source(%dma_start3A_149 : memref<10000x128xf32, #tpu.memory_space<hbm>>) target(%dma_start3A_143 : memref<80x128xf32, #tpu.memory_space<vmem>>) offsets(%dma_start3A_146 : memref<80xi32, #tpu.memory_space<vmem>>) semaphore(%dma_start3A_151 : memref<!tpu.dma_semaphore, #tpu.memory_space<semaphore_mem>>)
    %add3A_152 = arith.constant 80 : i32
    %add3A_153 = arith.addi %mul3A_2, %add3A_152 : i32
    %dma_wait3A_154 = arith.constant 1 : i32
    %dma_wait3A_155 = arith.constant 1 : i32
    %dma_wait3A_156 = arith.constant 0 : i32
    %dma_wait3A_157 = tpu.memref_slice %arg6[%dma_wait3A_154, %dma_wait3A_156] : memref<4x80xi32, #tpu.memory_space<vmem>> -> memref<1x80xi32, #tpu.memory_space<vmem>>
    %dma_wait3A_158 = tpu.memref_squeeze %dma_wait3A_157 : memref<1x80xi32, #tpu.memory_space<vmem>> -> memref<80xi32, #tpu.memory_space<vmem>>
    %dma_wait3A_159 = tpu.memref_slice %arg3[%add3A_153] : memref<320000xi32, #tpu.memory_space<hbm>> -> memref<80xi32, #tpu.memory_space<hbm>>
    %dma_wait3A_160 = tpu.memref_slice %arg10[%dma_wait3A_155] : memref<4x!tpu.dma_semaphore, #tpu.memory_space<semaphore_mem>> -> memref<1x!tpu.dma_semaphore, #tpu.memory_space<semaphore_mem>>
    %dma_wait3A_161 = tpu.memref_squeeze %dma_wait3A_160 : memref<1x!tpu.dma_semaphore, #tpu.memory_space<semaphore_mem>> -> memref<!tpu.dma_semaphore, #tpu.memory_space<semaphore_mem>>
    %dma_wait3A_162 = arith.constant 0 : i32
    %dma_wait3A_163 = tpu.memref_slice %arg6[%dma_wait3A_154, %dma_wait3A_162] : memref<4x80xi32, #tpu.memory_space<vmem>> -> memref<1x80xi32, #tpu.memory_space<vmem>>
    %dma_wait3A_164 = tpu.memref_squeeze %dma_wait3A_163 : memref<1x80xi32, #tpu.memory_space<vmem>> -> memref<80xi32, #tpu.memory_space<vmem>>
    %dma_wait3A_165 = tpu.memref_slice %arg3[%add3A_153] : memref<320000xi32, #tpu.memory_space<hbm>> -> memref<80xi32, #tpu.memory_space<hbm>>
    tpu.wait_dma2 semaphore(%dma_wait3A_161 : memref<!tpu.dma_semaphore, #tpu.memory_space<semaphore_mem>>) src(%dma_wait3A_165 : memref<80xi32, #tpu.memory_space<hbm>>) dst(%dma_wait3A_164 : memref<80xi32, #tpu.memory_space<vmem>>)
    %dma_wait3A_166 = arith.constant 1 : i32
    %dma_wait3A_167 = arith.constant 1 : i32
    %dma_wait3A_168 = arith.constant 0 : i32
    %dma_wait3A_169 = tpu.memref_slice %arg7[%dma_wait3A_166, %dma_wait3A_168] : memref<4x80xi32, #tpu.memory_space<vmem>> -> memref<1x80xi32, #tpu.memory_space<vmem>>
    %dma_wait3A_170 = tpu.memref_squeeze %dma_wait3A_169 : memref<1x80xi32, #tpu.memory_space<vmem>> -> memref<80xi32, #tpu.memory_space<vmem>>
    %dma_wait3A_171 = tpu.memref_slice %arg4[%add3A_153] : memref<320000xi32, #tpu.memory_space<hbm>> -> memref<80xi32, #tpu.memory_space<hbm>>
    %dma_wait3A_172 = tpu.memref_slice %arg10[%dma_wait3A_167] : memref<4x!tpu.dma_semaphore, #tpu.memory_space<semaphore_mem>> -> memref<1x!tpu.dma_semaphore, #tpu.memory_space<semaphore_mem>>
    %dma_wait3A_173 = tpu.memref_squeeze %dma_wait3A_172 : memref<1x!tpu.dma_semaphore, #tpu.memory_space<semaphore_mem>> -> memref<!tpu.dma_semaphore, #tpu.memory_space<semaphore_mem>>
    %dma_wait3A_174 = arith.constant 0 : i32
    %dma_wait3A_175 = tpu.memref_slice %arg7[%dma_wait3A_166, %dma_wait3A_174] : memref<4x80xi32, #tpu.memory_space<vmem>> -> memref<1x80xi32, #tpu.memory_space<vmem>>
    %dma_wait3A_176 = tpu.memref_squeeze %dma_wait3A_175 : memref<1x80xi32, #tpu.memory_space<vmem>> -> memref<80xi32, #tpu.memory_space<vmem>>
    %dma_wait3A_177 = tpu.memref_slice %arg4[%add3A_153] : memref<320000xi32, #tpu.memory_space<hbm>> -> memref<80xi32, #tpu.memory_space<hbm>>
    tpu.wait_dma2 semaphore(%dma_wait3A_173 : memref<!tpu.dma_semaphore, #tpu.memory_space<semaphore_mem>>) src(%dma_wait3A_177 : memref<80xi32, #tpu.memory_space<hbm>>) dst(%dma_wait3A_176 : memref<80xi32, #tpu.memory_space<vmem>>)
    %dma_start3A_178 = arith.constant 1 : i32
    %dma_start3A_179 = arith.constant 1 : i32
    %dma_start3A_180 = arith.constant 1 : i32
    %dma_start3A_181 = arith.constant 0 : i32
    %dma_start3A_182 = arith.constant 0 : i32
    %dma_start3A_183 = tpu.memref_slice %arg8[%dma_start3A_179, %dma_start3A_181, %dma_start3A_182] : memref<4x80x128xf32, #tpu.memory_space<vmem>> -> memref<1x80x128xf32, #tpu.memory_space<vmem>>
    %dma_start3A_184 = tpu.memref_squeeze %dma_start3A_183 : memref<1x80x128xf32, #tpu.memory_space<vmem>> -> memref<80x128xf32, #tpu.memory_space<vmem>>
    %dma_start3A_185 = arith.constant 0 : i32
    %dma_start3A_186 = tpu.memref_slice %arg6[%dma_start3A_178, %dma_start3A_185] : memref<4x80xi32, #tpu.memory_space<vmem>> -> memref<1x80xi32, #tpu.memory_space<vmem>>
    %dma_start3A_187 = tpu.memref_squeeze %dma_start3A_186 : memref<1x80xi32, #tpu.memory_space<vmem>> -> memref<80xi32, #tpu.memory_space<vmem>>
    %dma_start3A_188 = arith.constant 0 : i32
    %dma_start3A_189 = arith.constant 0 : i32
    %dma_start3A_190 = tpu.memref_slice %arg2[%dma_start3A_188, %dma_start3A_189] : memref<10000x128xf32, #tpu.memory_space<hbm>> -> memref<10000x128xf32, #tpu.memory_space<hbm>>
    %dma_start3A_191 = tpu.memref_slice %arg11[%dma_start3A_180] : memref<4x!tpu.dma_semaphore, #tpu.memory_space<semaphore_mem>> -> memref<1x!tpu.dma_semaphore, #tpu.memory_space<semaphore_mem>>
    %dma_start3A_192 = tpu.memref_squeeze %dma_start3A_191 : memref<1x!tpu.dma_semaphore, #tpu.memory_space<semaphore_mem>> -> memref<!tpu.dma_semaphore, #tpu.memory_space<semaphore_mem>>
    tpu.enqueue_indirect_dma source(%dma_start3A_190 : memref<10000x128xf32, #tpu.memory_space<hbm>>) target(%dma_start3A_184 : memref<80x128xf32, #tpu.memory_space<vmem>>) offsets(%dma_start3A_187 : memref<80xi32, #tpu.memory_space<vmem>>) semaphore(%dma_start3A_192 : memref<!tpu.dma_semaphore, #tpu.memory_space<semaphore_mem>>)
    %add3A_193 = arith.constant 160 : i32
    %add3A_194 = arith.addi %mul3A_2, %add3A_193 : i32
    %dma_wait3A_195 = arith.constant 2 : i32
    %dma_wait3A_196 = arith.constant 2 : i32
    %dma_wait3A_197 = arith.constant 0 : i32
    %dma_wait3A_198 = tpu.memref_slice %arg6[%dma_wait3A_195, %dma_wait3A_197] : memref<4x80xi32, #tpu.memory_space<vmem>> -> memref<1x80xi32, #tpu.memory_space<vmem>>
    %dma_wait3A_199 = tpu.memref_squeeze %dma_wait3A_198 : memref<1x80xi32, #tpu.memory_space<vmem>> -> memref<80xi32, #tpu.memory_space<vmem>>
    %dma_wait3A_200 = tpu.memref_slice %arg3[%add3A_194] : memref<320000xi32, #tpu.memory_space<hbm>> -> memref<80xi32, #tpu.memory_space<hbm>>
    %dma_wait3A_201 = tpu.memref_slice %arg10[%dma_wait3A_196] : memref<4x!tpu.dma_semaphore, #tpu.memory_space<semaphore_mem>> -> memref<1x!tpu.dma_semaphore, #tpu.memory_space<semaphore_mem>>
    %dma_wait3A_202 = tpu.memref_squeeze %dma_wait3A_201 : memref<1x!tpu.dma_semaphore, #tpu.memory_space<semaphore_mem>> -> memref<!tpu.dma_semaphore, #tpu.memory_space<semaphore_mem>>
    %dma_wait3A_203 = arith.constant 0 : i32
    %dma_wait3A_204 = tpu.memref_slice %arg6[%dma_wait3A_195, %dma_wait3A_203] : memref<4x80xi32, #tpu.memory_space<vmem>> -> memref<1x80xi32, #tpu.memory_space<vmem>>
    %dma_wait3A_205 = tpu.memref_squeeze %dma_wait3A_204 : memref<1x80xi32, #tpu.memory_space<vmem>> -> memref<80xi32, #tpu.memory_space<vmem>>
    %dma_wait3A_206 = tpu.memref_slice %arg3[%add3A_194] : memref<320000xi32, #tpu.memory_space<hbm>> -> memref<80xi32, #tpu.memory_space<hbm>>
    tpu.wait_dma2 semaphore(%dma_wait3A_202 : memref<!tpu.dma_semaphore, #tpu.memory_space<semaphore_mem>>) src(%dma_wait3A_206 : memref<80xi32, #tpu.memory_space<hbm>>) dst(%dma_wait3A_205 : memref<80xi32, #tpu.memory_space<vmem>>)
    %dma_wait3A_207 = arith.constant 2 : i32
    %dma_wait3A_208 = arith.constant 2 : i32
    %dma_wait3A_209 = arith.constant 0 : i32
    %dma_wait3A_210 = tpu.memref_slice %arg7[%dma_wait3A_207, %dma_wait3A_209] : memref<4x80xi32, #tpu.memory_space<vmem>> -> memref<1x80xi32, #tpu.memory_space<vmem>>
    %dma_wait3A_211 = tpu.memref_squeeze %dma_wait3A_210 : memref<1x80xi32, #tpu.memory_space<vmem>> -> memref<80xi32, #tpu.memory_space<vmem>>
    %dma_wait3A_212 = tpu.memref_slice %arg4[%add3A_194] : memref<320000xi32, #tpu.memory_space<hbm>> -> memref<80xi32, #tpu.memory_space<hbm>>
    %dma_wait3A_213 = tpu.memref_slice %arg10[%dma_wait3A_208] : memref<4x!tpu.dma_semaphore, #tpu.memory_space<semaphore_mem>> -> memref<1x!tpu.dma_semaphore, #tpu.memory_space<semaphore_mem>>
    %dma_wait3A_214 = tpu.memref_squeeze %dma_wait3A_213 : memref<1x!tpu.dma_semaphore, #tpu.memory_space<semaphore_mem>> -> memref<!tpu.dma_semaphore, #tpu.memory_space<semaphore_mem>>
    %dma_wait3A_215 = arith.constant 0 : i32
    %dma_wait3A_216 = tpu.memref_slice %arg7[%dma_wait3A_207, %dma_wait3A_215] : memref<4x80xi32, #tpu.memory_space<vmem>> -> memref<1x80xi32, #tpu.memory_space<vmem>>
    %dma_wait3A_217 = tpu.memref_squeeze %dma_wait3A_216 : memref<1x80xi32, #tpu.memory_space<vmem>> -> memref<80xi32, #tpu.memory_space<vmem>>
    %dma_wait3A_218 = tpu.memref_slice %arg4[%add3A_194] : memref<320000xi32, #tpu.memory_space<hbm>> -> memref<80xi32, #tpu.memory_space<hbm>>
    tpu.wait_dma2 semaphore(%dma_wait3A_214 : memref<!tpu.dma_semaphore, #tpu.memory_space<semaphore_mem>>) src(%dma_wait3A_218 : memref<80xi32, #tpu.memory_space<hbm>>) dst(%dma_wait3A_217 : memref<80xi32, #tpu.memory_space<vmem>>)
    %dma_start3A_219 = arith.constant 2 : i32
    %dma_start3A_220 = arith.constant 2 : i32
    %dma_start3A_221 = arith.constant 2 : i32
    %dma_start3A_222 = arith.constant 0 : i32
    %dma_start3A_223 = arith.constant 0 : i32
    %dma_start3A_224 = tpu.memref_slice %arg8[%dma_start3A_220, %dma_start3A_222, %dma_start3A_223] : memref<4x80x128xf32, #tpu.memory_space<vmem>> -> memref<1x80x128xf32, #tpu.memory_space<vmem>>
    %dma_start3A_225 = tpu.memref_squeeze %dma_start3A_224 : memref<1x80x128xf32, #tpu.memory_space<vmem>> -> memref<80x128xf32, #tpu.memory_space<vmem>>
    %dma_start3A_226 = arith.constant 0 : i32
    %dma_start3A_227 = tpu.memref_slice %arg6[%dma_start3A_219, %dma_start3A_226] : memref<4x80xi32, #tpu.memory_space<vmem>> -> memref<1x80xi32, #tpu.memory_space<vmem>>
    %dma_start3A_228 = tpu.memref_squeeze %dma_start3A_227 : memref<1x80xi32, #tpu.memory_space<vmem>> -> memref<80xi32, #tpu.memory_space<vmem>>
    %dma_start3A_229 = arith.constant 0 : i32
    %dma_start3A_230 = arith.constant 0 : i32
    %dma_start3A_231 = tpu.memref_slice %arg2[%dma_start3A_229, %dma_start3A_230] : memref<10000x128xf32, #tpu.memory_space<hbm>> -> memref<10000x128xf32, #tpu.memory_space<hbm>>
    %dma_start3A_232 = tpu.memref_slice %arg11[%dma_start3A_221] : memref<4x!tpu.dma_semaphore, #tpu.memory_space<semaphore_mem>> -> memref<1x!tpu.dma_semaphore, #tpu.memory_space<semaphore_mem>>
    %dma_start3A_233 = tpu.memref_squeeze %dma_start3A_232 : memref<1x!tpu.dma_semaphore, #tpu.memory_space<semaphore_mem>> -> memref<!tpu.dma_semaphore, #tpu.memory_space<semaphore_mem>>
    tpu.enqueue_indirect_dma source(%dma_start3A_231 : memref<10000x128xf32, #tpu.memory_space<hbm>>) target(%dma_start3A_225 : memref<80x128xf32, #tpu.memory_space<vmem>>) offsets(%dma_start3A_228 : memref<80xi32, #tpu.memory_space<vmem>>) semaphore(%dma_start3A_233 : memref<!tpu.dma_semaphore, #tpu.memory_space<semaphore_mem>>)
    %mul3A_234 = arith.constant 624 : i32
    %mul3A_235 = arith.muli %arg1, %mul3A_234 : i32
    %add3A_236 = arith.constant 0 : i32
    %add3A_237 = arith.addi %mul3A_235, %add3A_236 : i32
    %run_scoped3A = arith.constant 3 : i32
    "tpu.region"() ({
      %run_scoped3A_274 = tpu.sem_alloc : memref<!tpu.dma_semaphore, #tpu.memory_space<semaphore_mem>>
      %dma_start3A_275 = arith.constant 0 : i32
      %dma_start3A_276 = arith.constant 0 : i32
      %dma_start3A_277 = tpu.memref_slice %arg8[%run_scoped3A, %dma_start3A_275, %dma_start3A_276] : memref<4x80x128xf32, #tpu.memory_space<vmem>> -> memref<1x80x128xf32, #tpu.memory_space<vmem>>
      %dma_start3A_278 = tpu.memref_squeeze %dma_start3A_277 : memref<1x80x128xf32, #tpu.memory_space<vmem>> -> memref<80x128xf32, #tpu.memory_space<vmem>>
      %dma_start3A_279 = arith.constant 0 : i32
      %dma_start3A_280 = tpu.memref_slice %arg9[%add3A_237, %dma_start3A_279] : memref<10000x128xf32, #tpu.memory_space<vmem_shared>> -> memref<80x128xf32, #tpu.memory_space<vmem_shared>>
      %dma_start3A_281 = arith.constant 0 : i32
      %dma_start3A_282 = tpu.memref_slice %arg9[%add3A_237, %dma_start3A_281] : memref<10000x128xf32, #tpu.memory_space<vmem_shared>> -> memref<80x128xf32, #tpu.memory_space<vmem_shared>>
      %dma_start3A_283 = arith.constant 0 : i32
      %dma_start3A_284 = arith.constant 0 : i32
      %dma_start3A_285 = tpu.memref_slice %arg8[%run_scoped3A, %dma_start3A_283, %dma_start3A_284] : memref<4x80x128xf32, #tpu.memory_space<vmem>> -> memref<1x80x128xf32, #tpu.memory_space<vmem>>
      %dma_start3A_286 = tpu.memref_squeeze %dma_start3A_285 : memref<1x80x128xf32, #tpu.memory_space<vmem>> -> memref<80x128xf32, #tpu.memory_space<vmem>>
      tpu.enqueue_dma source(%dma_start3A_286 : memref<80x128xf32, #tpu.memory_space<vmem>>) target(%dma_start3A_282 : memref<80x128xf32, #tpu.memory_space<vmem_shared>>) target_semaphore(%run_scoped3A_274 : memref<!tpu.dma_semaphore, #tpu.memory_space<semaphore_mem>>)
      %dma_wait3A_287 = arith.constant 0 : i32
      %dma_wait3A_288 = arith.constant 0 : i32
      %dma_wait3A_289 = tpu.memref_slice %arg8[%run_scoped3A, %dma_wait3A_287, %dma_wait3A_288] : memref<4x80x128xf32, #tpu.memory_space<vmem>> -> memref<1x80x128xf32, #tpu.memory_space<vmem>>
      %dma_wait3A_290 = tpu.memref_squeeze %dma_wait3A_289 : memref<1x80x128xf32, #tpu.memory_space<vmem>> -> memref<80x128xf32, #tpu.memory_space<vmem>>
      %dma_wait3A_291 = arith.constant 0 : i32
      %dma_wait3A_292 = tpu.memref_slice %arg9[%add3A_237, %dma_wait3A_291] : memref<10000x128xf32, #tpu.memory_space<vmem_shared>> -> memref<80x128xf32, #tpu.memory_space<vmem_shared>>
      %dma_wait3A_293 = arith.constant 0 : i32
      %dma_wait3A_294 = tpu.memref_slice %arg9[%add3A_237, %dma_wait3A_293] : memref<10000x128xf32, #tpu.memory_space<vmem_shared>> -> memref<80x128xf32, #tpu.memory_space<vmem_shared>>
      %dma_wait3A_295 = arith.constant 0 : i32
      %dma_wait3A_296 = arith.constant 0 : i32
      %dma_wait3A_297 = tpu.memref_slice %arg8[%run_scoped3A, %dma_wait3A_295, %dma_wait3A_296] : memref<4x80x128xf32, #tpu.memory_space<vmem>> -> memref<1x80x128xf32, #tpu.memory_space<vmem>>
      %dma_wait3A_298 = tpu.memref_squeeze %dma_wait3A_297 : memref<1x80x128xf32, #tpu.memory_space<vmem>> -> memref<80x128xf32, #tpu.memory_space<vmem>>
      tpu.wait_dma2 semaphore(%run_scoped3A_274 : memref<!tpu.dma_semaphore, #tpu.memory_space<semaphore_mem>>) src(%dma_wait3A_298 : memref<80x128xf32, #tpu.memory_space<vmem>>) dst(%dma_wait3A_294 : memref<80x128xf32, #tpu.memory_space<vmem_shared>>)
      tpu.yield
    }) : () -> ()
    %add3A_238 = arith.constant 80 : i32
    %add3A_239 = arith.addi %mul3A_235, %add3A_238 : i32
    %run_scoped3A_240 = arith.constant 3 : i32
    "tpu.region"() ({
      %run_scoped3A_274 = tpu.sem_alloc : memref<!tpu.dma_semaphore, #tpu.memory_space<semaphore_mem>>
      %dma_start3A_275 = arith.constant 0 : i32
      %dma_start3A_276 = arith.constant 0 : i32
      %dma_start3A_277 = tpu.memref_slice %arg8[%run_scoped3A_240, %dma_start3A_275, %dma_start3A_276] : memref<4x80x128xf32, #tpu.memory_space<vmem>> -> memref<1x80x128xf32, #tpu.memory_space<vmem>>
      %dma_start3A_278 = tpu.memref_squeeze %dma_start3A_277 : memref<1x80x128xf32, #tpu.memory_space<vmem>> -> memref<80x128xf32, #tpu.memory_space<vmem>>
      %dma_start3A_279 = arith.constant 0 : i32
      %dma_start3A_280 = tpu.memref_slice %arg9[%add3A_239, %dma_start3A_279] : memref<10000x128xf32, #tpu.memory_space<vmem_shared>> -> memref<80x128xf32, #tpu.memory_space<vmem_shared>>
      %dma_start3A_281 = arith.constant 0 : i32
      %dma_start3A_282 = tpu.memref_slice %arg9[%add3A_239, %dma_start3A_281] : memref<10000x128xf32, #tpu.memory_space<vmem_shared>> -> memref<80x128xf32, #tpu.memory_space<vmem_shared>>
      %dma_start3A_283 = arith.constant 0 : i32
      %dma_start3A_284 = arith.constant 0 : i32
      %dma_start3A_285 = tpu.memref_slice %arg8[%run_scoped3A_240, %dma_start3A_283, %dma_start3A_284] : memref<4x80x128xf32, #tpu.memory_space<vmem>> -> memref<1x80x128xf32, #tpu.memory_space<vmem>>
      %dma_start3A_286 = tpu.memref_squeeze %dma_start3A_285 : memref<1x80x128xf32, #tpu.memory_space<vmem>> -> memref<80x128xf32, #tpu.memory_space<vmem>>
      tpu.enqueue_dma source(%dma_start3A_286 : memref<80x128xf32, #tpu.memory_space<vmem>>) target(%dma_start3A_282 : memref<80x128xf32, #tpu.memory_space<vmem_shared>>) target_semaphore(%run_scoped3A_274 : memref<!tpu.dma_semaphore, #tpu.memory_space<semaphore_mem>>)
      %dma_wait3A_287 = arith.constant 0 : i32
      %dma_wait3A_288 = arith.constant 0 : i32
      %dma_wait3A_289 = tpu.memref_slice %arg8[%run_scoped3A_240, %dma_wait3A_287, %dma_wait3A_288] : memref<4x80x128xf32, #tpu.memory_space<vmem>> -> memref<1x80x128xf32, #tpu.memory_space<vmem>>
      %dma_wait3A_290 = tpu.memref_squeeze %dma_wait3A_289 : memref<1x80x128xf32, #tpu.memory_space<vmem>> -> memref<80x128xf32, #tpu.memory_space<vmem>>
      %dma_wait3A_291 = arith.constant 0 : i32
      %dma_wait3A_292 = tpu.memref_slice %arg9[%add3A_239, %dma_wait3A_291] : memref<10000x128xf32, #tpu.memory_space<vmem_shared>> -> memref<80x128xf32, #tpu.memory_space<vmem_shared>>
      %dma_wait3A_293 = arith.constant 0 : i32
      %dma_wait3A_294 = tpu.memref_slice %arg9[%add3A_239, %dma_wait3A_293] : memref<10000x128xf32, #tpu.memory_space<vmem_shared>> -> memref<80x128xf32, #tpu.memory_space<vmem_shared>>
      %dma_wait3A_295 = arith.constant 0 : i32
      %dma_wait3A_296 = arith.constant 0 : i32
      %dma_wait3A_297 = tpu.memref_slice %arg8[%run_scoped3A_240, %dma_wait3A_295, %dma_wait3A_296] : memref<4x80x128xf32, #tpu.memory_space<vmem>> -> memref<1x80x128xf32, #tpu.memory_space<vmem>>
      %dma_wait3A_298 = tpu.memref_squeeze %dma_wait3A_297 : memref<1x80x128xf32, #tpu.memory_space<vmem>> -> memref<80x128xf32, #tpu.memory_space<vmem>>
      tpu.wait_dma2 semaphore(%run_scoped3A_274 : memref<!tpu.dma_semaphore, #tpu.memory_space<semaphore_mem>>) src(%dma_wait3A_298 : memref<80x128xf32, #tpu.memory_space<vmem>>) dst(%dma_wait3A_294 : memref<80x128xf32, #tpu.memory_space<vmem_shared>>)
      tpu.yield
    }) : () -> ()
    %add3A_241 = arith.constant 160 : i32
    %add3A_242 = arith.addi %mul3A_235, %add3A_241 : i32
    %run_scoped3A_243 = arith.constant 3 : i32
    "tpu.region"() ({
      %run_scoped3A_274 = tpu.sem_alloc : memref<!tpu.dma_semaphore, #tpu.memory_space<semaphore_mem>>
      %dma_start3A_275 = arith.constant 0 : i32
      %dma_start3A_276 = arith.constant 0 : i32
      %dma_start3A_277 = tpu.memref_slice %arg8[%run_scoped3A_243, %dma_start3A_275, %dma_start3A_276] : memref<4x80x128xf32, #tpu.memory_space<vmem>> -> memref<1x80x128xf32, #tpu.memory_space<vmem>>
      %dma_start3A_278 = tpu.memref_squeeze %dma_start3A_277 : memref<1x80x128xf32, #tpu.memory_space<vmem>> -> memref<80x128xf32, #tpu.memory_space<vmem>>
      %dma_start3A_279 = arith.constant 0 : i32
      %dma_start3A_280 = tpu.memref_slice %arg9[%add3A_242, %dma_start3A_279] : memref<10000x128xf32, #tpu.memory_space<vmem_shared>> -> memref<80x128xf32, #tpu.memory_space<vmem_shared>>
      %dma_start3A_281 = arith.constant 0 : i32
      %dma_start3A_282 = tpu.memref_slice %arg9[%add3A_242, %dma_start3A_281] : memref<10000x128xf32, #tpu.memory_space<vmem_shared>> -> memref<80x128xf32, #tpu.memory_space<vmem_shared>>
      %dma_start3A_283 = arith.constant 0 : i32
      %dma_start3A_284 = arith.constant 0 : i32
      %dma_start3A_285 = tpu.memref_slice %arg8[%run_scoped3A_243, %dma_start3A_283, %dma_start3A_284] : memref<4x80x128xf32, #tpu.memory_space<vmem>> -> memref<1x80x128xf32, #tpu.memory_space<vmem>>
      %dma_start3A_286 = tpu.memref_squeeze %dma_start3A_285 : memref<1x80x128xf32, #tpu.memory_space<vmem>> -> memref<80x128xf32, #tpu.memory_space<vmem>>
      tpu.enqueue_dma source(%dma_start3A_286 : memref<80x128xf32, #tpu.memory_space<vmem>>) target(%dma_start3A_282 : memref<80x128xf32, #tpu.memory_space<vmem_shared>>) target_semaphore(%run_scoped3A_274 : memref<!tpu.dma_semaphore, #tpu.memory_space<semaphore_mem>>)
      %dma_wait3A_287 = arith.constant 0 : i32
      %dma_wait3A_288 = arith.constant 0 : i32
      %dma_wait3A_289 = tpu.memref_slice %arg8[%run_scoped3A_243, %dma_wait3A_287, %dma_wait3A_288] : memref<4x80x128xf32, #tpu.memory_space<vmem>> -> memref<1x80x128xf32, #tpu.memory_space<vmem>>
      %dma_wait3A_290 = tpu.memref_squeeze %dma_wait3A_289 : memref<1x80x128xf32, #tpu.memory_space<vmem>> -> memref<80x128xf32, #tpu.memory_space<vmem>>
      %dma_wait3A_291 = arith.constant 0 : i32
      %dma_wait3A_292 = tpu.memref_slice %arg9[%add3A_242, %dma_wait3A_291] : memref<10000x128xf32, #tpu.memory_space<vmem_shared>> -> memref<80x128xf32, #tpu.memory_space<vmem_shared>>
      %dma_wait3A_293 = arith.constant 0 : i32
      %dma_wait3A_294 = tpu.memref_slice %arg9[%add3A_242, %dma_wait3A_293] : memref<10000x128xf32, #tpu.memory_space<vmem_shared>> -> memref<80x128xf32, #tpu.memory_space<vmem_shared>>
      %dma_wait3A_295 = arith.constant 0 : i32
      %dma_wait3A_296 = arith.constant 0 : i32
      %dma_wait3A_297 = tpu.memref_slice %arg8[%run_scoped3A_243, %dma_wait3A_295, %dma_wait3A_296] : memref<4x80x128xf32, #tpu.memory_space<vmem>> -> memref<1x80x128xf32, #tpu.memory_space<vmem>>
      %dma_wait3A_298 = tpu.memref_squeeze %dma_wait3A_297 : memref<1x80x128xf32, #tpu.memory_space<vmem>> -> memref<80x128xf32, #tpu.memory_space<vmem>>
      tpu.wait_dma2 semaphore(%run_scoped3A_274 : memref<!tpu.dma_semaphore, #tpu.memory_space<semaphore_mem>>) src(%dma_wait3A_298 : memref<80x128xf32, #tpu.memory_space<vmem>>) dst(%dma_wait3A_294 : memref<80x128xf32, #tpu.memory_space<vmem_shared>>)
      tpu.yield
    }) : () -> ()
    %add3A_244 = arith.constant 240 : i32
    %add3A_245 = arith.addi %mul3A_235, %add3A_244 : i32
    %run_scoped3A_246 = arith.constant 3 : i32
    "tpu.region"() ({
      %run_scoped3A_274 = tpu.sem_alloc : memref<!tpu.dma_semaphore, #tpu.memory_space<semaphore_mem>>
      %dma_start3A_275 = arith.constant 0 : i32
      %dma_start3A_276 = arith.constant 0 : i32
      %dma_start3A_277 = tpu.memref_slice %arg8[%run_scoped3A_246, %dma_start3A_275, %dma_start3A_276] : memref<4x80x128xf32, #tpu.memory_space<vmem>> -> memref<1x80x128xf32, #tpu.memory_space<vmem>>
      %dma_start3A_278 = tpu.memref_squeeze %dma_start3A_277 : memref<1x80x128xf32, #tpu.memory_space<vmem>> -> memref<80x128xf32, #tpu.memory_space<vmem>>
      %dma_start3A_279 = arith.constant 0 : i32
      %dma_start3A_280 = tpu.memref_slice %arg9[%add3A_245, %dma_start3A_279] : memref<10000x128xf32, #tpu.memory_space<vmem_shared>> -> memref<80x128xf32, #tpu.memory_space<vmem_shared>>
      %dma_start3A_281 = arith.constant 0 : i32
      %dma_start3A_282 = tpu.memref_slice %arg9[%add3A_245, %dma_start3A_281] : memref<10000x128xf32, #tpu.memory_space<vmem_shared>> -> memref<80x128xf32, #tpu.memory_space<vmem_shared>>
      %dma_start3A_283 = arith.constant 0 : i32
      %dma_start3A_284 = arith.constant 0 : i32
      %dma_start3A_285 = tpu.memref_slice %arg8[%run_scoped3A_246, %dma_start3A_283, %dma_start3A_284] : memref<4x80x128xf32, #tpu.memory_space<vmem>> -> memref<1x80x128xf32, #tpu.memory_space<vmem>>
      %dma_start3A_286 = tpu.memref_squeeze %dma_start3A_285 : memref<1x80x128xf32, #tpu.memory_space<vmem>> -> memref<80x128xf32, #tpu.memory_space<vmem>>
      tpu.enqueue_dma source(%dma_start3A_286 : memref<80x128xf32, #tpu.memory_space<vmem>>) target(%dma_start3A_282 : memref<80x128xf32, #tpu.memory_space<vmem_shared>>) target_semaphore(%run_scoped3A_274 : memref<!tpu.dma_semaphore, #tpu.memory_space<semaphore_mem>>)
      %dma_wait3A_287 = arith.constant 0 : i32
      %dma_wait3A_288 = arith.constant 0 : i32
      %dma_wait3A_289 = tpu.memref_slice %arg8[%run_scoped3A_246, %dma_wait3A_287, %dma_wait3A_288] : memref<4x80x128xf32, #tpu.memory_space<vmem>> -> memref<1x80x128xf32, #tpu.memory_space<vmem>>
      %dma_wait3A_290 = tpu.memref_squeeze %dma_wait3A_289 : memref<1x80x128xf32, #tpu.memory_space<vmem>> -> memref<80x128xf32, #tpu.memory_space<vmem>>
      %dma_wait3A_291 = arith.constant 0 : i32
      %dma_wait3A_292 = tpu.memref_slice %arg9[%add3A_245, %dma_wait3A_291] : memref<10000x128xf32, #tpu.memory_space<vmem_shared>> -> memref<80x128xf32, #tpu.memory_space<vmem_shared>>
      %dma_wait3A_293 = arith.constant 0 : i32
      %dma_wait3A_294 = tpu.memref_slice %arg9[%add3A_245, %dma_wait3A_293] : memref<10000x128xf32, #tpu.memory_space<vmem_shared>> -> memref<80x128xf32, #tpu.memory_space<vmem_shared>>
      %dma_wait3A_295 = arith.constant 0 : i32
      %dma_wait3A_296 = arith.constant 0 : i32
      %dma_wait3A_297 = tpu.memref_slice %arg8[%run_scoped3A_246, %dma_wait3A_295, %dma_wait3A_296] : memref<4x80x128xf32, #tpu.memory_space<vmem>> -> memref<1x80x128xf32, #tpu.memory_space<vmem>>
      %dma_wait3A_298 = tpu.memref_squeeze %dma_wait3A_297 : memref<1x80x128xf32, #tpu.memory_space<vmem>> -> memref<80x128xf32, #tpu.memory_space<vmem>>
      tpu.wait_dma2 semaphore(%run_scoped3A_274 : memref<!tpu.dma_semaphore, #tpu.memory_space<semaphore_mem>>) src(%dma_wait3A_298 : memref<80x128xf32, #tpu.memory_space<vmem>>) dst(%dma_wait3A_294 : memref<80x128xf32, #tpu.memory_space<vmem_shared>>)
      tpu.yield
    }) : () -> ()
    %add3A_247 = arith.constant 320 : i32
    %add3A_248 = arith.addi %mul3A_235, %add3A_247 : i32
    %run_scoped3A_249 = arith.constant 3 : i32
    "tpu.region"() ({
      %run_scoped3A_274 = tpu.sem_alloc : memref<!tpu.dma_semaphore, #tpu.memory_space<semaphore_mem>>
      %dma_start3A_275 = arith.constant 0 : i32
      %dma_start3A_276 = arith.constant 0 : i32
      %dma_start3A_277 = tpu.memref_slice %arg8[%run_scoped3A_249, %dma_start3A_275, %dma_start3A_276] : memref<4x80x128xf32, #tpu.memory_space<vmem>> -> memref<1x80x128xf32, #tpu.memory_space<vmem>>
      %dma_start3A_278 = tpu.memref_squeeze %dma_start3A_277 : memref<1x80x128xf32, #tpu.memory_space<vmem>> -> memref<80x128xf32, #tpu.memory_space<vmem>>
      %dma_start3A_279 = arith.constant 0 : i32
      %dma_start3A_280 = tpu.memref_slice %arg9[%add3A_248, %dma_start3A_279] : memref<10000x128xf32, #tpu.memory_space<vmem_shared>> -> memref<80x128xf32, #tpu.memory_space<vmem_shared>>
      %dma_start3A_281 = arith.constant 0 : i32
      %dma_start3A_282 = tpu.memref_slice %arg9[%add3A_248, %dma_start3A_281] : memref<10000x128xf32, #tpu.memory_space<vmem_shared>> -> memref<80x128xf32, #tpu.memory_space<vmem_shared>>
      %dma_start3A_283 = arith.constant 0 : i32
      %dma_start3A_284 = arith.constant 0 : i32
      %dma_start3A_285 = tpu.memref_slice %arg8[%run_scoped3A_249, %dma_start3A_283, %dma_start3A_284] : memref<4x80x128xf32, #tpu.memory_space<vmem>> -> memref<1x80x128xf32, #tpu.memory_space<vmem>>
      %dma_start3A_286 = tpu.memref_squeeze %dma_start3A_285 : memref<1x80x128xf32, #tpu.memory_space<vmem>> -> memref<80x128xf32, #tpu.memory_space<vmem>>
      tpu.enqueue_dma source(%dma_start3A_286 : memref<80x128xf32, #tpu.memory_space<vmem>>) target(%dma_start3A_282 : memref<80x128xf32, #tpu.memory_space<vmem_shared>>) target_semaphore(%run_scoped3A_274 : memref<!tpu.dma_semaphore, #tpu.memory_space<semaphore_mem>>)
      %dma_wait3A_287 = arith.constant 0 : i32
      %dma_wait3A_288 = arith.constant 0 : i32
      %dma_wait3A_289 = tpu.memref_slice %arg8[%run_scoped3A_249, %dma_wait3A_287, %dma_wait3A_288] : memref<4x80x128xf32, #tpu.memory_space<vmem>> -> memref<1x80x128xf32, #tpu.memory_space<vmem>>
      %dma_wait3A_290 = tpu.memref_squeeze %dma_wait3A_289 : memref<1x80x128xf32, #tpu.memory_space<vmem>> -> memref<80x128xf32, #tpu.memory_space<vmem>>
      %dma_wait3A_291 = arith.constant 0 : i32
      %dma_wait3A_292 = tpu.memref_slice %arg9[%add3A_248, %dma_wait3A_291] : memref<10000x128xf32, #tpu.memory_space<vmem_shared>> -> memref<80x128xf32, #tpu.memory_space<vmem_shared>>
      %dma_wait3A_293 = arith.constant 0 : i32
      %dma_wait3A_294 = tpu.memref_slice %arg9[%add3A_248, %dma_wait3A_293] : memref<10000x128xf32, #tpu.memory_space<vmem_shared>> -> memref<80x128xf32, #tpu.memory_space<vmem_shared>>
      %dma_wait3A_295 = arith.constant 0 : i32
      %dma_wait3A_296 = arith.constant 0 : i32
      %dma_wait3A_297 = tpu.memref_slice %arg8[%run_scoped3A_249, %dma_wait3A_295, %dma_wait3A_296] : memref<4x80x128xf32, #tpu.memory_space<vmem>> -> memref<1x80x128xf32, #tpu.memory_space<vmem>>
      %dma_wait3A_298 = tpu.memref_squeeze %dma_wait3A_297 : memref<1x80x128xf32, #tpu.memory_space<vmem>> -> memref<80x128xf32, #tpu.memory_space<vmem>>
      tpu.wait_dma2 semaphore(%run_scoped3A_274 : memref<!tpu.dma_semaphore, #tpu.memory_space<semaphore_mem>>) src(%dma_wait3A_298 : memref<80x128xf32, #tpu.memory_space<vmem>>) dst(%dma_wait3A_294 : memref<80x128xf32, #tpu.memory_space<vmem_shared>>)
      tpu.yield
    }) : () -> ()
    %add3A_250 = arith.constant 400 : i32
    %add3A_251 = arith.addi %mul3A_235, %add3A_250 : i32
    %run_scoped3A_252 = arith.constant 3 : i32
    "tpu.region"() ({
      %run_scoped3A_274 = tpu.sem_alloc : memref<!tpu.dma_semaphore, #tpu.memory_space<semaphore_mem>>
      %dma_start3A_275 = arith.constant 0 : i32
      %dma_start3A_276 = arith.constant 0 : i32
      %dma_start3A_277 = tpu.memref_slice %arg8[%run_scoped3A_252, %dma_start3A_275, %dma_start3A_276] : memref<4x80x128xf32, #tpu.memory_space<vmem>> -> memref<1x80x128xf32, #tpu.memory_space<vmem>>
      %dma_start3A_278 = tpu.memref_squeeze %dma_start3A_277 : memref<1x80x128xf32, #tpu.memory_space<vmem>> -> memref<80x128xf32, #tpu.memory_space<vmem>>
      %dma_start3A_279 = arith.constant 0 : i32
      %dma_start3A_280 = tpu.memref_slice %arg9[%add3A_251, %dma_start3A_279] : memref<10000x128xf32, #tpu.memory_space<vmem_shared>> -> memref<80x128xf32, #tpu.memory_space<vmem_shared>>
      %dma_start3A_281 = arith.constant 0 : i32
      %dma_start3A_282 = tpu.memref_slice %arg9[%add3A_251, %dma_start3A_281] : memref<10000x128xf32, #tpu.memory_space<vmem_shared>> -> memref<80x128xf32, #tpu.memory_space<vmem_shared>>
      %dma_start3A_283 = arith.constant 0 : i32
      %dma_start3A_284 = arith.constant 0 : i32
      %dma_start3A_285 = tpu.memref_slice %arg8[%run_scoped3A_252, %dma_start3A_283, %dma_start3A_284] : memref<4x80x128xf32, #tpu.memory_space<vmem>> -> memref<1x80x128xf32, #tpu.memory_space<vmem>>
      %dma_start3A_286 = tpu.memref_squeeze %dma_start3A_285 : memref<1x80x128xf32, #tpu.memory_space<vmem>> -> memref<80x128xf32, #tpu.memory_space<vmem>>
      tpu.enqueue_dma source(%dma_start3A_286 : memref<80x128xf32, #tpu.memory_space<vmem>>) target(%dma_start3A_282 : memref<80x128xf32, #tpu.memory_space<vmem_shared>>) target_semaphore(%run_scoped3A_274 : memref<!tpu.dma_semaphore, #tpu.memory_space<semaphore_mem>>)
      %dma_wait3A_287 = arith.constant 0 : i32
      %dma_wait3A_288 = arith.constant 0 : i32
      %dma_wait3A_289 = tpu.memref_slice %arg8[%run_scoped3A_252, %dma_wait3A_287, %dma_wait3A_288] : memref<4x80x128xf32, #tpu.memory_space<vmem>> -> memref<1x80x128xf32, #tpu.memory_space<vmem>>
      %dma_wait3A_290 = tpu.memref_squeeze %dma_wait3A_289 : memref<1x80x128xf32, #tpu.memory_space<vmem>> -> memref<80x128xf32, #tpu.memory_space<vmem>>
      %dma_wait3A_291 = arith.constant 0 : i32
      %dma_wait3A_292 = tpu.memref_slice %arg9[%add3A_251, %dma_wait3A_291] : memref<10000x128xf32, #tpu.memory_space<vmem_shared>> -> memref<80x128xf32, #tpu.memory_space<vmem_shared>>
      %dma_wait3A_293 = arith.constant 0 : i32
      %dma_wait3A_294 = tpu.memref_slice %arg9[%add3A_251, %dma_wait3A_293] : memref<10000x128xf32, #tpu.memory_space<vmem_shared>> -> memref<80x128xf32, #tpu.memory_space<vmem_shared>>
      %dma_wait3A_295 = arith.constant 0 : i32
      %dma_wait3A_296 = arith.constant 0 : i32
      %dma_wait3A_297 = tpu.memref_slice %arg8[%run_scoped3A_252, %dma_wait3A_295, %dma_wait3A_296] : memref<4x80x128xf32, #tpu.memory_space<vmem>> -> memref<1x80x128xf32, #tpu.memory_space<vmem>>
      %dma_wait3A_298 = tpu.memref_squeeze %dma_wait3A_297 : memref<1x80x128xf32, #tpu.memory_space<vmem>> -> memref<80x128xf32, #tpu.memory_space<vmem>>
      tpu.wait_dma2 semaphore(%run_scoped3A_274 : memref<!tpu.dma_semaphore, #tpu.memory_space<semaphore_mem>>) src(%dma_wait3A_298 : memref<80x128xf32, #tpu.memory_space<vmem>>) dst(%dma_wait3A_294 : memref<80x128xf32, #tpu.memory_space<vmem_shared>>)
      tpu.yield
    }) : () -> ()
    %add3A_253 = arith.constant 480 : i32
    %add3A_254 = arith.addi %mul3A_235, %add3A_253 : i32
    %run_scoped3A_255 = arith.constant 3 : i32
    "tpu.region"() ({
      %run_scoped3A_274 = tpu.sem_alloc : memref<!tpu.dma_semaphore, #tpu.memory_space<semaphore_mem>>
      %dma_start3A_275 = arith.constant 0 : i32
      %dma_start3A_276 = arith.constant 0 : i32
      %dma_start3A_277 = tpu.memref_slice %arg8[%run_scoped3A_255, %dma_start3A_275, %dma_start3A_276] : memref<4x80x128xf32, #tpu.memory_space<vmem>> -> memref<1x80x128xf32, #tpu.memory_space<vmem>>
      %dma_start3A_278 = tpu.memref_squeeze %dma_start3A_277 : memref<1x80x128xf32, #tpu.memory_space<vmem>> -> memref<80x128xf32, #tpu.memory_space<vmem>>
      %dma_start3A_279 = arith.constant 0 : i32
      %dma_start3A_280 = tpu.memref_slice %arg9[%add3A_254, %dma_start3A_279] : memref<10000x128xf32, #tpu.memory_space<vmem_shared>> -> memref<80x128xf32, #tpu.memory_space<vmem_shared>>
      %dma_start3A_281 = arith.constant 0 : i32
      %dma_start3A_282 = tpu.memref_slice %arg9[%add3A_254, %dma_start3A_281] : memref<10000x128xf32, #tpu.memory_space<vmem_shared>> -> memref<80x128xf32, #tpu.memory_space<vmem_shared>>
      %dma_start3A_283 = arith.constant 0 : i32
      %dma_start3A_284 = arith.constant 0 : i32
      %dma_start3A_285 = tpu.memref_slice %arg8[%run_scoped3A_255, %dma_start3A_283, %dma_start3A_284] : memref<4x80x128xf32, #tpu.memory_space<vmem>> -> memref<1x80x128xf32, #tpu.memory_space<vmem>>
      %dma_start3A_286 = tpu.memref_squeeze %dma_start3A_285 : memref<1x80x128xf32, #tpu.memory_space<vmem>> -> memref<80x128xf32, #tpu.memory_space<vmem>>
      tpu.enqueue_dma source(%dma_start3A_286 : memref<80x128xf32, #tpu.memory_space<vmem>>) target(%dma_start3A_282 : memref<80x128xf32, #tpu.memory_space<vmem_shared>>) target_semaphore(%run_scoped3A_274 : memref<!tpu.dma_semaphore, #tpu.memory_space<semaphore_mem>>)
      %dma_wait3A_287 = arith.constant 0 : i32
      %dma_wait3A_288 = arith.constant 0 : i32
      %dma_wait3A_289 = tpu.memref_slice %arg8[%run_scoped3A_255, %dma_wait3A_287, %dma_wait3A_288] : memref<4x80x128xf32, #tpu.memory_space<vmem>> -> memref<1x80x128xf32, #tpu.memory_space<vmem>>
      %dma_wait3A_290 = tpu.memref_squeeze %dma_wait3A_289 : memref<1x80x128xf32, #tpu.memory_space<vmem>> -> memref<80x128xf32, #tpu.memory_space<vmem>>
      %dma_wait3A_291 = arith.constant 0 : i32
      %dma_wait3A_292 = tpu.memref_slice %arg9[%add3A_254, %dma_wait3A_291] : memref<10000x128xf32, #tpu.memory_space<vmem_shared>> -> memref<80x128xf32, #tpu.memory_space<vmem_shared>>
      %dma_wait3A_293 = arith.constant 0 : i32
      %dma_wait3A_294 = tpu.memref_slice %arg9[%add3A_254, %dma_wait3A_293] : memref<10000x128xf32, #tpu.memory_space<vmem_shared>> -> memref<80x128xf32, #tpu.memory_space<vmem_shared>>
      %dma_wait3A_295 = arith.constant 0 : i32
      %dma_wait3A_296 = arith.constant 0 : i32
      %dma_wait3A_297 = tpu.memref_slice %arg8[%run_scoped3A_255, %dma_wait3A_295, %dma_wait3A_296] : memref<4x80x128xf32, #tpu.memory_space<vmem>> -> memref<1x80x128xf32, #tpu.memory_space<vmem>>
      %dma_wait3A_298 = tpu.memref_squeeze %dma_wait3A_297 : memref<1x80x128xf32, #tpu.memory_space<vmem>> -> memref<80x128xf32, #tpu.memory_space<vmem>>
      tpu.wait_dma2 semaphore(%run_scoped3A_274 : memref<!tpu.dma_semaphore, #tpu.memory_space<semaphore_mem>>) src(%dma_wait3A_298 : memref<80x128xf32, #tpu.memory_space<vmem>>) dst(%dma_wait3A_294 : memref<80x128xf32, #tpu.memory_space<vmem_shared>>)
      tpu.yield
    }) : () -> ()
    %add3A_256 = arith.constant 560 : i32
    %add3A_257 = arith.addi %mul3A_235, %add3A_256 : i32
    %run_scoped3A_258 = arith.constant 3 : i32
    "tpu.region"() ({
      %run_scoped3A_274 = tpu.sem_alloc : memref<!tpu.dma_semaphore, #tpu.memory_space<semaphore_mem>>
      %dma_start3A_275 = arith.constant 0 : i32
      %dma_start3A_276 = arith.constant 0 : i32
      %dma_start3A_277 = tpu.memref_slice %arg8[%run_scoped3A_258, %dma_start3A_275, %dma_start3A_276] : memref<4x80x128xf32, #tpu.memory_space<vmem>> -> memref<1x80x128xf32, #tpu.memory_space<vmem>>
      %dma_start3A_278 = tpu.memref_squeeze %dma_start3A_277 : memref<1x80x128xf32, #tpu.memory_space<vmem>> -> memref<80x128xf32, #tpu.memory_space<vmem>>
      %dma_start3A_279 = arith.constant 0 : i32
      %dma_start3A_280 = arith.constant 0 : i32
      %dma_start3A_281 = tpu.memref_slice %dma_start3A_278[%dma_start3A_279, %dma_start3A_280] : memref<80x128xf32, #tpu.memory_space<vmem>> -> memref<64x128xf32, #tpu.memory_space<vmem>>
      %dma_start3A_282 = arith.constant 0 : i32
      %dma_start3A_283 = tpu.memref_slice %arg9[%add3A_257, %dma_start3A_282] : memref<10000x128xf32, #tpu.memory_space<vmem_shared>> -> memref<64x128xf32, #tpu.memory_space<vmem_shared>>
      %dma_start3A_284 = arith.constant 0 : i32
      %dma_start3A_285 = tpu.memref_slice %arg9[%add3A_257, %dma_start3A_284] : memref<10000x128xf32, #tpu.memory_space<vmem_shared>> -> memref<64x128xf32, #tpu.memory_space<vmem_shared>>
      %dma_start3A_286 = arith.constant 0 : i32
      %dma_start3A_287 = arith.constant 0 : i32
      %dma_start3A_288 = tpu.memref_slice %arg8[%run_scoped3A_258, %dma_start3A_286, %dma_start3A_287] : memref<4x80x128xf32, #tpu.memory_space<vmem>> -> memref<1x80x128xf32, #tpu.memory_space<vmem>>
      %dma_start3A_289 = tpu.memref_squeeze %dma_start3A_288 : memref<1x80x128xf32, #tpu.memory_space<vmem>> -> memref<80x128xf32, #tpu.memory_space<vmem>>
      %dma_start3A_290 = arith.constant 0 : i32
      %dma_start3A_291 = arith.constant 0 : i32
      %dma_start3A_292 = tpu.memref_slice %dma_start3A_289[%dma_start3A_290, %dma_start3A_291] : memref<80x128xf32, #tpu.memory_space<vmem>> -> memref<64x128xf32, #tpu.memory_space<vmem>>
      tpu.enqueue_dma source(%dma_start3A_292 : memref<64x128xf32, #tpu.memory_space<vmem>>) target(%dma_start3A_285 : memref<64x128xf32, #tpu.memory_space<vmem_shared>>) target_semaphore(%run_scoped3A_274 : memref<!tpu.dma_semaphore, #tpu.memory_space<semaphore_mem>>)
      %dma_wait3A_293 = arith.constant 0 : i32
      %dma_wait3A_294 = arith.constant 0 : i32
      %dma_wait3A_295 = tpu.memref_slice %arg8[%run_scoped3A_258, %dma_wait3A_293, %dma_wait3A_294] : memref<4x80x128xf32, #tpu.memory_space<vmem>> -> memref<1x80x128xf32, #tpu.memory_space<vmem>>
      %dma_wait3A_296 = tpu.memref_squeeze %dma_wait3A_295 : memref<1x80x128xf32, #tpu.memory_space<vmem>> -> memref<80x128xf32, #tpu.memory_space<vmem>>
      %dma_wait3A_297 = arith.constant 0 : i32
      %dma_wait3A_298 = arith.constant 0 : i32
      %dma_wait3A_299 = tpu.memref_slice %dma_wait3A_296[%dma_wait3A_297, %dma_wait3A_298] : memref<80x128xf32, #tpu.memory_space<vmem>> -> memref<64x128xf32, #tpu.memory_space<vmem>>
      %dma_wait3A_300 = arith.constant 0 : i32
      %dma_wait3A_301 = tpu.memref_slice %arg9[%add3A_257, %dma_wait3A_300] : memref<10000x128xf32, #tpu.memory_space<vmem_shared>> -> memref<64x128xf32, #tpu.memory_space<vmem_shared>>
      %dma_wait3A_302 = arith.constant 0 : i32
      %dma_wait3A_303 = tpu.memref_slice %arg9[%add3A_257, %dma_wait3A_302] : memref<10000x128xf32, #tpu.memory_space<vmem_shared>> -> memref<64x128xf32, #tpu.memory_space<vmem_shared>>
      %dma_wait3A_304 = arith.constant 0 : i32
      %dma_wait3A_305 = arith.constant 0 : i32
      %dma_wait3A_306 = tpu.memref_slice %arg8[%run_scoped3A_258, %dma_wait3A_304, %dma_wait3A_305] : memref<4x80x128xf32, #tpu.memory_space<vmem>> -> memref<1x80x128xf32, #tpu.memory_space<vmem>>
      %dma_wait3A_307 = tpu.memref_squeeze %dma_wait3A_306 : memref<1x80x128xf32, #tpu.memory_space<vmem>> -> memref<80x128xf32, #tpu.memory_space<vmem>>
      %dma_wait3A_308 = arith.constant 0 : i32
      %dma_wait3A_309 = arith.constant 0 : i32
      %dma_wait3A_310 = tpu.memref_slice %dma_wait3A_307[%dma_wait3A_308, %dma_wait3A_309] : memref<80x128xf32, #tpu.memory_space<vmem>> -> memref<64x128xf32, #tpu.memory_space<vmem>>
      tpu.wait_dma2 semaphore(%run_scoped3A_274 : memref<!tpu.dma_semaphore, #tpu.memory_space<semaphore_mem>>) src(%dma_wait3A_310 : memref<64x128xf32, #tpu.memory_space<vmem>>) dst(%dma_wait3A_303 : memref<64x128xf32, #tpu.memory_space<vmem_shared>>)
      tpu.yield
    }) : () -> ()
    %eq3A = arith.constant 0 : i32
    %eq3A_259 = arith.cmpi eq, %arg1, %eq3A : i32
    %convert_element_type3A = arith.extui %eq3A_259 : i1 to i32
    %cond3A = arith.constant 3 : i32
    %cond3A_260 = arith.constant 0 : i32
    %cond3A_261 = arith.cmpi ne, %convert_element_type3A, %cond3A_260 : i32
    scf.if %cond3A_261 {
      "tpu.region"() ({
        %run_scoped3A_274 = tpu.sem_alloc : memref<!tpu.dma_semaphore, #tpu.memory_space<semaphore_mem>>
        %dma_start3A_275 = arith.constant 0 : i32
        %dma_start3A_276 = arith.constant 0 : i32
        %dma_start3A_277 = tpu.memref_slice %arg8[%cond3A, %dma_start3A_275, %dma_start3A_276] : memref<4x80x128xf32, #tpu.memory_space<vmem>> -> memref<1x80x128xf32, #tpu.memory_space<vmem>>
        %dma_start3A_278 = tpu.memref_squeeze %dma_start3A_277 : memref<1x80x128xf32, #tpu.memory_space<vmem>> -> memref<80x128xf32, #tpu.memory_space<vmem>>
        %dma_start3A_279 = arith.constant 0 : i32
        %dma_start3A_280 = arith.constant 0 : i32
        %dma_start3A_281 = tpu.memref_slice %dma_start3A_278[%dma_start3A_279, %dma_start3A_280] : memref<80x128xf32, #tpu.memory_space<vmem>> -> memref<16x128xf32, #tpu.memory_space<vmem>>
        %dma_start3A_282 = arith.constant 9984 : i32
        %dma_start3A_283 = arith.constant 0 : i32
        %dma_start3A_284 = tpu.memref_slice %arg9[%dma_start3A_282, %dma_start3A_283] : memref<10000x128xf32, #tpu.memory_space<vmem_shared>> -> memref<16x128xf32, #tpu.memory_space<vmem_shared>>
        %dma_start3A_285 = arith.constant 9984 : i32
        %dma_start3A_286 = arith.constant 0 : i32
        %dma_start3A_287 = tpu.memref_slice %arg9[%dma_start3A_285, %dma_start3A_286] : memref<10000x128xf32, #tpu.memory_space<vmem_shared>> -> memref<16x128xf32, #tpu.memory_space<vmem_shared>>
        %dma_start3A_288 = arith.constant 0 : i32
        %dma_start3A_289 = arith.constant 0 : i32
        %dma_start3A_290 = tpu.memref_slice %arg8[%cond3A, %dma_start3A_288, %dma_start3A_289] : memref<4x80x128xf32, #tpu.memory_space<vmem>> -> memref<1x80x128xf32, #tpu.memory_space<vmem>>
        %dma_start3A_291 = tpu.memref_squeeze %dma_start3A_290 : memref<1x80x128xf32, #tpu.memory_space<vmem>> -> memref<80x128xf32, #tpu.memory_space<vmem>>
        %dma_start3A_292 = arith.constant 0 : i32
        %dma_start3A_293 = arith.constant 0 : i32
        %dma_start3A_294 = tpu.memref_slice %dma_start3A_291[%dma_start3A_292, %dma_start3A_293] : memref<80x128xf32, #tpu.memory_space<vmem>> -> memref<16x128xf32, #tpu.memory_space<vmem>>
        tpu.enqueue_dma source(%dma_start3A_294 : memref<16x128xf32, #tpu.memory_space<vmem>>) target(%dma_start3A_287 : memref<16x128xf32, #tpu.memory_space<vmem_shared>>) target_semaphore(%run_scoped3A_274 : memref<!tpu.dma_semaphore, #tpu.memory_space<semaphore_mem>>)
        %dma_wait3A_295 = arith.constant 0 : i32
        %dma_wait3A_296 = arith.constant 0 : i32
        %dma_wait3A_297 = tpu.memref_slice %arg8[%cond3A, %dma_wait3A_295, %dma_wait3A_296] : memref<4x80x128xf32, #tpu.memory_space<vmem>> -> memref<1x80x128xf32, #tpu.memory_space<vmem>>
        %dma_wait3A_298 = tpu.memref_squeeze %dma_wait3A_297 : memref<1x80x128xf32, #tpu.memory_space<vmem>> -> memref<80x128xf32, #tpu.memory_space<vmem>>
        %dma_wait3A_299 = arith.constant 0 : i32
        %dma_wait3A_300 = arith.constant 0 : i32
        %dma_wait3A_301 = tpu.memref_slice %dma_wait3A_298[%dma_wait3A_299, %dma_wait3A_300] : memref<80x128xf32, #tpu.memory_space<vmem>> -> memref<16x128xf32, #tpu.memory_space<vmem>>
        %dma_wait3A_302 = arith.constant 9984 : i32
        %dma_wait3A_303 = arith.constant 0 : i32
        %dma_wait3A_304 = tpu.memref_slice %arg9[%dma_wait3A_302, %dma_wait3A_303] : memref<10000x128xf32, #tpu.memory_space<vmem_shared>> -> memref<16x128xf32, #tpu.memory_space<vmem_shared>>
        %dma_wait3A_305 = arith.constant 9984 : i32
        %dma_wait3A_306 = arith.constant 0 : i32
        %dma_wait3A_307 = tpu.memref_slice %arg9[%dma_wait3A_305, %dma_wait3A_306] : memref<10000x128xf32, #tpu.memory_space<vmem_shared>> -> memref<16x128xf32, #tpu.memory_space<vmem_shared>>
        %dma_wait3A_308 = arith.constant 0 : i32
        %dma_wait3A_309 = arith.constant 0 : i32
        %dma_wait3A_310 = tpu.memref_slice %arg8[%cond3A, %dma_wait3A_308, %dma_wait3A_309] : memref<4x80x128xf32, #tpu.memory_space<vmem>> -> memref<1x80x128xf32, #tpu.memory_space<vmem>>
        %dma_wait3A_311 = tpu.memref_squeeze %dma_wait3A_310 : memref<1x80x128xf32, #tpu.memory_space<vmem>> -> memref<80x128xf32, #tpu.memory_space<vmem>>
        %dma_wait3A_312 = arith.constant 0 : i32
        %dma_wait3A_313 = arith.constant 0 : i32
        %dma_wait3A_314 = tpu.memref_slice %dma_wait3A_311[%dma_wait3A_312, %dma_wait3A_313] : memref<80x128xf32, #tpu.memory_space<vmem>> -> memref<16x128xf32, #tpu.memory_space<vmem>>
        tpu.wait_dma2 semaphore(%run_scoped3A_274 : memref<!tpu.dma_semaphore, #tpu.memory_space<semaphore_mem>>) src(%dma_wait3A_314 : memref<16x128xf32, #tpu.memory_space<vmem>>) dst(%dma_wait3A_307 : memref<16x128xf32, #tpu.memory_space<vmem_shared>>)
        tpu.yield
      }) : () -> ()
    } else {
    }
    %barrier3A = arith.constant 0 : index
    tpu.barrier barrier_id(%barrier3A)
    %scan3A_262 = arith.constant 0 : i32
    %scan3A_263 = arith.constant 0 : i32
    %scan3A_264 = arith.constant 33 : i32
    %scan3A_265 = arith.addi %scan3A_263, %scan3A_264 : i32
    %scan3A_266 = arith.constant 1 : i32
    scf.for %scan3A_274 = %scan3A_263 to %scan3A_265 step %scan3A_266  : i32 {
      %mul3A_275 = arith.constant 4 : i32
      %mul3A_276 = arith.muli %scan3A_274, %mul3A_275 : i32
      %add3A_277 = arith.constant 0 : i32
      %add3A_278 = arith.addi %mul3A_276, %add3A_277 : i32
      %sub3A = arith.constant 1 : i32
      %sub3A_279 = arith.subi %add3A_278, %sub3A : i32
      %sub3A_280 = arith.constant 3 : i32
      %sub3A_281 = arith.subi %add3A_278, %sub3A_280 : i32
      %ge3A = arith.constant 4 : i32
      %ge3A_282 = arith.cmpi sge, %add3A_278, %ge3A : i32
      %lt3A = arith.constant 125 : i32
      %lt3A_283 = arith.cmpi slt, %add3A_278, %lt3A : i32
      %and3A = arith.andi %ge3A_282, %lt3A_283 : i1
      %convert_element_type3A_284 = arith.extui %and3A : i1 to i32
      %cond3A_285 = arith.constant 0 : i32
      %cond3A_286 = arith.cmpi ne, %convert_element_type3A_284, %cond3A_285 : i32
      scf.if %cond3A_286 {
        %mul3A_399 = arith.constant 80 : i32
        %mul3A_400 = arith.muli %add3A_278, %mul3A_399 : i32
        %add3A_401 = arith.addi %mul3A_2, %mul3A_400 : i32
        %dma_start3A_402 = arith.constant 0 : i32
        %dma_start3A_403 = arith.constant 0 : i32
        %dma_start3A_404 = arith.constant 0 : i32
        %dma_start3A_405 = tpu.memref_slice %arg6[%dma_start3A_402, %dma_start3A_404] : memref<4x80xi32, #tpu.memory_space<vmem>> -> memref<1x80xi32, #tpu.memory_space<vmem>>
        %dma_start3A_406 = tpu.memref_squeeze %dma_start3A_405 : memref<1x80xi32, #tpu.memory_space<vmem>> -> memref<80xi32, #tpu.memory_space<vmem>>
        %dma_start3A_407 = tpu.memref_slice %arg3[%add3A_401] : memref<320000xi32, #tpu.memory_space<hbm>> -> memref<80xi32, #tpu.memory_space<hbm>>
        %dma_start3A_408 = tpu.memref_slice %arg10[%dma_start3A_403] : memref<4x!tpu.dma_semaphore, #tpu.memory_space<semaphore_mem>> -> memref<1x!tpu.dma_semaphore, #tpu.memory_space<semaphore_mem>>
        %dma_start3A_409 = tpu.memref_squeeze %dma_start3A_408 : memref<1x!tpu.dma_semaphore, #tpu.memory_space<semaphore_mem>> -> memref<!tpu.dma_semaphore, #tpu.memory_space<semaphore_mem>>
        %dma_start3A_410 = arith.constant 0 : i32
        %dma_start3A_411 = tpu.memref_slice %arg6[%dma_start3A_402, %dma_start3A_410] : memref<4x80xi32, #tpu.memory_space<vmem>> -> memref<1x80xi32, #tpu.memory_space<vmem>>
        %dma_start3A_412 = tpu.memref_squeeze %dma_start3A_411 : memref<1x80xi32, #tpu.memory_space<vmem>> -> memref<80xi32, #tpu.memory_space<vmem>>
        %dma_start3A_413 = tpu.memref_slice %arg3[%add3A_401] : memref<320000xi32, #tpu.memory_space<hbm>> -> memref<80xi32, #tpu.memory_space<hbm>>
        tpu.enqueue_dma source(%dma_start3A_413 : memref<80xi32, #tpu.memory_space<hbm>>) target(%dma_start3A_412 : memref<80xi32, #tpu.memory_space<vmem>>) target_semaphore(%dma_start3A_409 : memref<!tpu.dma_semaphore, #tpu.memory_space<semaphore_mem>>)
        %dma_start3A_414 = arith.constant 0 : i32
        %dma_start3A_415 = arith.constant 0 : i32
        %dma_start3A_416 = arith.constant 0 : i32
        %dma_start3A_417 = tpu.memref_slice %arg7[%dma_start3A_414, %dma_start3A_416] : memref<4x80xi32, #tpu.memory_space<vmem>> -> memref<1x80xi32, #tpu.memory_space<vmem>>
        %dma_start3A_418 = tpu.memref_squeeze %dma_start3A_417 : memref<1x80xi32, #tpu.memory_space<vmem>> -> memref<80xi32, #tpu.memory_space<vmem>>
        %dma_start3A_419 = tpu.memref_slice %arg4[%add3A_401] : memref<320000xi32, #tpu.memory_space<hbm>> -> memref<80xi32, #tpu.memory_space<hbm>>
        %dma_start3A_420 = tpu.memref_slice %arg10[%dma_start3A_415] : memref<4x!tpu.dma_semaphore, #tpu.memory_space<semaphore_mem>> -> memref<1x!tpu.dma_semaphore, #tpu.memory_space<semaphore_mem>>
        %dma_start3A_421 = tpu.memref_squeeze %dma_start3A_420 : memref<1x!tpu.dma_semaphore, #tpu.memory_space<semaphore_mem>> -> memref<!tpu.dma_semaphore, #tpu.memory_space<semaphore_mem>>
        %dma_start3A_422 = arith.constant 0 : i32
        %dma_start3A_423 = tpu.memref_slice %arg7[%dma_start3A_414, %dma_start3A_422] : memref<4x80xi32, #tpu.memory_space<vmem>> -> memref<1x80xi32, #tpu.memory_space<vmem>>
        %dma_start3A_424 = tpu.memref_squeeze %dma_start3A_423 : memref<1x80xi32, #tpu.memory_space<vmem>> -> memref<80xi32, #tpu.memory_space<vmem>>
        %dma_start3A_425 = tpu.memref_slice %arg4[%add3A_401] : memref<320000xi32, #tpu.memory_space<hbm>> -> memref<80xi32, #tpu.memory_space<hbm>>
        tpu.enqueue_dma source(%dma_start3A_425 : memref<80xi32, #tpu.memory_space<hbm>>) target(%dma_start3A_424 : memref<80xi32, #tpu.memory_space<vmem>>) target_semaphore(%dma_start3A_421 : memref<!tpu.dma_semaphore, #tpu.memory_space<semaphore_mem>>)
      } else {
      }
      %ge3A_287 = arith.constant 3 : i32
      %ge3A_288 = arith.cmpi sge, %sub3A_279, %ge3A_287 : i32
      %lt3A_289 = arith.constant 125 : i32
      %lt3A_290 = arith.cmpi slt, %sub3A_279, %lt3A_289 : i32
      %and3A_291 = arith.andi %ge3A_288, %lt3A_290 : i1
      %convert_element_type3A_292 = arith.extui %and3A_291 : i1 to i32
      %cond3A_293 = arith.constant 0 : i32
      %cond3A_294 = arith.cmpi ne, %convert_element_type3A_292, %cond3A_293 : i32
      scf.if %cond3A_294 {
        %mul3A_399 = arith.constant 80 : i32
        %mul3A_400 = arith.muli %sub3A_279, %mul3A_399 : i32
        %add3A_401 = arith.addi %mul3A_2, %mul3A_400 : i32
        %dma_wait3A_402 = arith.constant 3 : i32
        %dma_wait3A_403 = arith.constant 3 : i32
        %dma_wait3A_404 = arith.constant 0 : i32
        %dma_wait3A_405 = tpu.memref_slice %arg6[%dma_wait3A_402, %dma_wait3A_404] : memref<4x80xi32, #tpu.memory_space<vmem>> -> memref<1x80xi32, #tpu.memory_space<vmem>>
        %dma_wait3A_406 = tpu.memref_squeeze %dma_wait3A_405 : memref<1x80xi32, #tpu.memory_space<vmem>> -> memref<80xi32, #tpu.memory_space<vmem>>
        %dma_wait3A_407 = tpu.memref_slice %arg3[%add3A_401] : memref<320000xi32, #tpu.memory_space<hbm>> -> memref<80xi32, #tpu.memory_space<hbm>>
        %dma_wait3A_408 = tpu.memref_slice %arg10[%dma_wait3A_403] : memref<4x!tpu.dma_semaphore, #tpu.memory_space<semaphore_mem>> -> memref<1x!tpu.dma_semaphore, #tpu.memory_space<semaphore_mem>>
        %dma_wait3A_409 = tpu.memref_squeeze %dma_wait3A_408 : memref<1x!tpu.dma_semaphore, #tpu.memory_space<semaphore_mem>> -> memref<!tpu.dma_semaphore, #tpu.memory_space<semaphore_mem>>
        %dma_wait3A_410 = arith.constant 0 : i32
        %dma_wait3A_411 = tpu.memref_slice %arg6[%dma_wait3A_402, %dma_wait3A_410] : memref<4x80xi32, #tpu.memory_space<vmem>> -> memref<1x80xi32, #tpu.memory_space<vmem>>
        %dma_wait3A_412 = tpu.memref_squeeze %dma_wait3A_411 : memref<1x80xi32, #tpu.memory_space<vmem>> -> memref<80xi32, #tpu.memory_space<vmem>>
        %dma_wait3A_413 = tpu.memref_slice %arg3[%add3A_401] : memref<320000xi32, #tpu.memory_space<hbm>> -> memref<80xi32, #tpu.memory_space<hbm>>
        tpu.wait_dma2 semaphore(%dma_wait3A_409 : memref<!tpu.dma_semaphore, #tpu.memory_space<semaphore_mem>>) src(%dma_wait3A_413 : memref<80xi32, #tpu.memory_space<hbm>>) dst(%dma_wait3A_412 : memref<80xi32, #tpu.memory_space<vmem>>)
        %dma_wait3A_414 = arith.constant 3 : i32
        %dma_wait3A_415 = arith.constant 3 : i32
        %dma_wait3A_416 = arith.constant 0 : i32
        %dma_wait3A_417 = tpu.memref_slice %arg7[%dma_wait3A_414, %dma_wait3A_416] : memref<4x80xi32, #tpu.memory_space<vmem>> -> memref<1x80xi32, #tpu.memory_space<vmem>>
        %dma_wait3A_418 = tpu.memref_squeeze %dma_wait3A_417 : memref<1x80xi32, #tpu.memory_space<vmem>> -> memref<80xi32, #tpu.memory_space<vmem>>
        %dma_wait3A_419 = tpu.memref_slice %arg4[%add3A_401] : memref<320000xi32, #tpu.memory_space<hbm>> -> memref<80xi32, #tpu.memory_space<hbm>>
        %dma_wait3A_420 = tpu.memref_slice %arg10[%dma_wait3A_415] : memref<4x!tpu.dma_semaphore, #tpu.memory_space<semaphore_mem>> -> memref<1x!tpu.dma_semaphore, #tpu.memory_space<semaphore_mem>>
        %dma_wait3A_421 = tpu.memref_squeeze %dma_wait3A_420 : memref<1x!tpu.dma_semaphore, #tpu.memory_space<semaphore_mem>> -> memref<!tpu.dma_semaphore, #tpu.memory_space<semaphore_mem>>
        %dma_wait3A_422 = arith.constant 0 : i32
        %dma_wait3A_423 = tpu.memref_slice %arg7[%dma_wait3A_414, %dma_wait3A_422] : memref<4x80xi32, #tpu.memory_space<vmem>> -> memref<1x80xi32, #tpu.memory_space<vmem>>
        %dma_wait3A_424 = tpu.memref_squeeze %dma_wait3A_423 : memref<1x80xi32, #tpu.memory_space<vmem>> -> memref<80xi32, #tpu.memory_space<vmem>>
        %dma_wait3A_425 = tpu.memref_slice %arg4[%add3A_401] : memref<320000xi32, #tpu.memory_space<hbm>> -> memref<80xi32, #tpu.memory_space<hbm>>
        tpu.wait_dma2 semaphore(%dma_wait3A_421 : memref<!tpu.dma_semaphore, #tpu.memory_space<semaphore_mem>>) src(%dma_wait3A_425 : memref<80xi32, #tpu.memory_space<hbm>>) dst(%dma_wait3A_424 : memref<80xi32, #tpu.memory_space<vmem>>)
        %dma_start3A_426 = arith.constant 3 : i32
        %dma_start3A_427 = arith.constant 3 : i32
        %dma_start3A_428 = arith.constant 3 : i32
        %dma_start3A_429 = arith.constant 0 : i32
        %dma_start3A_430 = arith.constant 0 : i32
        %dma_start3A_431 = tpu.memref_slice %arg8[%dma_start3A_427, %dma_start3A_429, %dma_start3A_430] : memref<4x80x128xf32, #tpu.memory_space<vmem>> -> memref<1x80x128xf32, #tpu.memory_space<vmem>>
        %dma_start3A_432 = tpu.memref_squeeze %dma_start3A_431 : memref<1x80x128xf32, #tpu.memory_space<vmem>> -> memref<80x128xf32, #tpu.memory_space<vmem>>
        %dma_start3A_433 = arith.constant 0 : i32
        %dma_start3A_434 = tpu.memref_slice %arg6[%dma_start3A_426, %dma_start3A_433] : memref<4x80xi32, #tpu.memory_space<vmem>> -> memref<1x80xi32, #tpu.memory_space<vmem>>
        %dma_start3A_435 = tpu.memref_squeeze %dma_start3A_434 : memref<1x80xi32, #tpu.memory_space<vmem>> -> memref<80xi32, #tpu.memory_space<vmem>>
        %dma_start3A_436 = arith.constant 0 : i32
        %dma_start3A_437 = arith.constant 0 : i32
        %dma_start3A_438 = tpu.memref_slice %arg2[%dma_start3A_436, %dma_start3A_437] : memref<10000x128xf32, #tpu.memory_space<hbm>> -> memref<10000x128xf32, #tpu.memory_space<hbm>>
        %dma_start3A_439 = tpu.memref_slice %arg11[%dma_start3A_428] : memref<4x!tpu.dma_semaphore, #tpu.memory_space<semaphore_mem>> -> memref<1x!tpu.dma_semaphore, #tpu.memory_space<semaphore_mem>>
        %dma_start3A_440 = tpu.memref_squeeze %dma_start3A_439 : memref<1x!tpu.dma_semaphore, #tpu.memory_space<semaphore_mem>> -> memref<!tpu.dma_semaphore, #tpu.memory_space<semaphore_mem>>
        tpu.enqueue_indirect_dma source(%dma_start3A_438 : memref<10000x128xf32, #tpu.memory_space<hbm>>) target(%dma_start3A_432 : memref<80x128xf32, #tpu.memory_space<vmem>>) offsets(%dma_start3A_435 : memref<80xi32, #tpu.memory_space<vmem>>) semaphore(%dma_start3A_440 : memref<!tpu.dma_semaphore, #tpu.memory_space<semaphore_mem>>)
      } else {
      }
      %ge3A_295 = arith.constant 0 : i32
      %ge3A_296 = arith.cmpi sge, %sub3A_281, %ge3A_295 : i32
      %lt3A_297 = arith.constant 125 : i32
      %lt3A_298 = arith.cmpi slt, %sub3A_281, %lt3A_297 : i32
      %and3A_299 = arith.andi %ge3A_296, %lt3A_298 : i1
      %convert_element_type3A_300 = arith.extui %and3A_299 : i1 to i32
      %cond3A_301 = arith.constant 0 : i32
      %cond3A_302 = arith.cmpi ne, %convert_element_type3A_300, %cond3A_301 : i32
      scf.if %cond3A_302 {
        %dma_wait3A_399 = arith.constant 1 : i32
        %dma_wait3A_400 = arith.constant 1 : i32
        %dma_wait3A_401 = arith.constant 1 : i32
        %dma_wait3A_402 = arith.constant 0 : i32
        %dma_wait3A_403 = arith.constant 0 : i32
        %dma_wait3A_404 = tpu.memref_slice %arg8[%dma_wait3A_400, %dma_wait3A_402, %dma_wait3A_403] : memref<4x80x128xf32, #tpu.memory_space<vmem>> -> memref<1x80x128xf32, #tpu.memory_space<vmem>>
        %dma_wait3A_405 = tpu.memref_squeeze %dma_wait3A_404 : memref<1x80x128xf32, #tpu.memory_space<vmem>> -> memref<80x128xf32, #tpu.memory_space<vmem>>
        %dma_wait3A_406 = arith.constant 0 : i32
        %dma_wait3A_407 = tpu.memref_slice %arg6[%dma_wait3A_399, %dma_wait3A_406] : memref<4x80xi32, #tpu.memory_space<vmem>> -> memref<1x80xi32, #tpu.memory_space<vmem>>
        %dma_wait3A_408 = tpu.memref_squeeze %dma_wait3A_407 : memref<1x80xi32, #tpu.memory_space<vmem>> -> memref<80xi32, #tpu.memory_space<vmem>>
        %dma_wait3A_409 = arith.constant 0 : i32
        %dma_wait3A_410 = arith.constant 0 : i32
        %dma_wait3A_411 = tpu.memref_slice %arg2[%dma_wait3A_409, %dma_wait3A_410] : memref<10000x128xf32, #tpu.memory_space<hbm>> -> memref<10000x128xf32, #tpu.memory_space<hbm>>
        %dma_wait3A_412 = tpu.memref_slice %arg11[%dma_wait3A_401] : memref<4x!tpu.dma_semaphore, #tpu.memory_space<semaphore_mem>> -> memref<1x!tpu.dma_semaphore, #tpu.memory_space<semaphore_mem>>
        %dma_wait3A_413 = tpu.memref_squeeze %dma_wait3A_412 : memref<1x!tpu.dma_semaphore, #tpu.memory_space<semaphore_mem>> -> memref<!tpu.dma_semaphore, #tpu.memory_space<semaphore_mem>>
        tpu.wait_indirect_dma semaphore(%dma_wait3A_413 : memref<!tpu.dma_semaphore, #tpu.memory_space<semaphore_mem>>) src(%dma_wait3A_411 : memref<10000x128xf32, #tpu.memory_space<hbm>>) dst(%dma_wait3A_405 : memref<80x128xf32, #tpu.memory_space<vmem>>)
        %run_scoped3A_414 = arith.constant 1 : i32
        %run_scoped3A_415 = arith.constant 1 : i32
        "tpu.region"() ({
          %run_scoped3A_416 = tpu.sem_alloc : memref<!tpu.dma_semaphore, #tpu.memory_space<semaphore_mem>>
          %dma_start3A_417 = arith.constant 0 : i32
          %dma_start3A_418 = arith.constant 0 : i32
          %dma_start3A_419 = tpu.memref_slice %arg8[%run_scoped3A_414, %dma_start3A_417, %dma_start3A_418] : memref<4x80x128xf32, #tpu.memory_space<vmem>> -> memref<1x80x128xf32, #tpu.memory_space<vmem>>
          %dma_start3A_420 = tpu.memref_squeeze %dma_start3A_419 : memref<1x80x128xf32, #tpu.memory_space<vmem>> -> memref<80x128xf32, #tpu.memory_space<vmem>>
          %dma_start3A_421 = arith.constant 0 : i32
          %dma_start3A_422 = tpu.memref_slice %arg7[%run_scoped3A_415, %dma_start3A_421] : memref<4x80xi32, #tpu.memory_space<vmem>> -> memref<1x80xi32, #tpu.memory_space<vmem>>
          %dma_start3A_423 = tpu.memref_squeeze %dma_start3A_422 : memref<1x80xi32, #tpu.memory_space<vmem>> -> memref<80xi32, #tpu.memory_space<vmem>>
          %dma_start3A_424 = arith.constant 0 : i32
          %dma_start3A_425 = arith.constant 0 : i32
          %dma_start3A_426 = tpu.memref_slice %arg9[%dma_start3A_424, %dma_start3A_425] : memref<10000x128xf32, #tpu.memory_space<vmem_shared>> -> memref<10000x128xf32, #tpu.memory_space<vmem_shared>>
          tpu.enqueue_indirect_dma source(%dma_start3A_420 : memref<80x128xf32, #tpu.memory_space<vmem>>) target(%dma_start3A_426 : memref<10000x128xf32, #tpu.memory_space<vmem_shared>>) offsets(%dma_start3A_423 : memref<80xi32, #tpu.memory_space<vmem>>) semaphore(%run_scoped3A_416 : memref<!tpu.dma_semaphore, #tpu.memory_space<semaphore_mem>>) {add = true}
          %dma_wait3A_427 = arith.constant 0 : i32
          %dma_wait3A_428 = arith.constant 0 : i32
          %dma_wait3A_429 = tpu.memref_slice %arg8[%run_scoped3A_414, %dma_wait3A_427, %dma_wait3A_428] : memref<4x80x128xf32, #tpu.memory_space<vmem>> -> memref<1x80x128xf32, #tpu.memory_space<vmem>>
          %dma_wait3A_430 = tpu.memref_squeeze %dma_wait3A_429 : memref<1x80x128xf32, #tpu.memory_space<vmem>> -> memref<80x128xf32, #tpu.memory_space<vmem>>
          %dma_wait3A_431 = arith.constant 0 : i32
          %dma_wait3A_432 = tpu.memref_slice %arg7[%run_scoped3A_415, %dma_wait3A_431] : memref<4x80xi32, #tpu.memory_space<vmem>> -> memref<1x80xi32, #tpu.memory_space<vmem>>
          %dma_wait3A_433 = tpu.memref_squeeze %dma_wait3A_432 : memref<1x80xi32, #tpu.memory_space<vmem>> -> memref<80xi32, #tpu.memory_space<vmem>>
          %dma_wait3A_434 = arith.constant 0 : i32
          %dma_wait3A_435 = arith.constant 0 : i32
          %dma_wait3A_436 = tpu.memref_slice %arg9[%dma_wait3A_434, %dma_wait3A_435] : memref<10000x128xf32, #tpu.memory_space<vmem_shared>> -> memref<10000x128xf32, #tpu.memory_space<vmem_shared>>
          tpu.wait_indirect_dma semaphore(%run_scoped3A_416 : memref<!tpu.dma_semaphore, #tpu.memory_space<semaphore_mem>>) src(%dma_wait3A_430 : memref<80x128xf32, #tpu.memory_space<vmem>>) dst(%dma_wait3A_436 : memref<10000x128xf32, #tpu.memory_space<vmem_shared>>)
          tpu.yield
        }) : () -> ()
      } else {
      }
      %mul3A_303 = arith.constant 4 : i32
      %mul3A_304 = arith.muli %scan3A_274, %mul3A_303 : i32
      %add3A_305 = arith.constant 1 : i32
      %add3A_306 = arith.addi %mul3A_304, %add3A_305 : i32
      %sub3A_307 = arith.constant 1 : i32
      %sub3A_308 = arith.subi %add3A_306, %sub3A_307 : i32
      %sub3A_309 = arith.constant 3 : i32
      %sub3A_310 = arith.subi %add3A_306, %sub3A_309 : i32
      %ge3A_311 = arith.constant 4 : i32
      %ge3A_312 = arith.cmpi sge, %add3A_306, %ge3A_311 : i32
      %lt3A_313 = arith.constant 125 : i32
      %lt3A_314 = arith.cmpi slt, %add3A_306, %lt3A_313 : i32
      %and3A_315 = arith.andi %ge3A_312, %lt3A_314 : i1
      %convert_element_type3A_316 = arith.extui %and3A_315 : i1 to i32
      %cond3A_317 = arith.constant 0 : i32
      %cond3A_318 = arith.cmpi ne, %convert_element_type3A_316, %cond3A_317 : i32
      scf.if %cond3A_318 {
        %mul3A_399 = arith.constant 80 : i32
        %mul3A_400 = arith.muli %add3A_306, %mul3A_399 : i32
        %add3A_401 = arith.addi %mul3A_2, %mul3A_400 : i32
        %dma_start3A_402 = arith.constant 1 : i32
        %dma_start3A_403 = arith.constant 1 : i32
        %dma_start3A_404 = arith.constant 0 : i32
        %dma_start3A_405 = tpu.memref_slice %arg6[%dma_start3A_402, %dma_start3A_404] : memref<4x80xi32, #tpu.memory_space<vmem>> -> memref<1x80xi32, #tpu.memory_space<vmem>>
        %dma_start3A_406 = tpu.memref_squeeze %dma_start3A_405 : memref<1x80xi32, #tpu.memory_space<vmem>> -> memref<80xi32, #tpu.memory_space<vmem>>
        %dma_start3A_407 = tpu.memref_slice %arg3[%add3A_401] : memref<320000xi32, #tpu.memory_space<hbm>> -> memref<80xi32, #tpu.memory_space<hbm>>
        %dma_start3A_408 = tpu.memref_slice %arg10[%dma_start3A_403] : memref<4x!tpu.dma_semaphore, #tpu.memory_space<semaphore_mem>> -> memref<1x!tpu.dma_semaphore, #tpu.memory_space<semaphore_mem>>
        %dma_start3A_409 = tpu.memref_squeeze %dma_start3A_408 : memref<1x!tpu.dma_semaphore, #tpu.memory_space<semaphore_mem>> -> memref<!tpu.dma_semaphore, #tpu.memory_space<semaphore_mem>>
        %dma_start3A_410 = arith.constant 0 : i32
        %dma_start3A_411 = tpu.memref_slice %arg6[%dma_start3A_402, %dma_start3A_410] : memref<4x80xi32, #tpu.memory_space<vmem>> -> memref<1x80xi32, #tpu.memory_space<vmem>>
        %dma_start3A_412 = tpu.memref_squeeze %dma_start3A_411 : memref<1x80xi32, #tpu.memory_space<vmem>> -> memref<80xi32, #tpu.memory_space<vmem>>
        %dma_start3A_413 = tpu.memref_slice %arg3[%add3A_401] : memref<320000xi32, #tpu.memory_space<hbm>> -> memref<80xi32, #tpu.memory_space<hbm>>
        tpu.enqueue_dma source(%dma_start3A_413 : memref<80xi32, #tpu.memory_space<hbm>>) target(%dma_start3A_412 : memref<80xi32, #tpu.memory_space<vmem>>) target_semaphore(%dma_start3A_409 : memref<!tpu.dma_semaphore, #tpu.memory_space<semaphore_mem>>)
        %dma_start3A_414 = arith.constant 1 : i32
        %dma_start3A_415 = arith.constant 1 : i32
        %dma_start3A_416 = arith.constant 0 : i32
        %dma_start3A_417 = tpu.memref_slice %arg7[%dma_start3A_414, %dma_start3A_416] : memref<4x80xi32, #tpu.memory_space<vmem>> -> memref<1x80xi32, #tpu.memory_space<vmem>>
        %dma_start3A_418 = tpu.memref_squeeze %dma_start3A_417 : memref<1x80xi32, #tpu.memory_space<vmem>> -> memref<80xi32, #tpu.memory_space<vmem>>
        %dma_start3A_419 = tpu.memref_slice %arg4[%add3A_401] : memref<320000xi32, #tpu.memory_space<hbm>> -> memref<80xi32, #tpu.memory_space<hbm>>
        %dma_start3A_420 = tpu.memref_slice %arg10[%dma_start3A_415] : memref<4x!tpu.dma_semaphore, #tpu.memory_space<semaphore_mem>> -> memref<1x!tpu.dma_semaphore, #tpu.memory_space<semaphore_mem>>
        %dma_start3A_421 = tpu.memref_squeeze %dma_start3A_420 : memref<1x!tpu.dma_semaphore, #tpu.memory_space<semaphore_mem>> -> memref<!tpu.dma_semaphore, #tpu.memory_space<semaphore_mem>>
        %dma_start3A_422 = arith.constant 0 : i32
        %dma_start3A_423 = tpu.memref_slice %arg7[%dma_start3A_414, %dma_start3A_422] : memref<4x80xi32, #tpu.memory_space<vmem>> -> memref<1x80xi32, #tpu.memory_space<vmem>>
        %dma_start3A_424 = tpu.memref_squeeze %dma_start3A_423 : memref<1x80xi32, #tpu.memory_space<vmem>> -> memref<80xi32, #tpu.memory_space<vmem>>
        %dma_start3A_425 = tpu.memref_slice %arg4[%add3A_401] : memref<320000xi32, #tpu.memory_space<hbm>> -> memref<80xi32, #tpu.memory_space<hbm>>
        tpu.enqueue_dma source(%dma_start3A_425 : memref<80xi32, #tpu.memory_space<hbm>>) target(%dma_start3A_424 : memref<80xi32, #tpu.memory_space<vmem>>) target_semaphore(%dma_start3A_421 : memref<!tpu.dma_semaphore, #tpu.memory_space<semaphore_mem>>)
      } else {
      }
      %ge3A_319 = arith.constant 3 : i32
      %ge3A_320 = arith.cmpi sge, %sub3A_308, %ge3A_319 : i32
      %lt3A_321 = arith.constant 125 : i32
      %lt3A_322 = arith.cmpi slt, %sub3A_308, %lt3A_321 : i32
      %and3A_323 = arith.andi %ge3A_320, %lt3A_322 : i1
      %convert_element_type3A_324 = arith.extui %and3A_323 : i1 to i32
      %cond3A_325 = arith.constant 0 : i32
      %cond3A_326 = arith.cmpi ne, %convert_element_type3A_324, %cond3A_325 : i32
      scf.if %cond3A_326 {
        %mul3A_399 = arith.constant 80 : i32
        %mul3A_400 = arith.muli %sub3A_308, %mul3A_399 : i32
        %add3A_401 = arith.addi %mul3A_2, %mul3A_400 : i32
        %dma_wait3A_402 = arith.constant 0 : i32
        %dma_wait3A_403 = arith.constant 0 : i32
        %dma_wait3A_404 = arith.constant 0 : i32
        %dma_wait3A_405 = tpu.memref_slice %arg6[%dma_wait3A_402, %dma_wait3A_404] : memref<4x80xi32, #tpu.memory_space<vmem>> -> memref<1x80xi32, #tpu.memory_space<vmem>>
        %dma_wait3A_406 = tpu.memref_squeeze %dma_wait3A_405 : memref<1x80xi32, #tpu.memory_space<vmem>> -> memref<80xi32, #tpu.memory_space<vmem>>
        %dma_wait3A_407 = tpu.memref_slice %arg3[%add3A_401] : memref<320000xi32, #tpu.memory_space<hbm>> -> memref<80xi32, #tpu.memory_space<hbm>>
        %dma_wait3A_408 = tpu.memref_slice %arg10[%dma_wait3A_403] : memref<4x!tpu.dma_semaphore, #tpu.memory_space<semaphore_mem>> -> memref<1x!tpu.dma_semaphore, #tpu.memory_space<semaphore_mem>>
        %dma_wait3A_409 = tpu.memref_squeeze %dma_wait3A_408 : memref<1x!tpu.dma_semaphore, #tpu.memory_space<semaphore_mem>> -> memref<!tpu.dma_semaphore, #tpu.memory_space<semaphore_mem>>
        %dma_wait3A_410 = arith.constant 0 : i32
        %dma_wait3A_411 = tpu.memref_slice %arg6[%dma_wait3A_402, %dma_wait3A_410] : memref<4x80xi32, #tpu.memory_space<vmem>> -> memref<1x80xi32, #tpu.memory_space<vmem>>
        %dma_wait3A_412 = tpu.memref_squeeze %dma_wait3A_411 : memref<1x80xi32, #tpu.memory_space<vmem>> -> memref<80xi32, #tpu.memory_space<vmem>>
        %dma_wait3A_413 = tpu.memref_slice %arg3[%add3A_401] : memref<320000xi32, #tpu.memory_space<hbm>> -> memref<80xi32, #tpu.memory_space<hbm>>
        tpu.wait_dma2 semaphore(%dma_wait3A_409 : memref<!tpu.dma_semaphore, #tpu.memory_space<semaphore_mem>>) src(%dma_wait3A_413 : memref<80xi32, #tpu.memory_space<hbm>>) dst(%dma_wait3A_412 : memref<80xi32, #tpu.memory_space<vmem>>)
        %dma_wait3A_414 = arith.constant 0 : i32
        %dma_wait3A_415 = arith.constant 0 : i32
        %dma_wait3A_416 = arith.constant 0 : i32
        %dma_wait3A_417 = tpu.memref_slice %arg7[%dma_wait3A_414, %dma_wait3A_416] : memref<4x80xi32, #tpu.memory_space<vmem>> -> memref<1x80xi32, #tpu.memory_space<vmem>>
        %dma_wait3A_418 = tpu.memref_squeeze %dma_wait3A_417 : memref<1x80xi32, #tpu.memory_space<vmem>> -> memref<80xi32, #tpu.memory_space<vmem>>
        %dma_wait3A_419 = tpu.memref_slice %arg4[%add3A_401] : memref<320000xi32, #tpu.memory_space<hbm>> -> memref<80xi32, #tpu.memory_space<hbm>>
        %dma_wait3A_420 = tpu.memref_slice %arg10[%dma_wait3A_415] : memref<4x!tpu.dma_semaphore, #tpu.memory_space<semaphore_mem>> -> memref<1x!tpu.dma_semaphore, #tpu.memory_space<semaphore_mem>>
        %dma_wait3A_421 = tpu.memref_squeeze %dma_wait3A_420 : memref<1x!tpu.dma_semaphore, #tpu.memory_space<semaphore_mem>> -> memref<!tpu.dma_semaphore, #tpu.memory_space<semaphore_mem>>
        %dma_wait3A_422 = arith.constant 0 : i32
        %dma_wait3A_423 = tpu.memref_slice %arg7[%dma_wait3A_414, %dma_wait3A_422] : memref<4x80xi32, #tpu.memory_space<vmem>> -> memref<1x80xi32, #tpu.memory_space<vmem>>
        %dma_wait3A_424 = tpu.memref_squeeze %dma_wait3A_423 : memref<1x80xi32, #tpu.memory_space<vmem>> -> memref<80xi32, #tpu.memory_space<vmem>>
        %dma_wait3A_425 = tpu.memref_slice %arg4[%add3A_401] : memref<320000xi32, #tpu.memory_space<hbm>> -> memref<80xi32, #tpu.memory_space<hbm>>
        tpu.wait_dma2 semaphore(%dma_wait3A_421 : memref<!tpu.dma_semaphore, #tpu.memory_space<semaphore_mem>>) src(%dma_wait3A_425 : memref<80xi32, #tpu.memory_space<hbm>>) dst(%dma_wait3A_424 : memref<80xi32, #tpu.memory_space<vmem>>)
        %dma_start3A_426 = arith.constant 0 : i32
        %dma_start3A_427 = arith.constant 0 : i32
        %dma_start3A_428 = arith.constant 0 : i32
        %dma_start3A_429 = arith.constant 0 : i32
        %dma_start3A_430 = arith.constant 0 : i32
        %dma_start3A_431 = tpu.memref_slice %arg8[%dma_start3A_427, %dma_start3A_429, %dma_start3A_430] : memref<4x80x128xf32, #tpu.memory_space<vmem>> -> memref<1x80x128xf32, #tpu.memory_space<vmem>>
        %dma_start3A_432 = tpu.memref_squeeze %dma_start3A_431 : memref<1x80x128xf32, #tpu.memory_space<vmem>> -> memref<80x128xf32, #tpu.memory_space<vmem>>
        %dma_start3A_433 = arith.constant 0 : i32
        %dma_start3A_434 = tpu.memref_slice %arg6[%dma_start3A_426, %dma_start3A_433] : memref<4x80xi32, #tpu.memory_space<vmem>> -> memref<1x80xi32, #tpu.memory_space<vmem>>
        %dma_start3A_435 = tpu.memref_squeeze %dma_start3A_434 : memref<1x80xi32, #tpu.memory_space<vmem>> -> memref<80xi32, #tpu.memory_space<vmem>>
        %dma_start3A_436 = arith.constant 0 : i32
        %dma_start3A_437 = arith.constant 0 : i32
        %dma_start3A_438 = tpu.memref_slice %arg2[%dma_start3A_436, %dma_start3A_437] : memref<10000x128xf32, #tpu.memory_space<hbm>> -> memref<10000x128xf32, #tpu.memory_space<hbm>>
        %dma_start3A_439 = tpu.memref_slice %arg11[%dma_start3A_428] : memref<4x!tpu.dma_semaphore, #tpu.memory_space<semaphore_mem>> -> memref<1x!tpu.dma_semaphore, #tpu.memory_space<semaphore_mem>>
        %dma_start3A_440 = tpu.memref_squeeze %dma_start3A_439 : memref<1x!tpu.dma_semaphore, #tpu.memory_space<semaphore_mem>> -> memref<!tpu.dma_semaphore, #tpu.memory_space<semaphore_mem>>
        tpu.enqueue_indirect_dma source(%dma_start3A_438 : memref<10000x128xf32, #tpu.memory_space<hbm>>) target(%dma_start3A_432 : memref<80x128xf32, #tpu.memory_space<vmem>>) offsets(%dma_start3A_435 : memref<80xi32, #tpu.memory_space<vmem>>) semaphore(%dma_start3A_440 : memref<!tpu.dma_semaphore, #tpu.memory_space<semaphore_mem>>)
      } else {
      }
      %ge3A_327 = arith.constant 0 : i32
      %ge3A_328 = arith.cmpi sge, %sub3A_310, %ge3A_327 : i32
      %lt3A_329 = arith.constant 125 : i32
      %lt3A_330 = arith.cmpi slt, %sub3A_310, %lt3A_329 : i32
      %and3A_331 = arith.andi %ge3A_328, %lt3A_330 : i1
      %convert_element_type3A_332 = arith.extui %and3A_331 : i1 to i32
      %cond3A_333 = arith.constant 0 : i32
      %cond3A_334 = arith.cmpi ne, %convert_element_type3A_332, %cond3A_333 : i32
      scf.if %cond3A_334 {
        %dma_wait3A_399 = arith.constant 2 : i32
        %dma_wait3A_400 = arith.constant 2 : i32
        %dma_wait3A_401 = arith.constant 2 : i32
        %dma_wait3A_402 = arith.constant 0 : i32
        %dma_wait3A_403 = arith.constant 0 : i32
        %dma_wait3A_404 = tpu.memref_slice %arg8[%dma_wait3A_400, %dma_wait3A_402, %dma_wait3A_403] : memref<4x80x128xf32, #tpu.memory_space<vmem>> -> memref<1x80x128xf32, #tpu.memory_space<vmem>>
        %dma_wait3A_405 = tpu.memref_squeeze %dma_wait3A_404 : memref<1x80x128xf32, #tpu.memory_space<vmem>> -> memref<80x128xf32, #tpu.memory_space<vmem>>
        %dma_wait3A_406 = arith.constant 0 : i32
        %dma_wait3A_407 = tpu.memref_slice %arg6[%dma_wait3A_399, %dma_wait3A_406] : memref<4x80xi32, #tpu.memory_space<vmem>> -> memref<1x80xi32, #tpu.memory_space<vmem>>
        %dma_wait3A_408 = tpu.memref_squeeze %dma_wait3A_407 : memref<1x80xi32, #tpu.memory_space<vmem>> -> memref<80xi32, #tpu.memory_space<vmem>>
        %dma_wait3A_409 = arith.constant 0 : i32
        %dma_wait3A_410 = arith.constant 0 : i32
        %dma_wait3A_411 = tpu.memref_slice %arg2[%dma_wait3A_409, %dma_wait3A_410] : memref<10000x128xf32, #tpu.memory_space<hbm>> -> memref<10000x128xf32, #tpu.memory_space<hbm>>
        %dma_wait3A_412 = tpu.memref_slice %arg11[%dma_wait3A_401] : memref<4x!tpu.dma_semaphore, #tpu.memory_space<semaphore_mem>> -> memref<1x!tpu.dma_semaphore, #tpu.memory_space<semaphore_mem>>
        %dma_wait3A_413 = tpu.memref_squeeze %dma_wait3A_412 : memref<1x!tpu.dma_semaphore, #tpu.memory_space<semaphore_mem>> -> memref<!tpu.dma_semaphore, #tpu.memory_space<semaphore_mem>>
        tpu.wait_indirect_dma semaphore(%dma_wait3A_413 : memref<!tpu.dma_semaphore, #tpu.memory_space<semaphore_mem>>) src(%dma_wait3A_411 : memref<10000x128xf32, #tpu.memory_space<hbm>>) dst(%dma_wait3A_405 : memref<80x128xf32, #tpu.memory_space<vmem>>)
        %run_scoped3A_414 = arith.constant 2 : i32
        %run_scoped3A_415 = arith.constant 2 : i32
        "tpu.region"() ({
          %run_scoped3A_416 = tpu.sem_alloc : memref<!tpu.dma_semaphore, #tpu.memory_space<semaphore_mem>>
          %dma_start3A_417 = arith.constant 0 : i32
          %dma_start3A_418 = arith.constant 0 : i32
          %dma_start3A_419 = tpu.memref_slice %arg8[%run_scoped3A_414, %dma_start3A_417, %dma_start3A_418] : memref<4x80x128xf32, #tpu.memory_space<vmem>> -> memref<1x80x128xf32, #tpu.memory_space<vmem>>
          %dma_start3A_420 = tpu.memref_squeeze %dma_start3A_419 : memref<1x80x128xf32, #tpu.memory_space<vmem>> -> memref<80x128xf32, #tpu.memory_space<vmem>>
          %dma_start3A_421 = arith.constant 0 : i32
          %dma_start3A_422 = tpu.memref_slice %arg7[%run_scoped3A_415, %dma_start3A_421] : memref<4x80xi32, #tpu.memory_space<vmem>> -> memref<1x80xi32, #tpu.memory_space<vmem>>
          %dma_start3A_423 = tpu.memref_squeeze %dma_start3A_422 : memref<1x80xi32, #tpu.memory_space<vmem>> -> memref<80xi32, #tpu.memory_space<vmem>>
          %dma_start3A_424 = arith.constant 0 : i32
          %dma_start3A_425 = arith.constant 0 : i32
          %dma_start3A_426 = tpu.memref_slice %arg9[%dma_start3A_424, %dma_start3A_425] : memref<10000x128xf32, #tpu.memory_space<vmem_shared>> -> memref<10000x128xf32, #tpu.memory_space<vmem_shared>>
          tpu.enqueue_indirect_dma source(%dma_start3A_420 : memref<80x128xf32, #tpu.memory_space<vmem>>) target(%dma_start3A_426 : memref<10000x128xf32, #tpu.memory_space<vmem_shared>>) offsets(%dma_start3A_423 : memref<80xi32, #tpu.memory_space<vmem>>) semaphore(%run_scoped3A_416 : memref<!tpu.dma_semaphore, #tpu.memory_space<semaphore_mem>>) {add = true}
          %dma_wait3A_427 = arith.constant 0 : i32
          %dma_wait3A_428 = arith.constant 0 : i32
          %dma_wait3A_429 = tpu.memref_slice %arg8[%run_scoped3A_414, %dma_wait3A_427, %dma_wait3A_428] : memref<4x80x128xf32, #tpu.memory_space<vmem>> -> memref<1x80x128xf32, #tpu.memory_space<vmem>>
          %dma_wait3A_430 = tpu.memref_squeeze %dma_wait3A_429 : memref<1x80x128xf32, #tpu.memory_space<vmem>> -> memref<80x128xf32, #tpu.memory_space<vmem>>
          %dma_wait3A_431 = arith.constant 0 : i32
          %dma_wait3A_432 = tpu.memref_slice %arg7[%run_scoped3A_415, %dma_wait3A_431] : memref<4x80xi32, #tpu.memory_space<vmem>> -> memref<1x80xi32, #tpu.memory_space<vmem>>
          %dma_wait3A_433 = tpu.memref_squeeze %dma_wait3A_432 : memref<1x80xi32, #tpu.memory_space<vmem>> -> memref<80xi32, #tpu.memory_space<vmem>>
          %dma_wait3A_434 = arith.constant 0 : i32
          %dma_wait3A_435 = arith.constant 0 : i32
          %dma_wait3A_436 = tpu.memref_slice %arg9[%dma_wait3A_434, %dma_wait3A_435] : memref<10000x128xf32, #tpu.memory_space<vmem_shared>> -> memref<10000x128xf32, #tpu.memory_space<vmem_shared>>
          tpu.wait_indirect_dma semaphore(%run_scoped3A_416 : memref<!tpu.dma_semaphore, #tpu.memory_space<semaphore_mem>>) src(%dma_wait3A_430 : memref<80x128xf32, #tpu.memory_space<vmem>>) dst(%dma_wait3A_436 : memref<10000x128xf32, #tpu.memory_space<vmem_shared>>)
          tpu.yield
        }) : () -> ()
      } else {
      }
      %mul3A_335 = arith.constant 4 : i32
      %mul3A_336 = arith.muli %scan3A_274, %mul3A_335 : i32
      %add3A_337 = arith.constant 2 : i32
      %add3A_338 = arith.addi %mul3A_336, %add3A_337 : i32
      %sub3A_339 = arith.constant 1 : i32
      %sub3A_340 = arith.subi %add3A_338, %sub3A_339 : i32
      %sub3A_341 = arith.constant 3 : i32
      %sub3A_342 = arith.subi %add3A_338, %sub3A_341 : i32
      %ge3A_343 = arith.constant 4 : i32
      %ge3A_344 = arith.cmpi sge, %add3A_338, %ge3A_343 : i32
      %lt3A_345 = arith.constant 125 : i32
      %lt3A_346 = arith.cmpi slt, %add3A_338, %lt3A_345 : i32
      %and3A_347 = arith.andi %ge3A_344, %lt3A_346 : i1
      %convert_element_type3A_348 = arith.extui %and3A_347 : i1 to i32
      %cond3A_349 = arith.constant 0 : i32
      %cond3A_350 = arith.cmpi ne, %convert_element_type3A_348, %cond3A_349 : i32
      scf.if %cond3A_350 {
        %mul3A_399 = arith.constant 80 : i32
        %mul3A_400 = arith.muli %add3A_338, %mul3A_399 : i32
        %add3A_401 = arith.addi %mul3A_2, %mul3A_400 : i32
        %dma_start3A_402 = arith.constant 2 : i32
        %dma_start3A_403 = arith.constant 2 : i32
        %dma_start3A_404 = arith.constant 0 : i32
        %dma_start3A_405 = tpu.memref_slice %arg6[%dma_start3A_402, %dma_start3A_404] : memref<4x80xi32, #tpu.memory_space<vmem>> -> memref<1x80xi32, #tpu.memory_space<vmem>>
        %dma_start3A_406 = tpu.memref_squeeze %dma_start3A_405 : memref<1x80xi32, #tpu.memory_space<vmem>> -> memref<80xi32, #tpu.memory_space<vmem>>
        %dma_start3A_407 = tpu.memref_slice %arg3[%add3A_401] : memref<320000xi32, #tpu.memory_space<hbm>> -> memref<80xi32, #tpu.memory_space<hbm>>
        %dma_start3A_408 = tpu.memref_slice %arg10[%dma_start3A_403] : memref<4x!tpu.dma_semaphore, #tpu.memory_space<semaphore_mem>> -> memref<1x!tpu.dma_semaphore, #tpu.memory_space<semaphore_mem>>
        %dma_start3A_409 = tpu.memref_squeeze %dma_start3A_408 : memref<1x!tpu.dma_semaphore, #tpu.memory_space<semaphore_mem>> -> memref<!tpu.dma_semaphore, #tpu.memory_space<semaphore_mem>>
        %dma_start3A_410 = arith.constant 0 : i32
        %dma_start3A_411 = tpu.memref_slice %arg6[%dma_start3A_402, %dma_start3A_410] : memref<4x80xi32, #tpu.memory_space<vmem>> -> memref<1x80xi32, #tpu.memory_space<vmem>>
        %dma_start3A_412 = tpu.memref_squeeze %dma_start3A_411 : memref<1x80xi32, #tpu.memory_space<vmem>> -> memref<80xi32, #tpu.memory_space<vmem>>
        %dma_start3A_413 = tpu.memref_slice %arg3[%add3A_401] : memref<320000xi32, #tpu.memory_space<hbm>> -> memref<80xi32, #tpu.memory_space<hbm>>
        tpu.enqueue_dma source(%dma_start3A_413 : memref<80xi32, #tpu.memory_space<hbm>>) target(%dma_start3A_412 : memref<80xi32, #tpu.memory_space<vmem>>) target_semaphore(%dma_start3A_409 : memref<!tpu.dma_semaphore, #tpu.memory_space<semaphore_mem>>)
        %dma_start3A_414 = arith.constant 2 : i32
        %dma_start3A_415 = arith.constant 2 : i32
        %dma_start3A_416 = arith.constant 0 : i32
        %dma_start3A_417 = tpu.memref_slice %arg7[%dma_start3A_414, %dma_start3A_416] : memref<4x80xi32, #tpu.memory_space<vmem>> -> memref<1x80xi32, #tpu.memory_space<vmem>>
        %dma_start3A_418 = tpu.memref_squeeze %dma_start3A_417 : memref<1x80xi32, #tpu.memory_space<vmem>> -> memref<80xi32, #tpu.memory_space<vmem>>
        %dma_start3A_419 = tpu.memref_slice %arg4[%add3A_401] : memref<320000xi32, #tpu.memory_space<hbm>> -> memref<80xi32, #tpu.memory_space<hbm>>
        %dma_start3A_420 = tpu.memref_slice %arg10[%dma_start3A_415] : memref<4x!tpu.dma_semaphore, #tpu.memory_space<semaphore_mem>> -> memref<1x!tpu.dma_semaphore, #tpu.memory_space<semaphore_mem>>
        %dma_start3A_421 = tpu.memref_squeeze %dma_start3A_420 : memref<1x!tpu.dma_semaphore, #tpu.memory_space<semaphore_mem>> -> memref<!tpu.dma_semaphore, #tpu.memory_space<semaphore_mem>>
        %dma_start3A_422 = arith.constant 0 : i32
        %dma_start3A_423 = tpu.memref_slice %arg7[%dma_start3A_414, %dma_start3A_422] : memref<4x80xi32, #tpu.memory_space<vmem>> -> memref<1x80xi32, #tpu.memory_space<vmem>>
        %dma_start3A_424 = tpu.memref_squeeze %dma_start3A_423 : memref<1x80xi32, #tpu.memory_space<vmem>> -> memref<80xi32, #tpu.memory_space<vmem>>
        %dma_start3A_425 = tpu.memref_slice %arg4[%add3A_401] : memref<320000xi32, #tpu.memory_space<hbm>> -> memref<80xi32, #tpu.memory_space<hbm>>
        tpu.enqueue_dma source(%dma_start3A_425 : memref<80xi32, #tpu.memory_space<hbm>>) target(%dma_start3A_424 : memref<80xi32, #tpu.memory_space<vmem>>) target_semaphore(%dma_start3A_421 : memref<!tpu.dma_semaphore, #tpu.memory_space<semaphore_mem>>)
      } else {
      }
      %ge3A_351 = arith.constant 3 : i32
      %ge3A_352 = arith.cmpi sge, %sub3A_340, %ge3A_351 : i32
      %lt3A_353 = arith.constant 125 : i32
      %lt3A_354 = arith.cmpi slt, %sub3A_340, %lt3A_353 : i32
      %and3A_355 = arith.andi %ge3A_352, %lt3A_354 : i1
      %convert_element_type3A_356 = arith.extui %and3A_355 : i1 to i32
      %cond3A_357 = arith.constant 0 : i32
      %cond3A_358 = arith.cmpi ne, %convert_element_type3A_356, %cond3A_357 : i32
      scf.if %cond3A_358 {
        %mul3A_399 = arith.constant 80 : i32
        %mul3A_400 = arith.muli %sub3A_340, %mul3A_399 : i32
        %add3A_401 = arith.addi %mul3A_2, %mul3A_400 : i32
        %dma_wait3A_402 = arith.constant 1 : i32
        %dma_wait3A_403 = arith.constant 1 : i32
        %dma_wait3A_404 = arith.constant 0 : i32
        %dma_wait3A_405 = tpu.memref_slice %arg6[%dma_wait3A_402, %dma_wait3A_404] : memref<4x80xi32, #tpu.memory_space<vmem>> -> memref<1x80xi32, #tpu.memory_space<vmem>>
        %dma_wait3A_406 = tpu.memref_squeeze %dma_wait3A_405 : memref<1x80xi32, #tpu.memory_space<vmem>> -> memref<80xi32, #tpu.memory_space<vmem>>
        %dma_wait3A_407 = tpu.memref_slice %arg3[%add3A_401] : memref<320000xi32, #tpu.memory_space<hbm>> -> memref<80xi32, #tpu.memory_space<hbm>>
        %dma_wait3A_408 = tpu.memref_slice %arg10[%dma_wait3A_403] : memref<4x!tpu.dma_semaphore, #tpu.memory_space<semaphore_mem>> -> memref<1x!tpu.dma_semaphore, #tpu.memory_space<semaphore_mem>>
        %dma_wait3A_409 = tpu.memref_squeeze %dma_wait3A_408 : memref<1x!tpu.dma_semaphore, #tpu.memory_space<semaphore_mem>> -> memref<!tpu.dma_semaphore, #tpu.memory_space<semaphore_mem>>
        %dma_wait3A_410 = arith.constant 0 : i32
        %dma_wait3A_411 = tpu.memref_slice %arg6[%dma_wait3A_402, %dma_wait3A_410] : memref<4x80xi32, #tpu.memory_space<vmem>> -> memref<1x80xi32, #tpu.memory_space<vmem>>
        %dma_wait3A_412 = tpu.memref_squeeze %dma_wait3A_411 : memref<1x80xi32, #tpu.memory_space<vmem>> -> memref<80xi32, #tpu.memory_space<vmem>>
        %dma_wait3A_413 = tpu.memref_slice %arg3[%add3A_401] : memref<320000xi32, #tpu.memory_space<hbm>> -> memref<80xi32, #tpu.memory_space<hbm>>
        tpu.wait_dma2 semaphore(%dma_wait3A_409 : memref<!tpu.dma_semaphore, #tpu.memory_space<semaphore_mem>>) src(%dma_wait3A_413 : memref<80xi32, #tpu.memory_space<hbm>>) dst(%dma_wait3A_412 : memref<80xi32, #tpu.memory_space<vmem>>)
        %dma_wait3A_414 = arith.constant 1 : i32
        %dma_wait3A_415 = arith.constant 1 : i32
        %dma_wait3A_416 = arith.constant 0 : i32
        %dma_wait3A_417 = tpu.memref_slice %arg7[%dma_wait3A_414, %dma_wait3A_416] : memref<4x80xi32, #tpu.memory_space<vmem>> -> memref<1x80xi32, #tpu.memory_space<vmem>>
        %dma_wait3A_418 = tpu.memref_squeeze %dma_wait3A_417 : memref<1x80xi32, #tpu.memory_space<vmem>> -> memref<80xi32, #tpu.memory_space<vmem>>
        %dma_wait3A_419 = tpu.memref_slice %arg4[%add3A_401] : memref<320000xi32, #tpu.memory_space<hbm>> -> memref<80xi32, #tpu.memory_space<hbm>>
        %dma_wait3A_420 = tpu.memref_slice %arg10[%dma_wait3A_415] : memref<4x!tpu.dma_semaphore, #tpu.memory_space<semaphore_mem>> -> memref<1x!tpu.dma_semaphore, #tpu.memory_space<semaphore_mem>>
        %dma_wait3A_421 = tpu.memref_squeeze %dma_wait3A_420 : memref<1x!tpu.dma_semaphore, #tpu.memory_space<semaphore_mem>> -> memref<!tpu.dma_semaphore, #tpu.memory_space<semaphore_mem>>
        %dma_wait3A_422 = arith.constant 0 : i32
        %dma_wait3A_423 = tpu.memref_slice %arg7[%dma_wait3A_414, %dma_wait3A_422] : memref<4x80xi32, #tpu.memory_space<vmem>> -> memref<1x80xi32, #tpu.memory_space<vmem>>
        %dma_wait3A_424 = tpu.memref_squeeze %dma_wait3A_423 : memref<1x80xi32, #tpu.memory_space<vmem>> -> memref<80xi32, #tpu.memory_space<vmem>>
        %dma_wait3A_425 = tpu.memref_slice %arg4[%add3A_401] : memref<320000xi32, #tpu.memory_space<hbm>> -> memref<80xi32, #tpu.memory_space<hbm>>
        tpu.wait_dma2 semaphore(%dma_wait3A_421 : memref<!tpu.dma_semaphore, #tpu.memory_space<semaphore_mem>>) src(%dma_wait3A_425 : memref<80xi32, #tpu.memory_space<hbm>>) dst(%dma_wait3A_424 : memref<80xi32, #tpu.memory_space<vmem>>)
        %dma_start3A_426 = arith.constant 1 : i32
        %dma_start3A_427 = arith.constant 1 : i32
        %dma_start3A_428 = arith.constant 1 : i32
        %dma_start3A_429 = arith.constant 0 : i32
        %dma_start3A_430 = arith.constant 0 : i32
        %dma_start3A_431 = tpu.memref_slice %arg8[%dma_start3A_427, %dma_start3A_429, %dma_start3A_430] : memref<4x80x128xf32, #tpu.memory_space<vmem>> -> memref<1x80x128xf32, #tpu.memory_space<vmem>>
        %dma_start3A_432 = tpu.memref_squeeze %dma_start3A_431 : memref<1x80x128xf32, #tpu.memory_space<vmem>> -> memref<80x128xf32, #tpu.memory_space<vmem>>
        %dma_start3A_433 = arith.constant 0 : i32
        %dma_start3A_434 = tpu.memref_slice %arg6[%dma_start3A_426, %dma_start3A_433] : memref<4x80xi32, #tpu.memory_space<vmem>> -> memref<1x80xi32, #tpu.memory_space<vmem>>
        %dma_start3A_435 = tpu.memref_squeeze %dma_start3A_434 : memref<1x80xi32, #tpu.memory_space<vmem>> -> memref<80xi32, #tpu.memory_space<vmem>>
        %dma_start3A_436 = arith.constant 0 : i32
        %dma_start3A_437 = arith.constant 0 : i32
        %dma_start3A_438 = tpu.memref_slice %arg2[%dma_start3A_436, %dma_start3A_437] : memref<10000x128xf32, #tpu.memory_space<hbm>> -> memref<10000x128xf32, #tpu.memory_space<hbm>>
        %dma_start3A_439 = tpu.memref_slice %arg11[%dma_start3A_428] : memref<4x!tpu.dma_semaphore, #tpu.memory_space<semaphore_mem>> -> memref<1x!tpu.dma_semaphore, #tpu.memory_space<semaphore_mem>>
        %dma_start3A_440 = tpu.memref_squeeze %dma_start3A_439 : memref<1x!tpu.dma_semaphore, #tpu.memory_space<semaphore_mem>> -> memref<!tpu.dma_semaphore, #tpu.memory_space<semaphore_mem>>
        tpu.enqueue_indirect_dma source(%dma_start3A_438 : memref<10000x128xf32, #tpu.memory_space<hbm>>) target(%dma_start3A_432 : memref<80x128xf32, #tpu.memory_space<vmem>>) offsets(%dma_start3A_435 : memref<80xi32, #tpu.memory_space<vmem>>) semaphore(%dma_start3A_440 : memref<!tpu.dma_semaphore, #tpu.memory_space<semaphore_mem>>)
      } else {
      }
      %ge3A_359 = arith.constant 0 : i32
      %ge3A_360 = arith.cmpi sge, %sub3A_342, %ge3A_359 : i32
      %lt3A_361 = arith.constant 125 : i32
      %lt3A_362 = arith.cmpi slt, %sub3A_342, %lt3A_361 : i32
      %and3A_363 = arith.andi %ge3A_360, %lt3A_362 : i1
      %convert_element_type3A_364 = arith.extui %and3A_363 : i1 to i32
      %cond3A_365 = arith.constant 0 : i32
      %cond3A_366 = arith.cmpi ne, %convert_element_type3A_364, %cond3A_365 : i32
      scf.if %cond3A_366 {
        %dma_wait3A_399 = arith.constant 3 : i32
        %dma_wait3A_400 = arith.constant 3 : i32
        %dma_wait3A_401 = arith.constant 3 : i32
        %dma_wait3A_402 = arith.constant 0 : i32
        %dma_wait3A_403 = arith.constant 0 : i32
        %dma_wait3A_404 = tpu.memref_slice %arg8[%dma_wait3A_400, %dma_wait3A_402, %dma_wait3A_403] : memref<4x80x128xf32, #tpu.memory_space<vmem>> -> memref<1x80x128xf32, #tpu.memory_space<vmem>>
        %dma_wait3A_405 = tpu.memref_squeeze %dma_wait3A_404 : memref<1x80x128xf32, #tpu.memory_space<vmem>> -> memref<80x128xf32, #tpu.memory_space<vmem>>
        %dma_wait3A_406 = arith.constant 0 : i32
        %dma_wait3A_407 = tpu.memref_slice %arg6[%dma_wait3A_399, %dma_wait3A_406] : memref<4x80xi32, #tpu.memory_space<vmem>> -> memref<1x80xi32, #tpu.memory_space<vmem>>
        %dma_wait3A_408 = tpu.memref_squeeze %dma_wait3A_407 : memref<1x80xi32, #tpu.memory_space<vmem>> -> memref<80xi32, #tpu.memory_space<vmem>>
        %dma_wait3A_409 = arith.constant 0 : i32
        %dma_wait3A_410 = arith.constant 0 : i32
        %dma_wait3A_411 = tpu.memref_slice %arg2[%dma_wait3A_409, %dma_wait3A_410] : memref<10000x128xf32, #tpu.memory_space<hbm>> -> memref<10000x128xf32, #tpu.memory_space<hbm>>
        %dma_wait3A_412 = tpu.memref_slice %arg11[%dma_wait3A_401] : memref<4x!tpu.dma_semaphore, #tpu.memory_space<semaphore_mem>> -> memref<1x!tpu.dma_semaphore, #tpu.memory_space<semaphore_mem>>
        %dma_wait3A_413 = tpu.memref_squeeze %dma_wait3A_412 : memref<1x!tpu.dma_semaphore, #tpu.memory_space<semaphore_mem>> -> memref<!tpu.dma_semaphore, #tpu.memory_space<semaphore_mem>>
        tpu.wait_indirect_dma semaphore(%dma_wait3A_413 : memref<!tpu.dma_semaphore, #tpu.memory_space<semaphore_mem>>) src(%dma_wait3A_411 : memref<10000x128xf32, #tpu.memory_space<hbm>>) dst(%dma_wait3A_405 : memref<80x128xf32, #tpu.memory_space<vmem>>)
        %run_scoped3A_414 = arith.constant 3 : i32
        %run_scoped3A_415 = arith.constant 3 : i32
        "tpu.region"() ({
          %run_scoped3A_416 = tpu.sem_alloc : memref<!tpu.dma_semaphore, #tpu.memory_space<semaphore_mem>>
          %dma_start3A_417 = arith.constant 0 : i32
          %dma_start3A_418 = arith.constant 0 : i32
          %dma_start3A_419 = tpu.memref_slice %arg8[%run_scoped3A_414, %dma_start3A_417, %dma_start3A_418] : memref<4x80x128xf32, #tpu.memory_space<vmem>> -> memref<1x80x128xf32, #tpu.memory_space<vmem>>
          %dma_start3A_420 = tpu.memref_squeeze %dma_start3A_419 : memref<1x80x128xf32, #tpu.memory_space<vmem>> -> memref<80x128xf32, #tpu.memory_space<vmem>>
          %dma_start3A_421 = arith.constant 0 : i32
          %dma_start3A_422 = tpu.memref_slice %arg7[%run_scoped3A_415, %dma_start3A_421] : memref<4x80xi32, #tpu.memory_space<vmem>> -> memref<1x80xi32, #tpu.memory_space<vmem>>
          %dma_start3A_423 = tpu.memref_squeeze %dma_start3A_422 : memref<1x80xi32, #tpu.memory_space<vmem>> -> memref<80xi32, #tpu.memory_space<vmem>>
          %dma_start3A_424 = arith.constant 0 : i32
          %dma_start3A_425 = arith.constant 0 : i32
          %dma_start3A_426 = tpu.memref_slice %arg9[%dma_start3A_424, %dma_start3A_425] : memref<10000x128xf32, #tpu.memory_space<vmem_shared>> -> memref<10000x128xf32, #tpu.memory_space<vmem_shared>>
          tpu.enqueue_indirect_dma source(%dma_start3A_420 : memref<80x128xf32, #tpu.memory_space<vmem>>) target(%dma_start3A_426 : memref<10000x128xf32, #tpu.memory_space<vmem_shared>>) offsets(%dma_start3A_423 : memref<80xi32, #tpu.memory_space<vmem>>) semaphore(%run_scoped3A_416 : memref<!tpu.dma_semaphore, #tpu.memory_space<semaphore_mem>>) {add = true}
          %dma_wait3A_427 = arith.constant 0 : i32
          %dma_wait3A_428 = arith.constant 0 : i32
          %dma_wait3A_429 = tpu.memref_slice %arg8[%run_scoped3A_414, %dma_wait3A_427, %dma_wait3A_428] : memref<4x80x128xf32, #tpu.memory_space<vmem>> -> memref<1x80x128xf32, #tpu.memory_space<vmem>>
          %dma_wait3A_430 = tpu.memref_squeeze %dma_wait3A_429 : memref<1x80x128xf32, #tpu.memory_space<vmem>> -> memref<80x128xf32, #tpu.memory_space<vmem>>
          %dma_wait3A_431 = arith.constant 0 : i32
          %dma_wait3A_432 = tpu.memref_slice %arg7[%run_scoped3A_415, %dma_wait3A_431] : memref<4x80xi32, #tpu.memory_space<vmem>> -> memref<1x80xi32, #tpu.memory_space<vmem>>
          %dma_wait3A_433 = tpu.memref_squeeze %dma_wait3A_432 : memref<1x80xi32, #tpu.memory_space<vmem>> -> memref<80xi32, #tpu.memory_space<vmem>>
          %dma_wait3A_434 = arith.constant 0 : i32
          %dma_wait3A_435 = arith.constant 0 : i32
          %dma_wait3A_436 = tpu.memref_slice %arg9[%dma_wait3A_434, %dma_wait3A_435] : memref<10000x128xf32, #tpu.memory_space<vmem_shared>> -> memref<10000x128xf32, #tpu.memory_space<vmem_shared>>
          tpu.wait_indirect_dma semaphore(%run_scoped3A_416 : memref<!tpu.dma_semaphore, #tpu.memory_space<semaphore_mem>>) src(%dma_wait3A_430 : memref<80x128xf32, #tpu.memory_space<vmem>>) dst(%dma_wait3A_436 : memref<10000x128xf32, #tpu.memory_space<vmem_shared>>)
          tpu.yield
        }) : () -> ()
      } else {
      }
      %mul3A_367 = arith.constant 4 : i32
      %mul3A_368 = arith.muli %scan3A_274, %mul3A_367 : i32
      %add3A_369 = arith.constant 3 : i32
      %add3A_370 = arith.addi %mul3A_368, %add3A_369 : i32
      %sub3A_371 = arith.constant 1 : i32
      %sub3A_372 = arith.subi %add3A_370, %sub3A_371 : i32
      %sub3A_373 = arith.constant 3 : i32
      %sub3A_374 = arith.subi %add3A_370, %sub3A_373 : i32
      %ge3A_375 = arith.constant 4 : i32
      %ge3A_376 = arith.cmpi sge, %add3A_370, %ge3A_375 : i32
      %lt3A_377 = arith.constant 125 : i32
      %lt3A_378 = arith.cmpi slt, %add3A_370, %lt3A_377 : i32
      %and3A_379 = arith.andi %ge3A_376, %lt3A_378 : i1
      %convert_element_type3A_380 = arith.extui %and3A_379 : i1 to i32
      %cond3A_381 = arith.constant 0 : i32
      %cond3A_382 = arith.cmpi ne, %convert_element_type3A_380, %cond3A_381 : i32
      scf.if %cond3A_382 {
        %mul3A_399 = arith.constant 80 : i32
        %mul3A_400 = arith.muli %add3A_370, %mul3A_399 : i32
        %add3A_401 = arith.addi %mul3A_2, %mul3A_400 : i32
        %dma_start3A_402 = arith.constant 3 : i32
        %dma_start3A_403 = arith.constant 3 : i32
        %dma_start3A_404 = arith.constant 0 : i32
        %dma_start3A_405 = tpu.memref_slice %arg6[%dma_start3A_402, %dma_start3A_404] : memref<4x80xi32, #tpu.memory_space<vmem>> -> memref<1x80xi32, #tpu.memory_space<vmem>>
        %dma_start3A_406 = tpu.memref_squeeze %dma_start3A_405 : memref<1x80xi32, #tpu.memory_space<vmem>> -> memref<80xi32, #tpu.memory_space<vmem>>
        %dma_start3A_407 = tpu.memref_slice %arg3[%add3A_401] : memref<320000xi32, #tpu.memory_space<hbm>> -> memref<80xi32, #tpu.memory_space<hbm>>
        %dma_start3A_408 = tpu.memref_slice %arg10[%dma_start3A_403] : memref<4x!tpu.dma_semaphore, #tpu.memory_space<semaphore_mem>> -> memref<1x!tpu.dma_semaphore, #tpu.memory_space<semaphore_mem>>
        %dma_start3A_409 = tpu.memref_squeeze %dma_start3A_408 : memref<1x!tpu.dma_semaphore, #tpu.memory_space<semaphore_mem>> -> memref<!tpu.dma_semaphore, #tpu.memory_space<semaphore_mem>>
        %dma_start3A_410 = arith.constant 0 : i32
        %dma_start3A_411 = tpu.memref_slice %arg6[%dma_start3A_402, %dma_start3A_410] : memref<4x80xi32, #tpu.memory_space<vmem>> -> memref<1x80xi32, #tpu.memory_space<vmem>>
        %dma_start3A_412 = tpu.memref_squeeze %dma_start3A_411 : memref<1x80xi32, #tpu.memory_space<vmem>> -> memref<80xi32, #tpu.memory_space<vmem>>
        %dma_start3A_413 = tpu.memref_slice %arg3[%add3A_401] : memref<320000xi32, #tpu.memory_space<hbm>> -> memref<80xi32, #tpu.memory_space<hbm>>
        tpu.enqueue_dma source(%dma_start3A_413 : memref<80xi32, #tpu.memory_space<hbm>>) target(%dma_start3A_412 : memref<80xi32, #tpu.memory_space<vmem>>) target_semaphore(%dma_start3A_409 : memref<!tpu.dma_semaphore, #tpu.memory_space<semaphore_mem>>)
        %dma_start3A_414 = arith.constant 3 : i32
        %dma_start3A_415 = arith.constant 3 : i32
        %dma_start3A_416 = arith.constant 0 : i32
        %dma_start3A_417 = tpu.memref_slice %arg7[%dma_start3A_414, %dma_start3A_416] : memref<4x80xi32, #tpu.memory_space<vmem>> -> memref<1x80xi32, #tpu.memory_space<vmem>>
        %dma_start3A_418 = tpu.memref_squeeze %dma_start3A_417 : memref<1x80xi32, #tpu.memory_space<vmem>> -> memref<80xi32, #tpu.memory_space<vmem>>
        %dma_start3A_419 = tpu.memref_slice %arg4[%add3A_401] : memref<320000xi32, #tpu.memory_space<hbm>> -> memref<80xi32, #tpu.memory_space<hbm>>
        %dma_start3A_420 = tpu.memref_slice %arg10[%dma_start3A_415] : memref<4x!tpu.dma_semaphore, #tpu.memory_space<semaphore_mem>> -> memref<1x!tpu.dma_semaphore, #tpu.memory_space<semaphore_mem>>
        %dma_start3A_421 = tpu.memref_squeeze %dma_start3A_420 : memref<1x!tpu.dma_semaphore, #tpu.memory_space<semaphore_mem>> -> memref<!tpu.dma_semaphore, #tpu.memory_space<semaphore_mem>>
        %dma_start3A_422 = arith.constant 0 : i32
        %dma_start3A_423 = tpu.memref_slice %arg7[%dma_start3A_414, %dma_start3A_422] : memref<4x80xi32, #tpu.memory_space<vmem>> -> memref<1x80xi32, #tpu.memory_space<vmem>>
        %dma_start3A_424 = tpu.memref_squeeze %dma_start3A_423 : memref<1x80xi32, #tpu.memory_space<vmem>> -> memref<80xi32, #tpu.memory_space<vmem>>
        %dma_start3A_425 = tpu.memref_slice %arg4[%add3A_401] : memref<320000xi32, #tpu.memory_space<hbm>> -> memref<80xi32, #tpu.memory_space<hbm>>
        tpu.enqueue_dma source(%dma_start3A_425 : memref<80xi32, #tpu.memory_space<hbm>>) target(%dma_start3A_424 : memref<80xi32, #tpu.memory_space<vmem>>) target_semaphore(%dma_start3A_421 : memref<!tpu.dma_semaphore, #tpu.memory_space<semaphore_mem>>)
      } else {
      }
      %ge3A_383 = arith.constant 3 : i32
      %ge3A_384 = arith.cmpi sge, %sub3A_372, %ge3A_383 : i32
      %lt3A_385 = arith.constant 125 : i32
      %lt3A_386 = arith.cmpi slt, %sub3A_372, %lt3A_385 : i32
      %and3A_387 = arith.andi %ge3A_384, %lt3A_386 : i1
      %convert_element_type3A_388 = arith.extui %and3A_387 : i1 to i32
      %cond3A_389 = arith.constant 0 : i32
      %cond3A_390 = arith.cmpi ne, %convert_element_type3A_388, %cond3A_389 : i32
      scf.if %cond3A_390 {
        %mul3A_399 = arith.constant 80 : i32
        %mul3A_400 = arith.muli %sub3A_372, %mul3A_399 : i32
        %add3A_401 = arith.addi %mul3A_2, %mul3A_400 : i32
        %dma_wait3A_402 = arith.constant 2 : i32
        %dma_wait3A_403 = arith.constant 2 : i32
        %dma_wait3A_404 = arith.constant 0 : i32
        %dma_wait3A_405 = tpu.memref_slice %arg6[%dma_wait3A_402, %dma_wait3A_404] : memref<4x80xi32, #tpu.memory_space<vmem>> -> memref<1x80xi32, #tpu.memory_space<vmem>>
        %dma_wait3A_406 = tpu.memref_squeeze %dma_wait3A_405 : memref<1x80xi32, #tpu.memory_space<vmem>> -> memref<80xi32, #tpu.memory_space<vmem>>
        %dma_wait3A_407 = tpu.memref_slice %arg3[%add3A_401] : memref<320000xi32, #tpu.memory_space<hbm>> -> memref<80xi32, #tpu.memory_space<hbm>>
        %dma_wait3A_408 = tpu.memref_slice %arg10[%dma_wait3A_403] : memref<4x!tpu.dma_semaphore, #tpu.memory_space<semaphore_mem>> -> memref<1x!tpu.dma_semaphore, #tpu.memory_space<semaphore_mem>>
        %dma_wait3A_409 = tpu.memref_squeeze %dma_wait3A_408 : memref<1x!tpu.dma_semaphore, #tpu.memory_space<semaphore_mem>> -> memref<!tpu.dma_semaphore, #tpu.memory_space<semaphore_mem>>
        %dma_wait3A_410 = arith.constant 0 : i32
        %dma_wait3A_411 = tpu.memref_slice %arg6[%dma_wait3A_402, %dma_wait3A_410] : memref<4x80xi32, #tpu.memory_space<vmem>> -> memref<1x80xi32, #tpu.memory_space<vmem>>
        %dma_wait3A_412 = tpu.memref_squeeze %dma_wait3A_411 : memref<1x80xi32, #tpu.memory_space<vmem>> -> memref<80xi32, #tpu.memory_space<vmem>>
        %dma_wait3A_413 = tpu.memref_slice %arg3[%add3A_401] : memref<320000xi32, #tpu.memory_space<hbm>> -> memref<80xi32, #tpu.memory_space<hbm>>
        tpu.wait_dma2 semaphore(%dma_wait3A_409 : memref<!tpu.dma_semaphore, #tpu.memory_space<semaphore_mem>>) src(%dma_wait3A_413 : memref<80xi32, #tpu.memory_space<hbm>>) dst(%dma_wait3A_412 : memref<80xi32, #tpu.memory_space<vmem>>)
        %dma_wait3A_414 = arith.constant 2 : i32
        %dma_wait3A_415 = arith.constant 2 : i32
        %dma_wait3A_416 = arith.constant 0 : i32
        %dma_wait3A_417 = tpu.memref_slice %arg7[%dma_wait3A_414, %dma_wait3A_416] : memref<4x80xi32, #tpu.memory_space<vmem>> -> memref<1x80xi32, #tpu.memory_space<vmem>>
        %dma_wait3A_418 = tpu.memref_squeeze %dma_wait3A_417 : memref<1x80xi32, #tpu.memory_space<vmem>> -> memref<80xi32, #tpu.memory_space<vmem>>
        %dma_wait3A_419 = tpu.memref_slice %arg4[%add3A_401] : memref<320000xi32, #tpu.memory_space<hbm>> -> memref<80xi32, #tpu.memory_space<hbm>>
        %dma_wait3A_420 = tpu.memref_slice %arg10[%dma_wait3A_415] : memref<4x!tpu.dma_semaphore, #tpu.memory_space<semaphore_mem>> -> memref<1x!tpu.dma_semaphore, #tpu.memory_space<semaphore_mem>>
        %dma_wait3A_421 = tpu.memref_squeeze %dma_wait3A_420 : memref<1x!tpu.dma_semaphore, #tpu.memory_space<semaphore_mem>> -> memref<!tpu.dma_semaphore, #tpu.memory_space<semaphore_mem>>
        %dma_wait3A_422 = arith.constant 0 : i32
        %dma_wait3A_423 = tpu.memref_slice %arg7[%dma_wait3A_414, %dma_wait3A_422] : memref<4x80xi32, #tpu.memory_space<vmem>> -> memref<1x80xi32, #tpu.memory_space<vmem>>
        %dma_wait3A_424 = tpu.memref_squeeze %dma_wait3A_423 : memref<1x80xi32, #tpu.memory_space<vmem>> -> memref<80xi32, #tpu.memory_space<vmem>>
        %dma_wait3A_425 = tpu.memref_slice %arg4[%add3A_401] : memref<320000xi32, #tpu.memory_space<hbm>> -> memref<80xi32, #tpu.memory_space<hbm>>
        tpu.wait_dma2 semaphore(%dma_wait3A_421 : memref<!tpu.dma_semaphore, #tpu.memory_space<semaphore_mem>>) src(%dma_wait3A_425 : memref<80xi32, #tpu.memory_space<hbm>>) dst(%dma_wait3A_424 : memref<80xi32, #tpu.memory_space<vmem>>)
        %dma_start3A_426 = arith.constant 2 : i32
        %dma_start3A_427 = arith.constant 2 : i32
        %dma_start3A_428 = arith.constant 2 : i32
        %dma_start3A_429 = arith.constant 0 : i32
        %dma_start3A_430 = arith.constant 0 : i32
        %dma_start3A_431 = tpu.memref_slice %arg8[%dma_start3A_427, %dma_start3A_429, %dma_start3A_430] : memref<4x80x128xf32, #tpu.memory_space<vmem>> -> memref<1x80x128xf32, #tpu.memory_space<vmem>>
        %dma_start3A_432 = tpu.memref_squeeze %dma_start3A_431 : memref<1x80x128xf32, #tpu.memory_space<vmem>> -> memref<80x128xf32, #tpu.memory_space<vmem>>
        %dma_start3A_433 = arith.constant 0 : i32
        %dma_start3A_434 = tpu.memref_slice %arg6[%dma_start3A_426, %dma_start3A_433] : memref<4x80xi32, #tpu.memory_space<vmem>> -> memref<1x80xi32, #tpu.memory_space<vmem>>
        %dma_start3A_435 = tpu.memref_squeeze %dma_start3A_434 : memref<1x80xi32, #tpu.memory_space<vmem>> -> memref<80xi32, #tpu.memory_space<vmem>>
        %dma_start3A_436 = arith.constant 0 : i32
        %dma_start3A_437 = arith.constant 0 : i32
        %dma_start3A_438 = tpu.memref_slice %arg2[%dma_start3A_436, %dma_start3A_437] : memref<10000x128xf32, #tpu.memory_space<hbm>> -> memref<10000x128xf32, #tpu.memory_space<hbm>>
        %dma_start3A_439 = tpu.memref_slice %arg11[%dma_start3A_428] : memref<4x!tpu.dma_semaphore, #tpu.memory_space<semaphore_mem>> -> memref<1x!tpu.dma_semaphore, #tpu.memory_space<semaphore_mem>>
        %dma_start3A_440 = tpu.memref_squeeze %dma_start3A_439 : memref<1x!tpu.dma_semaphore, #tpu.memory_space<semaphore_mem>> -> memref<!tpu.dma_semaphore, #tpu.memory_space<semaphore_mem>>
        tpu.enqueue_indirect_dma source(%dma_start3A_438 : memref<10000x128xf32, #tpu.memory_space<hbm>>) target(%dma_start3A_432 : memref<80x128xf32, #tpu.memory_space<vmem>>) offsets(%dma_start3A_435 : memref<80xi32, #tpu.memory_space<vmem>>) semaphore(%dma_start3A_440 : memref<!tpu.dma_semaphore, #tpu.memory_space<semaphore_mem>>)
      } else {
      }
      %ge3A_391 = arith.constant 0 : i32
      %ge3A_392 = arith.cmpi sge, %sub3A_374, %ge3A_391 : i32
      %lt3A_393 = arith.constant 125 : i32
      %lt3A_394 = arith.cmpi slt, %sub3A_374, %lt3A_393 : i32
      %and3A_395 = arith.andi %ge3A_392, %lt3A_394 : i1
      %convert_element_type3A_396 = arith.extui %and3A_395 : i1 to i32
      %cond3A_397 = arith.constant 0 : i32
      %cond3A_398 = arith.cmpi ne, %convert_element_type3A_396, %cond3A_397 : i32
      scf.if %cond3A_398 {
        %dma_wait3A_399 = arith.constant 0 : i32
        %dma_wait3A_400 = arith.constant 0 : i32
        %dma_wait3A_401 = arith.constant 0 : i32
        %dma_wait3A_402 = arith.constant 0 : i32
        %dma_wait3A_403 = arith.constant 0 : i32
        %dma_wait3A_404 = tpu.memref_slice %arg8[%dma_wait3A_400, %dma_wait3A_402, %dma_wait3A_403] : memref<4x80x128xf32, #tpu.memory_space<vmem>> -> memref<1x80x128xf32, #tpu.memory_space<vmem>>
        %dma_wait3A_405 = tpu.memref_squeeze %dma_wait3A_404 : memref<1x80x128xf32, #tpu.memory_space<vmem>> -> memref<80x128xf32, #tpu.memory_space<vmem>>
        %dma_wait3A_406 = arith.constant 0 : i32
        %dma_wait3A_407 = tpu.memref_slice %arg6[%dma_wait3A_399, %dma_wait3A_406] : memref<4x80xi32, #tpu.memory_space<vmem>> -> memref<1x80xi32, #tpu.memory_space<vmem>>
        %dma_wait3A_408 = tpu.memref_squeeze %dma_wait3A_407 : memref<1x80xi32, #tpu.memory_space<vmem>> -> memref<80xi32, #tpu.memory_space<vmem>>
        %dma_wait3A_409 = arith.constant 0 : i32
        %dma_wait3A_410 = arith.constant 0 : i32
        %dma_wait3A_411 = tpu.memref_slice %arg2[%dma_wait3A_409, %dma_wait3A_410] : memref<10000x128xf32, #tpu.memory_space<hbm>> -> memref<10000x128xf32, #tpu.memory_space<hbm>>
        %dma_wait3A_412 = tpu.memref_slice %arg11[%dma_wait3A_401] : memref<4x!tpu.dma_semaphore, #tpu.memory_space<semaphore_mem>> -> memref<1x!tpu.dma_semaphore, #tpu.memory_space<semaphore_mem>>
        %dma_wait3A_413 = tpu.memref_squeeze %dma_wait3A_412 : memref<1x!tpu.dma_semaphore, #tpu.memory_space<semaphore_mem>> -> memref<!tpu.dma_semaphore, #tpu.memory_space<semaphore_mem>>
        tpu.wait_indirect_dma semaphore(%dma_wait3A_413 : memref<!tpu.dma_semaphore, #tpu.memory_space<semaphore_mem>>) src(%dma_wait3A_411 : memref<10000x128xf32, #tpu.memory_space<hbm>>) dst(%dma_wait3A_405 : memref<80x128xf32, #tpu.memory_space<vmem>>)
        %run_scoped3A_414 = arith.constant 0 : i32
        %run_scoped3A_415 = arith.constant 0 : i32
        "tpu.region"() ({
          %run_scoped3A_416 = tpu.sem_alloc : memref<!tpu.dma_semaphore, #tpu.memory_space<semaphore_mem>>
          %dma_start3A_417 = arith.constant 0 : i32
          %dma_start3A_418 = arith.constant 0 : i32
          %dma_start3A_419 = tpu.memref_slice %arg8[%run_scoped3A_414, %dma_start3A_417, %dma_start3A_418] : memref<4x80x128xf32, #tpu.memory_space<vmem>> -> memref<1x80x128xf32, #tpu.memory_space<vmem>>
          %dma_start3A_420 = tpu.memref_squeeze %dma_start3A_419 : memref<1x80x128xf32, #tpu.memory_space<vmem>> -> memref<80x128xf32, #tpu.memory_space<vmem>>
          %dma_start3A_421 = arith.constant 0 : i32
          %dma_start3A_422 = tpu.memref_slice %arg7[%run_scoped3A_415, %dma_start3A_421] : memref<4x80xi32, #tpu.memory_space<vmem>> -> memref<1x80xi32, #tpu.memory_space<vmem>>
          %dma_start3A_423 = tpu.memref_squeeze %dma_start3A_422 : memref<1x80xi32, #tpu.memory_space<vmem>> -> memref<80xi32, #tpu.memory_space<vmem>>
          %dma_start3A_424 = arith.constant 0 : i32
          %dma_start3A_425 = arith.constant 0 : i32
          %dma_start3A_426 = tpu.memref_slice %arg9[%dma_start3A_424, %dma_start3A_425] : memref<10000x128xf32, #tpu.memory_space<vmem_shared>> -> memref<10000x128xf32, #tpu.memory_space<vmem_shared>>
          tpu.enqueue_indirect_dma source(%dma_start3A_420 : memref<80x128xf32, #tpu.memory_space<vmem>>) target(%dma_start3A_426 : memref<10000x128xf32, #tpu.memory_space<vmem_shared>>) offsets(%dma_start3A_423 : memref<80xi32, #tpu.memory_space<vmem>>) semaphore(%run_scoped3A_416 : memref<!tpu.dma_semaphore, #tpu.memory_space<semaphore_mem>>) {add = true}
          %dma_wait3A_427 = arith.constant 0 : i32
          %dma_wait3A_428 = arith.constant 0 : i32
          %dma_wait3A_429 = tpu.memref_slice %arg8[%run_scoped3A_414, %dma_wait3A_427, %dma_wait3A_428] : memref<4x80x128xf32, #tpu.memory_space<vmem>> -> memref<1x80x128xf32, #tpu.memory_space<vmem>>
          %dma_wait3A_430 = tpu.memref_squeeze %dma_wait3A_429 : memref<1x80x128xf32, #tpu.memory_space<vmem>> -> memref<80x128xf32, #tpu.memory_space<vmem>>
          %dma_wait3A_431 = arith.constant 0 : i32
          %dma_wait3A_432 = tpu.memref_slice %arg7[%run_scoped3A_415, %dma_wait3A_431] : memref<4x80xi32, #tpu.memory_space<vmem>> -> memref<1x80xi32, #tpu.memory_space<vmem>>
          %dma_wait3A_433 = tpu.memref_squeeze %dma_wait3A_432 : memref<1x80xi32, #tpu.memory_space<vmem>> -> memref<80xi32, #tpu.memory_space<vmem>>
          %dma_wait3A_434 = arith.constant 0 : i32
          %dma_wait3A_435 = arith.constant 0 : i32
          %dma_wait3A_436 = tpu.memref_slice %arg9[%dma_wait3A_434, %dma_wait3A_435] : memref<10000x128xf32, #tpu.memory_space<vmem_shared>> -> memref<10000x128xf32, #tpu.memory_space<vmem_shared>>
          tpu.wait_indirect_dma semaphore(%run_scoped3A_416 : memref<!tpu.dma_semaphore, #tpu.memory_space<semaphore_mem>>) src(%dma_wait3A_430 : memref<80x128xf32, #tpu.memory_space<vmem>>) dst(%dma_wait3A_436 : memref<10000x128xf32, #tpu.memory_space<vmem_shared>>)
          tpu.yield
        }) : () -> ()
      } else {
      }
    }
    %scan3A_267 = arith.constant 33 : i32
    %barrier3A_268 = arith.constant 0 : index
    tpu.barrier barrier_id(%barrier3A_268)
    "tpu.region"() ({
      %run_scoped3A_274 = tpu.sem_alloc : memref<!tpu.dma_semaphore, #tpu.memory_space<semaphore_mem>>
      %dma_start3A_275 = arith.constant 0 : i32
      %dma_start3A_276 = tpu.memref_slice %arg5[%arg0, %mul3A_235, %dma_start3A_275] : memref<2x10000x128xf32, #tpu.memory_space<hbm>> -> memref<1x624x128xf32, #tpu.memory_space<hbm>>
      %dma_start3A_277 = tpu.memref_squeeze %dma_start3A_276 : memref<1x624x128xf32, #tpu.memory_space<hbm>> -> memref<624x128xf32, #tpu.memory_space<hbm>>
      %dma_start3A_278 = arith.constant 0 : i32
      %dma_start3A_279 = tpu.memref_slice %arg9[%mul3A_235, %dma_start3A_278] : memref<10000x128xf32, #tpu.memory_space<vmem_shared>> -> memref<624x128xf32, #tpu.memory_space<vmem_shared>>
      tpu.enqueue_dma source(%dma_start3A_279 : memref<624x128xf32, #tpu.memory_space<vmem_shared>>) target(%dma_start3A_277 : memref<624x128xf32, #tpu.memory_space<hbm>>) target_semaphore(%run_scoped3A_274 : memref<!tpu.dma_semaphore, #tpu.memory_space<semaphore_mem>>)
      %dma_wait3A_280 = arith.constant 0 : i32
      %dma_wait3A_281 = tpu.memref_slice %arg5[%arg0, %mul3A_235, %dma_wait3A_280] : memref<2x10000x128xf32, #tpu.memory_space<hbm>> -> memref<1x624x128xf32, #tpu.memory_space<hbm>>
      %dma_wait3A_282 = tpu.memref_squeeze %dma_wait3A_281 : memref<1x624x128xf32, #tpu.memory_space<hbm>> -> memref<624x128xf32, #tpu.memory_space<hbm>>
      %dma_wait3A_283 = arith.constant 0 : i32
      %dma_wait3A_284 = tpu.memref_slice %arg9[%mul3A_235, %dma_wait3A_283] : memref<10000x128xf32, #tpu.memory_space<vmem_shared>> -> memref<624x128xf32, #tpu.memory_space<vmem_shared>>
      tpu.wait_dma2 semaphore(%run_scoped3A_274 : memref<!tpu.dma_semaphore, #tpu.memory_space<semaphore_mem>>) src(%dma_wait3A_284 : memref<624x128xf32, #tpu.memory_space<vmem_shared>>) dst(%dma_wait3A_282 : memref<624x128xf32, #tpu.memory_space<hbm>>)
      tpu.yield
    }) : () -> ()
    %eq3A_269 = arith.constant 0 : i32
    %eq3A_270 = arith.cmpi eq, %arg1, %eq3A_269 : i32
    %convert_element_type3A_271 = arith.extui %eq3A_270 : i1 to i32
    %cond3A_272 = arith.constant 0 : i32
    %cond3A_273 = arith.cmpi ne, %convert_element_type3A_271, %cond3A_272 : i32
    scf.if %cond3A_273 {
      "tpu.region"() ({
        %run_scoped3A_274 = tpu.sem_alloc : memref<!tpu.dma_semaphore, #tpu.memory_space<semaphore_mem>>
        %dma_start3A_275 = arith.constant 9984 : i32
        %dma_start3A_276 = arith.constant 0 : i32
        %dma_start3A_277 = tpu.memref_slice %arg5[%arg0, %dma_start3A_275, %dma_start3A_276] : memref<2x10000x128xf32, #tpu.memory_space<hbm>> -> memref<1x16x128xf32, #tpu.memory_space<hbm>>
        %dma_start3A_278 = tpu.memref_squeeze %dma_start3A_277 : memref<1x16x128xf32, #tpu.memory_space<hbm>> -> memref<16x128xf32, #tpu.memory_space<hbm>>
        %dma_start3A_279 = arith.constant 9984 : i32
        %dma_start3A_280 = arith.constant 0 : i32
        %dma_start3A_281 = tpu.memref_slice %arg9[%dma_start3A_279, %dma_start3A_280] : memref<10000x128xf32, #tpu.memory_space<vmem_shared>> -> memref<16x128xf32, #tpu.memory_space<vmem_shared>>
        tpu.enqueue_dma source(%dma_start3A_281 : memref<16x128xf32, #tpu.memory_space<vmem_shared>>) target(%dma_start3A_278 : memref<16x128xf32, #tpu.memory_space<hbm>>) target_semaphore(%run_scoped3A_274 : memref<!tpu.dma_semaphore, #tpu.memory_space<semaphore_mem>>)
        %dma_wait3A_282 = arith.constant 9984 : i32
        %dma_wait3A_283 = arith.constant 0 : i32
        %dma_wait3A_284 = tpu.memref_slice %arg5[%arg0, %dma_wait3A_282, %dma_wait3A_283] : memref<2x10000x128xf32, #tpu.memory_space<hbm>> -> memref<1x16x128xf32, #tpu.memory_space<hbm>>
        %dma_wait3A_285 = tpu.memref_squeeze %dma_wait3A_284 : memref<1x16x128xf32, #tpu.memory_space<hbm>> -> memref<16x128xf32, #tpu.memory_space<hbm>>
        %dma_wait3A_286 = arith.constant 9984 : i32
        %dma_wait3A_287 = arith.constant 0 : i32
        %dma_wait3A_288 = tpu.memref_slice %arg9[%dma_wait3A_286, %dma_wait3A_287] : memref<10000x128xf32, #tpu.memory_space<vmem_shared>> -> memref<16x128xf32, #tpu.memory_space<vmem_shared>>
        tpu.wait_dma2 semaphore(%run_scoped3A_274 : memref<!tpu.dma_semaphore, #tpu.memory_space<semaphore_mem>>) src(%dma_wait3A_288 : memref<16x128xf32, #tpu.memory_space<vmem_shared>>) dst(%dma_wait3A_285 : memref<16x128xf32, #tpu.memory_space<hbm>>)
        tpu.yield
      }) : () -> ()
    } else {
    }
    return
  }
}

#map = affine_map<(d0, d1) -> (0, 0)>
#map1 = affine_map<(d0, d1) -> (0)>
#map2 = affine_map<(d0, d1) -> (0, 0, 0)>
module attributes {stable_mosaic.version = 14 : i64} {
  func.func @body(%arg0: i32, %arg1: i32, %arg2: memref<10000x128xf32, #tpu.memory_space<hbm>>, %arg3: memref<320000xi32, #tpu.memory_space<hbm>>, %arg4: memref<320000xi32, #tpu.memory_space<hbm>>, %arg5: memref<2x10000x128xf32, #tpu.memory_space<hbm>>, %arg6: memref<4x80xi32, #tpu.memory_space<vmem>>, %arg7: memref<4x80xi32, #tpu.memory_space<vmem>>, %arg8: memref<4x80x128xf32, #tpu.memory_space<vmem>>, %arg9: memref<10000x128xf32, #tpu.memory_space<vmem_shared>>, %arg10: memref<4x!tpu.dma_semaphore, #tpu.memory_space<semaphore_mem>>, %arg11: memref<4x!tpu.dma_semaphore, #tpu.memory_space<semaphore_mem>>) attributes {dimension_semantics = [#tpu.dimension_semantics<core_parallel>, #tpu.dimension_semantics<subcore_parallel>], iteration_bounds = array<i64: 2, 16>, scalar_prefetch = 0 : i64, scratch_operands = 6 : i64, tpu.core_type = #tpu.core_type<sc_vector_subcore>, window_params = [{transform_indices = #map}, {transform_indices = #map1}, {transform_indices = #map1}, {transform_indices = #map2}]} {
    %mul3A = arith.constant 2 : i32
    %mul3A_0 = arith.muli %arg1, %mul3A : i32
    %add3A = arith.addi %mul3A_0, %arg0 : i32
    %mul3A_1 = arith.constant 10000 : i32
    %mul3A_2 = arith.muli %add3A, %mul3A_1 : i32
    %add3A_3 = arith.constant 0 : i32
    %add3A_4 = arith.addi %mul3A_2, %add3A_3 : i32
    %dma_start3A = arith.constant 0 : i32
    %dma_start3A_5 = arith.constant 0 : i32
    %dma_start3A_6 = arith.constant 0 : i32
    %dma_start3A_7 = tpu.memref_slice %arg6[%dma_start3A, %dma_start3A_6] : memref<4x80xi32, #tpu.memory_space<vmem>> -> memref<1x80xi32, #tpu.memory_space<vmem>>
    %dma_start3A_8 = tpu.memref_squeeze %dma_start3A_7 : memref<1x80xi32, #tpu.memory_space<vmem>> -> memref<80xi32, #tpu.memory_space<vmem>>
    %dma_start3A_9 = tpu.memref_slice %arg3[%add3A_4] : memref<320000xi32, #tpu.memory_space<hbm>> -> memref<80xi32, #tpu.memory_space<hbm>>
    %dma_start3A_10 = tpu.memref_slice %arg10[%dma_start3A_5] : memref<4x!tpu.dma_semaphore, #tpu.memory_space<semaphore_mem>> -> memref<1x!tpu.dma_semaphore, #tpu.memory_space<semaphore_mem>>
    %dma_start3A_11 = tpu.memref_squeeze %dma_start3A_10 : memref<1x!tpu.dma_semaphore, #tpu.memory_space<semaphore_mem>> -> memref<!tpu.dma_semaphore, #tpu.memory_space<semaphore_mem>>
    %dma_start3A_12 = arith.constant 0 : i32
    %dma_start3A_13 = tpu.memref_slice %arg6[%dma_start3A, %dma_start3A_12] : memref<4x80xi32, #tpu.memory_space<vmem>> -> memref<1x80xi32, #tpu.memory_space<vmem>>
    %dma_start3A_14 = tpu.memref_squeeze %dma_start3A_13 : memref<1x80xi32, #tpu.memory_space<vmem>> -> memref<80xi32, #tpu.memory_space<vmem>>
    %dma_start3A_15 = tpu.memref_slice %arg3[%add3A_4] : memref<320000xi32, #tpu.memory_space<hbm>> -> memref<80xi32, #tpu.memory_space<hbm>>
    tpu.enqueue_dma source(%dma_start3A_15 : memref<80xi32, #tpu.memory_space<hbm>>) target(%dma_start3A_14 : memref<80xi32, #tpu.memory_space<vmem>>) target_semaphore(%dma_start3A_11 : memref<!tpu.dma_semaphore, #tpu.memory_space<semaphore_mem>>)
    %dma_start3A_16 = arith.constant 0 : i32
    %dma_start3A_17 = arith.constant 0 : i32
    %dma_start3A_18 = arith.constant 0 : i32
    %dma_start3A_19 = tpu.memref_slice %arg7[%dma_start3A_16, %dma_start3A_18] : memref<4x80xi32, #tpu.memory_space<vmem>> -> memref<1x80xi32, #tpu.memory_space<vmem>>
    %dma_start3A_20 = tpu.memref_squeeze %dma_start3A_19 : memref<1x80xi32, #tpu.memory_space<vmem>> -> memref<80xi32, #tpu.memory_space<vmem>>
    %dma_start3A_21 = tpu.memref_slice %arg4[%add3A_4] : memref<320000xi32, #tpu.memory_space<hbm>> -> memref<80xi32, #tpu.memory_space<hbm>>
    %dma_start3A_22 = tpu.memref_slice %arg10[%dma_start3A_17] : memref<4x!tpu.dma_semaphore, #tpu.memory_space<semaphore_mem>> -> memref<1x!tpu.dma_semaphore, #tpu.memory_space<semaphore_mem>>
    %dma_start3A_23 = tpu.memref_squeeze %dma_start3A_22 : memref<1x!tpu.dma_semaphore, #tpu.memory_space<semaphore_mem>> -> memref<!tpu.dma_semaphore, #tpu.memory_space<semaphore_mem>>
    %dma_start3A_24 = arith.constant 0 : i32
    %dma_start3A_25 = tpu.memref_slice %arg7[%dma_start3A_16, %dma_start3A_24] : memref<4x80xi32, #tpu.memory_space<vmem>> -> memref<1x80xi32, #tpu.memory_space<vmem>>
    %dma_start3A_26 = tpu.memref_squeeze %dma_start3A_25 : memref<1x80xi32, #tpu.memory_space<vmem>> -> memref<80xi32, #tpu.memory_space<vmem>>
    %dma_start3A_27 = tpu.memref_slice %arg4[%add3A_4] : memref<320000xi32, #tpu.memory_space<hbm>> -> memref<80xi32, #tpu.memory_space<hbm>>
    tpu.enqueue_dma source(%dma_start3A_27 : memref<80xi32, #tpu.memory_space<hbm>>) target(%dma_start3A_26 : memref<80xi32, #tpu.memory_space<vmem>>) target_semaphore(%dma_start3A_23 : memref<!tpu.dma_semaphore, #tpu.memory_space<semaphore_mem>>)
    %add3A_28 = arith.constant 80 : i32
    %add3A_29 = arith.addi %mul3A_2, %add3A_28 : i32
    %dma_start3A_30 = arith.constant 1 : i32
    %dma_start3A_31 = arith.constant 1 : i32
    %dma_start3A_32 = arith.constant 0 : i32
    %dma_start3A_33 = tpu.memref_slice %arg6[%dma_start3A_30, %dma_start3A_32] : memref<4x80xi32, #tpu.memory_space<vmem>> -> memref<1x80xi32, #tpu.memory_space<vmem>>
    %dma_start3A_34 = tpu.memref_squeeze %dma_start3A_33 : memref<1x80xi32, #tpu.memory_space<vmem>> -> memref<80xi32, #tpu.memory_space<vmem>>
    %dma_start3A_35 = tpu.memref_slice %arg3[%add3A_29] : memref<320000xi32, #tpu.memory_space<hbm>> -> memref<80xi32, #tpu.memory_space<hbm>>
    %dma_start3A_36 = tpu.memref_slice %arg10[%dma_start3A_31] : memref<4x!tpu.dma_semaphore, #tpu.memory_space<semaphore_mem>> -> memref<1x!tpu.dma_semaphore, #tpu.memory_space<semaphore_mem>>
    %dma_start3A_37 = tpu.memref_squeeze %dma_start3A_36 : memref<1x!tpu.dma_semaphore, #tpu.memory_space<semaphore_mem>> -> memref<!tpu.dma_semaphore, #tpu.memory_space<semaphore_mem>>
    %dma_start3A_38 = arith.constant 0 : i32
    %dma_start3A_39 = tpu.memref_slice %arg6[%dma_start3A_30, %dma_start3A_38] : memref<4x80xi32, #tpu.memory_space<vmem>> -> memref<1x80xi32, #tpu.memory_space<vmem>>
    %dma_start3A_40 = tpu.memref_squeeze %dma_start3A_39 : memref<1x80xi32, #tpu.memory_space<vmem>> -> memref<80xi32, #tpu.memory_space<vmem>>
    %dma_start3A_41 = tpu.memref_slice %arg3[%add3A_29] : memref<320000xi32, #tpu.memory_space<hbm>> -> memref<80xi32, #tpu.memory_space<hbm>>
    tpu.enqueue_dma source(%dma_start3A_41 : memref<80xi32, #tpu.memory_space<hbm>>) target(%dma_start3A_40 : memref<80xi32, #tpu.memory_space<vmem>>) target_semaphore(%dma_start3A_37 : memref<!tpu.dma_semaphore, #tpu.memory_space<semaphore_mem>>)
    %dma_start3A_42 = arith.constant 1 : i32
    %dma_start3A_43 = arith.constant 1 : i32
    %dma_start3A_44 = arith.constant 0 : i32
    %dma_start3A_45 = tpu.memref_slice %arg7[%dma_start3A_42, %dma_start3A_44] : memref<4x80xi32, #tpu.memory_space<vmem>> -> memref<1x80xi32, #tpu.memory_space<vmem>>
    %dma_start3A_46 = tpu.memref_squeeze %dma_start3A_45 : memref<1x80xi32, #tpu.memory_space<vmem>> -> memref<80xi32, #tpu.memory_space<vmem>>
    %dma_start3A_47 = tpu.memref_slice %arg4[%add3A_29] : memref<320000xi32, #tpu.memory_space<hbm>> -> memref<80xi32, #tpu.memory_space<hbm>>
    %dma_start3A_48 = tpu.memref_slice %arg10[%dma_start3A_43] : memref<4x!tpu.dma_semaphore, #tpu.memory_space<semaphore_mem>> -> memref<1x!tpu.dma_semaphore, #tpu.memory_space<semaphore_mem>>
    %dma_start3A_49 = tpu.memref_squeeze %dma_start3A_48 : memref<1x!tpu.dma_semaphore, #tpu.memory_space<semaphore_mem>> -> memref<!tpu.dma_semaphore, #tpu.memory_space<semaphore_mem>>
    %dma_start3A_50 = arith.constant 0 : i32
    %dma_start3A_51 = tpu.memref_slice %arg7[%dma_start3A_42, %dma_start3A_50] : memref<4x80xi32, #tpu.memory_space<vmem>> -> memref<1x80xi32, #tpu.memory_space<vmem>>
    %dma_start3A_52 = tpu.memref_squeeze %dma_start3A_51 : memref<1x80xi32, #tpu.memory_space<vmem>> -> memref<80xi32, #tpu.memory_space<vmem>>
    %dma_start3A_53 = tpu.memref_slice %arg4[%add3A_29] : memref<320000xi32, #tpu.memory_space<hbm>> -> memref<80xi32, #tpu.memory_space<hbm>>
    tpu.enqueue_dma source(%dma_start3A_53 : memref<80xi32, #tpu.memory_space<hbm>>) target(%dma_start3A_52 : memref<80xi32, #tpu.memory_space<vmem>>) target_semaphore(%dma_start3A_49 : memref<!tpu.dma_semaphore, #tpu.memory_space<semaphore_mem>>)
    %add3A_54 = arith.constant 160 : i32
    %add3A_55 = arith.addi %mul3A_2, %add3A_54 : i32
    %dma_start3A_56 = arith.constant 2 : i32
    %dma_start3A_57 = arith.constant 2 : i32
    %dma_start3A_58 = arith.constant 0 : i32
    %dma_start3A_59 = tpu.memref_slice %arg6[%dma_start3A_56, %dma_start3A_58] : memref<4x80xi32, #tpu.memory_space<vmem>> -> memref<1x80xi32, #tpu.memory_space<vmem>>
    %dma_start3A_60 = tpu.memref_squeeze %dma_start3A_59 : memref<1x80xi32, #tpu.memory_space<vmem>> -> memref<80xi32, #tpu.memory_space<vmem>>
    %dma_start3A_61 = tpu.memref_slice %arg3[%add3A_55] : memref<320000xi32, #tpu.memory_space<hbm>> -> memref<80xi32, #tpu.memory_space<hbm>>
    %dma_start3A_62 = tpu.memref_slice %arg10[%dma_start3A_57] : memref<4x!tpu.dma_semaphore, #tpu.memory_space<semaphore_mem>> -> memref<1x!tpu.dma_semaphore, #tpu.memory_space<semaphore_mem>>
    %dma_start3A_63 = tpu.memref_squeeze %dma_start3A_62 : memref<1x!tpu.dma_semaphore, #tpu.memory_space<semaphore_mem>> -> memref<!tpu.dma_semaphore, #tpu.memory_space<semaphore_mem>>
    %dma_start3A_64 = arith.constant 0 : i32
    %dma_start3A_65 = tpu.memref_slice %arg6[%dma_start3A_56, %dma_start3A_64] : memref<4x80xi32, #tpu.memory_space<vmem>> -> memref<1x80xi32, #tpu.memory_space<vmem>>
    %dma_start3A_66 = tpu.memref_squeeze %dma_start3A_65 : memref<1x80xi32, #tpu.memory_space<vmem>> -> memref<80xi32, #tpu.memory_space<vmem>>
    %dma_start3A_67 = tpu.memref_slice %arg3[%add3A_55] : memref<320000xi32, #tpu.memory_space<hbm>> -> memref<80xi32, #tpu.memory_space<hbm>>
    tpu.enqueue_dma source(%dma_start3A_67 : memref<80xi32, #tpu.memory_space<hbm>>) target(%dma_start3A_66 : memref<80xi32, #tpu.memory_space<vmem>>) target_semaphore(%dma_start3A_63 : memref<!tpu.dma_semaphore, #tpu.memory_space<semaphore_mem>>)
    %dma_start3A_68 = arith.constant 2 : i32
    %dma_start3A_69 = arith.constant 2 : i32
    %dma_start3A_70 = arith.constant 0 : i32
    %dma_start3A_71 = tpu.memref_slice %arg7[%dma_start3A_68, %dma_start3A_70] : memref<4x80xi32, #tpu.memory_space<vmem>> -> memref<1x80xi32, #tpu.memory_space<vmem>>
    %dma_start3A_72 = tpu.memref_squeeze %dma_start3A_71 : memref<1x80xi32, #tpu.memory_space<vmem>> -> memref<80xi32, #tpu.memory_space<vmem>>
    %dma_start3A_73 = tpu.memref_slice %arg4[%add3A_55] : memref<320000xi32, #tpu.memory_space<hbm>> -> memref<80xi32, #tpu.memory_space<hbm>>
    %dma_start3A_74 = tpu.memref_slice %arg10[%dma_start3A_69] : memref<4x!tpu.dma_semaphore, #tpu.memory_space<semaphore_mem>> -> memref<1x!tpu.dma_semaphore, #tpu.memory_space<semaphore_mem>>
    %dma_start3A_75 = tpu.memref_squeeze %dma_start3A_74 : memref<1x!tpu.dma_semaphore, #tpu.memory_space<semaphore_mem>> -> memref<!tpu.dma_semaphore, #tpu.memory_space<semaphore_mem>>
    %dma_start3A_76 = arith.constant 0 : i32
    %dma_start3A_77 = tpu.memref_slice %arg7[%dma_start3A_68, %dma_start3A_76] : memref<4x80xi32, #tpu.memory_space<vmem>> -> memref<1x80xi32, #tpu.memory_space<vmem>>
    %dma_start3A_78 = tpu.memref_squeeze %dma_start3A_77 : memref<1x80xi32, #tpu.memory_space<vmem>> -> memref<80xi32, #tpu.memory_space<vmem>>
    %dma_start3A_79 = tpu.memref_slice %arg4[%add3A_55] : memref<320000xi32, #tpu.memory_space<hbm>> -> memref<80xi32, #tpu.memory_space<hbm>>
    tpu.enqueue_dma source(%dma_start3A_79 : memref<80xi32, #tpu.memory_space<hbm>>) target(%dma_start3A_78 : memref<80xi32, #tpu.memory_space<vmem>>) target_semaphore(%dma_start3A_75 : memref<!tpu.dma_semaphore, #tpu.memory_space<semaphore_mem>>)
    %add3A_80 = arith.constant 240 : i32
    %add3A_81 = arith.addi %mul3A_2, %add3A_80 : i32
    %dma_start3A_82 = arith.constant 3 : i32
    %dma_start3A_83 = arith.constant 3 : i32
    %dma_start3A_84 = arith.constant 0 : i32
    %dma_start3A_85 = tpu.memref_slice %arg6[%dma_start3A_82, %dma_start3A_84] : memref<4x80xi32, #tpu.memory_space<vmem>> -> memref<1x80xi32, #tpu.memory_space<vmem>>
    %dma_start3A_86 = tpu.memref_squeeze %dma_start3A_85 : memref<1x80xi32, #tpu.memory_space<vmem>> -> memref<80xi32, #tpu.memory_space<vmem>>
    %dma_start3A_87 = tpu.memref_slice %arg3[%add3A_81] : memref<320000xi32, #tpu.memory_space<hbm>> -> memref<80xi32, #tpu.memory_space<hbm>>
    %dma_start3A_88 = tpu.memref_slice %arg10[%dma_start3A_83] : memref<4x!tpu.dma_semaphore, #tpu.memory_space<semaphore_mem>> -> memref<1x!tpu.dma_semaphore, #tpu.memory_space<semaphore_mem>>
    %dma_start3A_89 = tpu.memref_squeeze %dma_start3A_88 : memref<1x!tpu.dma_semaphore, #tpu.memory_space<semaphore_mem>> -> memref<!tpu.dma_semaphore, #tpu.memory_space<semaphore_mem>>
    %dma_start3A_90 = arith.constant 0 : i32
    %dma_start3A_91 = tpu.memref_slice %arg6[%dma_start3A_82, %dma_start3A_90] : memref<4x80xi32, #tpu.memory_space<vmem>> -> memref<1x80xi32, #tpu.memory_space<vmem>>
    %dma_start3A_92 = tpu.memref_squeeze %dma_start3A_91 : memref<1x80xi32, #tpu.memory_space<vmem>> -> memref<80xi32, #tpu.memory_space<vmem>>
    %dma_start3A_93 = tpu.memref_slice %arg3[%add3A_81] : memref<320000xi32, #tpu.memory_space<hbm>> -> memref<80xi32, #tpu.memory_space<hbm>>
    tpu.enqueue_dma source(%dma_start3A_93 : memref<80xi32, #tpu.memory_space<hbm>>) target(%dma_start3A_92 : memref<80xi32, #tpu.memory_space<vmem>>) target_semaphore(%dma_start3A_89 : memref<!tpu.dma_semaphore, #tpu.memory_space<semaphore_mem>>)
    %dma_start3A_94 = arith.constant 3 : i32
    %dma_start3A_95 = arith.constant 3 : i32
    %dma_start3A_96 = arith.constant 0 : i32
    %dma_start3A_97 = tpu.memref_slice %arg7[%dma_start3A_94, %dma_start3A_96] : memref<4x80xi32, #tpu.memory_space<vmem>> -> memref<1x80xi32, #tpu.memory_space<vmem>>
    %dma_start3A_98 = tpu.memref_squeeze %dma_start3A_97 : memref<1x80xi32, #tpu.memory_space<vmem>> -> memref<80xi32, #tpu.memory_space<vmem>>
    %dma_start3A_99 = tpu.memref_slice %arg4[%add3A_81] : memref<320000xi32, #tpu.memory_space<hbm>> -> memref<80xi32, #tpu.memory_space<hbm>>
    %dma_start3A_100 = tpu.memref_slice %arg10[%dma_start3A_95] : memref<4x!tpu.dma_semaphore, #tpu.memory_space<semaphore_mem>> -> memref<1x!tpu.dma_semaphore, #tpu.memory_space<semaphore_mem>>
    %dma_start3A_101 = tpu.memref_squeeze %dma_start3A_100 : memref<1x!tpu.dma_semaphore, #tpu.memory_space<semaphore_mem>> -> memref<!tpu.dma_semaphore, #tpu.memory_space<semaphore_mem>>
    %dma_start3A_102 = arith.constant 0 : i32
    %dma_start3A_103 = tpu.memref_slice %arg7[%dma_start3A_94, %dma_start3A_102] : memref<4x80xi32, #tpu.memory_space<vmem>> -> memref<1x80xi32, #tpu.memory_space<vmem>>
    %dma_start3A_104 = tpu.memref_squeeze %dma_start3A_103 : memref<1x80xi32, #tpu.memory_space<vmem>> -> memref<80xi32, #tpu.memory_space<vmem>>
    %dma_start3A_105 = tpu.memref_slice %arg4[%add3A_81] : memref<320000xi32, #tpu.memory_space<hbm>> -> memref<80xi32, #tpu.memory_space<hbm>>
    tpu.enqueue_dma source(%dma_start3A_105 : memref<80xi32, #tpu.memory_space<hbm>>) target(%dma_start3A_104 : memref<80xi32, #tpu.memory_space<vmem>>) target_semaphore(%dma_start3A_101 : memref<!tpu.dma_semaphore, #tpu.memory_space<semaphore_mem>>)
    %scan3A = arith.constant 0 : i32
    %scan3A_106 = arith.constant 3 : i32
    %scan3A_107 = arith.constant 0 : i32
    %scan3A_108 = arith.constant 640 : i32
    %scan3A_109 = arith.addi %scan3A_107, %scan3A_108 : i32
    %scan3A_110 = arith.constant 1 : i32
    scf.for %scan3A_274 = %scan3A_107 to %scan3A_109 step %scan3A_110  : i32 {
      %jit3A = arith.constant 8 : i32
      %div3A = arith.divsi %scan3A_274, %jit3A : i32
      %sign3A = arith.constant 0 : i32
      %sign3A_275 = arith.cmpi sgt, %scan3A_274, %sign3A : i32
      %sign3A_276 = arith.extui %sign3A_275 : i1 to i32
      %sign3A_277 = arith.constant 0 : i32
      %sign3A_278 = arith.cmpi slt, %scan3A_274, %sign3A_277 : i32
      %sign3A_279 = arith.extui %sign3A_278 : i1 to i32
      %sign3A_280 = arith.subi %sign3A_276, %sign3A_279 : i32
      %sign3A_281 = arith.constant 0 : i32
      %sign3A_282 = arith.cmpi sgt, %jit3A, %sign3A_281 : i32
      %sign3A_283 = arith.extui %sign3A_282 : i1 to i32
      %sign3A_284 = arith.constant 0 : i32
      %sign3A_285 = arith.cmpi slt, %jit3A, %sign3A_284 : i32
      %sign3A_286 = arith.extui %sign3A_285 : i1 to i32
      %sign3A_287 = arith.subi %sign3A_283, %sign3A_286 : i32
      %ne3A = arith.cmpi ne, %sign3A_280, %sign3A_287 : i32
      %rem3A = arith.remsi %scan3A_274, %jit3A : i32
      %ne3A_288 = arith.constant 0 : i32
      %ne3A_289 = arith.cmpi ne, %rem3A, %ne3A_288 : i32
      %and3A = arith.andi %ne3A, %ne3A_289 : i1
      %sub3A = arith.constant 1 : i32
      %sub3A_290 = arith.subi %div3A, %sub3A : i32
      %select_n3A = arith.select %and3A, %sub3A_290, %div3A : i32
      %jit3A_291 = arith.constant 8 : i32
      %eq3A_292 = arith.constant 0 : i32
      %eq3A_293 = arith.cmpi eq, %jit3A_291, %eq3A_292 : i32
      %jit3A_294 = arith.constant 1 : i32
      %select_n3A_295 = arith.select %eq3A_293, %jit3A_294, %jit3A_291 : i32
      %rem3A_296 = arith.remsi %scan3A_274, %select_n3A_295 : i32
      %ne3A_297 = arith.constant 0 : i32
      %ne3A_298 = arith.cmpi ne, %rem3A_296, %ne3A_297 : i32
      %lt3A = arith.constant 0 : i32
      %lt3A_299 = arith.cmpi slt, %rem3A_296, %lt3A : i32
      %lt3A_300 = arith.constant 0 : i32
      %lt3A_301 = arith.cmpi slt, %select_n3A_295, %lt3A_300 : i32
      %ne3A_302 = arith.xori %lt3A_299, %lt3A_301 : i1
      %and3A_303 = arith.andi %ne3A_302, %ne3A_298 : i1
      %add3A_304 = arith.addi %rem3A_296, %select_n3A_295 : i32
      %select_n3A_305 = arith.select %and3A_303, %add3A_304, %rem3A_296 : i32
      %mul3A_306 = arith.constant 16 : i32
      %mul3A_307 = arith.muli %select_n3A_305, %mul3A_306 : i32
      %broadcast_in_dim3A = arith.constant 0.000000e+00 : f32
      %broadcast_in_dim3A_308 = vector.broadcast %broadcast_in_dim3A : f32 to vector<16xf32>
      %swap3A = arith.constant 0 : i32
      %swap3A_309 = arith.constant 0 : i32
      %swap3A_310 = tpu.memref_slice %arg8[%scan3A_106, %swap3A, %swap3A_309] : memref<4x80x128xf32, #tpu.memory_space<vmem>> -> memref<1x80x128xf32, #tpu.memory_space<vmem>>
      %swap3A_311 = tpu.memref_squeeze %swap3A_310 : memref<1x80x128xf32, #tpu.memory_space<vmem>> -> memref<80x128xf32, #tpu.memory_space<vmem>>
      %swap3A_312 = arith.index_cast %select_n3A : i32 to index
      %swap3A_313 = arith.index_cast %mul3A_307 : i32 to index
      %swap3A_314 = tpu.vector_load %swap3A_311[%swap3A_312, %swap3A_313] {strides = array<i32>} : memref<80x128xf32, #tpu.memory_space<vmem>>, vector<1x16xf32>,
      %swap3A_315 = vector.shape_cast %swap3A_314 : vector<1x16xf32> to vector<16xf32>
      %swap3A_316 = vector.shape_cast %broadcast_in_dim3A_308 : vector<16xf32> to vector<1x16xf32>
      tpu.vector_store %swap3A_311[%swap3A_312, %swap3A_313], %swap3A_316 {strides = array<i32>} : memref<80x128xf32, #tpu.memory_space<vmem>>, vector<1x16xf32>,
    }
    %scan3A_111 = arith.constant 640 : i32
    %add3A_112 = arith.constant 0 : i32
    %add3A_113 = arith.addi %mul3A_2, %add3A_112 : i32
    %dma_wait3A = arith.constant 0 : i32
    %dma_wait3A_114 = arith.constant 0 : i32
    %dma_wait3A_115 = arith.constant 0 : i32
    %dma_wait3A_116 = tpu.memref_slice %arg6[%dma_wait3A, %dma_wait3A_115] : memref<4x80xi32, #tpu.memory_space<vmem>> -> memref<1x80xi32, #tpu.memory_space<vmem>>
    %dma_wait3A_117 = tpu.memref_squeeze %dma_wait3A_116 : memref<1x80xi32, #tpu.memory_space<vmem>> -> memref<80xi32, #tpu.memory_space<vmem>>
    %dma_wait3A_118 = tpu.memref_slice %arg3[%add3A_113] : memref<320000xi32, #tpu.memory_space<hbm>> -> memref<80xi32, #tpu.memory_space<hbm>>
    %dma_wait3A_119 = tpu.memref_slice %arg10[%dma_wait3A_114] : memref<4x!tpu.dma_semaphore, #tpu.memory_space<semaphore_mem>> -> memref<1x!tpu.dma_semaphore, #tpu.memory_space<semaphore_mem>>
    %dma_wait3A_120 = tpu.memref_squeeze %dma_wait3A_119 : memref<1x!tpu.dma_semaphore, #tpu.memory_space<semaphore_mem>> -> memref<!tpu.dma_semaphore, #tpu.memory_space<semaphore_mem>>
    %dma_wait3A_121 = arith.constant 0 : i32
    %dma_wait3A_122 = tpu.memref_slice %arg6[%dma_wait3A, %dma_wait3A_121] : memref<4x80xi32, #tpu.memory_space<vmem>> -> memref<1x80xi32, #tpu.memory_space<vmem>>
    %dma_wait3A_123 = tpu.memref_squeeze %dma_wait3A_122 : memref<1x80xi32, #tpu.memory_space<vmem>> -> memref<80xi32, #tpu.memory_space<vmem>>
    %dma_wait3A_124 = tpu.memref_slice %arg3[%add3A_113] : memref<320000xi32, #tpu.memory_space<hbm>> -> memref<80xi32, #tpu.memory_space<hbm>>
    tpu.wait_dma2 semaphore(%dma_wait3A_120 : memref<!tpu.dma_semaphore, #tpu.memory_space<semaphore_mem>>) src(%dma_wait3A_124 : memref<80xi32, #tpu.memory_space<hbm>>) dst(%dma_wait3A_123 : memref<80xi32, #tpu.memory_space<vmem>>)
    %dma_wait3A_125 = arith.constant 0 : i32
    %dma_wait3A_126 = arith.constant 0 : i32
    %dma_wait3A_127 = arith.constant 0 : i32
    %dma_wait3A_128 = tpu.memref_slice %arg7[%dma_wait3A_125, %dma_wait3A_127] : memref<4x80xi32, #tpu.memory_space<vmem>> -> memref<1x80xi32, #tpu.memory_space<vmem>>
    %dma_wait3A_129 = tpu.memref_squeeze %dma_wait3A_128 : memref<1x80xi32, #tpu.memory_space<vmem>> -> memref<80xi32, #tpu.memory_space<vmem>>
    %dma_wait3A_130 = tpu.memref_slice %arg4[%add3A_113] : memref<320000xi32, #tpu.memory_space<hbm>> -> memref<80xi32, #tpu.memory_space<hbm>>
    %dma_wait3A_131 = tpu.memref_slice %arg10[%dma_wait3A_126] : memref<4x!tpu.dma_semaphore, #tpu.memory_space<semaphore_mem>> -> memref<1x!tpu.dma_semaphore, #tpu.memory_space<semaphore_mem>>
    %dma_wait3A_132 = tpu.memref_squeeze %dma_wait3A_131 : memref<1x!tpu.dma_semaphore, #tpu.memory_space<semaphore_mem>> -> memref<!tpu.dma_semaphore, #tpu.memory_space<semaphore_mem>>
    %dma_wait3A_133 = arith.constant 0 : i32
    %dma_wait3A_134 = tpu.memref_slice %arg7[%dma_wait3A_125, %dma_wait3A_133] : memref<4x80xi32, #tpu.memory_space<vmem>> -> memref<1x80xi32, #tpu.memory_space<vmem>>
    %dma_wait3A_135 = tpu.memref_squeeze %dma_wait3A_134 : memref<1x80xi32, #tpu.memory_space<vmem>> -> memref<80xi32, #tpu.memory_space<vmem>>
    %dma_wait3A_136 = tpu.memref_slice %arg4[%add3A_113] : memref<320000xi32, #tpu.memory_space<hbm>> -> memref<80xi32, #tpu.memory_space<hbm>>
    tpu.wait_dma2 semaphore(%dma_wait3A_132 : memref<!tpu.dma_semaphore, #tpu.memory_space<semaphore_mem>>) src(%dma_wait3A_136 : memref<80xi32, #tpu.memory_space<hbm>>) dst(%dma_wait3A_135 : memref<80xi32, #tpu.memory_space<vmem>>)
    %dma_start3A_137 = arith.constant 0 : i32
    %dma_start3A_138 = arith.constant 0 : i32
    %dma_start3A_139 = arith.constant 0 : i32
    %dma_start3A_140 = arith.constant 0 : i32
    %dma_start3A_141 = arith.constant 0 : i32
    %dma_start3A_142 = tpu.memref_slice %arg8[%dma_start3A_138, %dma_start3A_140, %dma_start3A_141] : memref<4x80x128xf32, #tpu.memory_space<vmem>> -> memref<1x80x128xf32, #tpu.memory_space<vmem>>
    %dma_start3A_143 = tpu.memref_squeeze %dma_start3A_142 : memref<1x80x128xf32, #tpu.memory_space<vmem>> -> memref<80x128xf32, #tpu.memory_space<vmem>>
    %dma_start3A_144 = arith.constant 0 : i32
    %dma_start3A_145 = tpu.memref_slice %arg6[%dma_start3A_137, %dma_start3A_144] : memref<4x80xi32, #tpu.memory_space<vmem>> -> memref<1x80xi32, #tpu.memory_space<vmem>>
    %dma_start3A_146 = tpu.memref_squeeze %dma_start3A_145 : memref<1x80xi32, #tpu.memory_space<vmem>> -> memref<80xi32, #tpu.memory_space<vmem>>
    %dma_start3A_147 = arith.constant 0 : i32
    %dma_start3A_148 = arith.constant 0 : i32
    %dma_start3A_149 = tpu.memref_slice %arg2[%dma_start3A_147, %dma_start3A_148] : memref<10000x128xf32, #tpu.memory_space<hbm>> -> memref<10000x128xf32, #tpu.memory_space<hbm>>
    %dma_start3A_150 = tpu.memref_slice %arg11[%dma_start3A_139] : memref<4x!tpu.dma_semaphore, #tpu.memory_space<semaphore_mem>> -> memref<1x!tpu.dma_semaphore, #tpu.memory_space<semaphore_mem>>
    %dma_start3A_151 = tpu.memref_squeeze %dma_start3A_150 : memref<1x!tpu.dma_semaphore, #tpu.memory_space<semaphore_mem>> -> memref<!tpu.dma_semaphore, #tpu.memory_space<semaphore_mem>>
    tpu.enqueue_indirect_dma source(%dma_start3A_149 : memref<10000x128xf32, #tpu.memory_space<hbm>>) target(%dma_start3A_143 : memref<80x128xf32, #tpu.memory_space<vmem>>) offsets(%dma_start3A_146 : memref<80xi32, #tpu.memory_space<vmem>>) semaphore(%dma_start3A_151 : memref<!tpu.dma_semaphore, #tpu.memory_space<semaphore_mem>>)
    %add3A_152 = arith.constant 80 : i32
    %add3A_153 = arith.addi %mul3A_2, %add3A_152 : i32
    %dma_wait3A_154 = arith.constant 1 : i32
    %dma_wait3A_155 = arith.constant 1 : i32
    %dma_wait3A_156 = arith.constant 0 : i32
    %dma_wait3A_157 = tpu.memref_slice %arg6[%dma_wait3A_154, %dma_wait3A_156] : memref<4x80xi32, #tpu.memory_space<vmem>> -> memref<1x80xi32, #tpu.memory_space<vmem>>
    %dma_wait3A_158 = tpu.memref_squeeze %dma_wait3A_157 : memref<1x80xi32, #tpu.memory_space<vmem>> -> memref<80xi32, #tpu.memory_space<vmem>>
    %dma_wait3A_159 = tpu.memref_slice %arg3[%add3A_153] : memref<320000xi32, #tpu.memory_space<hbm>> -> memref<80xi32, #tpu.memory_space<hbm>>
    %dma_wait3A_160 = tpu.memref_slice %arg10[%dma_wait3A_155] : memref<4x!tpu.dma_semaphore, #tpu.memory_space<semaphore_mem>> -> memref<1x!tpu.dma_semaphore, #tpu.memory_space<semaphore_mem>>
    %dma_wait3A_161 = tpu.memref_squeeze %dma_wait3A_160 : memref<1x!tpu.dma_semaphore, #tpu.memory_space<semaphore_mem>> -> memref<!tpu.dma_semaphore, #tpu.memory_space<semaphore_mem>>
    %dma_wait3A_162 = arith.constant 0 : i32
    %dma_wait3A_163 = tpu.memref_slice %arg6[%dma_wait3A_154, %dma_wait3A_162] : memref<4x80xi32, #tpu.memory_space<vmem>> -> memref<1x80xi32, #tpu.memory_space<vmem>>
    %dma_wait3A_164 = tpu.memref_squeeze %dma_wait3A_163 : memref<1x80xi32, #tpu.memory_space<vmem>> -> memref<80xi32, #tpu.memory_space<vmem>>
    %dma_wait3A_165 = tpu.memref_slice %arg3[%add3A_153] : memref<320000xi32, #tpu.memory_space<hbm>> -> memref<80xi32, #tpu.memory_space<hbm>>
    tpu.wait_dma2 semaphore(%dma_wait3A_161 : memref<!tpu.dma_semaphore, #tpu.memory_space<semaphore_mem>>) src(%dma_wait3A_165 : memref<80xi32, #tpu.memory_space<hbm>>) dst(%dma_wait3A_164 : memref<80xi32, #tpu.memory_space<vmem>>)
    %dma_wait3A_166 = arith.constant 1 : i32
    %dma_wait3A_167 = arith.constant 1 : i32
    %dma_wait3A_168 = arith.constant 0 : i32
    %dma_wait3A_169 = tpu.memref_slice %arg7[%dma_wait3A_166, %dma_wait3A_168] : memref<4x80xi32, #tpu.memory_space<vmem>> -> memref<1x80xi32, #tpu.memory_space<vmem>>
    %dma_wait3A_170 = tpu.memref_squeeze %dma_wait3A_169 : memref<1x80xi32, #tpu.memory_space<vmem>> -> memref<80xi32, #tpu.memory_space<vmem>>
    %dma_wait3A_171 = tpu.memref_slice %arg4[%add3A_153] : memref<320000xi32, #tpu.memory_space<hbm>> -> memref<80xi32, #tpu.memory_space<hbm>>
    %dma_wait3A_172 = tpu.memref_slice %arg10[%dma_wait3A_167] : memref<4x!tpu.dma_semaphore, #tpu.memory_space<semaphore_mem>> -> memref<1x!tpu.dma_semaphore, #tpu.memory_space<semaphore_mem>>
    %dma_wait3A_173 = tpu.memref_squeeze %dma_wait3A_172 : memref<1x!tpu.dma_semaphore, #tpu.memory_space<semaphore_mem>> -> memref<!tpu.dma_semaphore, #tpu.memory_space<semaphore_mem>>
    %dma_wait3A_174 = arith.constant 0 : i32
    %dma_wait3A_175 = tpu.memref_slice %arg7[%dma_wait3A_166, %dma_wait3A_174] : memref<4x80xi32, #tpu.memory_space<vmem>> -> memref<1x80xi32, #tpu.memory_space<vmem>>
    %dma_wait3A_176 = tpu.memref_squeeze %dma_wait3A_175 : memref<1x80xi32, #tpu.memory_space<vmem>> -> memref<80xi32, #tpu.memory_space<vmem>>
    %dma_wait3A_177 = tpu.memref_slice %arg4[%add3A_153] : memref<320000xi32, #tpu.memory_space<hbm>> -> memref<80xi32, #tpu.memory_space<hbm>>
    tpu.wait_dma2 semaphore(%dma_wait3A_173 : memref<!tpu.dma_semaphore, #tpu.memory_space<semaphore_mem>>) src(%dma_wait3A_177 : memref<80xi32, #tpu.memory_space<hbm>>) dst(%dma_wait3A_176 : memref<80xi32, #tpu.memory_space<vmem>>)
    %dma_start3A_178 = arith.constant 1 : i32
    %dma_start3A_179 = arith.constant 1 : i32
    %dma_start3A_180 = arith.constant 1 : i32
    %dma_start3A_181 = arith.constant 0 : i32
    %dma_start3A_182 = arith.constant 0 : i32
    %dma_start3A_183 = tpu.memref_slice %arg8[%dma_start3A_179, %dma_start3A_181, %dma_start3A_182] : memref<4x80x128xf32, #tpu.memory_space<vmem>> -> memref<1x80x128xf32, #tpu.memory_space<vmem>>
    %dma_start3A_184 = tpu.memref_squeeze %dma_start3A_183 : memref<1x80x128xf32, #tpu.memory_space<vmem>> -> memref<80x128xf32, #tpu.memory_space<vmem>>
    %dma_start3A_185 = arith.constant 0 : i32
    %dma_start3A_186 = tpu.memref_slice %arg6[%dma_start3A_178, %dma_start3A_185] : memref<4x80xi32, #tpu.memory_space<vmem>> -> memref<1x80xi32, #tpu.memory_space<vmem>>
    %dma_start3A_187 = tpu.memref_squeeze %dma_start3A_186 : memref<1x80xi32, #tpu.memory_space<vmem>> -> memref<80xi32, #tpu.memory_space<vmem>>
    %dma_start3A_188 = arith.constant 0 : i32
    %dma_start3A_189 = arith.constant 0 : i32
    %dma_start3A_190 = tpu.memref_slice %arg2[%dma_start3A_188, %dma_start3A_189] : memref<10000x128xf32, #tpu.memory_space<hbm>> -> memref<10000x128xf32, #tpu.memory_space<hbm>>
    %dma_start3A_191 = tpu.memref_slice %arg11[%dma_start3A_180] : memref<4x!tpu.dma_semaphore, #tpu.memory_space<semaphore_mem>> -> memref<1x!tpu.dma_semaphore, #tpu.memory_space<semaphore_mem>>
    %dma_start3A_192 = tpu.memref_squeeze %dma_start3A_191 : memref<1x!tpu.dma_semaphore, #tpu.memory_space<semaphore_mem>> -> memref<!tpu.dma_semaphore, #tpu.memory_space<semaphore_mem>>
    tpu.enqueue_indirect_dma source(%dma_start3A_190 : memref<10000x128xf32, #tpu.memory_space<hbm>>) target(%dma_start3A_184 : memref<80x128xf32, #tpu.memory_space<vmem>>) offsets(%dma_start3A_187 : memref<80xi32, #tpu.memory_space<vmem>>) semaphore(%dma_start3A_192 : memref<!tpu.dma_semaphore, #tpu.memory_space<semaphore_mem>>)
    %add3A_193 = arith.constant 160 : i32
    %add3A_194 = arith.addi %mul3A_2, %add3A_193 : i32
    %dma_wait3A_195 = arith.constant 2 : i32
    %dma_wait3A_196 = arith.constant 2 : i32
    %dma_wait3A_197 = arith.constant 0 : i32
    %dma_wait3A_198 = tpu.memref_slice %arg6[%dma_wait3A_195, %dma_wait3A_197] : memref<4x80xi32, #tpu.memory_space<vmem>> -> memref<1x80xi32, #tpu.memory_space<vmem>>
    %dma_wait3A_199 = tpu.memref_squeeze %dma_wait3A_198 : memref<1x80xi32, #tpu.memory_space<vmem>> -> memref<80xi32, #tpu.memory_space<vmem>>
    %dma_wait3A_200 = tpu.memref_slice %arg3[%add3A_194] : memref<320000xi32, #tpu.memory_space<hbm>> -> memref<80xi32, #tpu.memory_space<hbm>>
    %dma_wait3A_201 = tpu.memref_slice %arg10[%dma_wait3A_196] : memref<4x!tpu.dma_semaphore, #tpu.memory_space<semaphore_mem>> -> memref<1x!tpu.dma_semaphore, #tpu.memory_space<semaphore_mem>>
    %dma_wait3A_202 = tpu.memref_squeeze %dma_wait3A_201 : memref<1x!tpu.dma_semaphore, #tpu.memory_space<semaphore_mem>> -> memref<!tpu.dma_semaphore, #tpu.memory_space<semaphore_mem>>
    %dma_wait3A_203 = arith.constant 0 : i32
    %dma_wait3A_204 = tpu.memref_slice %arg6[%dma_wait3A_195, %dma_wait3A_203] : memref<4x80xi32, #tpu.memory_space<vmem>> -> memref<1x80xi32, #tpu.memory_space<vmem>>
    %dma_wait3A_205 = tpu.memref_squeeze %dma_wait3A_204 : memref<1x80xi32, #tpu.memory_space<vmem>> -> memref<80xi32, #tpu.memory_space<vmem>>
    %dma_wait3A_206 = tpu.memref_slice %arg3[%add3A_194] : memref<320000xi32, #tpu.memory_space<hbm>> -> memref<80xi32, #tpu.memory_space<hbm>>
    tpu.wait_dma2 semaphore(%dma_wait3A_202 : memref<!tpu.dma_semaphore, #tpu.memory_space<semaphore_mem>>) src(%dma_wait3A_206 : memref<80xi32, #tpu.memory_space<hbm>>) dst(%dma_wait3A_205 : memref<80xi32, #tpu.memory_space<vmem>>)
    %dma_wait3A_207 = arith.constant 2 : i32
    %dma_wait3A_208 = arith.constant 2 : i32
    %dma_wait3A_209 = arith.constant 0 : i32
    %dma_wait3A_210 = tpu.memref_slice %arg7[%dma_wait3A_207, %dma_wait3A_209] : memref<4x80xi32, #tpu.memory_space<vmem>> -> memref<1x80xi32, #tpu.memory_space<vmem>>
    %dma_wait3A_211 = tpu.memref_squeeze %dma_wait3A_210 : memref<1x80xi32, #tpu.memory_space<vmem>> -> memref<80xi32, #tpu.memory_space<vmem>>
    %dma_wait3A_212 = tpu.memref_slice %arg4[%add3A_194] : memref<320000xi32, #tpu.memory_space<hbm>> -> memref<80xi32, #tpu.memory_space<hbm>>
    %dma_wait3A_213 = tpu.memref_slice %arg10[%dma_wait3A_208] : memref<4x!tpu.dma_semaphore, #tpu.memory_space<semaphore_mem>> -> memref<1x!tpu.dma_semaphore, #tpu.memory_space<semaphore_mem>>
    %dma_wait3A_214 = tpu.memref_squeeze %dma_wait3A_213 : memref<1x!tpu.dma_semaphore, #tpu.memory_space<semaphore_mem>> -> memref<!tpu.dma_semaphore, #tpu.memory_space<semaphore_mem>>
    %dma_wait3A_215 = arith.constant 0 : i32
    %dma_wait3A_216 = tpu.memref_slice %arg7[%dma_wait3A_207, %dma_wait3A_215] : memref<4x80xi32, #tpu.memory_space<vmem>> -> memref<1x80xi32, #tpu.memory_space<vmem>>
    %dma_wait3A_217 = tpu.memref_squeeze %dma_wait3A_216 : memref<1x80xi32, #tpu.memory_space<vmem>> -> memref<80xi32, #tpu.memory_space<vmem>>
    %dma_wait3A_218 = tpu.memref_slice %arg4[%add3A_194] : memref<320000xi32, #tpu.memory_space<hbm>> -> memref<80xi32, #tpu.memory_space<hbm>>
    tpu.wait_dma2 semaphore(%dma_wait3A_214 : memref<!tpu.dma_semaphore, #tpu.memory_space<semaphore_mem>>) src(%dma_wait3A_218 : memref<80xi32, #tpu.memory_space<hbm>>) dst(%dma_wait3A_217 : memref<80xi32, #tpu.memory_space<vmem>>)
    %dma_start3A_219 = arith.constant 2 : i32
    %dma_start3A_220 = arith.constant 2 : i32
    %dma_start3A_221 = arith.constant 2 : i32
    %dma_start3A_222 = arith.constant 0 : i32
    %dma_start3A_223 = arith.constant 0 : i32
    %dma_start3A_224 = tpu.memref_slice %arg8[%dma_start3A_220, %dma_start3A_222, %dma_start3A_223] : memref<4x80x128xf32, #tpu.memory_space<vmem>> -> memref<1x80x128xf32, #tpu.memory_space<vmem>>
    %dma_start3A_225 = tpu.memref_squeeze %dma_start3A_224 : memref<1x80x128xf32, #tpu.memory_space<vmem>> -> memref<80x128xf32, #tpu.memory_space<vmem>>
    %dma_start3A_226 = arith.constant 0 : i32
    %dma_start3A_227 = tpu.memref_slice %arg6[%dma_start3A_219, %dma_start3A_226] : memref<4x80xi32, #tpu.memory_space<vmem>> -> memref<1x80xi32, #tpu.memory_space<vmem>>
    %dma_start3A_228 = tpu.memref_squeeze %dma_start3A_227 : memref<1x80xi32, #tpu.memory_space<vmem>> -> memref<80xi32, #tpu.memory_space<vmem>>
    %dma_start3A_229 = arith.constant 0 : i32
    %dma_start3A_230 = arith.constant 0 : i32
    %dma_start3A_231 = tpu.memref_slice %arg2[%dma_start3A_229, %dma_start3A_230] : memref<10000x128xf32, #tpu.memory_space<hbm>> -> memref<10000x128xf32, #tpu.memory_space<hbm>>
    %dma_start3A_232 = tpu.memref_slice %arg11[%dma_start3A_221] : memref<4x!tpu.dma_semaphore, #tpu.memory_space<semaphore_mem>> -> memref<1x!tpu.dma_semaphore, #tpu.memory_space<semaphore_mem>>
    %dma_start3A_233 = tpu.memref_squeeze %dma_start3A_232 : memref<1x!tpu.dma_semaphore, #tpu.memory_space<semaphore_mem>> -> memref<!tpu.dma_semaphore, #tpu.memory_space<semaphore_mem>>
    tpu.enqueue_indirect_dma source(%dma_start3A_231 : memref<10000x128xf32, #tpu.memory_space<hbm>>) target(%dma_start3A_225 : memref<80x128xf32, #tpu.memory_space<vmem>>) offsets(%dma_start3A_228 : memref<80xi32, #tpu.memory_space<vmem>>) semaphore(%dma_start3A_233 : memref<!tpu.dma_semaphore, #tpu.memory_space<semaphore_mem>>)
    %mul3A_234 = arith.constant 624 : i32
    %mul3A_235 = arith.muli %arg1, %mul3A_234 : i32
    %add3A_236 = arith.constant 0 : i32
    %add3A_237 = arith.addi %mul3A_235, %add3A_236 : i32
    %run_scoped3A = arith.constant 3 : i32
    "tpu.region"() ({
      %run_scoped3A_274 = tpu.sem_alloc : memref<!tpu.dma_semaphore, #tpu.memory_space<semaphore_mem>>
      %dma_start3A_275 = arith.constant 0 : i32
      %dma_start3A_276 = arith.constant 0 : i32
      %dma_start3A_277 = tpu.memref_slice %arg8[%run_scoped3A, %dma_start3A_275, %dma_start3A_276] : memref<4x80x128xf32, #tpu.memory_space<vmem>> -> memref<1x80x128xf32, #tpu.memory_space<vmem>>
      %dma_start3A_278 = tpu.memref_squeeze %dma_start3A_277 : memref<1x80x128xf32, #tpu.memory_space<vmem>> -> memref<80x128xf32, #tpu.memory_space<vmem>>
      %dma_start3A_279 = arith.constant 0 : i32
      %dma_start3A_280 = tpu.memref_slice %arg9[%add3A_237, %dma_start3A_279] : memref<10000x128xf32, #tpu.memory_space<vmem_shared>> -> memref<80x128xf32, #tpu.memory_space<vmem_shared>>
      %dma_start3A_281 = arith.constant 0 : i32
      %dma_start3A_282 = tpu.memref_slice %arg9[%add3A_237, %dma_start3A_281] : memref<10000x128xf32, #tpu.memory_space<vmem_shared>> -> memref<80x128xf32, #tpu.memory_space<vmem_shared>>
      %dma_start3A_283 = arith.constant 0 : i32
      %dma_start3A_284 = arith.constant 0 : i32
      %dma_start3A_285 = tpu.memref_slice %arg8[%run_scoped3A, %dma_start3A_283, %dma_start3A_284] : memref<4x80x128xf32, #tpu.memory_space<vmem>> -> memref<1x80x128xf32, #tpu.memory_space<vmem>>
      %dma_start3A_286 = tpu.memref_squeeze %dma_start3A_285 : memref<1x80x128xf32, #tpu.memory_space<vmem>> -> memref<80x128xf32, #tpu.memory_space<vmem>>
      tpu.enqueue_dma source(%dma_start3A_286 : memref<80x128xf32, #tpu.memory_space<vmem>>) target(%dma_start3A_282 : memref<80x128xf32, #tpu.memory_space<vmem_shared>>) target_semaphore(%run_scoped3A_274 : memref<!tpu.dma_semaphore, #tpu.memory_space<semaphore_mem>>)
      %dma_wait3A_287 = arith.constant 0 : i32
      %dma_wait3A_288 = arith.constant 0 : i32
      %dma_wait3A_289 = tpu.memref_slice %arg8[%run_scoped3A, %dma_wait3A_287, %dma_wait3A_288] : memref<4x80x128xf32, #tpu.memory_space<vmem>> -> memref<1x80x128xf32, #tpu.memory_space<vmem>>
      %dma_wait3A_290 = tpu.memref_squeeze %dma_wait3A_289 : memref<1x80x128xf32, #tpu.memory_space<vmem>> -> memref<80x128xf32, #tpu.memory_space<vmem>>
      %dma_wait3A_291 = arith.constant 0 : i32
      %dma_wait3A_292 = tpu.memref_slice %arg9[%add3A_237, %dma_wait3A_291] : memref<10000x128xf32, #tpu.memory_space<vmem_shared>> -> memref<80x128xf32, #tpu.memory_space<vmem_shared>>
      %dma_wait3A_293 = arith.constant 0 : i32
      %dma_wait3A_294 = tpu.memref_slice %arg9[%add3A_237, %dma_wait3A_293] : memref<10000x128xf32, #tpu.memory_space<vmem_shared>> -> memref<80x128xf32, #tpu.memory_space<vmem_shared>>
      %dma_wait3A_295 = arith.constant 0 : i32
      %dma_wait3A_296 = arith.constant 0 : i32
      %dma_wait3A_297 = tpu.memref_slice %arg8[%run_scoped3A, %dma_wait3A_295, %dma_wait3A_296] : memref<4x80x128xf32, #tpu.memory_space<vmem>> -> memref<1x80x128xf32, #tpu.memory_space<vmem>>
      %dma_wait3A_298 = tpu.memref_squeeze %dma_wait3A_297 : memref<1x80x128xf32, #tpu.memory_space<vmem>> -> memref<80x128xf32, #tpu.memory_space<vmem>>
      tpu.wait_dma2 semaphore(%run_scoped3A_274 : memref<!tpu.dma_semaphore, #tpu.memory_space<semaphore_mem>>) src(%dma_wait3A_298 : memref<80x128xf32, #tpu.memory_space<vmem>>) dst(%dma_wait3A_294 : memref<80x128xf32, #tpu.memory_space<vmem_shared>>)
      tpu.yield
    }) : () -> ()
    %add3A_238 = arith.constant 80 : i32
    %add3A_239 = arith.addi %mul3A_235, %add3A_238 : i32
    %run_scoped3A_240 = arith.constant 3 : i32
    "tpu.region"() ({
      %run_scoped3A_274 = tpu.sem_alloc : memref<!tpu.dma_semaphore, #tpu.memory_space<semaphore_mem>>
      %dma_start3A_275 = arith.constant 0 : i32
      %dma_start3A_276 = arith.constant 0 : i32
      %dma_start3A_277 = tpu.memref_slice %arg8[%run_scoped3A_240, %dma_start3A_275, %dma_start3A_276] : memref<4x80x128xf32, #tpu.memory_space<vmem>> -> memref<1x80x128xf32, #tpu.memory_space<vmem>>
      %dma_start3A_278 = tpu.memref_squeeze %dma_start3A_277 : memref<1x80x128xf32, #tpu.memory_space<vmem>> -> memref<80x128xf32, #tpu.memory_space<vmem>>
      %dma_start3A_279 = arith.constant 0 : i32
      %dma_start3A_280 = tpu.memref_slice %arg9[%add3A_239, %dma_start3A_279] : memref<10000x128xf32, #tpu.memory_space<vmem_shared>> -> memref<80x128xf32, #tpu.memory_space<vmem_shared>>
      %dma_start3A_281 = arith.constant 0 : i32
      %dma_start3A_282 = tpu.memref_slice %arg9[%add3A_239, %dma_start3A_281] : memref<10000x128xf32, #tpu.memory_space<vmem_shared>> -> memref<80x128xf32, #tpu.memory_space<vmem_shared>>
      %dma_start3A_283 = arith.constant 0 : i32
      %dma_start3A_284 = arith.constant 0 : i32
      %dma_start3A_285 = tpu.memref_slice %arg8[%run_scoped3A_240, %dma_start3A_283, %dma_start3A_284] : memref<4x80x128xf32, #tpu.memory_space<vmem>> -> memref<1x80x128xf32, #tpu.memory_space<vmem>>
      %dma_start3A_286 = tpu.memref_squeeze %dma_start3A_285 : memref<1x80x128xf32, #tpu.memory_space<vmem>> -> memref<80x128xf32, #tpu.memory_space<vmem>>
      tpu.enqueue_dma source(%dma_start3A_286 : memref<80x128xf32, #tpu.memory_space<vmem>>) target(%dma_start3A_282 : memref<80x128xf32, #tpu.memory_space<vmem_shared>>) target_semaphore(%run_scoped3A_274 : memref<!tpu.dma_semaphore, #tpu.memory_space<semaphore_mem>>)
      %dma_wait3A_287 = arith.constant 0 : i32
      %dma_wait3A_288 = arith.constant 0 : i32
      %dma_wait3A_289 = tpu.memref_slice %arg8[%run_scoped3A_240, %dma_wait3A_287, %dma_wait3A_288] : memref<4x80x128xf32, #tpu.memory_space<vmem>> -> memref<1x80x128xf32, #tpu.memory_space<vmem>>
      %dma_wait3A_290 = tpu.memref_squeeze %dma_wait3A_289 : memref<1x80x128xf32, #tpu.memory_space<vmem>> -> memref<80x128xf32, #tpu.memory_space<vmem>>
      %dma_wait3A_291 = arith.constant 0 : i32
      %dma_wait3A_292 = tpu.memref_slice %arg9[%add3A_239, %dma_wait3A_291] : memref<10000x128xf32, #tpu.memory_space<vmem_shared>> -> memref<80x128xf32, #tpu.memory_space<vmem_shared>>
      %dma_wait3A_293 = arith.constant 0 : i32
      %dma_wait3A_294 = tpu.memref_slice %arg9[%add3A_239, %dma_wait3A_293] : memref<10000x128xf32, #tpu.memory_space<vmem_shared>> -> memref<80x128xf32, #tpu.memory_space<vmem_shared>>
      %dma_wait3A_295 = arith.constant 0 : i32
      %dma_wait3A_296 = arith.constant 0 : i32
      %dma_wait3A_297 = tpu.memref_slice %arg8[%run_scoped3A_240, %dma_wait3A_295, %dma_wait3A_296] : memref<4x80x128xf32, #tpu.memory_space<vmem>> -> memref<1x80x128xf32, #tpu.memory_space<vmem>>
      %dma_wait3A_298 = tpu.memref_squeeze %dma_wait3A_297 : memref<1x80x128xf32, #tpu.memory_space<vmem>> -> memref<80x128xf32, #tpu.memory_space<vmem>>
      tpu.wait_dma2 semaphore(%run_scoped3A_274 : memref<!tpu.dma_semaphore, #tpu.memory_space<semaphore_mem>>) src(%dma_wait3A_298 : memref<80x128xf32, #tpu.memory_space<vmem>>) dst(%dma_wait3A_294 : memref<80x128xf32, #tpu.memory_space<vmem_shared>>)
      tpu.yield
    }) : () -> ()
    %add3A_241 = arith.constant 160 : i32
    %add3A_242 = arith.addi %mul3A_235, %add3A_241 : i32
    %run_scoped3A_243 = arith.constant 3 : i32
    "tpu.region"() ({
      %run_scoped3A_274 = tpu.sem_alloc : memref<!tpu.dma_semaphore, #tpu.memory_space<semaphore_mem>>
      %dma_start3A_275 = arith.constant 0 : i32
      %dma_start3A_276 = arith.constant 0 : i32
      %dma_start3A_277 = tpu.memref_slice %arg8[%run_scoped3A_243, %dma_start3A_275, %dma_start3A_276] : memref<4x80x128xf32, #tpu.memory_space<vmem>> -> memref<1x80x128xf32, #tpu.memory_space<vmem>>
      %dma_start3A_278 = tpu.memref_squeeze %dma_start3A_277 : memref<1x80x128xf32, #tpu.memory_space<vmem>> -> memref<80x128xf32, #tpu.memory_space<vmem>>
      %dma_start3A_279 = arith.constant 0 : i32
      %dma_start3A_280 = tpu.memref_slice %arg9[%add3A_242, %dma_start3A_279] : memref<10000x128xf32, #tpu.memory_space<vmem_shared>> -> memref<80x128xf32, #tpu.memory_space<vmem_shared>>
      %dma_start3A_281 = arith.constant 0 : i32
      %dma_start3A_282 = tpu.memref_slice %arg9[%add3A_242, %dma_start3A_281] : memref<10000x128xf32, #tpu.memory_space<vmem_shared>> -> memref<80x128xf32, #tpu.memory_space<vmem_shared>>
      %dma_start3A_283 = arith.constant 0 : i32
      %dma_start3A_284 = arith.constant 0 : i32
      %dma_start3A_285 = tpu.memref_slice %arg8[%run_scoped3A_243, %dma_start3A_283, %dma_start3A_284] : memref<4x80x128xf32, #tpu.memory_space<vmem>> -> memref<1x80x128xf32, #tpu.memory_space<vmem>>
      %dma_start3A_286 = tpu.memref_squeeze %dma_start3A_285 : memref<1x80x128xf32, #tpu.memory_space<vmem>> -> memref<80x128xf32, #tpu.memory_space<vmem>>
      tpu.enqueue_dma source(%dma_start3A_286 : memref<80x128xf32, #tpu.memory_space<vmem>>) target(%dma_start3A_282 : memref<80x128xf32, #tpu.memory_space<vmem_shared>>) target_semaphore(%run_scoped3A_274 : memref<!tpu.dma_semaphore, #tpu.memory_space<semaphore_mem>>)
      %dma_wait3A_287 = arith.constant 0 : i32
      %dma_wait3A_288 = arith.constant 0 : i32
      %dma_wait3A_289 = tpu.memref_slice %arg8[%run_scoped3A_243, %dma_wait3A_287, %dma_wait3A_288] : memref<4x80x128xf32, #tpu.memory_space<vmem>> -> memref<1x80x128xf32, #tpu.memory_space<vmem>>
      %dma_wait3A_290 = tpu.memref_squeeze %dma_wait3A_289 : memref<1x80x128xf32, #tpu.memory_space<vmem>> -> memref<80x128xf32, #tpu.memory_space<vmem>>
      %dma_wait3A_291 = arith.constant 0 : i32
      %dma_wait3A_292 = tpu.memref_slice %arg9[%add3A_242, %dma_wait3A_291] : memref<10000x128xf32, #tpu.memory_space<vmem_shared>> -> memref<80x128xf32, #tpu.memory_space<vmem_shared>>
      %dma_wait3A_293 = arith.constant 0 : i32
      %dma_wait3A_294 = tpu.memref_slice %arg9[%add3A_242, %dma_wait3A_293] : memref<10000x128xf32, #tpu.memory_space<vmem_shared>> -> memref<80x128xf32, #tpu.memory_space<vmem_shared>>
      %dma_wait3A_295 = arith.constant 0 : i32
      %dma_wait3A_296 = arith.constant 0 : i32
      %dma_wait3A_297 = tpu.memref_slice %arg8[%run_scoped3A_243, %dma_wait3A_295, %dma_wait3A_296] : memref<4x80x128xf32, #tpu.memory_space<vmem>> -> memref<1x80x128xf32, #tpu.memory_space<vmem>>
      %dma_wait3A_298 = tpu.memref_squeeze %dma_wait3A_297 : memref<1x80x128xf32, #tpu.memory_space<vmem>> -> memref<80x128xf32, #tpu.memory_space<vmem>>
      tpu.wait_dma2 semaphore(%run_scoped3A_274 : memref<!tpu.dma_semaphore, #tpu.memory_space<semaphore_mem>>) src(%dma_wait3A_298 : memref<80x128xf32, #tpu.memory_space<vmem>>) dst(%dma_wait3A_294 : memref<80x128xf32, #tpu.memory_space<vmem_shared>>)
      tpu.yield
    }) : () -> ()
    %add3A_244 = arith.constant 240 : i32
    %add3A_245 = arith.addi %mul3A_235, %add3A_244 : i32
    %run_scoped3A_246 = arith.constant 3 : i32
    "tpu.region"() ({
      %run_scoped3A_274 = tpu.sem_alloc : memref<!tpu.dma_semaphore, #tpu.memory_space<semaphore_mem>>
      %dma_start3A_275 = arith.constant 0 : i32
      %dma_start3A_276 = arith.constant 0 : i32
      %dma_start3A_277 = tpu.memref_slice %arg8[%run_scoped3A_246, %dma_start3A_275, %dma_start3A_276] : memref<4x80x128xf32, #tpu.memory_space<vmem>> -> memref<1x80x128xf32, #tpu.memory_space<vmem>>
      %dma_start3A_278 = tpu.memref_squeeze %dma_start3A_277 : memref<1x80x128xf32, #tpu.memory_space<vmem>> -> memref<80x128xf32, #tpu.memory_space<vmem>>
      %dma_start3A_279 = arith.constant 0 : i32
      %dma_start3A_280 = tpu.memref_slice %arg9[%add3A_245, %dma_start3A_279] : memref<10000x128xf32, #tpu.memory_space<vmem_shared>> -> memref<80x128xf32, #tpu.memory_space<vmem_shared>>
      %dma_start3A_281 = arith.constant 0 : i32
      %dma_start3A_282 = tpu.memref_slice %arg9[%add3A_245, %dma_start3A_281] : memref<10000x128xf32, #tpu.memory_space<vmem_shared>> -> memref<80x128xf32, #tpu.memory_space<vmem_shared>>
      %dma_start3A_283 = arith.constant 0 : i32
      %dma_start3A_284 = arith.constant 0 : i32
      %dma_start3A_285 = tpu.memref_slice %arg8[%run_scoped3A_246, %dma_start3A_283, %dma_start3A_284] : memref<4x80x128xf32, #tpu.memory_space<vmem>> -> memref<1x80x128xf32, #tpu.memory_space<vmem>>
      %dma_start3A_286 = tpu.memref_squeeze %dma_start3A_285 : memref<1x80x128xf32, #tpu.memory_space<vmem>> -> memref<80x128xf32, #tpu.memory_space<vmem>>
      tpu.enqueue_dma source(%dma_start3A_286 : memref<80x128xf32, #tpu.memory_space<vmem>>) target(%dma_start3A_282 : memref<80x128xf32, #tpu.memory_space<vmem_shared>>) target_semaphore(%run_scoped3A_274 : memref<!tpu.dma_semaphore, #tpu.memory_space<semaphore_mem>>)
      %dma_wait3A_287 = arith.constant 0 : i32
      %dma_wait3A_288 = arith.constant 0 : i32
      %dma_wait3A_289 = tpu.memref_slice %arg8[%run_scoped3A_246, %dma_wait3A_287, %dma_wait3A_288] : memref<4x80x128xf32, #tpu.memory_space<vmem>> -> memref<1x80x128xf32, #tpu.memory_space<vmem>>
      %dma_wait3A_290 = tpu.memref_squeeze %dma_wait3A_289 : memref<1x80x128xf32, #tpu.memory_space<vmem>> -> memref<80x128xf32, #tpu.memory_space<vmem>>
      %dma_wait3A_291 = arith.constant 0 : i32
      %dma_wait3A_292 = tpu.memref_slice %arg9[%add3A_245, %dma_wait3A_291] : memref<10000x128xf32, #tpu.memory_space<vmem_shared>> -> memref<80x128xf32, #tpu.memory_space<vmem_shared>>
      %dma_wait3A_293 = arith.constant 0 : i32
      %dma_wait3A_294 = tpu.memref_slice %arg9[%add3A_245, %dma_wait3A_293] : memref<10000x128xf32, #tpu.memory_space<vmem_shared>> -> memref<80x128xf32, #tpu.memory_space<vmem_shared>>
      %dma_wait3A_295 = arith.constant 0 : i32
      %dma_wait3A_296 = arith.constant 0 : i32
      %dma_wait3A_297 = tpu.memref_slice %arg8[%run_scoped3A_246, %dma_wait3A_295, %dma_wait3A_296] : memref<4x80x128xf32, #tpu.memory_space<vmem>> -> memref<1x80x128xf32, #tpu.memory_space<vmem>>
      %dma_wait3A_298 = tpu.memref_squeeze %dma_wait3A_297 : memref<1x80x128xf32, #tpu.memory_space<vmem>> -> memref<80x128xf32, #tpu.memory_space<vmem>>
      tpu.wait_dma2 semaphore(%run_scoped3A_274 : memref<!tpu.dma_semaphore, #tpu.memory_space<semaphore_mem>>) src(%dma_wait3A_298 : memref<80x128xf32, #tpu.memory_space<vmem>>) dst(%dma_wait3A_294 : memref<80x128xf32, #tpu.memory_space<vmem_shared>>)
      tpu.yield
    }) : () -> ()
    %add3A_247 = arith.constant 320 : i32
    %add3A_248 = arith.addi %mul3A_235, %add3A_247 : i32
    %run_scoped3A_249 = arith.constant 3 : i32
    "tpu.region"() ({
      %run_scoped3A_274 = tpu.sem_alloc : memref<!tpu.dma_semaphore, #tpu.memory_space<semaphore_mem>>
      %dma_start3A_275 = arith.constant 0 : i32
      %dma_start3A_276 = arith.constant 0 : i32
      %dma_start3A_277 = tpu.memref_slice %arg8[%run_scoped3A_249, %dma_start3A_275, %dma_start3A_276] : memref<4x80x128xf32, #tpu.memory_space<vmem>> -> memref<1x80x128xf32, #tpu.memory_space<vmem>>
      %dma_start3A_278 = tpu.memref_squeeze %dma_start3A_277 : memref<1x80x128xf32, #tpu.memory_space<vmem>> -> memref<80x128xf32, #tpu.memory_space<vmem>>
      %dma_start3A_279 = arith.constant 0 : i32
      %dma_start3A_280 = tpu.memref_slice %arg9[%add3A_248, %dma_start3A_279] : memref<10000x128xf32, #tpu.memory_space<vmem_shared>> -> memref<80x128xf32, #tpu.memory_space<vmem_shared>>
      %dma_start3A_281 = arith.constant 0 : i32
      %dma_start3A_282 = tpu.memref_slice %arg9[%add3A_248, %dma_start3A_281] : memref<10000x128xf32, #tpu.memory_space<vmem_shared>> -> memref<80x128xf32, #tpu.memory_space<vmem_shared>>
      %dma_start3A_283 = arith.constant 0 : i32
      %dma_start3A_284 = arith.constant 0 : i32
      %dma_start3A_285 = tpu.memref_slice %arg8[%run_scoped3A_249, %dma_start3A_283, %dma_start3A_284] : memref<4x80x128xf32, #tpu.memory_space<vmem>> -> memref<1x80x128xf32, #tpu.memory_space<vmem>>
      %dma_start3A_286 = tpu.memref_squeeze %dma_start3A_285 : memref<1x80x128xf32, #tpu.memory_space<vmem>> -> memref<80x128xf32, #tpu.memory_space<vmem>>
      tpu.enqueue_dma source(%dma_start3A_286 : memref<80x128xf32, #tpu.memory_space<vmem>>) target(%dma_start3A_282 : memref<80x128xf32, #tpu.memory_space<vmem_shared>>) target_semaphore(%run_scoped3A_274 : memref<!tpu.dma_semaphore, #tpu.memory_space<semaphore_mem>>)
      %dma_wait3A_287 = arith.constant 0 : i32
      %dma_wait3A_288 = arith.constant 0 : i32
      %dma_wait3A_289 = tpu.memref_slice %arg8[%run_scoped3A_249, %dma_wait3A_287, %dma_wait3A_288] : memref<4x80x128xf32, #tpu.memory_space<vmem>> -> memref<1x80x128xf32, #tpu.memory_space<vmem>>
      %dma_wait3A_290 = tpu.memref_squeeze %dma_wait3A_289 : memref<1x80x128xf32, #tpu.memory_space<vmem>> -> memref<80x128xf32, #tpu.memory_space<vmem>>
      %dma_wait3A_291 = arith.constant 0 : i32
      %dma_wait3A_292 = tpu.memref_slice %arg9[%add3A_248, %dma_wait3A_291] : memref<10000x128xf32, #tpu.memory_space<vmem_shared>> -> memref<80x128xf32, #tpu.memory_space<vmem_shared>>
      %dma_wait3A_293 = arith.constant 0 : i32
      %dma_wait3A_294 = tpu.memref_slice %arg9[%add3A_248, %dma_wait3A_293] : memref<10000x128xf32, #tpu.memory_space<vmem_shared>> -> memref<80x128xf32, #tpu.memory_space<vmem_shared>>
      %dma_wait3A_295 = arith.constant 0 : i32
      %dma_wait3A_296 = arith.constant 0 : i32
      %dma_wait3A_297 = tpu.memref_slice %arg8[%run_scoped3A_249, %dma_wait3A_295, %dma_wait3A_296] : memref<4x80x128xf32, #tpu.memory_space<vmem>> -> memref<1x80x128xf32, #tpu.memory_space<vmem>>
      %dma_wait3A_298 = tpu.memref_squeeze %dma_wait3A_297 : memref<1x80x128xf32, #tpu.memory_space<vmem>> -> memref<80x128xf32, #tpu.memory_space<vmem>>
      tpu.wait_dma2 semaphore(%run_scoped3A_274 : memref<!tpu.dma_semaphore, #tpu.memory_space<semaphore_mem>>) src(%dma_wait3A_298 : memref<80x128xf32, #tpu.memory_space<vmem>>) dst(%dma_wait3A_294 : memref<80x128xf32, #tpu.memory_space<vmem_shared>>)
      tpu.yield
    }) : () -> ()
    %add3A_250 = arith.constant 400 : i32
    %add3A_251 = arith.addi %mul3A_235, %add3A_250 : i32
    %run_scoped3A_252 = arith.constant 3 : i32
    "tpu.region"() ({
      %run_scoped3A_274 = tpu.sem_alloc : memref<!tpu.dma_semaphore, #tpu.memory_space<semaphore_mem>>
      %dma_start3A_275 = arith.constant 0 : i32
      %dma_start3A_276 = arith.constant 0 : i32
      %dma_start3A_277 = tpu.memref_slice %arg8[%run_scoped3A_252, %dma_start3A_275, %dma_start3A_276] : memref<4x80x128xf32, #tpu.memory_space<vmem>> -> memref<1x80x128xf32, #tpu.memory_space<vmem>>
      %dma_start3A_278 = tpu.memref_squeeze %dma_start3A_277 : memref<1x80x128xf32, #tpu.memory_space<vmem>> -> memref<80x128xf32, #tpu.memory_space<vmem>>
      %dma_start3A_279 = arith.constant 0 : i32
      %dma_start3A_280 = tpu.memref_slice %arg9[%add3A_251, %dma_start3A_279] : memref<10000x128xf32, #tpu.memory_space<vmem_shared>> -> memref<80x128xf32, #tpu.memory_space<vmem_shared>>
      %dma_start3A_281 = arith.constant 0 : i32
      %dma_start3A_282 = tpu.memref_slice %arg9[%add3A_251, %dma_start3A_281] : memref<10000x128xf32, #tpu.memory_space<vmem_shared>> -> memref<80x128xf32, #tpu.memory_space<vmem_shared>>
      %dma_start3A_283 = arith.constant 0 : i32
      %dma_start3A_284 = arith.constant 0 : i32
      %dma_start3A_285 = tpu.memref_slice %arg8[%run_scoped3A_252, %dma_start3A_283, %dma_start3A_284] : memref<4x80x128xf32, #tpu.memory_space<vmem>> -> memref<1x80x128xf32, #tpu.memory_space<vmem>>
      %dma_start3A_286 = tpu.memref_squeeze %dma_start3A_285 : memref<1x80x128xf32, #tpu.memory_space<vmem>> -> memref<80x128xf32, #tpu.memory_space<vmem>>
      tpu.enqueue_dma source(%dma_start3A_286 : memref<80x128xf32, #tpu.memory_space<vmem>>) target(%dma_start3A_282 : memref<80x128xf32, #tpu.memory_space<vmem_shared>>) target_semaphore(%run_scoped3A_274 : memref<!tpu.dma_semaphore, #tpu.memory_space<semaphore_mem>>)
      %dma_wait3A_287 = arith.constant 0 : i32
      %dma_wait3A_288 = arith.constant 0 : i32
      %dma_wait3A_289 = tpu.memref_slice %arg8[%run_scoped3A_252, %dma_wait3A_287, %dma_wait3A_288] : memref<4x80x128xf32, #tpu.memory_space<vmem>> -> memref<1x80x128xf32, #tpu.memory_space<vmem>>
      %dma_wait3A_290 = tpu.memref_squeeze %dma_wait3A_289 : memref<1x80x128xf32, #tpu.memory_space<vmem>> -> memref<80x128xf32, #tpu.memory_space<vmem>>
      %dma_wait3A_291 = arith.constant 0 : i32
      %dma_wait3A_292 = tpu.memref_slice %arg9[%add3A_251, %dma_wait3A_291] : memref<10000x128xf32, #tpu.memory_space<vmem_shared>> -> memref<80x128xf32, #tpu.memory_space<vmem_shared>>
      %dma_wait3A_293 = arith.constant 0 : i32
      %dma_wait3A_294 = tpu.memref_slice %arg9[%add3A_251, %dma_wait3A_293] : memref<10000x128xf32, #tpu.memory_space<vmem_shared>> -> memref<80x128xf32, #tpu.memory_space<vmem_shared>>
      %dma_wait3A_295 = arith.constant 0 : i32
      %dma_wait3A_296 = arith.constant 0 : i32
      %dma_wait3A_297 = tpu.memref_slice %arg8[%run_scoped3A_252, %dma_wait3A_295, %dma_wait3A_296] : memref<4x80x128xf32, #tpu.memory_space<vmem>> -> memref<1x80x128xf32, #tpu.memory_space<vmem>>
      %dma_wait3A_298 = tpu.memref_squeeze %dma_wait3A_297 : memref<1x80x128xf32, #tpu.memory_space<vmem>> -> memref<80x128xf32, #tpu.memory_space<vmem>>
      tpu.wait_dma2 semaphore(%run_scoped3A_274 : memref<!tpu.dma_semaphore, #tpu.memory_space<semaphore_mem>>) src(%dma_wait3A_298 : memref<80x128xf32, #tpu.memory_space<vmem>>) dst(%dma_wait3A_294 : memref<80x128xf32, #tpu.memory_space<vmem_shared>>)
      tpu.yield
    }) : () -> ()
    %add3A_253 = arith.constant 480 : i32
    %add3A_254 = arith.addi %mul3A_235, %add3A_253 : i32
    %run_scoped3A_255 = arith.constant 3 : i32
    "tpu.region"() ({
      %run_scoped3A_274 = tpu.sem_alloc : memref<!tpu.dma_semaphore, #tpu.memory_space<semaphore_mem>>
      %dma_start3A_275 = arith.constant 0 : i32
      %dma_start3A_276 = arith.constant 0 : i32
      %dma_start3A_277 = tpu.memref_slice %arg8[%run_scoped3A_255, %dma_start3A_275, %dma_start3A_276] : memref<4x80x128xf32, #tpu.memory_space<vmem>> -> memref<1x80x128xf32, #tpu.memory_space<vmem>>
      %dma_start3A_278 = tpu.memref_squeeze %dma_start3A_277 : memref<1x80x128xf32, #tpu.memory_space<vmem>> -> memref<80x128xf32, #tpu.memory_space<vmem>>
      %dma_start3A_279 = arith.constant 0 : i32
      %dma_start3A_280 = tpu.memref_slice %arg9[%add3A_254, %dma_start3A_279] : memref<10000x128xf32, #tpu.memory_space<vmem_shared>> -> memref<80x128xf32, #tpu.memory_space<vmem_shared>>
      %dma_start3A_281 = arith.constant 0 : i32
      %dma_start3A_282 = tpu.memref_slice %arg9[%add3A_254, %dma_start3A_281] : memref<10000x128xf32, #tpu.memory_space<vmem_shared>> -> memref<80x128xf32, #tpu.memory_space<vmem_shared>>
      %dma_start3A_283 = arith.constant 0 : i32
      %dma_start3A_284 = arith.constant 0 : i32
      %dma_start3A_285 = tpu.memref_slice %arg8[%run_scoped3A_255, %dma_start3A_283, %dma_start3A_284] : memref<4x80x128xf32, #tpu.memory_space<vmem>> -> memref<1x80x128xf32, #tpu.memory_space<vmem>>
      %dma_start3A_286 = tpu.memref_squeeze %dma_start3A_285 : memref<1x80x128xf32, #tpu.memory_space<vmem>> -> memref<80x128xf32, #tpu.memory_space<vmem>>
      tpu.enqueue_dma source(%dma_start3A_286 : memref<80x128xf32, #tpu.memory_space<vmem>>) target(%dma_start3A_282 : memref<80x128xf32, #tpu.memory_space<vmem_shared>>) target_semaphore(%run_scoped3A_274 : memref<!tpu.dma_semaphore, #tpu.memory_space<semaphore_mem>>)
      %dma_wait3A_287 = arith.constant 0 : i32
      %dma_wait3A_288 = arith.constant 0 : i32
      %dma_wait3A_289 = tpu.memref_slice %arg8[%run_scoped3A_255, %dma_wait3A_287, %dma_wait3A_288] : memref<4x80x128xf32, #tpu.memory_space<vmem>> -> memref<1x80x128xf32, #tpu.memory_space<vmem>>
      %dma_wait3A_290 = tpu.memref_squeeze %dma_wait3A_289 : memref<1x80x128xf32, #tpu.memory_space<vmem>> -> memref<80x128xf32, #tpu.memory_space<vmem>>
      %dma_wait3A_291 = arith.constant 0 : i32
      %dma_wait3A_292 = tpu.memref_slice %arg9[%add3A_254, %dma_wait3A_291] : memref<10000x128xf32, #tpu.memory_space<vmem_shared>> -> memref<80x128xf32, #tpu.memory_space<vmem_shared>>
      %dma_wait3A_293 = arith.constant 0 : i32
      %dma_wait3A_294 = tpu.memref_slice %arg9[%add3A_254, %dma_wait3A_293] : memref<10000x128xf32, #tpu.memory_space<vmem_shared>> -> memref<80x128xf32, #tpu.memory_space<vmem_shared>>
      %dma_wait3A_295 = arith.constant 0 : i32
      %dma_wait3A_296 = arith.constant 0 : i32
      %dma_wait3A_297 = tpu.memref_slice %arg8[%run_scoped3A_255, %dma_wait3A_295, %dma_wait3A_296] : memref<4x80x128xf32, #tpu.memory_space<vmem>> -> memref<1x80x128xf32, #tpu.memory_space<vmem>>
      %dma_wait3A_298 = tpu.memref_squeeze %dma_wait3A_297 : memref<1x80x128xf32, #tpu.memory_space<vmem>> -> memref<80x128xf32, #tpu.memory_space<vmem>>
      tpu.wait_dma2 semaphore(%run_scoped3A_274 : memref<!tpu.dma_semaphore, #tpu.memory_space<semaphore_mem>>) src(%dma_wait3A_298 : memref<80x128xf32, #tpu.memory_space<vmem>>) dst(%dma_wait3A_294 : memref<80x128xf32, #tpu.memory_space<vmem_shared>>)
      tpu.yield
    }) : () -> ()
    %add3A_256 = arith.constant 560 : i32
    %add3A_257 = arith.addi %mul3A_235, %add3A_256 : i32
    %run_scoped3A_258 = arith.constant 3 : i32
    "tpu.region"() ({
      %run_scoped3A_274 = tpu.sem_alloc : memref<!tpu.dma_semaphore, #tpu.memory_space<semaphore_mem>>
      %dma_start3A_275 = arith.constant 0 : i32
      %dma_start3A_276 = arith.constant 0 : i32
      %dma_start3A_277 = tpu.memref_slice %arg8[%run_scoped3A_258, %dma_start3A_275, %dma_start3A_276] : memref<4x80x128xf32, #tpu.memory_space<vmem>> -> memref<1x80x128xf32, #tpu.memory_space<vmem>>
      %dma_start3A_278 = tpu.memref_squeeze %dma_start3A_277 : memref<1x80x128xf32, #tpu.memory_space<vmem>> -> memref<80x128xf32, #tpu.memory_space<vmem>>
      %dma_start3A_279 = arith.constant 0 : i32
      %dma_start3A_280 = arith.constant 0 : i32
      %dma_start3A_281 = tpu.memref_slice %dma_start3A_278[%dma_start3A_279, %dma_start3A_280] : memref<80x128xf32, #tpu.memory_space<vmem>> -> memref<64x128xf32, #tpu.memory_space<vmem>>
      %dma_start3A_282 = arith.constant 0 : i32
      %dma_start3A_283 = tpu.memref_slice %arg9[%add3A_257, %dma_start3A_282] : memref<10000x128xf32, #tpu.memory_space<vmem_shared>> -> memref<64x128xf32, #tpu.memory_space<vmem_shared>>
      %dma_start3A_284 = arith.constant 0 : i32
      %dma_start3A_285 = tpu.memref_slice %arg9[%add3A_257, %dma_start3A_284] : memref<10000x128xf32, #tpu.memory_space<vmem_shared>> -> memref<64x128xf32, #tpu.memory_space<vmem_shared>>
      %dma_start3A_286 = arith.constant 0 : i32
      %dma_start3A_287 = arith.constant 0 : i32
      %dma_start3A_288 = tpu.memref_slice %arg8[%run_scoped3A_258, %dma_start3A_286, %dma_start3A_287] : memref<4x80x128xf32, #tpu.memory_space<vmem>> -> memref<1x80x128xf32, #tpu.memory_space<vmem>>
      %dma_start3A_289 = tpu.memref_squeeze %dma_start3A_288 : memref<1x80x128xf32, #tpu.memory_space<vmem>> -> memref<80x128xf32, #tpu.memory_space<vmem>>
      %dma_start3A_290 = arith.constant 0 : i32
      %dma_start3A_291 = arith.constant 0 : i32
      %dma_start3A_292 = tpu.memref_slice %dma_start3A_289[%dma_start3A_290, %dma_start3A_291] : memref<80x128xf32, #tpu.memory_space<vmem>> -> memref<64x128xf32, #tpu.memory_space<vmem>>
      tpu.enqueue_dma source(%dma_start3A_292 : memref<64x128xf32, #tpu.memory_space<vmem>>) target(%dma_start3A_285 : memref<64x128xf32, #tpu.memory_space<vmem_shared>>) target_semaphore(%run_scoped3A_274 : memref<!tpu.dma_semaphore, #tpu.memory_space<semaphore_mem>>)
      %dma_wait3A_293 = arith.constant 0 : i32
      %dma_wait3A_294 = arith.constant 0 : i32
      %dma_wait3A_295 = tpu.memref_slice %arg8[%run_scoped3A_258, %dma_wait3A_293, %dma_wait3A_294] : memref<4x80x128xf32, #tpu.memory_space<vmem>> -> memref<1x80x128xf32, #tpu.memory_space<vmem>>
      %dma_wait3A_296 = tpu.memref_squeeze %dma_wait3A_295 : memref<1x80x128xf32, #tpu.memory_space<vmem>> -> memref<80x128xf32, #tpu.memory_space<vmem>>
      %dma_wait3A_297 = arith.constant 0 : i32
      %dma_wait3A_298 = arith.constant 0 : i32
      %dma_wait3A_299 = tpu.memref_slice %dma_wait3A_296[%dma_wait3A_297, %dma_wait3A_298] : memref<80x128xf32, #tpu.memory_space<vmem>> -> memref<64x128xf32, #tpu.memory_space<vmem>>
      %dma_wait3A_300 = arith.constant 0 : i32
      %dma_wait3A_301 = tpu.memref_slice %arg9[%add3A_257, %dma_wait3A_300] : memref<10000x128xf32, #tpu.memory_space<vmem_shared>> -> memref<64x128xf32, #tpu.memory_space<vmem_shared>>
      %dma_wait3A_302 = arith.constant 0 : i32
      %dma_wait3A_303 = tpu.memref_slice %arg9[%add3A_257, %dma_wait3A_302] : memref<10000x128xf32, #tpu.memory_space<vmem_shared>> -> memref<64x128xf32, #tpu.memory_space<vmem_shared>>
      %dma_wait3A_304 = arith.constant 0 : i32
      %dma_wait3A_305 = arith.constant 0 : i32
      %dma_wait3A_306 = tpu.memref_slice %arg8[%run_scoped3A_258, %dma_wait3A_304, %dma_wait3A_305] : memref<4x80x128xf32, #tpu.memory_space<vmem>> -> memref<1x80x128xf32, #tpu.memory_space<vmem>>
      %dma_wait3A_307 = tpu.memref_squeeze %dma_wait3A_306 : memref<1x80x128xf32, #tpu.memory_space<vmem>> -> memref<80x128xf32, #tpu.memory_space<vmem>>
      %dma_wait3A_308 = arith.constant 0 : i32
      %dma_wait3A_309 = arith.constant 0 : i32
      %dma_wait3A_310 = tpu.memref_slice %dma_wait3A_307[%dma_wait3A_308, %dma_wait3A_309] : memref<80x128xf32, #tpu.memory_space<vmem>> -> memref<64x128xf32, #tpu.memory_space<vmem>>
      tpu.wait_dma2 semaphore(%run_scoped3A_274 : memref<!tpu.dma_semaphore, #tpu.memory_space<semaphore_mem>>) src(%dma_wait3A_310 : memref<64x128xf32, #tpu.memory_space<vmem>>) dst(%dma_wait3A_303 : memref<64x128xf32, #tpu.memory_space<vmem_shared>>)
      tpu.yield
    }) : () -> ()
    %eq3A = arith.constant 0 : i32
    %eq3A_259 = arith.cmpi eq, %arg1, %eq3A : i32
    %convert_element_type3A = arith.extui %eq3A_259 : i1 to i32
    %cond3A = arith.constant 3 : i32
    %cond3A_260 = arith.constant 0 : i32
    %cond3A_261 = arith.cmpi ne, %convert_element_type3A, %cond3A_260 : i32
    scf.if %cond3A_261 {
      "tpu.region"() ({
        %run_scoped3A_274 = tpu.sem_alloc : memref<!tpu.dma_semaphore, #tpu.memory_space<semaphore_mem>>
        %dma_start3A_275 = arith.constant 0 : i32
        %dma_start3A_276 = arith.constant 0 : i32
        %dma_start3A_277 = tpu.memref_slice %arg8[%cond3A, %dma_start3A_275, %dma_start3A_276] : memref<4x80x128xf32, #tpu.memory_space<vmem>> -> memref<1x80x128xf32, #tpu.memory_space<vmem>>
        %dma_start3A_278 = tpu.memref_squeeze %dma_start3A_277 : memref<1x80x128xf32, #tpu.memory_space<vmem>> -> memref<80x128xf32, #tpu.memory_space<vmem>>
        %dma_start3A_279 = arith.constant 0 : i32
        %dma_start3A_280 = arith.constant 0 : i32
        %dma_start3A_281 = tpu.memref_slice %dma_start3A_278[%dma_start3A_279, %dma_start3A_280] : memref<80x128xf32, #tpu.memory_space<vmem>> -> memref<16x128xf32, #tpu.memory_space<vmem>>
        %dma_start3A_282 = arith.constant 9984 : i32
        %dma_start3A_283 = arith.constant 0 : i32
        %dma_start3A_284 = tpu.memref_slice %arg9[%dma_start3A_282, %dma_start3A_283] : memref<10000x128xf32, #tpu.memory_space<vmem_shared>> -> memref<16x128xf32, #tpu.memory_space<vmem_shared>>
        %dma_start3A_285 = arith.constant 9984 : i32
        %dma_start3A_286 = arith.constant 0 : i32
        %dma_start3A_287 = tpu.memref_slice %arg9[%dma_start3A_285, %dma_start3A_286] : memref<10000x128xf32, #tpu.memory_space<vmem_shared>> -> memref<16x128xf32, #tpu.memory_space<vmem_shared>>
        %dma_start3A_288 = arith.constant 0 : i32
        %dma_start3A_289 = arith.constant 0 : i32
        %dma_start3A_290 = tpu.memref_slice %arg8[%cond3A, %dma_start3A_288, %dma_start3A_289] : memref<4x80x128xf32, #tpu.memory_space<vmem>> -> memref<1x80x128xf32, #tpu.memory_space<vmem>>
        %dma_start3A_291 = tpu.memref_squeeze %dma_start3A_290 : memref<1x80x128xf32, #tpu.memory_space<vmem>> -> memref<80x128xf32, #tpu.memory_space<vmem>>
        %dma_start3A_292 = arith.constant 0 : i32
        %dma_start3A_293 = arith.constant 0 : i32
        %dma_start3A_294 = tpu.memref_slice %dma_start3A_291[%dma_start3A_292, %dma_start3A_293] : memref<80x128xf32, #tpu.memory_space<vmem>> -> memref<16x128xf32, #tpu.memory_space<vmem>>
        tpu.enqueue_dma source(%dma_start3A_294 : memref<16x128xf32, #tpu.memory_space<vmem>>) target(%dma_start3A_287 : memref<16x128xf32, #tpu.memory_space<vmem_shared>>) target_semaphore(%run_scoped3A_274 : memref<!tpu.dma_semaphore, #tpu.memory_space<semaphore_mem>>)
        %dma_wait3A_295 = arith.constant 0 : i32
        %dma_wait3A_296 = arith.constant 0 : i32
        %dma_wait3A_297 = tpu.memref_slice %arg8[%cond3A, %dma_wait3A_295, %dma_wait3A_296] : memref<4x80x128xf32, #tpu.memory_space<vmem>> -> memref<1x80x128xf32, #tpu.memory_space<vmem>>
        %dma_wait3A_298 = tpu.memref_squeeze %dma_wait3A_297 : memref<1x80x128xf32, #tpu.memory_space<vmem>> -> memref<80x128xf32, #tpu.memory_space<vmem>>
        %dma_wait3A_299 = arith.constant 0 : i32
        %dma_wait3A_300 = arith.constant 0 : i32
        %dma_wait3A_301 = tpu.memref_slice %dma_wait3A_298[%dma_wait3A_299, %dma_wait3A_300] : memref<80x128xf32, #tpu.memory_space<vmem>> -> memref<16x128xf32, #tpu.memory_space<vmem>>
        %dma_wait3A_302 = arith.constant 9984 : i32
        %dma_wait3A_303 = arith.constant 0 : i32
        %dma_wait3A_304 = tpu.memref_slice %arg9[%dma_wait3A_302, %dma_wait3A_303] : memref<10000x128xf32, #tpu.memory_space<vmem_shared>> -> memref<16x128xf32, #tpu.memory_space<vmem_shared>>
        %dma_wait3A_305 = arith.constant 9984 : i32
        %dma_wait3A_306 = arith.constant 0 : i32
        %dma_wait3A_307 = tpu.memref_slice %arg9[%dma_wait3A_305, %dma_wait3A_306] : memref<10000x128xf32, #tpu.memory_space<vmem_shared>> -> memref<16x128xf32, #tpu.memory_space<vmem_shared>>
        %dma_wait3A_308 = arith.constant 0 : i32
        %dma_wait3A_309 = arith.constant 0 : i32
        %dma_wait3A_310 = tpu.memref_slice %arg8[%cond3A, %dma_wait3A_308, %dma_wait3A_309] : memref<4x80x128xf32, #tpu.memory_space<vmem>> -> memref<1x80x128xf32, #tpu.memory_space<vmem>>
        %dma_wait3A_311 = tpu.memref_squeeze %dma_wait3A_310 : memref<1x80x128xf32, #tpu.memory_space<vmem>> -> memref<80x128xf32, #tpu.memory_space<vmem>>
        %dma_wait3A_312 = arith.constant 0 : i32
        %dma_wait3A_313 = arith.constant 0 : i32
        %dma_wait3A_314 = tpu.memref_slice %dma_wait3A_311[%dma_wait3A_312, %dma_wait3A_313] : memref<80x128xf32, #tpu.memory_space<vmem>> -> memref<16x128xf32, #tpu.memory_space<vmem>>
        tpu.wait_dma2 semaphore(%run_scoped3A_274 : memref<!tpu.dma_semaphore, #tpu.memory_space<semaphore_mem>>) src(%dma_wait3A_314 : memref<16x128xf32, #tpu.memory_space<vmem>>) dst(%dma_wait3A_307 : memref<16x128xf32, #tpu.memory_space<vmem_shared>>)
        tpu.yield
      }) : () -> ()
    } else {
    }
    %barrier3A = arith.constant 0 : index
    tpu.barrier barrier_id(%barrier3A)
    %scan3A_262 = arith.constant 0 : i32
    %scan3A_263 = arith.constant 0 : i32
    %scan3A_264 = arith.constant 33 : i32
    %scan3A_265 = arith.addi %scan3A_263, %scan3A_264 : i32
    %scan3A_266 = arith.constant 1 : i32
    scf.for %scan3A_274 = %scan3A_263 to %scan3A_265 step %scan3A_266  : i32 {
      %mul3A_275 = arith.constant 4 : i32
      %mul3A_276 = arith.muli %scan3A_274, %mul3A_275 : i32
      %add3A_277 = arith.constant 0 : i32
      %add3A_278 = arith.addi %mul3A_276, %add3A_277 : i32
      %sub3A = arith.constant 1 : i32
      %sub3A_279 = arith.subi %add3A_278, %sub3A : i32
      %sub3A_280 = arith.constant 3 : i32
      %sub3A_281 = arith.subi %add3A_278, %sub3A_280 : i32
      %ge3A = arith.constant 4 : i32
      %ge3A_282 = arith.cmpi sge, %add3A_278, %ge3A : i32
      %lt3A = arith.constant 125 : i32
      %lt3A_283 = arith.cmpi slt, %add3A_278, %lt3A : i32
      %and3A = arith.andi %ge3A_282, %lt3A_283 : i1
      %convert_element_type3A_284 = arith.extui %and3A : i1 to i32
      %cond3A_285 = arith.constant 0 : i32
      %cond3A_286 = arith.cmpi ne, %convert_element_type3A_284, %cond3A_285 : i32
      scf.if %cond3A_286 {
        %mul3A_399 = arith.constant 80 : i32
        %mul3A_400 = arith.muli %add3A_278, %mul3A_399 : i32
        %add3A_401 = arith.addi %mul3A_2, %mul3A_400 : i32
        %dma_start3A_402 = arith.constant 0 : i32
        %dma_start3A_403 = arith.constant 0 : i32
        %dma_start3A_404 = arith.constant 0 : i32
        %dma_start3A_405 = tpu.memref_slice %arg6[%dma_start3A_402, %dma_start3A_404] : memref<4x80xi32, #tpu.memory_space<vmem>> -> memref<1x80xi32, #tpu.memory_space<vmem>>
        %dma_start3A_406 = tpu.memref_squeeze %dma_start3A_405 : memref<1x80xi32, #tpu.memory_space<vmem>> -> memref<80xi32, #tpu.memory_space<vmem>>
        %dma_start3A_407 = tpu.memref_slice %arg3[%add3A_401] : memref<320000xi32, #tpu.memory_space<hbm>> -> memref<80xi32, #tpu.memory_space<hbm>>
        %dma_start3A_408 = tpu.memref_slice %arg10[%dma_start3A_403] : memref<4x!tpu.dma_semaphore, #tpu.memory_space<semaphore_mem>> -> memref<1x!tpu.dma_semaphore, #tpu.memory_space<semaphore_mem>>
        %dma_start3A_409 = tpu.memref_squeeze %dma_start3A_408 : memref<1x!tpu.dma_semaphore, #tpu.memory_space<semaphore_mem>> -> memref<!tpu.dma_semaphore, #tpu.memory_space<semaphore_mem>>
        %dma_start3A_410 = arith.constant 0 : i32
        %dma_start3A_411 = tpu.memref_slice %arg6[%dma_start3A_402, %dma_start3A_410] : memref<4x80xi32, #tpu.memory_space<vmem>> -> memref<1x80xi32, #tpu.memory_space<vmem>>
        %dma_start3A_412 = tpu.memref_squeeze %dma_start3A_411 : memref<1x80xi32, #tpu.memory_space<vmem>> -> memref<80xi32, #tpu.memory_space<vmem>>
        %dma_start3A_413 = tpu.memref_slice %arg3[%add3A_401] : memref<320000xi32, #tpu.memory_space<hbm>> -> memref<80xi32, #tpu.memory_space<hbm>>
        tpu.enqueue_dma source(%dma_start3A_413 : memref<80xi32, #tpu.memory_space<hbm>>) target(%dma_start3A_412 : memref<80xi32, #tpu.memory_space<vmem>>) target_semaphore(%dma_start3A_409 : memref<!tpu.dma_semaphore, #tpu.memory_space<semaphore_mem>>)
        %dma_start3A_414 = arith.constant 0 : i32
        %dma_start3A_415 = arith.constant 0 : i32
        %dma_start3A_416 = arith.constant 0 : i32
        %dma_start3A_417 = tpu.memref_slice %arg7[%dma_start3A_414, %dma_start3A_416] : memref<4x80xi32, #tpu.memory_space<vmem>> -> memref<1x80xi32, #tpu.memory_space<vmem>>
        %dma_start3A_418 = tpu.memref_squeeze %dma_start3A_417 : memref<1x80xi32, #tpu.memory_space<vmem>> -> memref<80xi32, #tpu.memory_space<vmem>>
        %dma_start3A_419 = tpu.memref_slice %arg4[%add3A_401] : memref<320000xi32, #tpu.memory_space<hbm>> -> memref<80xi32, #tpu.memory_space<hbm>>
        %dma_start3A_420 = tpu.memref_slice %arg10[%dma_start3A_415] : memref<4x!tpu.dma_semaphore, #tpu.memory_space<semaphore_mem>> -> memref<1x!tpu.dma_semaphore, #tpu.memory_space<semaphore_mem>>
        %dma_start3A_421 = tpu.memref_squeeze %dma_start3A_420 : memref<1x!tpu.dma_semaphore, #tpu.memory_space<semaphore_mem>> -> memref<!tpu.dma_semaphore, #tpu.memory_space<semaphore_mem>>
        %dma_start3A_422 = arith.constant 0 : i32
        %dma_start3A_423 = tpu.memref_slice %arg7[%dma_start3A_414, %dma_start3A_422] : memref<4x80xi32, #tpu.memory_space<vmem>> -> memref<1x80xi32, #tpu.memory_space<vmem>>
        %dma_start3A_424 = tpu.memref_squeeze %dma_start3A_423 : memref<1x80xi32, #tpu.memory_space<vmem>> -> memref<80xi32, #tpu.memory_space<vmem>>
        %dma_start3A_425 = tpu.memref_slice %arg4[%add3A_401] : memref<320000xi32, #tpu.memory_space<hbm>> -> memref<80xi32, #tpu.memory_space<hbm>>
        tpu.enqueue_dma source(%dma_start3A_425 : memref<80xi32, #tpu.memory_space<hbm>>) target(%dma_start3A_424 : memref<80xi32, #tpu.memory_space<vmem>>) target_semaphore(%dma_start3A_421 : memref<!tpu.dma_semaphore, #tpu.memory_space<semaphore_mem>>)
      } else {
      }
      %ge3A_287 = arith.constant 3 : i32
      %ge3A_288 = arith.cmpi sge, %sub3A_279, %ge3A_287 : i32
      %lt3A_289 = arith.constant 125 : i32
      %lt3A_290 = arith.cmpi slt, %sub3A_279, %lt3A_289 : i32
      %and3A_291 = arith.andi %ge3A_288, %lt3A_290 : i1
      %convert_element_type3A_292 = arith.extui %and3A_291 : i1 to i32
      %cond3A_293 = arith.constant 0 : i32
      %cond3A_294 = arith.cmpi ne, %convert_element_type3A_292, %cond3A_293 : i32
      scf.if %cond3A_294 {
        %mul3A_399 = arith.constant 80 : i32
        %mul3A_400 = arith.muli %sub3A_279, %mul3A_399 : i32
        %add3A_401 = arith.addi %mul3A_2, %mul3A_400 : i32
        %dma_wait3A_402 = arith.constant 3 : i32
        %dma_wait3A_403 = arith.constant 3 : i32
        %dma_wait3A_404 = arith.constant 0 : i32
        %dma_wait3A_405 = tpu.memref_slice %arg6[%dma_wait3A_402, %dma_wait3A_404] : memref<4x80xi32, #tpu.memory_space<vmem>> -> memref<1x80xi32, #tpu.memory_space<vmem>>
        %dma_wait3A_406 = tpu.memref_squeeze %dma_wait3A_405 : memref<1x80xi32, #tpu.memory_space<vmem>> -> memref<80xi32, #tpu.memory_space<vmem>>
        %dma_wait3A_407 = tpu.memref_slice %arg3[%add3A_401] : memref<320000xi32, #tpu.memory_space<hbm>> -> memref<80xi32, #tpu.memory_space<hbm>>
        %dma_wait3A_408 = tpu.memref_slice %arg10[%dma_wait3A_403] : memref<4x!tpu.dma_semaphore, #tpu.memory_space<semaphore_mem>> -> memref<1x!tpu.dma_semaphore, #tpu.memory_space<semaphore_mem>>
        %dma_wait3A_409 = tpu.memref_squeeze %dma_wait3A_408 : memref<1x!tpu.dma_semaphore, #tpu.memory_space<semaphore_mem>> -> memref<!tpu.dma_semaphore, #tpu.memory_space<semaphore_mem>>
        %dma_wait3A_410 = arith.constant 0 : i32
        %dma_wait3A_411 = tpu.memref_slice %arg6[%dma_wait3A_402, %dma_wait3A_410] : memref<4x80xi32, #tpu.memory_space<vmem>> -> memref<1x80xi32, #tpu.memory_space<vmem>>
        %dma_wait3A_412 = tpu.memref_squeeze %dma_wait3A_411 : memref<1x80xi32, #tpu.memory_space<vmem>> -> memref<80xi32, #tpu.memory_space<vmem>>
        %dma_wait3A_413 = tpu.memref_slice %arg3[%add3A_401] : memref<320000xi32, #tpu.memory_space<hbm>> -> memref<80xi32, #tpu.memory_space<hbm>>
        tpu.wait_dma2 semaphore(%dma_wait3A_409 : memref<!tpu.dma_semaphore, #tpu.memory_space<semaphore_mem>>) src(%dma_wait3A_413 : memref<80xi32, #tpu.memory_space<hbm>>) dst(%dma_wait3A_412 : memref<80xi32, #tpu.memory_space<vmem>>)
        %dma_wait3A_414 = arith.constant 3 : i32
        %dma_wait3A_415 = arith.constant 3 : i32
        %dma_wait3A_416 = arith.constant 0 : i32
        %dma_wait3A_417 = tpu.memref_slice %arg7[%dma_wait3A_414, %dma_wait3A_416] : memref<4x80xi32, #tpu.memory_space<vmem>> -> memref<1x80xi32, #tpu.memory_space<vmem>>
        %dma_wait3A_418 = tpu.memref_squeeze %dma_wait3A_417 : memref<1x80xi32, #tpu.memory_space<vmem>> -> memref<80xi32, #tpu.memory_space<vmem>>
        %dma_wait3A_419 = tpu.memref_slice %arg4[%add3A_401] : memref<320000xi32, #tpu.memory_space<hbm>> -> memref<80xi32, #tpu.memory_space<hbm>>
        %dma_wait3A_420 = tpu.memref_slice %arg10[%dma_wait3A_415] : memref<4x!tpu.dma_semaphore, #tpu.memory_space<semaphore_mem>> -> memref<1x!tpu.dma_semaphore, #tpu.memory_space<semaphore_mem>>
        %dma_wait3A_421 = tpu.memref_squeeze %dma_wait3A_420 : memref<1x!tpu.dma_semaphore, #tpu.memory_space<semaphore_mem>> -> memref<!tpu.dma_semaphore, #tpu.memory_space<semaphore_mem>>
        %dma_wait3A_422 = arith.constant 0 : i32
        %dma_wait3A_423 = tpu.memref_slice %arg7[%dma_wait3A_414, %dma_wait3A_422] : memref<4x80xi32, #tpu.memory_space<vmem>> -> memref<1x80xi32, #tpu.memory_space<vmem>>
        %dma_wait3A_424 = tpu.memref_squeeze %dma_wait3A_423 : memref<1x80xi32, #tpu.memory_space<vmem>> -> memref<80xi32, #tpu.memory_space<vmem>>
        %dma_wait3A_425 = tpu.memref_slice %arg4[%add3A_401] : memref<320000xi32, #tpu.memory_space<hbm>> -> memref<80xi32, #tpu.memory_space<hbm>>
        tpu.wait_dma2 semaphore(%dma_wait3A_421 : memref<!tpu.dma_semaphore, #tpu.memory_space<semaphore_mem>>) src(%dma_wait3A_425 : memref<80xi32, #tpu.memory_space<hbm>>) dst(%dma_wait3A_424 : memref<80xi32, #tpu.memory_space<vmem>>)
        %dma_start3A_426 = arith.constant 3 : i32
        %dma_start3A_427 = arith.constant 3 : i32
        %dma_start3A_428 = arith.constant 3 : i32
        %dma_start3A_429 = arith.constant 0 : i32
        %dma_start3A_430 = arith.constant 0 : i32
        %dma_start3A_431 = tpu.memref_slice %arg8[%dma_start3A_427, %dma_start3A_429, %dma_start3A_430] : memref<4x80x128xf32, #tpu.memory_space<vmem>> -> memref<1x80x128xf32, #tpu.memory_space<vmem>>
        %dma_start3A_432 = tpu.memref_squeeze %dma_start3A_431 : memref<1x80x128xf32, #tpu.memory_space<vmem>> -> memref<80x128xf32, #tpu.memory_space<vmem>>
        %dma_start3A_433 = arith.constant 0 : i32
        %dma_start3A_434 = tpu.memref_slice %arg6[%dma_start3A_426, %dma_start3A_433] : memref<4x80xi32, #tpu.memory_space<vmem>> -> memref<1x80xi32, #tpu.memory_space<vmem>>
        %dma_start3A_435 = tpu.memref_squeeze %dma_start3A_434 : memref<1x80xi32, #tpu.memory_space<vmem>> -> memref<80xi32, #tpu.memory_space<vmem>>
        %dma_start3A_436 = arith.constant 0 : i32
        %dma_start3A_437 = arith.constant 0 : i32
        %dma_start3A_438 = tpu.memref_slice %arg2[%dma_start3A_436, %dma_start3A_437] : memref<10000x128xf32, #tpu.memory_space<hbm>> -> memref<10000x128xf32, #tpu.memory_space<hbm>>
        %dma_start3A_439 = tpu.memref_slice %arg11[%dma_start3A_428] : memref<4x!tpu.dma_semaphore, #tpu.memory_space<semaphore_mem>> -> memref<1x!tpu.dma_semaphore, #tpu.memory_space<semaphore_mem>>
        %dma_start3A_440 = tpu.memref_squeeze %dma_start3A_439 : memref<1x!tpu.dma_semaphore, #tpu.memory_space<semaphore_mem>> -> memref<!tpu.dma_semaphore, #tpu.memory_space<semaphore_mem>>
        tpu.enqueue_indirect_dma source(%dma_start3A_438 : memref<10000x128xf32, #tpu.memory_space<hbm>>) target(%dma_start3A_432 : memref<80x128xf32, #tpu.memory_space<vmem>>) offsets(%dma_start3A_435 : memref<80xi32, #tpu.memory_space<vmem>>) semaphore(%dma_start3A_440 : memref<!tpu.dma_semaphore, #tpu.memory_space<semaphore_mem>>)
      } else {
      }
      %ge3A_295 = arith.constant 0 : i32
      %ge3A_296 = arith.cmpi sge, %sub3A_281, %ge3A_295 : i32
      %lt3A_297 = arith.constant 125 : i32
      %lt3A_298 = arith.cmpi slt, %sub3A_281, %lt3A_297 : i32
      %and3A_299 = arith.andi %ge3A_296, %lt3A_298 : i1
      %convert_element_type3A_300 = arith.extui %and3A_299 : i1 to i32
      %cond3A_301 = arith.constant 0 : i32
      %cond3A_302 = arith.cmpi ne, %convert_element_type3A_300, %cond3A_301 : i32
      scf.if %cond3A_302 {
        %dma_wait3A_399 = arith.constant 1 : i32
        %dma_wait3A_400 = arith.constant 1 : i32
        %dma_wait3A_401 = arith.constant 1 : i32
        %dma_wait3A_402 = arith.constant 0 : i32
        %dma_wait3A_403 = arith.constant 0 : i32
        %dma_wait3A_404 = tpu.memref_slice %arg8[%dma_wait3A_400, %dma_wait3A_402, %dma_wait3A_403] : memref<4x80x128xf32, #tpu.memory_space<vmem>> -> memref<1x80x128xf32, #tpu.memory_space<vmem>>
        %dma_wait3A_405 = tpu.memref_squeeze %dma_wait3A_404 : memref<1x80x128xf32, #tpu.memory_space<vmem>> -> memref<80x128xf32, #tpu.memory_space<vmem>>
        %dma_wait3A_406 = arith.constant 0 : i32
        %dma_wait3A_407 = tpu.memref_slice %arg6[%dma_wait3A_399, %dma_wait3A_406] : memref<4x80xi32, #tpu.memory_space<vmem>> -> memref<1x80xi32, #tpu.memory_space<vmem>>
        %dma_wait3A_408 = tpu.memref_squeeze %dma_wait3A_407 : memref<1x80xi32, #tpu.memory_space<vmem>> -> memref<80xi32, #tpu.memory_space<vmem>>
        %dma_wait3A_409 = arith.constant 0 : i32
        %dma_wait3A_410 = arith.constant 0 : i32
        %dma_wait3A_411 = tpu.memref_slice %arg2[%dma_wait3A_409, %dma_wait3A_410] : memref<10000x128xf32, #tpu.memory_space<hbm>> -> memref<10000x128xf32, #tpu.memory_space<hbm>>
        %dma_wait3A_412 = tpu.memref_slice %arg11[%dma_wait3A_401] : memref<4x!tpu.dma_semaphore, #tpu.memory_space<semaphore_mem>> -> memref<1x!tpu.dma_semaphore, #tpu.memory_space<semaphore_mem>>
        %dma_wait3A_413 = tpu.memref_squeeze %dma_wait3A_412 : memref<1x!tpu.dma_semaphore, #tpu.memory_space<semaphore_mem>> -> memref<!tpu.dma_semaphore, #tpu.memory_space<semaphore_mem>>
        tpu.wait_indirect_dma semaphore(%dma_wait3A_413 : memref<!tpu.dma_semaphore, #tpu.memory_space<semaphore_mem>>) src(%dma_wait3A_411 : memref<10000x128xf32, #tpu.memory_space<hbm>>) dst(%dma_wait3A_405 : memref<80x128xf32, #tpu.memory_space<vmem>>)
        %run_scoped3A_414 = arith.constant 1 : i32
        %run_scoped3A_415 = arith.constant 1 : i32
        "tpu.region"() ({
          %run_scoped3A_416 = tpu.sem_alloc : memref<!tpu.dma_semaphore, #tpu.memory_space<semaphore_mem>>
          %dma_start3A_417 = arith.constant 0 : i32
          %dma_start3A_418 = arith.constant 0 : i32
          %dma_start3A_419 = tpu.memref_slice %arg8[%run_scoped3A_414, %dma_start3A_417, %dma_start3A_418] : memref<4x80x128xf32, #tpu.memory_space<vmem>> -> memref<1x80x128xf32, #tpu.memory_space<vmem>>
          %dma_start3A_420 = tpu.memref_squeeze %dma_start3A_419 : memref<1x80x128xf32, #tpu.memory_space<vmem>> -> memref<80x128xf32, #tpu.memory_space<vmem>>
          %dma_start3A_421 = arith.constant 0 : i32
          %dma_start3A_422 = tpu.memref_slice %arg7[%run_scoped3A_415, %dma_start3A_421] : memref<4x80xi32, #tpu.memory_space<vmem>> -> memref<1x80xi32, #tpu.memory_space<vmem>>
          %dma_start3A_423 = tpu.memref_squeeze %dma_start3A_422 : memref<1x80xi32, #tpu.memory_space<vmem>> -> memref<80xi32, #tpu.memory_space<vmem>>
          %dma_start3A_424 = arith.constant 0 : i32
          %dma_start3A_425 = arith.constant 0 : i32
          %dma_start3A_426 = tpu.memref_slice %arg9[%dma_start3A_424, %dma_start3A_425] : memref<10000x128xf32, #tpu.memory_space<vmem_shared>> -> memref<10000x128xf32, #tpu.memory_space<vmem_shared>>
          tpu.enqueue_indirect_dma source(%dma_start3A_420 : memref<80x128xf32, #tpu.memory_space<vmem>>) target(%dma_start3A_426 : memref<10000x128xf32, #tpu.memory_space<vmem_shared>>) offsets(%dma_start3A_423 : memref<80xi32, #tpu.memory_space<vmem>>) semaphore(%run_scoped3A_416 : memref<!tpu.dma_semaphore, #tpu.memory_space<semaphore_mem>>) {add = true}
          %dma_wait3A_427 = arith.constant 0 : i32
          %dma_wait3A_428 = arith.constant 0 : i32
          %dma_wait3A_429 = tpu.memref_slice %arg8[%run_scoped3A_414, %dma_wait3A_427, %dma_wait3A_428] : memref<4x80x128xf32, #tpu.memory_space<vmem>> -> memref<1x80x128xf32, #tpu.memory_space<vmem>>
          %dma_wait3A_430 = tpu.memref_squeeze %dma_wait3A_429 : memref<1x80x128xf32, #tpu.memory_space<vmem>> -> memref<80x128xf32, #tpu.memory_space<vmem>>
          %dma_wait3A_431 = arith.constant 0 : i32
          %dma_wait3A_432 = tpu.memref_slice %arg7[%run_scoped3A_415, %dma_wait3A_431] : memref<4x80xi32, #tpu.memory_space<vmem>> -> memref<1x80xi32, #tpu.memory_space<vmem>>
          %dma_wait3A_433 = tpu.memref_squeeze %dma_wait3A_432 : memref<1x80xi32, #tpu.memory_space<vmem>> -> memref<80xi32, #tpu.memory_space<vmem>>
          %dma_wait3A_434 = arith.constant 0 : i32
          %dma_wait3A_435 = arith.constant 0 : i32
          %dma_wait3A_436 = tpu.memref_slice %arg9[%dma_wait3A_434, %dma_wait3A_435] : memref<10000x128xf32, #tpu.memory_space<vmem_shared>> -> memref<10000x128xf32, #tpu.memory_space<vmem_shared>>
          tpu.wait_indirect_dma semaphore(%run_scoped3A_416 : memref<!tpu.dma_semaphore, #tpu.memory_space<semaphore_mem>>) src(%dma_wait3A_430 : memref<80x128xf32, #tpu.memory_space<vmem>>) dst(%dma_wait3A_436 : memref<10000x128xf32, #tpu.memory_space<vmem_shared>>)
          tpu.yield
        }) : () -> ()
      } else {
      }
      %mul3A_303 = arith.constant 4 : i32
      %mul3A_304 = arith.muli %scan3A_274, %mul3A_303 : i32
      %add3A_305 = arith.constant 1 : i32
      %add3A_306 = arith.addi %mul3A_304, %add3A_305 : i32
      %sub3A_307 = arith.constant 1 : i32
      %sub3A_308 = arith.subi %add3A_306, %sub3A_307 : i32
      %sub3A_309 = arith.constant 3 : i32
      %sub3A_310 = arith.subi %add3A_306, %sub3A_309 : i32
      %ge3A_311 = arith.constant 4 : i32
      %ge3A_312 = arith.cmpi sge, %add3A_306, %ge3A_311 : i32
      %lt3A_313 = arith.constant 125 : i32
      %lt3A_314 = arith.cmpi slt, %add3A_306, %lt3A_313 : i32
      %and3A_315 = arith.andi %ge3A_312, %lt3A_314 : i1
      %convert_element_type3A_316 = arith.extui %and3A_315 : i1 to i32
      %cond3A_317 = arith.constant 0 : i32
      %cond3A_318 = arith.cmpi ne, %convert_element_type3A_316, %cond3A_317 : i32
      scf.if %cond3A_318 {
        %mul3A_399 = arith.constant 80 : i32
        %mul3A_400 = arith.muli %add3A_306, %mul3A_399 : i32
        %add3A_401 = arith.addi %mul3A_2, %mul3A_400 : i32
        %dma_start3A_402 = arith.constant 1 : i32
        %dma_start3A_403 = arith.constant 1 : i32
        %dma_start3A_404 = arith.constant 0 : i32
        %dma_start3A_405 = tpu.memref_slice %arg6[%dma_start3A_402, %dma_start3A_404] : memref<4x80xi32, #tpu.memory_space<vmem>> -> memref<1x80xi32, #tpu.memory_space<vmem>>
        %dma_start3A_406 = tpu.memref_squeeze %dma_start3A_405 : memref<1x80xi32, #tpu.memory_space<vmem>> -> memref<80xi32, #tpu.memory_space<vmem>>
        %dma_start3A_407 = tpu.memref_slice %arg3[%add3A_401] : memref<320000xi32, #tpu.memory_space<hbm>> -> memref<80xi32, #tpu.memory_space<hbm>>
        %dma_start3A_408 = tpu.memref_slice %arg10[%dma_start3A_403] : memref<4x!tpu.dma_semaphore, #tpu.memory_space<semaphore_mem>> -> memref<1x!tpu.dma_semaphore, #tpu.memory_space<semaphore_mem>>
        %dma_start3A_409 = tpu.memref_squeeze %dma_start3A_408 : memref<1x!tpu.dma_semaphore, #tpu.memory_space<semaphore_mem>> -> memref<!tpu.dma_semaphore, #tpu.memory_space<semaphore_mem>>
        %dma_start3A_410 = arith.constant 0 : i32
        %dma_start3A_411 = tpu.memref_slice %arg6[%dma_start3A_402, %dma_start3A_410] : memref<4x80xi32, #tpu.memory_space<vmem>> -> memref<1x80xi32, #tpu.memory_space<vmem>>
        %dma_start3A_412 = tpu.memref_squeeze %dma_start3A_411 : memref<1x80xi32, #tpu.memory_space<vmem>> -> memref<80xi32, #tpu.memory_space<vmem>>
        %dma_start3A_413 = tpu.memref_slice %arg3[%add3A_401] : memref<320000xi32, #tpu.memory_space<hbm>> -> memref<80xi32, #tpu.memory_space<hbm>>
        tpu.enqueue_dma source(%dma_start3A_413 : memref<80xi32, #tpu.memory_space<hbm>>) target(%dma_start3A_412 : memref<80xi32, #tpu.memory_space<vmem>>) target_semaphore(%dma_start3A_409 : memref<!tpu.dma_semaphore, #tpu.memory_space<semaphore_mem>>)
        %dma_start3A_414 = arith.constant 1 : i32
        %dma_start3A_415 = arith.constant 1 : i32
        %dma_start3A_416 = arith.constant 0 : i32
        %dma_start3A_417 = tpu.memref_slice %arg7[%dma_start3A_414, %dma_start3A_416] : memref<4x80xi32, #tpu.memory_space<vmem>> -> memref<1x80xi32, #tpu.memory_space<vmem>>
        %dma_start3A_418 = tpu.memref_squeeze %dma_start3A_417 : memref<1x80xi32, #tpu.memory_space<vmem>> -> memref<80xi32, #tpu.memory_space<vmem>>
        %dma_start3A_419 = tpu.memref_slice %arg4[%add3A_401] : memref<320000xi32, #tpu.memory_space<hbm>> -> memref<80xi32, #tpu.memory_space<hbm>>
        %dma_start3A_420 = tpu.memref_slice %arg10[%dma_start3A_415] : memref<4x!tpu.dma_semaphore, #tpu.memory_space<semaphore_mem>> -> memref<1x!tpu.dma_semaphore, #tpu.memory_space<semaphore_mem>>
        %dma_start3A_421 = tpu.memref_squeeze %dma_start3A_420 : memref<1x!tpu.dma_semaphore, #tpu.memory_space<semaphore_mem>> -> memref<!tpu.dma_semaphore, #tpu.memory_space<semaphore_mem>>
        %dma_start3A_422 = arith.constant 0 : i32
        %dma_start3A_423 = tpu.memref_slice %arg7[%dma_start3A_414, %dma_start3A_422] : memref<4x80xi32, #tpu.memory_space<vmem>> -> memref<1x80xi32, #tpu.memory_space<vmem>>
        %dma_start3A_424 = tpu.memref_squeeze %dma_start3A_423 : memref<1x80xi32, #tpu.memory_space<vmem>> -> memref<80xi32, #tpu.memory_space<vmem>>
        %dma_start3A_425 = tpu.memref_slice %arg4[%add3A_401] : memref<320000xi32, #tpu.memory_space<hbm>> -> memref<80xi32, #tpu.memory_space<hbm>>
        tpu.enqueue_dma source(%dma_start3A_425 : memref<80xi32, #tpu.memory_space<hbm>>) target(%dma_start3A_424 : memref<80xi32, #tpu.memory_space<vmem>>) target_semaphore(%dma_start3A_421 : memref<!tpu.dma_semaphore, #tpu.memory_space<semaphore_mem>>)
      } else {
      }
      %ge3A_319 = arith.constant 3 : i32
      %ge3A_320 = arith.cmpi sge, %sub3A_308, %ge3A_319 : i32
      %lt3A_321 = arith.constant 125 : i32
      %lt3A_322 = arith.cmpi slt, %sub3A_308, %lt3A_321 : i32
      %and3A_323 = arith.andi %ge3A_320, %lt3A_322 : i1
      %convert_element_type3A_324 = arith.extui %and3A_323 : i1 to i32
      %cond3A_325 = arith.constant 0 : i32
      %cond3A_326 = arith.cmpi ne, %convert_element_type3A_324, %cond3A_325 : i32
      scf.if %cond3A_326 {
        %mul3A_399 = arith.constant 80 : i32
        %mul3A_400 = arith.muli %sub3A_308, %mul3A_399 : i32
        %add3A_401 = arith.addi %mul3A_2, %mul3A_400 : i32
        %dma_wait3A_402 = arith.constant 0 : i32
        %dma_wait3A_403 = arith.constant 0 : i32
        %dma_wait3A_404 = arith.constant 0 : i32
        %dma_wait3A_405 = tpu.memref_slice %arg6[%dma_wait3A_402, %dma_wait3A_404] : memref<4x80xi32, #tpu.memory_space<vmem>> -> memref<1x80xi32, #tpu.memory_space<vmem>>
        %dma_wait3A_406 = tpu.memref_squeeze %dma_wait3A_405 : memref<1x80xi32, #tpu.memory_space<vmem>> -> memref<80xi32, #tpu.memory_space<vmem>>
        %dma_wait3A_407 = tpu.memref_slice %arg3[%add3A_401] : memref<320000xi32, #tpu.memory_space<hbm>> -> memref<80xi32, #tpu.memory_space<hbm>>
        %dma_wait3A_408 = tpu.memref_slice %arg10[%dma_wait3A_403] : memref<4x!tpu.dma_semaphore, #tpu.memory_space<semaphore_mem>> -> memref<1x!tpu.dma_semaphore, #tpu.memory_space<semaphore_mem>>
        %dma_wait3A_409 = tpu.memref_squeeze %dma_wait3A_408 : memref<1x!tpu.dma_semaphore, #tpu.memory_space<semaphore_mem>> -> memref<!tpu.dma_semaphore, #tpu.memory_space<semaphore_mem>>
        %dma_wait3A_410 = arith.constant 0 : i32
        %dma_wait3A_411 = tpu.memref_slice %arg6[%dma_wait3A_402, %dma_wait3A_410] : memref<4x80xi32, #tpu.memory_space<vmem>> -> memref<1x80xi32, #tpu.memory_space<vmem>>
        %dma_wait3A_412 = tpu.memref_squeeze %dma_wait3A_411 : memref<1x80xi32, #tpu.memory_space<vmem>> -> memref<80xi32, #tpu.memory_space<vmem>>
        %dma_wait3A_413 = tpu.memref_slice %arg3[%add3A_401] : memref<320000xi32, #tpu.memory_space<hbm>> -> memref<80xi32, #tpu.memory_space<hbm>>
        tpu.wait_dma2 semaphore(%dma_wait3A_409 : memref<!tpu.dma_semaphore, #tpu.memory_space<semaphore_mem>>) src(%dma_wait3A_413 : memref<80xi32, #tpu.memory_space<hbm>>) dst(%dma_wait3A_412 : memref<80xi32, #tpu.memory_space<vmem>>)
        %dma_wait3A_414 = arith.constant 0 : i32
        %dma_wait3A_415 = arith.constant 0 : i32
        %dma_wait3A_416 = arith.constant 0 : i32
        %dma_wait3A_417 = tpu.memref_slice %arg7[%dma_wait3A_414, %dma_wait3A_416] : memref<4x80xi32, #tpu.memory_space<vmem>> -> memref<1x80xi32, #tpu.memory_space<vmem>>
        %dma_wait3A_418 = tpu.memref_squeeze %dma_wait3A_417 : memref<1x80xi32, #tpu.memory_space<vmem>> -> memref<80xi32, #tpu.memory_space<vmem>>
        %dma_wait3A_419 = tpu.memref_slice %arg4[%add3A_401] : memref<320000xi32, #tpu.memory_space<hbm>> -> memref<80xi32, #tpu.memory_space<hbm>>
        %dma_wait3A_420 = tpu.memref_slice %arg10[%dma_wait3A_415] : memref<4x!tpu.dma_semaphore, #tpu.memory_space<semaphore_mem>> -> memref<1x!tpu.dma_semaphore, #tpu.memory_space<semaphore_mem>>
        %dma_wait3A_421 = tpu.memref_squeeze %dma_wait3A_420 : memref<1x!tpu.dma_semaphore, #tpu.memory_space<semaphore_mem>> -> memref<!tpu.dma_semaphore, #tpu.memory_space<semaphore_mem>>
        %dma_wait3A_422 = arith.constant 0 : i32
        %dma_wait3A_423 = tpu.memref_slice %arg7[%dma_wait3A_414, %dma_wait3A_422] : memref<4x80xi32, #tpu.memory_space<vmem>> -> memref<1x80xi32, #tpu.memory_space<vmem>>
        %dma_wait3A_424 = tpu.memref_squeeze %dma_wait3A_423 : memref<1x80xi32, #tpu.memory_space<vmem>> -> memref<80xi32, #tpu.memory_space<vmem>>
        %dma_wait3A_425 = tpu.memref_slice %arg4[%add3A_401] : memref<320000xi32, #tpu.memory_space<hbm>> -> memref<80xi32, #tpu.memory_space<hbm>>
        tpu.wait_dma2 semaphore(%dma_wait3A_421 : memref<!tpu.dma_semaphore, #tpu.memory_space<semaphore_mem>>) src(%dma_wait3A_425 : memref<80xi32, #tpu.memory_space<hbm>>) dst(%dma_wait3A_424 : memref<80xi32, #tpu.memory_space<vmem>>)
        %dma_start3A_426 = arith.constant 0 : i32
        %dma_start3A_427 = arith.constant 0 : i32
        %dma_start3A_428 = arith.constant 0 : i32
        %dma_start3A_429 = arith.constant 0 : i32
        %dma_start3A_430 = arith.constant 0 : i32
        %dma_start3A_431 = tpu.memref_slice %arg8[%dma_start3A_427, %dma_start3A_429, %dma_start3A_430] : memref<4x80x128xf32, #tpu.memory_space<vmem>> -> memref<1x80x128xf32, #tpu.memory_space<vmem>>
        %dma_start3A_432 = tpu.memref_squeeze %dma_start3A_431 : memref<1x80x128xf32, #tpu.memory_space<vmem>> -> memref<80x128xf32, #tpu.memory_space<vmem>>
        %dma_start3A_433 = arith.constant 0 : i32
        %dma_start3A_434 = tpu.memref_slice %arg6[%dma_start3A_426, %dma_start3A_433] : memref<4x80xi32, #tpu.memory_space<vmem>> -> memref<1x80xi32, #tpu.memory_space<vmem>>
        %dma_start3A_435 = tpu.memref_squeeze %dma_start3A_434 : memref<1x80xi32, #tpu.memory_space<vmem>> -> memref<80xi32, #tpu.memory_space<vmem>>
        %dma_start3A_436 = arith.constant 0 : i32
        %dma_start3A_437 = arith.constant 0 : i32
        %dma_start3A_438 = tpu.memref_slice %arg2[%dma_start3A_436, %dma_start3A_437] : memref<10000x128xf32, #tpu.memory_space<hbm>> -> memref<10000x128xf32, #tpu.memory_space<hbm>>
        %dma_start3A_439 = tpu.memref_slice %arg11[%dma_start3A_428] : memref<4x!tpu.dma_semaphore, #tpu.memory_space<semaphore_mem>> -> memref<1x!tpu.dma_semaphore, #tpu.memory_space<semaphore_mem>>
        %dma_start3A_440 = tpu.memref_squeeze %dma_start3A_439 : memref<1x!tpu.dma_semaphore, #tpu.memory_space<semaphore_mem>> -> memref<!tpu.dma_semaphore, #tpu.memory_space<semaphore_mem>>
        tpu.enqueue_indirect_dma source(%dma_start3A_438 : memref<10000x128xf32, #tpu.memory_space<hbm>>) target(%dma_start3A_432 : memref<80x128xf32, #tpu.memory_space<vmem>>) offsets(%dma_start3A_435 : memref<80xi32, #tpu.memory_space<vmem>>) semaphore(%dma_start3A_440 : memref<!tpu.dma_semaphore, #tpu.memory_space<semaphore_mem>>)
      } else {
      }
      %ge3A_327 = arith.constant 0 : i32
      %ge3A_328 = arith.cmpi sge, %sub3A_310, %ge3A_327 : i32
      %lt3A_329 = arith.constant 125 : i32
      %lt3A_330 = arith.cmpi slt, %sub3A_310, %lt3A_329 : i32
      %and3A_331 = arith.andi %ge3A_328, %lt3A_330 : i1
      %convert_element_type3A_332 = arith.extui %and3A_331 : i1 to i32
      %cond3A_333 = arith.constant 0 : i32
      %cond3A_334 = arith.cmpi ne, %convert_element_type3A_332, %cond3A_333 : i32
      scf.if %cond3A_334 {
        %dma_wait3A_399 = arith.constant 2 : i32
        %dma_wait3A_400 = arith.constant 2 : i32
        %dma_wait3A_401 = arith.constant 2 : i32
        %dma_wait3A_402 = arith.constant 0 : i32
        %dma_wait3A_403 = arith.constant 0 : i32
        %dma_wait3A_404 = tpu.memref_slice %arg8[%dma_wait3A_400, %dma_wait3A_402, %dma_wait3A_403] : memref<4x80x128xf32, #tpu.memory_space<vmem>> -> memref<1x80x128xf32, #tpu.memory_space<vmem>>
        %dma_wait3A_405 = tpu.memref_squeeze %dma_wait3A_404 : memref<1x80x128xf32, #tpu.memory_space<vmem>> -> memref<80x128xf32, #tpu.memory_space<vmem>>
        %dma_wait3A_406 = arith.constant 0 : i32
        %dma_wait3A_407 = tpu.memref_slice %arg6[%dma_wait3A_399, %dma_wait3A_406] : memref<4x80xi32, #tpu.memory_space<vmem>> -> memref<1x80xi32, #tpu.memory_space<vmem>>
        %dma_wait3A_408 = tpu.memref_squeeze %dma_wait3A_407 : memref<1x80xi32, #tpu.memory_space<vmem>> -> memref<80xi32, #tpu.memory_space<vmem>>
        %dma_wait3A_409 = arith.constant 0 : i32
        %dma_wait3A_410 = arith.constant 0 : i32
        %dma_wait3A_411 = tpu.memref_slice %arg2[%dma_wait3A_409, %dma_wait3A_410] : memref<10000x128xf32, #tpu.memory_space<hbm>> -> memref<10000x128xf32, #tpu.memory_space<hbm>>
        %dma_wait3A_412 = tpu.memref_slice %arg11[%dma_wait3A_401] : memref<4x!tpu.dma_semaphore, #tpu.memory_space<semaphore_mem>> -> memref<1x!tpu.dma_semaphore, #tpu.memory_space<semaphore_mem>>
        %dma_wait3A_413 = tpu.memref_squeeze %dma_wait3A_412 : memref<1x!tpu.dma_semaphore, #tpu.memory_space<semaphore_mem>> -> memref<!tpu.dma_semaphore, #tpu.memory_space<semaphore_mem>>
        tpu.wait_indirect_dma semaphore(%dma_wait3A_413 : memref<!tpu.dma_semaphore, #tpu.memory_space<semaphore_mem>>) src(%dma_wait3A_411 : memref<10000x128xf32, #tpu.memory_space<hbm>>) dst(%dma_wait3A_405 : memref<80x128xf32, #tpu.memory_space<vmem>>)
        %run_scoped3A_414 = arith.constant 2 : i32
        %run_scoped3A_415 = arith.constant 2 : i32
        "tpu.region"() ({
          %run_scoped3A_416 = tpu.sem_alloc : memref<!tpu.dma_semaphore, #tpu.memory_space<semaphore_mem>>
          %dma_start3A_417 = arith.constant 0 : i32
          %dma_start3A_418 = arith.constant 0 : i32
          %dma_start3A_419 = tpu.memref_slice %arg8[%run_scoped3A_414, %dma_start3A_417, %dma_start3A_418] : memref<4x80x128xf32, #tpu.memory_space<vmem>> -> memref<1x80x128xf32, #tpu.memory_space<vmem>>
          %dma_start3A_420 = tpu.memref_squeeze %dma_start3A_419 : memref<1x80x128xf32, #tpu.memory_space<vmem>> -> memref<80x128xf32, #tpu.memory_space<vmem>>
          %dma_start3A_421 = arith.constant 0 : i32
          %dma_start3A_422 = tpu.memref_slice %arg7[%run_scoped3A_415, %dma_start3A_421] : memref<4x80xi32, #tpu.memory_space<vmem>> -> memref<1x80xi32, #tpu.memory_space<vmem>>
          %dma_start3A_423 = tpu.memref_squeeze %dma_start3A_422 : memref<1x80xi32, #tpu.memory_space<vmem>> -> memref<80xi32, #tpu.memory_space<vmem>>
          %dma_start3A_424 = arith.constant 0 : i32
          %dma_start3A_425 = arith.constant 0 : i32
          %dma_start3A_426 = tpu.memref_slice %arg9[%dma_start3A_424, %dma_start3A_425] : memref<10000x128xf32, #tpu.memory_space<vmem_shared>> -> memref<10000x128xf32, #tpu.memory_space<vmem_shared>>
          tpu.enqueue_indirect_dma source(%dma_start3A_420 : memref<80x128xf32, #tpu.memory_space<vmem>>) target(%dma_start3A_426 : memref<10000x128xf32, #tpu.memory_space<vmem_shared>>) offsets(%dma_start3A_423 : memref<80xi32, #tpu.memory_space<vmem>>) semaphore(%run_scoped3A_416 : memref<!tpu.dma_semaphore, #tpu.memory_space<semaphore_mem>>) {add = true}
          %dma_wait3A_427 = arith.constant 0 : i32
          %dma_wait3A_428 = arith.constant 0 : i32
          %dma_wait3A_429 = tpu.memref_slice %arg8[%run_scoped3A_414, %dma_wait3A_427, %dma_wait3A_428] : memref<4x80x128xf32, #tpu.memory_space<vmem>> -> memref<1x80x128xf32, #tpu.memory_space<vmem>>
          %dma_wait3A_430 = tpu.memref_squeeze %dma_wait3A_429 : memref<1x80x128xf32, #tpu.memory_space<vmem>> -> memref<80x128xf32, #tpu.memory_space<vmem>>
          %dma_wait3A_431 = arith.constant 0 : i32
          %dma_wait3A_432 = tpu.memref_slice %arg7[%run_scoped3A_415, %dma_wait3A_431] : memref<4x80xi32, #tpu.memory_space<vmem>> -> memref<1x80xi32, #tpu.memory_space<vmem>>
          %dma_wait3A_433 = tpu.memref_squeeze %dma_wait3A_432 : memref<1x80xi32, #tpu.memory_space<vmem>> -> memref<80xi32, #tpu.memory_space<vmem>>
          %dma_wait3A_434 = arith.constant 0 : i32
          %dma_wait3A_435 = arith.constant 0 : i32
          %dma_wait3A_436 = tpu.memref_slice %arg9[%dma_wait3A_434, %dma_wait3A_435] : memref<10000x128xf32, #tpu.memory_space<vmem_shared>> -> memref<10000x128xf32, #tpu.memory_space<vmem_shared>>
          tpu.wait_indirect_dma semaphore(%run_scoped3A_416 : memref<!tpu.dma_semaphore, #tpu.memory_space<semaphore_mem>>) src(%dma_wait3A_430 : memref<80x128xf32, #tpu.memory_space<vmem>>) dst(%dma_wait3A_436 : memref<10000x128xf32, #tpu.memory_space<vmem_shared>>)
          tpu.yield
        }) : () -> ()
      } else {
      }
      %mul3A_335 = arith.constant 4 : i32
      %mul3A_336 = arith.muli %scan3A_274, %mul3A_335 : i32
      %add3A_337 = arith.constant 2 : i32
      %add3A_338 = arith.addi %mul3A_336, %add3A_337 : i32
      %sub3A_339 = arith.constant 1 : i32
      %sub3A_340 = arith.subi %add3A_338, %sub3A_339 : i32
      %sub3A_341 = arith.constant 3 : i32
      %sub3A_342 = arith.subi %add3A_338, %sub3A_341 : i32
      %ge3A_343 = arith.constant 4 : i32
      %ge3A_344 = arith.cmpi sge, %add3A_338, %ge3A_343 : i32
      %lt3A_345 = arith.constant 125 : i32
      %lt3A_346 = arith.cmpi slt, %add3A_338, %lt3A_345 : i32
      %and3A_347 = arith.andi %ge3A_344, %lt3A_346 : i1
      %convert_element_type3A_348 = arith.extui %and3A_347 : i1 to i32
      %cond3A_349 = arith.constant 0 : i32
      %cond3A_350 = arith.cmpi ne, %convert_element_type3A_348, %cond3A_349 : i32
      scf.if %cond3A_350 {
        %mul3A_399 = arith.constant 80 : i32
        %mul3A_400 = arith.muli %add3A_338, %mul3A_399 : i32
        %add3A_401 = arith.addi %mul3A_2, %mul3A_400 : i32
        %dma_start3A_402 = arith.constant 2 : i32
        %dma_start3A_403 = arith.constant 2 : i32
        %dma_start3A_404 = arith.constant 0 : i32
        %dma_start3A_405 = tpu.memref_slice %arg6[%dma_start3A_402, %dma_start3A_404] : memref<4x80xi32, #tpu.memory_space<vmem>> -> memref<1x80xi32, #tpu.memory_space<vmem>>
        %dma_start3A_406 = tpu.memref_squeeze %dma_start3A_405 : memref<1x80xi32, #tpu.memory_space<vmem>> -> memref<80xi32, #tpu.memory_space<vmem>>
        %dma_start3A_407 = tpu.memref_slice %arg3[%add3A_401] : memref<320000xi32, #tpu.memory_space<hbm>> -> memref<80xi32, #tpu.memory_space<hbm>>
        %dma_start3A_408 = tpu.memref_slice %arg10[%dma_start3A_403] : memref<4x!tpu.dma_semaphore, #tpu.memory_space<semaphore_mem>> -> memref<1x!tpu.dma_semaphore, #tpu.memory_space<semaphore_mem>>
        %dma_start3A_409 = tpu.memref_squeeze %dma_start3A_408 : memref<1x!tpu.dma_semaphore, #tpu.memory_space<semaphore_mem>> -> memref<!tpu.dma_semaphore, #tpu.memory_space<semaphore_mem>>
        %dma_start3A_410 = arith.constant 0 : i32
        %dma_start3A_411 = tpu.memref_slice %arg6[%dma_start3A_402, %dma_start3A_410] : memref<4x80xi32, #tpu.memory_space<vmem>> -> memref<1x80xi32, #tpu.memory_space<vmem>>
        %dma_start3A_412 = tpu.memref_squeeze %dma_start3A_411 : memref<1x80xi32, #tpu.memory_space<vmem>> -> memref<80xi32, #tpu.memory_space<vmem>>
        %dma_start3A_413 = tpu.memref_slice %arg3[%add3A_401] : memref<320000xi32, #tpu.memory_space<hbm>> -> memref<80xi32, #tpu.memory_space<hbm>>
        tpu.enqueue_dma source(%dma_start3A_413 : memref<80xi32, #tpu.memory_space<hbm>>) target(%dma_start3A_412 : memref<80xi32, #tpu.memory_space<vmem>>) target_semaphore(%dma_start3A_409 : memref<!tpu.dma_semaphore, #tpu.memory_space<semaphore_mem>>)
        %dma_start3A_414 = arith.constant 2 : i32
        %dma_start3A_415 = arith.constant 2 : i32
        %dma_start3A_416 = arith.constant 0 : i32
        %dma_start3A_417 = tpu.memref_slice %arg7[%dma_start3A_414, %dma_start3A_416] : memref<4x80xi32, #tpu.memory_space<vmem>> -> memref<1x80xi32, #tpu.memory_space<vmem>>
        %dma_start3A_418 = tpu.memref_squeeze %dma_start3A_417 : memref<1x80xi32, #tpu.memory_space<vmem>> -> memref<80xi32, #tpu.memory_space<vmem>>
        %dma_start3A_419 = tpu.memref_slice %arg4[%add3A_401] : memref<320000xi32, #tpu.memory_space<hbm>> -> memref<80xi32, #tpu.memory_space<hbm>>
        %dma_start3A_420 = tpu.memref_slice %arg10[%dma_start3A_415] : memref<4x!tpu.dma_semaphore, #tpu.memory_space<semaphore_mem>> -> memref<1x!tpu.dma_semaphore, #tpu.memory_space<semaphore_mem>>
        %dma_start3A_421 = tpu.memref_squeeze %dma_start3A_420 : memref<1x!tpu.dma_semaphore, #tpu.memory_space<semaphore_mem>> -> memref<!tpu.dma_semaphore, #tpu.memory_space<semaphore_mem>>
        %dma_start3A_422 = arith.constant 0 : i32
        %dma_start3A_423 = tpu.memref_slice %arg7[%dma_start3A_414, %dma_start3A_422] : memref<4x80xi32, #tpu.memory_space<vmem>> -> memref<1x80xi32, #tpu.memory_space<vmem>>
        %dma_start3A_424 = tpu.memref_squeeze %dma_start3A_423 : memref<1x80xi32, #tpu.memory_space<vmem>> -> memref<80xi32, #tpu.memory_space<vmem>>
        %dma_start3A_425 = tpu.memref_slice %arg4[%add3A_401] : memref<320000xi32, #tpu.memory_space<hbm>> -> memref<80xi32, #tpu.memory_space<hbm>>
        tpu.enqueue_dma source(%dma_start3A_425 : memref<80xi32, #tpu.memory_space<hbm>>) target(%dma_start3A_424 : memref<80xi32, #tpu.memory_space<vmem>>) target_semaphore(%dma_start3A_421 : memref<!tpu.dma_semaphore, #tpu.memory_space<semaphore_mem>>)
      } else {
      }
      %ge3A_351 = arith.constant 3 : i32
      %ge3A_352 = arith.cmpi sge, %sub3A_340, %ge3A_351 : i32
      %lt3A_353 = arith.constant 125 : i32
      %lt3A_354 = arith.cmpi slt, %sub3A_340, %lt3A_353 : i32
      %and3A_355 = arith.andi %ge3A_352, %lt3A_354 : i1
      %convert_element_type3A_356 = arith.extui %and3A_355 : i1 to i32
      %cond3A_357 = arith.constant 0 : i32
      %cond3A_358 = arith.cmpi ne, %convert_element_type3A_356, %cond3A_357 : i32
      scf.if %cond3A_358 {
        %mul3A_399 = arith.constant 80 : i32
        %mul3A_400 = arith.muli %sub3A_340, %mul3A_399 : i32
        %add3A_401 = arith.addi %mul3A_2, %mul3A_400 : i32
        %dma_wait3A_402 = arith.constant 1 : i32
        %dma_wait3A_403 = arith.constant 1 : i32
        %dma_wait3A_404 = arith.constant 0 : i32
        %dma_wait3A_405 = tpu.memref_slice %arg6[%dma_wait3A_402, %dma_wait3A_404] : memref<4x80xi32, #tpu.memory_space<vmem>> -> memref<1x80xi32, #tpu.memory_space<vmem>>
        %dma_wait3A_406 = tpu.memref_squeeze %dma_wait3A_405 : memref<1x80xi32, #tpu.memory_space<vmem>> -> memref<80xi32, #tpu.memory_space<vmem>>
        %dma_wait3A_407 = tpu.memref_slice %arg3[%add3A_401] : memref<320000xi32, #tpu.memory_space<hbm>> -> memref<80xi32, #tpu.memory_space<hbm>>
        %dma_wait3A_408 = tpu.memref_slice %arg10[%dma_wait3A_403] : memref<4x!tpu.dma_semaphore, #tpu.memory_space<semaphore_mem>> -> memref<1x!tpu.dma_semaphore, #tpu.memory_space<semaphore_mem>>
        %dma_wait3A_409 = tpu.memref_squeeze %dma_wait3A_408 : memref<1x!tpu.dma_semaphore, #tpu.memory_space<semaphore_mem>> -> memref<!tpu.dma_semaphore, #tpu.memory_space<semaphore_mem>>
        %dma_wait3A_410 = arith.constant 0 : i32
        %dma_wait3A_411 = tpu.memref_slice %arg6[%dma_wait3A_402, %dma_wait3A_410] : memref<4x80xi32, #tpu.memory_space<vmem>> -> memref<1x80xi32, #tpu.memory_space<vmem>>
        %dma_wait3A_412 = tpu.memref_squeeze %dma_wait3A_411 : memref<1x80xi32, #tpu.memory_space<vmem>> -> memref<80xi32, #tpu.memory_space<vmem>>
        %dma_wait3A_413 = tpu.memref_slice %arg3[%add3A_401] : memref<320000xi32, #tpu.memory_space<hbm>> -> memref<80xi32, #tpu.memory_space<hbm>>
        tpu.wait_dma2 semaphore(%dma_wait3A_409 : memref<!tpu.dma_semaphore, #tpu.memory_space<semaphore_mem>>) src(%dma_wait3A_413 : memref<80xi32, #tpu.memory_space<hbm>>) dst(%dma_wait3A_412 : memref<80xi32, #tpu.memory_space<vmem>>)
        %dma_wait3A_414 = arith.constant 1 : i32
        %dma_wait3A_415 = arith.constant 1 : i32
        %dma_wait3A_416 = arith.constant 0 : i32
        %dma_wait3A_417 = tpu.memref_slice %arg7[%dma_wait3A_414, %dma_wait3A_416] : memref<4x80xi32, #tpu.memory_space<vmem>> -> memref<1x80xi32, #tpu.memory_space<vmem>>
        %dma_wait3A_418 = tpu.memref_squeeze %dma_wait3A_417 : memref<1x80xi32, #tpu.memory_space<vmem>> -> memref<80xi32, #tpu.memory_space<vmem>>
        %dma_wait3A_419 = tpu.memref_slice %arg4[%add3A_401] : memref<320000xi32, #tpu.memory_space<hbm>> -> memref<80xi32, #tpu.memory_space<hbm>>
        %dma_wait3A_420 = tpu.memref_slice %arg10[%dma_wait3A_415] : memref<4x!tpu.dma_semaphore, #tpu.memory_space<semaphore_mem>> -> memref<1x!tpu.dma_semaphore, #tpu.memory_space<semaphore_mem>>
        %dma_wait3A_421 = tpu.memref_squeeze %dma_wait3A_420 : memref<1x!tpu.dma_semaphore, #tpu.memory_space<semaphore_mem>> -> memref<!tpu.dma_semaphore, #tpu.memory_space<semaphore_mem>>
        %dma_wait3A_422 = arith.constant 0 : i32
        %dma_wait3A_423 = tpu.memref_slice %arg7[%dma_wait3A_414, %dma_wait3A_422] : memref<4x80xi32, #tpu.memory_space<vmem>> -> memref<1x80xi32, #tpu.memory_space<vmem>>
        %dma_wait3A_424 = tpu.memref_squeeze %dma_wait3A_423 : memref<1x80xi32, #tpu.memory_space<vmem>> -> memref<80xi32, #tpu.memory_space<vmem>>
        %dma_wait3A_425 = tpu.memref_slice %arg4[%add3A_401] : memref<320000xi32, #tpu.memory_space<hbm>> -> memref<80xi32, #tpu.memory_space<hbm>>
        tpu.wait_dma2 semaphore(%dma_wait3A_421 : memref<!tpu.dma_semaphore, #tpu.memory_space<semaphore_mem>>) src(%dma_wait3A_425 : memref<80xi32, #tpu.memory_space<hbm>>) dst(%dma_wait3A_424 : memref<80xi32, #tpu.memory_space<vmem>>)
        %dma_start3A_426 = arith.constant 1 : i32
        %dma_start3A_427 = arith.constant 1 : i32
        %dma_start3A_428 = arith.constant 1 : i32
        %dma_start3A_429 = arith.constant 0 : i32
        %dma_start3A_430 = arith.constant 0 : i32
        %dma_start3A_431 = tpu.memref_slice %arg8[%dma_start3A_427, %dma_start3A_429, %dma_start3A_430] : memref<4x80x128xf32, #tpu.memory_space<vmem>> -> memref<1x80x128xf32, #tpu.memory_space<vmem>>
        %dma_start3A_432 = tpu.memref_squeeze %dma_start3A_431 : memref<1x80x128xf32, #tpu.memory_space<vmem>> -> memref<80x128xf32, #tpu.memory_space<vmem>>
        %dma_start3A_433 = arith.constant 0 : i32
        %dma_start3A_434 = tpu.memref_slice %arg6[%dma_start3A_426, %dma_start3A_433] : memref<4x80xi32, #tpu.memory_space<vmem>> -> memref<1x80xi32, #tpu.memory_space<vmem>>
        %dma_start3A_435 = tpu.memref_squeeze %dma_start3A_434 : memref<1x80xi32, #tpu.memory_space<vmem>> -> memref<80xi32, #tpu.memory_space<vmem>>
        %dma_start3A_436 = arith.constant 0 : i32
        %dma_start3A_437 = arith.constant 0 : i32
        %dma_start3A_438 = tpu.memref_slice %arg2[%dma_start3A_436, %dma_start3A_437] : memref<10000x128xf32, #tpu.memory_space<hbm>> -> memref<10000x128xf32, #tpu.memory_space<hbm>>
        %dma_start3A_439 = tpu.memref_slice %arg11[%dma_start3A_428] : memref<4x!tpu.dma_semaphore, #tpu.memory_space<semaphore_mem>> -> memref<1x!tpu.dma_semaphore, #tpu.memory_space<semaphore_mem>>
        %dma_start3A_440 = tpu.memref_squeeze %dma_start3A_439 : memref<1x!tpu.dma_semaphore, #tpu.memory_space<semaphore_mem>> -> memref<!tpu.dma_semaphore, #tpu.memory_space<semaphore_mem>>
        tpu.enqueue_indirect_dma source(%dma_start3A_438 : memref<10000x128xf32, #tpu.memory_space<hbm>>) target(%dma_start3A_432 : memref<80x128xf32, #tpu.memory_space<vmem>>) offsets(%dma_start3A_435 : memref<80xi32, #tpu.memory_space<vmem>>) semaphore(%dma_start3A_440 : memref<!tpu.dma_semaphore, #tpu.memory_space<semaphore_mem>>)
      } else {
      }
      %ge3A_359 = arith.constant 0 : i32
      %ge3A_360 = arith.cmpi sge, %sub3A_342, %ge3A_359 : i32
      %lt3A_361 = arith.constant 125 : i32
      %lt3A_362 = arith.cmpi slt, %sub3A_342, %lt3A_361 : i32
      %and3A_363 = arith.andi %ge3A_360, %lt3A_362 : i1
      %convert_element_type3A_364 = arith.extui %and3A_363 : i1 to i32
      %cond3A_365 = arith.constant 0 : i32
      %cond3A_366 = arith.cmpi ne, %convert_element_type3A_364, %cond3A_365 : i32
      scf.if %cond3A_366 {
        %dma_wait3A_399 = arith.constant 3 : i32
        %dma_wait3A_400 = arith.constant 3 : i32
        %dma_wait3A_401 = arith.constant 3 : i32
        %dma_wait3A_402 = arith.constant 0 : i32
        %dma_wait3A_403 = arith.constant 0 : i32
        %dma_wait3A_404 = tpu.memref_slice %arg8[%dma_wait3A_400, %dma_wait3A_402, %dma_wait3A_403] : memref<4x80x128xf32, #tpu.memory_space<vmem>> -> memref<1x80x128xf32, #tpu.memory_space<vmem>>
        %dma_wait3A_405 = tpu.memref_squeeze %dma_wait3A_404 : memref<1x80x128xf32, #tpu.memory_space<vmem>> -> memref<80x128xf32, #tpu.memory_space<vmem>>
        %dma_wait3A_406 = arith.constant 0 : i32
        %dma_wait3A_407 = tpu.memref_slice %arg6[%dma_wait3A_399, %dma_wait3A_406] : memref<4x80xi32, #tpu.memory_space<vmem>> -> memref<1x80xi32, #tpu.memory_space<vmem>>
        %dma_wait3A_408 = tpu.memref_squeeze %dma_wait3A_407 : memref<1x80xi32, #tpu.memory_space<vmem>> -> memref<80xi32, #tpu.memory_space<vmem>>
        %dma_wait3A_409 = arith.constant 0 : i32
        %dma_wait3A_410 = arith.constant 0 : i32
        %dma_wait3A_411 = tpu.memref_slice %arg2[%dma_wait3A_409, %dma_wait3A_410] : memref<10000x128xf32, #tpu.memory_space<hbm>> -> memref<10000x128xf32, #tpu.memory_space<hbm>>
        %dma_wait3A_412 = tpu.memref_slice %arg11[%dma_wait3A_401] : memref<4x!tpu.dma_semaphore, #tpu.memory_space<semaphore_mem>> -> memref<1x!tpu.dma_semaphore, #tpu.memory_space<semaphore_mem>>
        %dma_wait3A_413 = tpu.memref_squeeze %dma_wait3A_412 : memref<1x!tpu.dma_semaphore, #tpu.memory_space<semaphore_mem>> -> memref<!tpu.dma_semaphore, #tpu.memory_space<semaphore_mem>>
        tpu.wait_indirect_dma semaphore(%dma_wait3A_413 : memref<!tpu.dma_semaphore, #tpu.memory_space<semaphore_mem>>) src(%dma_wait3A_411 : memref<10000x128xf32, #tpu.memory_space<hbm>>) dst(%dma_wait3A_405 : memref<80x128xf32, #tpu.memory_space<vmem>>)
        %run_scoped3A_414 = arith.constant 3 : i32
        %run_scoped3A_415 = arith.constant 3 : i32
        "tpu.region"() ({
          %run_scoped3A_416 = tpu.sem_alloc : memref<!tpu.dma_semaphore, #tpu.memory_space<semaphore_mem>>
          %dma_start3A_417 = arith.constant 0 : i32
          %dma_start3A_418 = arith.constant 0 : i32
          %dma_start3A_419 = tpu.memref_slice %arg8[%run_scoped3A_414, %dma_start3A_417, %dma_start3A_418] : memref<4x80x128xf32, #tpu.memory_space<vmem>> -> memref<1x80x128xf32, #tpu.memory_space<vmem>>
          %dma_start3A_420 = tpu.memref_squeeze %dma_start3A_419 : memref<1x80x128xf32, #tpu.memory_space<vmem>> -> memref<80x128xf32, #tpu.memory_space<vmem>>
          %dma_start3A_421 = arith.constant 0 : i32
          %dma_start3A_422 = tpu.memref_slice %arg7[%run_scoped3A_415, %dma_start3A_421] : memref<4x80xi32, #tpu.memory_space<vmem>> -> memref<1x80xi32, #tpu.memory_space<vmem>>
          %dma_start3A_423 = tpu.memref_squeeze %dma_start3A_422 : memref<1x80xi32, #tpu.memory_space<vmem>> -> memref<80xi32, #tpu.memory_space<vmem>>
          %dma_start3A_424 = arith.constant 0 : i32
          %dma_start3A_425 = arith.constant 0 : i32
          %dma_start3A_426 = tpu.memref_slice %arg9[%dma_start3A_424, %dma_start3A_425] : memref<10000x128xf32, #tpu.memory_space<vmem_shared>> -> memref<10000x128xf32, #tpu.memory_space<vmem_shared>>
          tpu.enqueue_indirect_dma source(%dma_start3A_420 : memref<80x128xf32, #tpu.memory_space<vmem>>) target(%dma_start3A_426 : memref<10000x128xf32, #tpu.memory_space<vmem_shared>>) offsets(%dma_start3A_423 : memref<80xi32, #tpu.memory_space<vmem>>) semaphore(%run_scoped3A_416 : memref<!tpu.dma_semaphore, #tpu.memory_space<semaphore_mem>>) {add = true}
          %dma_wait3A_427 = arith.constant 0 : i32
          %dma_wait3A_428 = arith.constant 0 : i32
          %dma_wait3A_429 = tpu.memref_slice %arg8[%run_scoped3A_414, %dma_wait3A_427, %dma_wait3A_428] : memref<4x80x128xf32, #tpu.memory_space<vmem>> -> memref<1x80x128xf32, #tpu.memory_space<vmem>>
          %dma_wait3A_430 = tpu.memref_squeeze %dma_wait3A_429 : memref<1x80x128xf32, #tpu.memory_space<vmem>> -> memref<80x128xf32, #tpu.memory_space<vmem>>
          %dma_wait3A_431 = arith.constant 0 : i32
          %dma_wait3A_432 = tpu.memref_slice %arg7[%run_scoped3A_415, %dma_wait3A_431] : memref<4x80xi32, #tpu.memory_space<vmem>> -> memref<1x80xi32, #tpu.memory_space<vmem>>
          %dma_wait3A_433 = tpu.memref_squeeze %dma_wait3A_432 : memref<1x80xi32, #tpu.memory_space<vmem>> -> memref<80xi32, #tpu.memory_space<vmem>>
          %dma_wait3A_434 = arith.constant 0 : i32
          %dma_wait3A_435 = arith.constant 0 : i32
          %dma_wait3A_436 = tpu.memref_slice %arg9[%dma_wait3A_434, %dma_wait3A_435] : memref<10000x128xf32, #tpu.memory_space<vmem_shared>> -> memref<10000x128xf32, #tpu.memory_space<vmem_shared>>
          tpu.wait_indirect_dma semaphore(%run_scoped3A_416 : memref<!tpu.dma_semaphore, #tpu.memory_space<semaphore_mem>>) src(%dma_wait3A_430 : memref<80x128xf32, #tpu.memory_space<vmem>>) dst(%dma_wait3A_436 : memref<10000x128xf32, #tpu.memory_space<vmem_shared>>)
          tpu.yield
        }) : () -> ()
      } else {
      }
      %mul3A_367 = arith.constant 4 : i32
      %mul3A_368 = arith.muli %scan3A_274, %mul3A_367 : i32
      %add3A_369 = arith.constant 3 : i32
      %add3A_370 = arith.addi %mul3A_368, %add3A_369 : i32
      %sub3A_371 = arith.constant 1 : i32
      %sub3A_372 = arith.subi %add3A_370, %sub3A_371 : i32
      %sub3A_373 = arith.constant 3 : i32
      %sub3A_374 = arith.subi %add3A_370, %sub3A_373 : i32
      %ge3A_375 = arith.constant 4 : i32
      %ge3A_376 = arith.cmpi sge, %add3A_370, %ge3A_375 : i32
      %lt3A_377 = arith.constant 125 : i32
      %lt3A_378 = arith.cmpi slt, %add3A_370, %lt3A_377 : i32
      %and3A_379 = arith.andi %ge3A_376, %lt3A_378 : i1
      %convert_element_type3A_380 = arith.extui %and3A_379 : i1 to i32
      %cond3A_381 = arith.constant 0 : i32
      %cond3A_382 = arith.cmpi ne, %convert_element_type3A_380, %cond3A_381 : i32
      scf.if %cond3A_382 {
        %mul3A_399 = arith.constant 80 : i32
        %mul3A_400 = arith.muli %add3A_370, %mul3A_399 : i32
        %add3A_401 = arith.addi %mul3A_2, %mul3A_400 : i32
        %dma_start3A_402 = arith.constant 3 : i32
        %dma_start3A_403 = arith.constant 3 : i32
        %dma_start3A_404 = arith.constant 0 : i32
        %dma_start3A_405 = tpu.memref_slice %arg6[%dma_start3A_402, %dma_start3A_404] : memref<4x80xi32, #tpu.memory_space<vmem>> -> memref<1x80xi32, #tpu.memory_space<vmem>>
        %dma_start3A_406 = tpu.memref_squeeze %dma_start3A_405 : memref<1x80xi32, #tpu.memory_space<vmem>> -> memref<80xi32, #tpu.memory_space<vmem>>
        %dma_start3A_407 = tpu.memref_slice %arg3[%add3A_401] : memref<320000xi32, #tpu.memory_space<hbm>> -> memref<80xi32, #tpu.memory_space<hbm>>
        %dma_start3A_408 = tpu.memref_slice %arg10[%dma_start3A_403] : memref<4x!tpu.dma_semaphore, #tpu.memory_space<semaphore_mem>> -> memref<1x!tpu.dma_semaphore, #tpu.memory_space<semaphore_mem>>
        %dma_start3A_409 = tpu.memref_squeeze %dma_start3A_408 : memref<1x!tpu.dma_semaphore, #tpu.memory_space<semaphore_mem>> -> memref<!tpu.dma_semaphore, #tpu.memory_space<semaphore_mem>>
        %dma_start3A_410 = arith.constant 0 : i32
        %dma_start3A_411 = tpu.memref_slice %arg6[%dma_start3A_402, %dma_start3A_410] : memref<4x80xi32, #tpu.memory_space<vmem>> -> memref<1x80xi32, #tpu.memory_space<vmem>>
        %dma_start3A_412 = tpu.memref_squeeze %dma_start3A_411 : memref<1x80xi32, #tpu.memory_space<vmem>> -> memref<80xi32, #tpu.memory_space<vmem>>
        %dma_start3A_413 = tpu.memref_slice %arg3[%add3A_401] : memref<320000xi32, #tpu.memory_space<hbm>> -> memref<80xi32, #tpu.memory_space<hbm>>
        tpu.enqueue_dma source(%dma_start3A_413 : memref<80xi32, #tpu.memory_space<hbm>>) target(%dma_start3A_412 : memref<80xi32, #tpu.memory_space<vmem>>) target_semaphore(%dma_start3A_409 : memref<!tpu.dma_semaphore, #tpu.memory_space<semaphore_mem>>)
        %dma_start3A_414 = arith.constant 3 : i32
        %dma_start3A_415 = arith.constant 3 : i32
        %dma_start3A_416 = arith.constant 0 : i32
        %dma_start3A_417 = tpu.memref_slice %arg7[%dma_start3A_414, %dma_start3A_416] : memref<4x80xi32, #tpu.memory_space<vmem>> -> memref<1x80xi32, #tpu.memory_space<vmem>>
        %dma_start3A_418 = tpu.memref_squeeze %dma_start3A_417 : memref<1x80xi32, #tpu.memory_space<vmem>> -> memref<80xi32, #tpu.memory_space<vmem>>
        %dma_start3A_419 = tpu.memref_slice %arg4[%add3A_401] : memref<320000xi32, #tpu.memory_space<hbm>> -> memref<80xi32, #tpu.memory_space<hbm>>
        %dma_start3A_420 = tpu.memref_slice %arg10[%dma_start3A_415] : memref<4x!tpu.dma_semaphore, #tpu.memory_space<semaphore_mem>> -> memref<1x!tpu.dma_semaphore, #tpu.memory_space<semaphore_mem>>
        %dma_start3A_421 = tpu.memref_squeeze %dma_start3A_420 : memref<1x!tpu.dma_semaphore, #tpu.memory_space<semaphore_mem>> -> memref<!tpu.dma_semaphore, #tpu.memory_space<semaphore_mem>>
        %dma_start3A_422 = arith.constant 0 : i32
        %dma_start3A_423 = tpu.memref_slice %arg7[%dma_start3A_414, %dma_start3A_422] : memref<4x80xi32, #tpu.memory_space<vmem>> -> memref<1x80xi32, #tpu.memory_space<vmem>>
        %dma_start3A_424 = tpu.memref_squeeze %dma_start3A_423 : memref<1x80xi32, #tpu.memory_space<vmem>> -> memref<80xi32, #tpu.memory_space<vmem>>
        %dma_start3A_425 = tpu.memref_slice %arg4[%add3A_401] : memref<320000xi32, #tpu.memory_space<hbm>> -> memref<80xi32, #tpu.memory_space<hbm>>
        tpu.enqueue_dma source(%dma_start3A_425 : memref<80xi32, #tpu.memory_space<hbm>>) target(%dma_start3A_424 : memref<80xi32, #tpu.memory_space<vmem>>) target_semaphore(%dma_start3A_421 : memref<!tpu.dma_semaphore, #tpu.memory_space<semaphore_mem>>)
      } else {
      }
      %ge3A_383 = arith.constant 3 : i32
      %ge3A_384 = arith.cmpi sge, %sub3A_372, %ge3A_383 : i32
      %lt3A_385 = arith.constant 125 : i32
      %lt3A_386 = arith.cmpi slt, %sub3A_372, %lt3A_385 : i32
      %and3A_387 = arith.andi %ge3A_384, %lt3A_386 : i1
      %convert_element_type3A_388 = arith.extui %and3A_387 : i1 to i32
      %cond3A_389 = arith.constant 0 : i32
      %cond3A_390 = arith.cmpi ne, %convert_element_type3A_388, %cond3A_389 : i32
      scf.if %cond3A_390 {
        %mul3A_399 = arith.constant 80 : i32
        %mul3A_400 = arith.muli %sub3A_372, %mul3A_399 : i32
        %add3A_401 = arith.addi %mul3A_2, %mul3A_400 : i32
        %dma_wait3A_402 = arith.constant 2 : i32
        %dma_wait3A_403 = arith.constant 2 : i32
        %dma_wait3A_404 = arith.constant 0 : i32
        %dma_wait3A_405 = tpu.memref_slice %arg6[%dma_wait3A_402, %dma_wait3A_404] : memref<4x80xi32, #tpu.memory_space<vmem>> -> memref<1x80xi32, #tpu.memory_space<vmem>>
        %dma_wait3A_406 = tpu.memref_squeeze %dma_wait3A_405 : memref<1x80xi32, #tpu.memory_space<vmem>> -> memref<80xi32, #tpu.memory_space<vmem>>
        %dma_wait3A_407 = tpu.memref_slice %arg3[%add3A_401] : memref<320000xi32, #tpu.memory_space<hbm>> -> memref<80xi32, #tpu.memory_space<hbm>>
        %dma_wait3A_408 = tpu.memref_slice %arg10[%dma_wait3A_403] : memref<4x!tpu.dma_semaphore, #tpu.memory_space<semaphore_mem>> -> memref<1x!tpu.dma_semaphore, #tpu.memory_space<semaphore_mem>>
        %dma_wait3A_409 = tpu.memref_squeeze %dma_wait3A_408 : memref<1x!tpu.dma_semaphore, #tpu.memory_space<semaphore_mem>> -> memref<!tpu.dma_semaphore, #tpu.memory_space<semaphore_mem>>
        %dma_wait3A_410 = arith.constant 0 : i32
        %dma_wait3A_411 = tpu.memref_slice %arg6[%dma_wait3A_402, %dma_wait3A_410] : memref<4x80xi32, #tpu.memory_space<vmem>> -> memref<1x80xi32, #tpu.memory_space<vmem>>
        %dma_wait3A_412 = tpu.memref_squeeze %dma_wait3A_411 : memref<1x80xi32, #tpu.memory_space<vmem>> -> memref<80xi32, #tpu.memory_space<vmem>>
        %dma_wait3A_413 = tpu.memref_slice %arg3[%add3A_401] : memref<320000xi32, #tpu.memory_space<hbm>> -> memref<80xi32, #tpu.memory_space<hbm>>
        tpu.wait_dma2 semaphore(%dma_wait3A_409 : memref<!tpu.dma_semaphore, #tpu.memory_space<semaphore_mem>>) src(%dma_wait3A_413 : memref<80xi32, #tpu.memory_space<hbm>>) dst(%dma_wait3A_412 : memref<80xi32, #tpu.memory_space<vmem>>)
        %dma_wait3A_414 = arith.constant 2 : i32
        %dma_wait3A_415 = arith.constant 2 : i32
        %dma_wait3A_416 = arith.constant 0 : i32
        %dma_wait3A_417 = tpu.memref_slice %arg7[%dma_wait3A_414, %dma_wait3A_416] : memref<4x80xi32, #tpu.memory_space<vmem>> -> memref<1x80xi32, #tpu.memory_space<vmem>>
        %dma_wait3A_418 = tpu.memref_squeeze %dma_wait3A_417 : memref<1x80xi32, #tpu.memory_space<vmem>> -> memref<80xi32, #tpu.memory_space<vmem>>
        %dma_wait3A_419 = tpu.memref_slice %arg4[%add3A_401] : memref<320000xi32, #tpu.memory_space<hbm>> -> memref<80xi32, #tpu.memory_space<hbm>>
        %dma_wait3A_420 = tpu.memref_slice %arg10[%dma_wait3A_415] : memref<4x!tpu.dma_semaphore, #tpu.memory_space<semaphore_mem>> -> memref<1x!tpu.dma_semaphore, #tpu.memory_space<semaphore_mem>>
        %dma_wait3A_421 = tpu.memref_squeeze %dma_wait3A_420 : memref<1x!tpu.dma_semaphore, #tpu.memory_space<semaphore_mem>> -> memref<!tpu.dma_semaphore, #tpu.memory_space<semaphore_mem>>
        %dma_wait3A_422 = arith.constant 0 : i32
        %dma_wait3A_423 = tpu.memref_slice %arg7[%dma_wait3A_414, %dma_wait3A_422] : memref<4x80xi32, #tpu.memory_space<vmem>> -> memref<1x80xi32, #tpu.memory_space<vmem>>
        %dma_wait3A_424 = tpu.memref_squeeze %dma_wait3A_423 : memref<1x80xi32, #tpu.memory_space<vmem>> -> memref<80xi32, #tpu.memory_space<vmem>>
        %dma_wait3A_425 = tpu.memref_slice %arg4[%add3A_401] : memref<320000xi32, #tpu.memory_space<hbm>> -> memref<80xi32, #tpu.memory_space<hbm>>
        tpu.wait_dma2 semaphore(%dma_wait3A_421 : memref<!tpu.dma_semaphore, #tpu.memory_space<semaphore_mem>>) src(%dma_wait3A_425 : memref<80xi32, #tpu.memory_space<hbm>>) dst(%dma_wait3A_424 : memref<80xi32, #tpu.memory_space<vmem>>)
        %dma_start3A_426 = arith.constant 2 : i32
        %dma_start3A_427 = arith.constant 2 : i32
        %dma_start3A_428 = arith.constant 2 : i32
        %dma_start3A_429 = arith.constant 0 : i32
        %dma_start3A_430 = arith.constant 0 : i32
        %dma_start3A_431 = tpu.memref_slice %arg8[%dma_start3A_427, %dma_start3A_429, %dma_start3A_430] : memref<4x80x128xf32, #tpu.memory_space<vmem>> -> memref<1x80x128xf32, #tpu.memory_space<vmem>>
        %dma_start3A_432 = tpu.memref_squeeze %dma_start3A_431 : memref<1x80x128xf32, #tpu.memory_space<vmem>> -> memref<80x128xf32, #tpu.memory_space<vmem>>
        %dma_start3A_433 = arith.constant 0 : i32
        %dma_start3A_434 = tpu.memref_slice %arg6[%dma_start3A_426, %dma_start3A_433] : memref<4x80xi32, #tpu.memory_space<vmem>> -> memref<1x80xi32, #tpu.memory_space<vmem>>
        %dma_start3A_435 = tpu.memref_squeeze %dma_start3A_434 : memref<1x80xi32, #tpu.memory_space<vmem>> -> memref<80xi32, #tpu.memory_space<vmem>>
        %dma_start3A_436 = arith.constant 0 : i32
        %dma_start3A_437 = arith.constant 0 : i32
        %dma_start3A_438 = tpu.memref_slice %arg2[%dma_start3A_436, %dma_start3A_437] : memref<10000x128xf32, #tpu.memory_space<hbm>> -> memref<10000x128xf32, #tpu.memory_space<hbm>>
        %dma_start3A_439 = tpu.memref_slice %arg11[%dma_start3A_428] : memref<4x!tpu.dma_semaphore, #tpu.memory_space<semaphore_mem>> -> memref<1x!tpu.dma_semaphore, #tpu.memory_space<semaphore_mem>>
        %dma_start3A_440 = tpu.memref_squeeze %dma_start3A_439 : memref<1x!tpu.dma_semaphore, #tpu.memory_space<semaphore_mem>> -> memref<!tpu.dma_semaphore, #tpu.memory_space<semaphore_mem>>
        tpu.enqueue_indirect_dma source(%dma_start3A_438 : memref<10000x128xf32, #tpu.memory_space<hbm>>) target(%dma_start3A_432 : memref<80x128xf32, #tpu.memory_space<vmem>>) offsets(%dma_start3A_435 : memref<80xi32, #tpu.memory_space<vmem>>) semaphore(%dma_start3A_440 : memref<!tpu.dma_semaphore, #tpu.memory_space<semaphore_mem>>)
      } else {
      }
      %ge3A_391 = arith.constant 0 : i32
      %ge3A_392 = arith.cmpi sge, %sub3A_374, %ge3A_391 : i32
      %lt3A_393 = arith.constant 125 : i32
      %lt3A_394 = arith.cmpi slt, %sub3A_374, %lt3A_393 : i32
      %and3A_395 = arith.andi %ge3A_392, %lt3A_394 : i1
      %convert_element_type3A_396 = arith.extui %and3A_395 : i1 to i32
      %cond3A_397 = arith.constant 0 : i32
      %cond3A_398 = arith.cmpi ne, %convert_element_type3A_396, %cond3A_397 : i32
      scf.if %cond3A_398 {
        %dma_wait3A_399 = arith.constant 0 : i32
        %dma_wait3A_400 = arith.constant 0 : i32
        %dma_wait3A_401 = arith.constant 0 : i32
        %dma_wait3A_402 = arith.constant 0 : i32
        %dma_wait3A_403 = arith.constant 0 : i32
        %dma_wait3A_404 = tpu.memref_slice %arg8[%dma_wait3A_400, %dma_wait3A_402, %dma_wait3A_403] : memref<4x80x128xf32, #tpu.memory_space<vmem>> -> memref<1x80x128xf32, #tpu.memory_space<vmem>>
        %dma_wait3A_405 = tpu.memref_squeeze %dma_wait3A_404 : memref<1x80x128xf32, #tpu.memory_space<vmem>> -> memref<80x128xf32, #tpu.memory_space<vmem>>
        %dma_wait3A_406 = arith.constant 0 : i32
        %dma_wait3A_407 = tpu.memref_slice %arg6[%dma_wait3A_399, %dma_wait3A_406] : memref<4x80xi32, #tpu.memory_space<vmem>> -> memref<1x80xi32, #tpu.memory_space<vmem>>
        %dma_wait3A_408 = tpu.memref_squeeze %dma_wait3A_407 : memref<1x80xi32, #tpu.memory_space<vmem>> -> memref<80xi32, #tpu.memory_space<vmem>>
        %dma_wait3A_409 = arith.constant 0 : i32
        %dma_wait3A_410 = arith.constant 0 : i32
        %dma_wait3A_411 = tpu.memref_slice %arg2[%dma_wait3A_409, %dma_wait3A_410] : memref<10000x128xf32, #tpu.memory_space<hbm>> -> memref<10000x128xf32, #tpu.memory_space<hbm>>
        %dma_wait3A_412 = tpu.memref_slice %arg11[%dma_wait3A_401] : memref<4x!tpu.dma_semaphore, #tpu.memory_space<semaphore_mem>> -> memref<1x!tpu.dma_semaphore, #tpu.memory_space<semaphore_mem>>
        %dma_wait3A_413 = tpu.memref_squeeze %dma_wait3A_412 : memref<1x!tpu.dma_semaphore, #tpu.memory_space<semaphore_mem>> -> memref<!tpu.dma_semaphore, #tpu.memory_space<semaphore_mem>>
        tpu.wait_indirect_dma semaphore(%dma_wait3A_413 : memref<!tpu.dma_semaphore, #tpu.memory_space<semaphore_mem>>) src(%dma_wait3A_411 : memref<10000x128xf32, #tpu.memory_space<hbm>>) dst(%dma_wait3A_405 : memref<80x128xf32, #tpu.memory_space<vmem>>)
        %run_scoped3A_414 = arith.constant 0 : i32
        %run_scoped3A_415 = arith.constant 0 : i32
        "tpu.region"() ({
          %run_scoped3A_416 = tpu.sem_alloc : memref<!tpu.dma_semaphore, #tpu.memory_space<semaphore_mem>>
          %dma_start3A_417 = arith.constant 0 : i32
          %dma_start3A_418 = arith.constant 0 : i32
          %dma_start3A_419 = tpu.memref_slice %arg8[%run_scoped3A_414, %dma_start3A_417, %dma_start3A_418] : memref<4x80x128xf32, #tpu.memory_space<vmem>> -> memref<1x80x128xf32, #tpu.memory_space<vmem>>
          %dma_start3A_420 = tpu.memref_squeeze %dma_start3A_419 : memref<1x80x128xf32, #tpu.memory_space<vmem>> -> memref<80x128xf32, #tpu.memory_space<vmem>>
          %dma_start3A_421 = arith.constant 0 : i32
          %dma_start3A_422 = tpu.memref_slice %arg7[%run_scoped3A_415, %dma_start3A_421] : memref<4x80xi32, #tpu.memory_space<vmem>> -> memref<1x80xi32, #tpu.memory_space<vmem>>
          %dma_start3A_423 = tpu.memref_squeeze %dma_start3A_422 : memref<1x80xi32, #tpu.memory_space<vmem>> -> memref<80xi32, #tpu.memory_space<vmem>>
          %dma_start3A_424 = arith.constant 0 : i32
          %dma_start3A_425 = arith.constant 0 : i32
          %dma_start3A_426 = tpu.memref_slice %arg9[%dma_start3A_424, %dma_start3A_425] : memref<10000x128xf32, #tpu.memory_space<vmem_shared>> -> memref<10000x128xf32, #tpu.memory_space<vmem_shared>>
          tpu.enqueue_indirect_dma source(%dma_start3A_420 : memref<80x128xf32, #tpu.memory_space<vmem>>) target(%dma_start3A_426 : memref<10000x128xf32, #tpu.memory_space<vmem_shared>>) offsets(%dma_start3A_423 : memref<80xi32, #tpu.memory_space<vmem>>) semaphore(%run_scoped3A_416 : memref<!tpu.dma_semaphore, #tpu.memory_space<semaphore_mem>>) {add = true}
          %dma_wait3A_427 = arith.constant 0 : i32
          %dma_wait3A_428 = arith.constant 0 : i32
          %dma_wait3A_429 = tpu.memref_slice %arg8[%run_scoped3A_414, %dma_wait3A_427, %dma_wait3A_428] : memref<4x80x128xf32, #tpu.memory_space<vmem>> -> memref<1x80x128xf32, #tpu.memory_space<vmem>>
          %dma_wait3A_430 = tpu.memref_squeeze %dma_wait3A_429 : memref<1x80x128xf32, #tpu.memory_space<vmem>> -> memref<80x128xf32, #tpu.memory_space<vmem>>
          %dma_wait3A_431 = arith.constant 0 : i32
          %dma_wait3A_432 = tpu.memref_slice %arg7[%run_scoped3A_415, %dma_wait3A_431] : memref<4x80xi32, #tpu.memory_space<vmem>> -> memref<1x80xi32, #tpu.memory_space<vmem>>
          %dma_wait3A_433 = tpu.memref_squeeze %dma_wait3A_432 : memref<1x80xi32, #tpu.memory_space<vmem>> -> memref<80xi32, #tpu.memory_space<vmem>>
          %dma_wait3A_434 = arith.constant 0 : i32
          %dma_wait3A_435 = arith.constant 0 : i32
          %dma_wait3A_436 = tpu.memref_slice %arg9[%dma_wait3A_434, %dma_wait3A_435] : memref<10000x128xf32, #tpu.memory_space<vmem_shared>> -> memref<10000x128xf32, #tpu.memory_space<vmem_shared>>
          tpu.wait_indirect_dma semaphore(%run_scoped3A_416 : memref<!tpu.dma_semaphore, #tpu.memory_space<semaphore_mem>>) src(%dma_wait3A_430 : memref<80x128xf32, #tpu.memory_space<vmem>>) dst(%dma_wait3A_436 : memref<10000x128xf32, #tpu.memory_space<vmem_shared>>)
          tpu.yield
        }) : () -> ()
      } else {
      }
    }
    %scan3A_267 = arith.constant 33 : i32
    %barrier3A_268 = arith.constant 0 : index
    tpu.barrier barrier_id(%barrier3A_268)
    "tpu.region"() ({
      %run_scoped3A_274 = tpu.sem_alloc : memref<!tpu.dma_semaphore, #tpu.memory_space<semaphore_mem>>
      %dma_start3A_275 = arith.constant 0 : i32
      %dma_start3A_276 = tpu.memref_slice %arg5[%arg0, %mul3A_235, %dma_start3A_275] : memref<2x10000x128xf32, #tpu.memory_space<hbm>> -> memref<1x624x128xf32, #tpu.memory_space<hbm>>
      %dma_start3A_277 = tpu.memref_squeeze %dma_start3A_276 : memref<1x624x128xf32, #tpu.memory_space<hbm>> -> memref<624x128xf32, #tpu.memory_space<hbm>>
      %dma_start3A_278 = arith.constant 0 : i32
      %dma_start3A_279 = tpu.memref_slice %arg9[%mul3A_235, %dma_start3A_278] : memref<10000x128xf32, #tpu.memory_space<vmem_shared>> -> memref<624x128xf32, #tpu.memory_space<vmem_shared>>
      tpu.enqueue_dma source(%dma_start3A_279 : memref<624x128xf32, #tpu.memory_space<vmem_shared>>) target(%dma_start3A_277 : memref<624x128xf32, #tpu.memory_space<hbm>>) target_semaphore(%run_scoped3A_274 : memref<!tpu.dma_semaphore, #tpu.memory_space<semaphore_mem>>)
      %dma_wait3A_280 = arith.constant 0 : i32
      %dma_wait3A_281 = tpu.memref_slice %arg5[%arg0, %mul3A_235, %dma_wait3A_280] : memref<2x10000x128xf32, #tpu.memory_space<hbm>> -> memref<1x624x128xf32, #tpu.memory_space<hbm>>
      %dma_wait3A_282 = tpu.memref_squeeze %dma_wait3A_281 : memref<1x624x128xf32, #tpu.memory_space<hbm>> -> memref<624x128xf32, #tpu.memory_space<hbm>>
      %dma_wait3A_283 = arith.constant 0 : i32
      %dma_wait3A_284 = tpu.memref_slice %arg9[%mul3A_235, %dma_wait3A_283] : memref<10000x128xf32, #tpu.memory_space<vmem_shared>> -> memref<624x128xf32, #tpu.memory_space<vmem_shared>>
      tpu.wait_dma2 semaphore(%run_scoped3A_274 : memref<!tpu.dma_semaphore, #tpu.memory_space<semaphore_mem>>) src(%dma_wait3A_284 : memref<624x128xf32, #tpu.memory_space<vmem_shared>>) dst(%dma_wait3A_282 : memref<624x128xf32, #tpu.memory_space<hbm>>)
      tpu.yield
    }) : () -> ()
    %eq3A_269 = arith.constant 0 : i32
    %eq3A_270 = arith.cmpi eq, %arg1, %eq3A_269 : i32
    %convert_element_type3A_271 = arith.extui %eq3A_270 : i1 to i32
    %cond3A_272 = arith.constant 0 : i32
    %cond3A_273 = arith.cmpi ne, %convert_element_type3A_271, %cond3A_272 : i32
    scf.if %cond3A_273 {
      "tpu.region"() ({
        %run_scoped3A_274 = tpu.sem_alloc : memref<!tpu.dma_semaphore, #tpu.memory_space<semaphore_mem>>
        %dma_start3A_275 = arith.constant 9984 : i32
        %dma_start3A_276 = arith.constant 0 : i32
        %dma_start3A_277 = tpu.memref_slice %arg5[%arg0, %dma_start3A_275, %dma_start3A_276] : memref<2x10000x128xf32, #tpu.memory_space<hbm>> -> memref<1x16x128xf32, #tpu.memory_space<hbm>>
        %dma_start3A_278 = tpu.memref_squeeze %dma_start3A_277 : memref<1x16x128xf32, #tpu.memory_space<hbm>> -> memref<16x128xf32, #tpu.memory_space<hbm>>
        %dma_start3A_279 = arith.constant 9984 : i32
        %dma_start3A_280 = arith.constant 0 : i32
        %dma_start3A_281 = tpu.memref_slice %arg9[%dma_start3A_279, %dma_start3A_280] : memref<10000x128xf32, #tpu.memory_space<vmem_shared>> -> memref<16x128xf32, #tpu.memory_space<vmem_shared>>
        tpu.enqueue_dma source(%dma_start3A_281 : memref<16x128xf32, #tpu.memory_space<vmem_shared>>) target(%dma_start3A_278 : memref<16x128xf32, #tpu.memory_space<hbm>>) target_semaphore(%run_scoped3A_274 : memref<!tpu.dma_semaphore, #tpu.memory_space<semaphore_mem>>)
        %dma_wait3A_282 = arith.constant 9984 : i32
        %dma_wait3A_283 = arith.constant 0 : i32
        %dma_wait3A_284 = tpu.memref_slice %arg5[%arg0, %dma_wait3A_282, %dma_wait3A_283] : memref<2x10000x128xf32, #tpu.memory_space<hbm>> -> memref<1x16x128xf32, #tpu.memory_space<hbm>>
        %dma_wait3A_285 = tpu.memref_squeeze %dma_wait3A_284 : memref<1x16x128xf32, #tpu.memory_space<hbm>> -> memref<16x128xf32, #tpu.memory_space<hbm>>
        %dma_wait3A_286 = arith.constant 9984 : i32
        %dma_wait3A_287 = arith.constant 0 : i32
        %dma_wait3A_288 = tpu.memref_slice %arg9[%dma_wait3A_286, %dma_wait3A_287] : memref<10000x128xf32, #tpu.memory_space<vmem_shared>> -> memref<16x128xf32, #tpu.memory_space<vmem_shared>>
        tpu.wait_dma2 semaphore(%run_scoped3A_274 : memref<!tpu.dma_semaphore, #tpu.memory_space<semaphore_mem>>) src(%dma_wait3A_288 : memref<16x128xf32, #tpu.memory_space<vmem_shared>>) dst(%dma_wait3A_285 : memref<16x128xf32, #tpu.memory_space<hbm>>)
        tpu.yield
      }) : () -> ()
    } else {
    }
    return
  }
}

#map = affine_map<(d0, d1) -> (0, 0)>
#map1 = affine_map<(d0, d1) -> (0)>
#map2 = affine_map<(d0, d1) -> (0, 0, 0)>
module attributes {stable_mosaic.version = 14 : i64} {
  func.func @body(%arg0: i32, %arg1: i32, %arg2: memref<10000x128xf32, #tpu.memory_space<hbm>>, %arg3: memref<320000xi32, #tpu.memory_space<hbm>>, %arg4: memref<320000xi32, #tpu.memory_space<hbm>>, %arg5: memref<2x10000x128xf32, #tpu.memory_space<hbm>>, %arg6: memref<4x80xi32, #tpu.memory_space<vmem>>, %arg7: memref<4x80xi32, #tpu.memory_space<vmem>>, %arg8: memref<4x80x128xf32, #tpu.memory_space<vmem>>, %arg9: memref<10000x128xf32, #tpu.memory_space<vmem_shared>>, %arg10: memref<4x!tpu.dma_semaphore, #tpu.memory_space<semaphore_mem>>, %arg11: memref<4x!tpu.dma_semaphore, #tpu.memory_space<semaphore_mem>>) attributes {dimension_semantics = [#tpu.dimension_semantics<core_parallel>, #tpu.dimension_semantics<subcore_parallel>], iteration_bounds = array<i64: 2, 16>, scalar_prefetch = 0 : i64, scratch_operands = 6 : i64, tpu.core_type = #tpu.core_type<sc_vector_subcore>, window_params = [{transform_indices = #map}, {transform_indices = #map1}, {transform_indices = #map1}, {transform_indices = #map2}]} {
    %mul3A = arith.constant 2 : i32
    %mul3A_0 = arith.muli %arg1, %mul3A : i32
    %add3A = arith.addi %mul3A_0, %arg0 : i32
    %mul3A_1 = arith.constant 10000 : i32
    %mul3A_2 = arith.muli %add3A, %mul3A_1 : i32
    %add3A_3 = arith.constant 0 : i32
    %add3A_4 = arith.addi %mul3A_2, %add3A_3 : i32
    %dma_start3A = arith.constant 0 : i32
    %dma_start3A_5 = arith.constant 0 : i32
    %dma_start3A_6 = arith.constant 0 : i32
    %dma_start3A_7 = tpu.memref_slice %arg6[%dma_start3A, %dma_start3A_6] : memref<4x80xi32, #tpu.memory_space<vmem>> -> memref<1x80xi32, #tpu.memory_space<vmem>>
    %dma_start3A_8 = tpu.memref_squeeze %dma_start3A_7 : memref<1x80xi32, #tpu.memory_space<vmem>> -> memref<80xi32, #tpu.memory_space<vmem>>
    %dma_start3A_9 = tpu.memref_slice %arg3[%add3A_4] : memref<320000xi32, #tpu.memory_space<hbm>> -> memref<80xi32, #tpu.memory_space<hbm>>
    %dma_start3A_10 = tpu.memref_slice %arg10[%dma_start3A_5] : memref<4x!tpu.dma_semaphore, #tpu.memory_space<semaphore_mem>> -> memref<1x!tpu.dma_semaphore, #tpu.memory_space<semaphore_mem>>
    %dma_start3A_11 = tpu.memref_squeeze %dma_start3A_10 : memref<1x!tpu.dma_semaphore, #tpu.memory_space<semaphore_mem>> -> memref<!tpu.dma_semaphore, #tpu.memory_space<semaphore_mem>>
    %dma_start3A_12 = arith.constant 0 : i32
    %dma_start3A_13 = tpu.memref_slice %arg6[%dma_start3A, %dma_start3A_12] : memref<4x80xi32, #tpu.memory_space<vmem>> -> memref<1x80xi32, #tpu.memory_space<vmem>>
    %dma_start3A_14 = tpu.memref_squeeze %dma_start3A_13 : memref<1x80xi32, #tpu.memory_space<vmem>> -> memref<80xi32, #tpu.memory_space<vmem>>
    %dma_start3A_15 = tpu.memref_slice %arg3[%add3A_4] : memref<320000xi32, #tpu.memory_space<hbm>> -> memref<80xi32, #tpu.memory_space<hbm>>
    tpu.enqueue_dma source(%dma_start3A_15 : memref<80xi32, #tpu.memory_space<hbm>>) target(%dma_start3A_14 : memref<80xi32, #tpu.memory_space<vmem>>) target_semaphore(%dma_start3A_11 : memref<!tpu.dma_semaphore, #tpu.memory_space<semaphore_mem>>)
    %dma_start3A_16 = arith.constant 0 : i32
    %dma_start3A_17 = arith.constant 0 : i32
    %dma_start3A_18 = arith.constant 0 : i32
    %dma_start3A_19 = tpu.memref_slice %arg7[%dma_start3A_16, %dma_start3A_18] : memref<4x80xi32, #tpu.memory_space<vmem>> -> memref<1x80xi32, #tpu.memory_space<vmem>>
    %dma_start3A_20 = tpu.memref_squeeze %dma_start3A_19 : memref<1x80xi32, #tpu.memory_space<vmem>> -> memref<80xi32, #tpu.memory_space<vmem>>
    %dma_start3A_21 = tpu.memref_slice %arg4[%add3A_4] : memref<320000xi32, #tpu.memory_space<hbm>> -> memref<80xi32, #tpu.memory_space<hbm>>
    %dma_start3A_22 = tpu.memref_slice %arg10[%dma_start3A_17] : memref<4x!tpu.dma_semaphore, #tpu.memory_space<semaphore_mem>> -> memref<1x!tpu.dma_semaphore, #tpu.memory_space<semaphore_mem>>
    %dma_start3A_23 = tpu.memref_squeeze %dma_start3A_22 : memref<1x!tpu.dma_semaphore, #tpu.memory_space<semaphore_mem>> -> memref<!tpu.dma_semaphore, #tpu.memory_space<semaphore_mem>>
    %dma_start3A_24 = arith.constant 0 : i32
    %dma_start3A_25 = tpu.memref_slice %arg7[%dma_start3A_16, %dma_start3A_24] : memref<4x80xi32, #tpu.memory_space<vmem>> -> memref<1x80xi32, #tpu.memory_space<vmem>>
    %dma_start3A_26 = tpu.memref_squeeze %dma_start3A_25 : memref<1x80xi32, #tpu.memory_space<vmem>> -> memref<80xi32, #tpu.memory_space<vmem>>
    %dma_start3A_27 = tpu.memref_slice %arg4[%add3A_4] : memref<320000xi32, #tpu.memory_space<hbm>> -> memref<80xi32, #tpu.memory_space<hbm>>
    tpu.enqueue_dma source(%dma_start3A_27 : memref<80xi32, #tpu.memory_space<hbm>>) target(%dma_start3A_26 : memref<80xi32, #tpu.memory_space<vmem>>) target_semaphore(%dma_start3A_23 : memref<!tpu.dma_semaphore, #tpu.memory_space<semaphore_mem>>)
    %add3A_28 = arith.constant 80 : i32
    %add3A_29 = arith.addi %mul3A_2, %add3A_28 : i32
    %dma_start3A_30 = arith.constant 1 : i32
    %dma_start3A_31 = arith.constant 1 : i32
    %dma_start3A_32 = arith.constant 0 : i32
    %dma_start3A_33 = tpu.memref_slice %arg6[%dma_start3A_30, %dma_start3A_32] : memref<4x80xi32, #tpu.memory_space<vmem>> -> memref<1x80xi32, #tpu.memory_space<vmem>>
    %dma_start3A_34 = tpu.memref_squeeze %dma_start3A_33 : memref<1x80xi32, #tpu.memory_space<vmem>> -> memref<80xi32, #tpu.memory_space<vmem>>
    %dma_start3A_35 = tpu.memref_slice %arg3[%add3A_29] : memref<320000xi32, #tpu.memory_space<hbm>> -> memref<80xi32, #tpu.memory_space<hbm>>
    %dma_start3A_36 = tpu.memref_slice %arg10[%dma_start3A_31] : memref<4x!tpu.dma_semaphore, #tpu.memory_space<semaphore_mem>> -> memref<1x!tpu.dma_semaphore, #tpu.memory_space<semaphore_mem>>
    %dma_start3A_37 = tpu.memref_squeeze %dma_start3A_36 : memref<1x!tpu.dma_semaphore, #tpu.memory_space<semaphore_mem>> -> memref<!tpu.dma_semaphore, #tpu.memory_space<semaphore_mem>>
    %dma_start3A_38 = arith.constant 0 : i32
    %dma_start3A_39 = tpu.memref_slice %arg6[%dma_start3A_30, %dma_start3A_38] : memref<4x80xi32, #tpu.memory_space<vmem>> -> memref<1x80xi32, #tpu.memory_space<vmem>>
    %dma_start3A_40 = tpu.memref_squeeze %dma_start3A_39 : memref<1x80xi32, #tpu.memory_space<vmem>> -> memref<80xi32, #tpu.memory_space<vmem>>
    %dma_start3A_41 = tpu.memref_slice %arg3[%add3A_29] : memref<320000xi32, #tpu.memory_space<hbm>> -> memref<80xi32, #tpu.memory_space<hbm>>
    tpu.enqueue_dma source(%dma_start3A_41 : memref<80xi32, #tpu.memory_space<hbm>>) target(%dma_start3A_40 : memref<80xi32, #tpu.memory_space<vmem>>) target_semaphore(%dma_start3A_37 : memref<!tpu.dma_semaphore, #tpu.memory_space<semaphore_mem>>)
    %dma_start3A_42 = arith.constant 1 : i32
    %dma_start3A_43 = arith.constant 1 : i32
    %dma_start3A_44 = arith.constant 0 : i32
    %dma_start3A_45 = tpu.memref_slice %arg7[%dma_start3A_42, %dma_start3A_44] : memref<4x80xi32, #tpu.memory_space<vmem>> -> memref<1x80xi32, #tpu.memory_space<vmem>>
    %dma_start3A_46 = tpu.memref_squeeze %dma_start3A_45 : memref<1x80xi32, #tpu.memory_space<vmem>> -> memref<80xi32, #tpu.memory_space<vmem>>
    %dma_start3A_47 = tpu.memref_slice %arg4[%add3A_29] : memref<320000xi32, #tpu.memory_space<hbm>> -> memref<80xi32, #tpu.memory_space<hbm>>
    %dma_start3A_48 = tpu.memref_slice %arg10[%dma_start3A_43] : memref<4x!tpu.dma_semaphore, #tpu.memory_space<semaphore_mem>> -> memref<1x!tpu.dma_semaphore, #tpu.memory_space<semaphore_mem>>
    %dma_start3A_49 = tpu.memref_squeeze %dma_start3A_48 : memref<1x!tpu.dma_semaphore, #tpu.memory_space<semaphore_mem>> -> memref<!tpu.dma_semaphore, #tpu.memory_space<semaphore_mem>>
    %dma_start3A_50 = arith.constant 0 : i32
    %dma_start3A_51 = tpu.memref_slice %arg7[%dma_start3A_42, %dma_start3A_50] : memref<4x80xi32, #tpu.memory_space<vmem>> -> memref<1x80xi32, #tpu.memory_space<vmem>>
    %dma_start3A_52 = tpu.memref_squeeze %dma_start3A_51 : memref<1x80xi32, #tpu.memory_space<vmem>> -> memref<80xi32, #tpu.memory_space<vmem>>
    %dma_start3A_53 = tpu.memref_slice %arg4[%add3A_29] : memref<320000xi32, #tpu.memory_space<hbm>> -> memref<80xi32, #tpu.memory_space<hbm>>
    tpu.enqueue_dma source(%dma_start3A_53 : memref<80xi32, #tpu.memory_space<hbm>>) target(%dma_start3A_52 : memref<80xi32, #tpu.memory_space<vmem>>) target_semaphore(%dma_start3A_49 : memref<!tpu.dma_semaphore, #tpu.memory_space<semaphore_mem>>)
    %add3A_54 = arith.constant 160 : i32
    %add3A_55 = arith.addi %mul3A_2, %add3A_54 : i32
    %dma_start3A_56 = arith.constant 2 : i32
    %dma_start3A_57 = arith.constant 2 : i32
    %dma_start3A_58 = arith.constant 0 : i32
    %dma_start3A_59 = tpu.memref_slice %arg6[%dma_start3A_56, %dma_start3A_58] : memref<4x80xi32, #tpu.memory_space<vmem>> -> memref<1x80xi32, #tpu.memory_space<vmem>>
    %dma_start3A_60 = tpu.memref_squeeze %dma_start3A_59 : memref<1x80xi32, #tpu.memory_space<vmem>> -> memref<80xi32, #tpu.memory_space<vmem>>
    %dma_start3A_61 = tpu.memref_slice %arg3[%add3A_55] : memref<320000xi32, #tpu.memory_space<hbm>> -> memref<80xi32, #tpu.memory_space<hbm>>
    %dma_start3A_62 = tpu.memref_slice %arg10[%dma_start3A_57] : memref<4x!tpu.dma_semaphore, #tpu.memory_space<semaphore_mem>> -> memref<1x!tpu.dma_semaphore, #tpu.memory_space<semaphore_mem>>
    %dma_start3A_63 = tpu.memref_squeeze %dma_start3A_62 : memref<1x!tpu.dma_semaphore, #tpu.memory_space<semaphore_mem>> -> memref<!tpu.dma_semaphore, #tpu.memory_space<semaphore_mem>>
    %dma_start3A_64 = arith.constant 0 : i32
    %dma_start3A_65 = tpu.memref_slice %arg6[%dma_start3A_56, %dma_start3A_64] : memref<4x80xi32, #tpu.memory_space<vmem>> -> memref<1x80xi32, #tpu.memory_space<vmem>>
    %dma_start3A_66 = tpu.memref_squeeze %dma_start3A_65 : memref<1x80xi32, #tpu.memory_space<vmem>> -> memref<80xi32, #tpu.memory_space<vmem>>
    %dma_start3A_67 = tpu.memref_slice %arg3[%add3A_55] : memref<320000xi32, #tpu.memory_space<hbm>> -> memref<80xi32, #tpu.memory_space<hbm>>
    tpu.enqueue_dma source(%dma_start3A_67 : memref<80xi32, #tpu.memory_space<hbm>>) target(%dma_start3A_66 : memref<80xi32, #tpu.memory_space<vmem>>) target_semaphore(%dma_start3A_63 : memref<!tpu.dma_semaphore, #tpu.memory_space<semaphore_mem>>)
    %dma_start3A_68 = arith.constant 2 : i32
    %dma_start3A_69 = arith.constant 2 : i32
    %dma_start3A_70 = arith.constant 0 : i32
    %dma_start3A_71 = tpu.memref_slice %arg7[%dma_start3A_68, %dma_start3A_70] : memref<4x80xi32, #tpu.memory_space<vmem>> -> memref<1x80xi32, #tpu.memory_space<vmem>>
    %dma_start3A_72 = tpu.memref_squeeze %dma_start3A_71 : memref<1x80xi32, #tpu.memory_space<vmem>> -> memref<80xi32, #tpu.memory_space<vmem>>
    %dma_start3A_73 = tpu.memref_slice %arg4[%add3A_55] : memref<320000xi32, #tpu.memory_space<hbm>> -> memref<80xi32, #tpu.memory_space<hbm>>
    %dma_start3A_74 = tpu.memref_slice %arg10[%dma_start3A_69] : memref<4x!tpu.dma_semaphore, #tpu.memory_space<semaphore_mem>> -> memref<1x!tpu.dma_semaphore, #tpu.memory_space<semaphore_mem>>
    %dma_start3A_75 = tpu.memref_squeeze %dma_start3A_74 : memref<1x!tpu.dma_semaphore, #tpu.memory_space<semaphore_mem>> -> memref<!tpu.dma_semaphore, #tpu.memory_space<semaphore_mem>>
    %dma_start3A_76 = arith.constant 0 : i32
    %dma_start3A_77 = tpu.memref_slice %arg7[%dma_start3A_68, %dma_start3A_76] : memref<4x80xi32, #tpu.memory_space<vmem>> -> memref<1x80xi32, #tpu.memory_space<vmem>>
    %dma_start3A_78 = tpu.memref_squeeze %dma_start3A_77 : memref<1x80xi32, #tpu.memory_space<vmem>> -> memref<80xi32, #tpu.memory_space<vmem>>
    %dma_start3A_79 = tpu.memref_slice %arg4[%add3A_55] : memref<320000xi32, #tpu.memory_space<hbm>> -> memref<80xi32, #tpu.memory_space<hbm>>
    tpu.enqueue_dma source(%dma_start3A_79 : memref<80xi32, #tpu.memory_space<hbm>>) target(%dma_start3A_78 : memref<80xi32, #tpu.memory_space<vmem>>) target_semaphore(%dma_start3A_75 : memref<!tpu.dma_semaphore, #tpu.memory_space<semaphore_mem>>)
    %add3A_80 = arith.constant 240 : i32
    %add3A_81 = arith.addi %mul3A_2, %add3A_80 : i32
    %dma_start3A_82 = arith.constant 3 : i32
    %dma_start3A_83 = arith.constant 3 : i32
    %dma_start3A_84 = arith.constant 0 : i32
    %dma_start3A_85 = tpu.memref_slice %arg6[%dma_start3A_82, %dma_start3A_84] : memref<4x80xi32, #tpu.memory_space<vmem>> -> memref<1x80xi32, #tpu.memory_space<vmem>>
    %dma_start3A_86 = tpu.memref_squeeze %dma_start3A_85 : memref<1x80xi32, #tpu.memory_space<vmem>> -> memref<80xi32, #tpu.memory_space<vmem>>
    %dma_start3A_87 = tpu.memref_slice %arg3[%add3A_81] : memref<320000xi32, #tpu.memory_space<hbm>> -> memref<80xi32, #tpu.memory_space<hbm>>
    %dma_start3A_88 = tpu.memref_slice %arg10[%dma_start3A_83] : memref<4x!tpu.dma_semaphore, #tpu.memory_space<semaphore_mem>> -> memref<1x!tpu.dma_semaphore, #tpu.memory_space<semaphore_mem>>
    %dma_start3A_89 = tpu.memref_squeeze %dma_start3A_88 : memref<1x!tpu.dma_semaphore, #tpu.memory_space<semaphore_mem>> -> memref<!tpu.dma_semaphore, #tpu.memory_space<semaphore_mem>>
    %dma_start3A_90 = arith.constant 0 : i32
    %dma_start3A_91 = tpu.memref_slice %arg6[%dma_start3A_82, %dma_start3A_90] : memref<4x80xi32, #tpu.memory_space<vmem>> -> memref<1x80xi32, #tpu.memory_space<vmem>>
    %dma_start3A_92 = tpu.memref_squeeze %dma_start3A_91 : memref<1x80xi32, #tpu.memory_space<vmem>> -> memref<80xi32, #tpu.memory_space<vmem>>
    %dma_start3A_93 = tpu.memref_slice %arg3[%add3A_81] : memref<320000xi32, #tpu.memory_space<hbm>> -> memref<80xi32, #tpu.memory_space<hbm>>
    tpu.enqueue_dma source(%dma_start3A_93 : memref<80xi32, #tpu.memory_space<hbm>>) target(%dma_start3A_92 : memref<80xi32, #tpu.memory_space<vmem>>) target_semaphore(%dma_start3A_89 : memref<!tpu.dma_semaphore, #tpu.memory_space<semaphore_mem>>)
    %dma_start3A_94 = arith.constant 3 : i32
    %dma_start3A_95 = arith.constant 3 : i32
    %dma_start3A_96 = arith.constant 0 : i32
    %dma_start3A_97 = tpu.memref_slice %arg7[%dma_start3A_94, %dma_start3A_96] : memref<4x80xi32, #tpu.memory_space<vmem>> -> memref<1x80xi32, #tpu.memory_space<vmem>>
    %dma_start3A_98 = tpu.memref_squeeze %dma_start3A_97 : memref<1x80xi32, #tpu.memory_space<vmem>> -> memref<80xi32, #tpu.memory_space<vmem>>
    %dma_start3A_99 = tpu.memref_slice %arg4[%add3A_81] : memref<320000xi32, #tpu.memory_space<hbm>> -> memref<80xi32, #tpu.memory_space<hbm>>
    %dma_start3A_100 = tpu.memref_slice %arg10[%dma_start3A_95] : memref<4x!tpu.dma_semaphore, #tpu.memory_space<semaphore_mem>> -> memref<1x!tpu.dma_semaphore, #tpu.memory_space<semaphore_mem>>
    %dma_start3A_101 = tpu.memref_squeeze %dma_start3A_100 : memref<1x!tpu.dma_semaphore, #tpu.memory_space<semaphore_mem>> -> memref<!tpu.dma_semaphore, #tpu.memory_space<semaphore_mem>>
    %dma_start3A_102 = arith.constant 0 : i32
    %dma_start3A_103 = tpu.memref_slice %arg7[%dma_start3A_94, %dma_start3A_102] : memref<4x80xi32, #tpu.memory_space<vmem>> -> memref<1x80xi32, #tpu.memory_space<vmem>>
    %dma_start3A_104 = tpu.memref_squeeze %dma_start3A_103 : memref<1x80xi32, #tpu.memory_space<vmem>> -> memref<80xi32, #tpu.memory_space<vmem>>
    %dma_start3A_105 = tpu.memref_slice %arg4[%add3A_81] : memref<320000xi32, #tpu.memory_space<hbm>> -> memref<80xi32, #tpu.memory_space<hbm>>
    tpu.enqueue_dma source(%dma_start3A_105 : memref<80xi32, #tpu.memory_space<hbm>>) target(%dma_start3A_104 : memref<80xi32, #tpu.memory_space<vmem>>) target_semaphore(%dma_start3A_101 : memref<!tpu.dma_semaphore, #tpu.memory_space<semaphore_mem>>)
    %scan3A = arith.constant 0 : i32
    %scan3A_106 = arith.constant 3 : i32
    %scan3A_107 = arith.constant 0 : i32
    %scan3A_108 = arith.constant 640 : i32
    %scan3A_109 = arith.addi %scan3A_107, %scan3A_108 : i32
    %scan3A_110 = arith.constant 1 : i32
    scf.for %scan3A_274 = %scan3A_107 to %scan3A_109 step %scan3A_110  : i32 {
      %jit3A = arith.constant 8 : i32
      %div3A = arith.divsi %scan3A_274, %jit3A : i32
      %sign3A = arith.constant 0 : i32
      %sign3A_275 = arith.cmpi sgt, %scan3A_274, %sign3A : i32
      %sign3A_276 = arith.extui %sign3A_275 : i1 to i32
      %sign3A_277 = arith.constant 0 : i32
      %sign3A_278 = arith.cmpi slt, %scan3A_274, %sign3A_277 : i32
      %sign3A_279 = arith.extui %sign3A_278 : i1 to i32
      %sign3A_280 = arith.subi %sign3A_276, %sign3A_279 : i32
      %sign3A_281 = arith.constant 0 : i32
      %sign3A_282 = arith.cmpi sgt, %jit3A, %sign3A_281 : i32
      %sign3A_283 = arith.extui %sign3A_282 : i1 to i32
      %sign3A_284 = arith.constant 0 : i32
      %sign3A_285 = arith.cmpi slt, %jit3A, %sign3A_284 : i32
      %sign3A_286 = arith.extui %sign3A_285 : i1 to i32
      %sign3A_287 = arith.subi %sign3A_283, %sign3A_286 : i32
      %ne3A = arith.cmpi ne, %sign3A_280, %sign3A_287 : i32
      %rem3A = arith.remsi %scan3A_274, %jit3A : i32
      %ne3A_288 = arith.constant 0 : i32
      %ne3A_289 = arith.cmpi ne, %rem3A, %ne3A_288 : i32
      %and3A = arith.andi %ne3A, %ne3A_289 : i1
      %sub3A = arith.constant 1 : i32
      %sub3A_290 = arith.subi %div3A, %sub3A : i32
      %select_n3A = arith.select %and3A, %sub3A_290, %div3A : i32
      %jit3A_291 = arith.constant 8 : i32
      %eq3A_292 = arith.constant 0 : i32
      %eq3A_293 = arith.cmpi eq, %jit3A_291, %eq3A_292 : i32
      %jit3A_294 = arith.constant 1 : i32
      %select_n3A_295 = arith.select %eq3A_293, %jit3A_294, %jit3A_291 : i32
      %rem3A_296 = arith.remsi %scan3A_274, %select_n3A_295 : i32
      %ne3A_297 = arith.constant 0 : i32
      %ne3A_298 = arith.cmpi ne, %rem3A_296, %ne3A_297 : i32
      %lt3A = arith.constant 0 : i32
      %lt3A_299 = arith.cmpi slt, %rem3A_296, %lt3A : i32
      %lt3A_300 = arith.constant 0 : i32
      %lt3A_301 = arith.cmpi slt, %select_n3A_295, %lt3A_300 : i32
      %ne3A_302 = arith.xori %lt3A_299, %lt3A_301 : i1
      %and3A_303 = arith.andi %ne3A_302, %ne3A_298 : i1
      %add3A_304 = arith.addi %rem3A_296, %select_n3A_295 : i32
      %select_n3A_305 = arith.select %and3A_303, %add3A_304, %rem3A_296 : i32
      %mul3A_306 = arith.constant 16 : i32
      %mul3A_307 = arith.muli %select_n3A_305, %mul3A_306 : i32
      %broadcast_in_dim3A = arith.constant 0.000000e+00 : f32
      %broadcast_in_dim3A_308 = vector.broadcast %broadcast_in_dim3A : f32 to vector<16xf32>
      %swap3A = arith.constant 0 : i32
      %swap3A_309 = arith.constant 0 : i32
      %swap3A_310 = tpu.memref_slice %arg8[%scan3A_106, %swap3A, %swap3A_309] : memref<4x80x128xf32, #tpu.memory_space<vmem>> -> memref<1x80x128xf32, #tpu.memory_space<vmem>>
      %swap3A_311 = tpu.memref_squeeze %swap3A_310 : memref<1x80x128xf32, #tpu.memory_space<vmem>> -> memref<80x128xf32, #tpu.memory_space<vmem>>
      %swap3A_312 = arith.index_cast %select_n3A : i32 to index
      %swap3A_313 = arith.index_cast %mul3A_307 : i32 to index
      %swap3A_314 = tpu.vector_load %swap3A_311[%swap3A_312, %swap3A_313] {strides = array<i32>} : memref<80x128xf32, #tpu.memory_space<vmem>>, vector<1x16xf32>,
      %swap3A_315 = vector.shape_cast %swap3A_314 : vector<1x16xf32> to vector<16xf32>
      %swap3A_316 = vector.shape_cast %broadcast_in_dim3A_308 : vector<16xf32> to vector<1x16xf32>
      tpu.vector_store %swap3A_311[%swap3A_312, %swap3A_313], %swap3A_316 {strides = array<i32>} : memref<80x128xf32, #tpu.memory_space<vmem>>, vector<1x16xf32>,
    }
    %scan3A_111 = arith.constant 640 : i32
    %add3A_112 = arith.constant 0 : i32
    %add3A_113 = arith.addi %mul3A_2, %add3A_112 : i32
    %dma_wait3A = arith.constant 0 : i32
    %dma_wait3A_114 = arith.constant 0 : i32
    %dma_wait3A_115 = arith.constant 0 : i32
    %dma_wait3A_116 = tpu.memref_slice %arg6[%dma_wait3A, %dma_wait3A_115] : memref<4x80xi32, #tpu.memory_space<vmem>> -> memref<1x80xi32, #tpu.memory_space<vmem>>
    %dma_wait3A_117 = tpu.memref_squeeze %dma_wait3A_116 : memref<1x80xi32, #tpu.memory_space<vmem>> -> memref<80xi32, #tpu.memory_space<vmem>>
    %dma_wait3A_118 = tpu.memref_slice %arg3[%add3A_113] : memref<320000xi32, #tpu.memory_space<hbm>> -> memref<80xi32, #tpu.memory_space<hbm>>
    %dma_wait3A_119 = tpu.memref_slice %arg10[%dma_wait3A_114] : memref<4x!tpu.dma_semaphore, #tpu.memory_space<semaphore_mem>> -> memref<1x!tpu.dma_semaphore, #tpu.memory_space<semaphore_mem>>
    %dma_wait3A_120 = tpu.memref_squeeze %dma_wait3A_119 : memref<1x!tpu.dma_semaphore, #tpu.memory_space<semaphore_mem>> -> memref<!tpu.dma_semaphore, #tpu.memory_space<semaphore_mem>>
    %dma_wait3A_121 = arith.constant 0 : i32
    %dma_wait3A_122 = tpu.memref_slice %arg6[%dma_wait3A, %dma_wait3A_121] : memref<4x80xi32, #tpu.memory_space<vmem>> -> memref<1x80xi32, #tpu.memory_space<vmem>>
    %dma_wait3A_123 = tpu.memref_squeeze %dma_wait3A_122 : memref<1x80xi32, #tpu.memory_space<vmem>> -> memref<80xi32, #tpu.memory_space<vmem>>
    %dma_wait3A_124 = tpu.memref_slice %arg3[%add3A_113] : memref<320000xi32, #tpu.memory_space<hbm>> -> memref<80xi32, #tpu.memory_space<hbm>>
    tpu.wait_dma2 semaphore(%dma_wait3A_120 : memref<!tpu.dma_semaphore, #tpu.memory_space<semaphore_mem>>) src(%dma_wait3A_124 : memref<80xi32, #tpu.memory_space<hbm>>) dst(%dma_wait3A_123 : memref<80xi32, #tpu.memory_space<vmem>>)
    %dma_wait3A_125 = arith.constant 0 : i32
    %dma_wait3A_126 = arith.constant 0 : i32
    %dma_wait3A_127 = arith.constant 0 : i32
    %dma_wait3A_128 = tpu.memref_slice %arg7[%dma_wait3A_125, %dma_wait3A_127] : memref<4x80xi32, #tpu.memory_space<vmem>> -> memref<1x80xi32, #tpu.memory_space<vmem>>
    %dma_wait3A_129 = tpu.memref_squeeze %dma_wait3A_128 : memref<1x80xi32, #tpu.memory_space<vmem>> -> memref<80xi32, #tpu.memory_space<vmem>>
    %dma_wait3A_130 = tpu.memref_slice %arg4[%add3A_113] : memref<320000xi32, #tpu.memory_space<hbm>> -> memref<80xi32, #tpu.memory_space<hbm>>
    %dma_wait3A_131 = tpu.memref_slice %arg10[%dma_wait3A_126] : memref<4x!tpu.dma_semaphore, #tpu.memory_space<semaphore_mem>> -> memref<1x!tpu.dma_semaphore, #tpu.memory_space<semaphore_mem>>
    %dma_wait3A_132 = tpu.memref_squeeze %dma_wait3A_131 : memref<1x!tpu.dma_semaphore, #tpu.memory_space<semaphore_mem>> -> memref<!tpu.dma_semaphore, #tpu.memory_space<semaphore_mem>>
    %dma_wait3A_133 = arith.constant 0 : i32
    %dma_wait3A_134 = tpu.memref_slice %arg7[%dma_wait3A_125, %dma_wait3A_133] : memref<4x80xi32, #tpu.memory_space<vmem>> -> memref<1x80xi32, #tpu.memory_space<vmem>>
    %dma_wait3A_135 = tpu.memref_squeeze %dma_wait3A_134 : memref<1x80xi32, #tpu.memory_space<vmem>> -> memref<80xi32, #tpu.memory_space<vmem>>
    %dma_wait3A_136 = tpu.memref_slice %arg4[%add3A_113] : memref<320000xi32, #tpu.memory_space<hbm>> -> memref<80xi32, #tpu.memory_space<hbm>>
    tpu.wait_dma2 semaphore(%dma_wait3A_132 : memref<!tpu.dma_semaphore, #tpu.memory_space<semaphore_mem>>) src(%dma_wait3A_136 : memref<80xi32, #tpu.memory_space<hbm>>) dst(%dma_wait3A_135 : memref<80xi32, #tpu.memory_space<vmem>>)
    %dma_start3A_137 = arith.constant 0 : i32
    %dma_start3A_138 = arith.constant 0 : i32
    %dma_start3A_139 = arith.constant 0 : i32
    %dma_start3A_140 = arith.constant 0 : i32
    %dma_start3A_141 = arith.constant 0 : i32
    %dma_start3A_142 = tpu.memref_slice %arg8[%dma_start3A_138, %dma_start3A_140, %dma_start3A_141] : memref<4x80x128xf32, #tpu.memory_space<vmem>> -> memref<1x80x128xf32, #tpu.memory_space<vmem>>
    %dma_start3A_143 = tpu.memref_squeeze %dma_start3A_142 : memref<1x80x128xf32, #tpu.memory_space<vmem>> -> memref<80x128xf32, #tpu.memory_space<vmem>>
    %dma_start3A_144 = arith.constant 0 : i32
    %dma_start3A_145 = tpu.memref_slice %arg6[%dma_start3A_137, %dma_start3A_144] : memref<4x80xi32, #tpu.memory_space<vmem>> -> memref<1x80xi32, #tpu.memory_space<vmem>>
    %dma_start3A_146 = tpu.memref_squeeze %dma_start3A_145 : memref<1x80xi32, #tpu.memory_space<vmem>> -> memref<80xi32, #tpu.memory_space<vmem>>
    %dma_start3A_147 = arith.constant 0 : i32
    %dma_start3A_148 = arith.constant 0 : i32
    %dma_start3A_149 = tpu.memref_slice %arg2[%dma_start3A_147, %dma_start3A_148] : memref<10000x128xf32, #tpu.memory_space<hbm>> -> memref<10000x128xf32, #tpu.memory_space<hbm>>
    %dma_start3A_150 = tpu.memref_slice %arg11[%dma_start3A_139] : memref<4x!tpu.dma_semaphore, #tpu.memory_space<semaphore_mem>> -> memref<1x!tpu.dma_semaphore, #tpu.memory_space<semaphore_mem>>
    %dma_start3A_151 = tpu.memref_squeeze %dma_start3A_150 : memref<1x!tpu.dma_semaphore, #tpu.memory_space<semaphore_mem>> -> memref<!tpu.dma_semaphore, #tpu.memory_space<semaphore_mem>>
    tpu.enqueue_indirect_dma source(%dma_start3A_149 : memref<10000x128xf32, #tpu.memory_space<hbm>>) target(%dma_start3A_143 : memref<80x128xf32, #tpu.memory_space<vmem>>) offsets(%dma_start3A_146 : memref<80xi32, #tpu.memory_space<vmem>>) semaphore(%dma_start3A_151 : memref<!tpu.dma_semaphore, #tpu.memory_space<semaphore_mem>>)
    %add3A_152 = arith.constant 80 : i32
    %add3A_153 = arith.addi %mul3A_2, %add3A_152 : i32
    %dma_wait3A_154 = arith.constant 1 : i32
    %dma_wait3A_155 = arith.constant 1 : i32
    %dma_wait3A_156 = arith.constant 0 : i32
    %dma_wait3A_157 = tpu.memref_slice %arg6[%dma_wait3A_154, %dma_wait3A_156] : memref<4x80xi32, #tpu.memory_space<vmem>> -> memref<1x80xi32, #tpu.memory_space<vmem>>
    %dma_wait3A_158 = tpu.memref_squeeze %dma_wait3A_157 : memref<1x80xi32, #tpu.memory_space<vmem>> -> memref<80xi32, #tpu.memory_space<vmem>>
    %dma_wait3A_159 = tpu.memref_slice %arg3[%add3A_153] : memref<320000xi32, #tpu.memory_space<hbm>> -> memref<80xi32, #tpu.memory_space<hbm>>
    %dma_wait3A_160 = tpu.memref_slice %arg10[%dma_wait3A_155] : memref<4x!tpu.dma_semaphore, #tpu.memory_space<semaphore_mem>> -> memref<1x!tpu.dma_semaphore, #tpu.memory_space<semaphore_mem>>
    %dma_wait3A_161 = tpu.memref_squeeze %dma_wait3A_160 : memref<1x!tpu.dma_semaphore, #tpu.memory_space<semaphore_mem>> -> memref<!tpu.dma_semaphore, #tpu.memory_space<semaphore_mem>>
    %dma_wait3A_162 = arith.constant 0 : i32
    %dma_wait3A_163 = tpu.memref_slice %arg6[%dma_wait3A_154, %dma_wait3A_162] : memref<4x80xi32, #tpu.memory_space<vmem>> -> memref<1x80xi32, #tpu.memory_space<vmem>>
    %dma_wait3A_164 = tpu.memref_squeeze %dma_wait3A_163 : memref<1x80xi32, #tpu.memory_space<vmem>> -> memref<80xi32, #tpu.memory_space<vmem>>
    %dma_wait3A_165 = tpu.memref_slice %arg3[%add3A_153] : memref<320000xi32, #tpu.memory_space<hbm>> -> memref<80xi32, #tpu.memory_space<hbm>>
    tpu.wait_dma2 semaphore(%dma_wait3A_161 : memref<!tpu.dma_semaphore, #tpu.memory_space<semaphore_mem>>) src(%dma_wait3A_165 : memref<80xi32, #tpu.memory_space<hbm>>) dst(%dma_wait3A_164 : memref<80xi32, #tpu.memory_space<vmem>>)
    %dma_wait3A_166 = arith.constant 1 : i32
    %dma_wait3A_167 = arith.constant 1 : i32
    %dma_wait3A_168 = arith.constant 0 : i32
    %dma_wait3A_169 = tpu.memref_slice %arg7[%dma_wait3A_166, %dma_wait3A_168] : memref<4x80xi32, #tpu.memory_space<vmem>> -> memref<1x80xi32, #tpu.memory_space<vmem>>
    %dma_wait3A_170 = tpu.memref_squeeze %dma_wait3A_169 : memref<1x80xi32, #tpu.memory_space<vmem>> -> memref<80xi32, #tpu.memory_space<vmem>>
    %dma_wait3A_171 = tpu.memref_slice %arg4[%add3A_153] : memref<320000xi32, #tpu.memory_space<hbm>> -> memref<80xi32, #tpu.memory_space<hbm>>
    %dma_wait3A_172 = tpu.memref_slice %arg10[%dma_wait3A_167] : memref<4x!tpu.dma_semaphore, #tpu.memory_space<semaphore_mem>> -> memref<1x!tpu.dma_semaphore, #tpu.memory_space<semaphore_mem>>
    %dma_wait3A_173 = tpu.memref_squeeze %dma_wait3A_172 : memref<1x!tpu.dma_semaphore, #tpu.memory_space<semaphore_mem>> -> memref<!tpu.dma_semaphore, #tpu.memory_space<semaphore_mem>>
    %dma_wait3A_174 = arith.constant 0 : i32
    %dma_wait3A_175 = tpu.memref_slice %arg7[%dma_wait3A_166, %dma_wait3A_174] : memref<4x80xi32, #tpu.memory_space<vmem>> -> memref<1x80xi32, #tpu.memory_space<vmem>>
    %dma_wait3A_176 = tpu.memref_squeeze %dma_wait3A_175 : memref<1x80xi32, #tpu.memory_space<vmem>> -> memref<80xi32, #tpu.memory_space<vmem>>
    %dma_wait3A_177 = tpu.memref_slice %arg4[%add3A_153] : memref<320000xi32, #tpu.memory_space<hbm>> -> memref<80xi32, #tpu.memory_space<hbm>>
    tpu.wait_dma2 semaphore(%dma_wait3A_173 : memref<!tpu.dma_semaphore, #tpu.memory_space<semaphore_mem>>) src(%dma_wait3A_177 : memref<80xi32, #tpu.memory_space<hbm>>) dst(%dma_wait3A_176 : memref<80xi32, #tpu.memory_space<vmem>>)
    %dma_start3A_178 = arith.constant 1 : i32
    %dma_start3A_179 = arith.constant 1 : i32
    %dma_start3A_180 = arith.constant 1 : i32
    %dma_start3A_181 = arith.constant 0 : i32
    %dma_start3A_182 = arith.constant 0 : i32
    %dma_start3A_183 = tpu.memref_slice %arg8[%dma_start3A_179, %dma_start3A_181, %dma_start3A_182] : memref<4x80x128xf32, #tpu.memory_space<vmem>> -> memref<1x80x128xf32, #tpu.memory_space<vmem>>
    %dma_start3A_184 = tpu.memref_squeeze %dma_start3A_183 : memref<1x80x128xf32, #tpu.memory_space<vmem>> -> memref<80x128xf32, #tpu.memory_space<vmem>>
    %dma_start3A_185 = arith.constant 0 : i32
    %dma_start3A_186 = tpu.memref_slice %arg6[%dma_start3A_178, %dma_start3A_185] : memref<4x80xi32, #tpu.memory_space<vmem>> -> memref<1x80xi32, #tpu.memory_space<vmem>>
    %dma_start3A_187 = tpu.memref_squeeze %dma_start3A_186 : memref<1x80xi32, #tpu.memory_space<vmem>> -> memref<80xi32, #tpu.memory_space<vmem>>
    %dma_start3A_188 = arith.constant 0 : i32
    %dma_start3A_189 = arith.constant 0 : i32
    %dma_start3A_190 = tpu.memref_slice %arg2[%dma_start3A_188, %dma_start3A_189] : memref<10000x128xf32, #tpu.memory_space<hbm>> -> memref<10000x128xf32, #tpu.memory_space<hbm>>
    %dma_start3A_191 = tpu.memref_slice %arg11[%dma_start3A_180] : memref<4x!tpu.dma_semaphore, #tpu.memory_space<semaphore_mem>> -> memref<1x!tpu.dma_semaphore, #tpu.memory_space<semaphore_mem>>
    %dma_start3A_192 = tpu.memref_squeeze %dma_start3A_191 : memref<1x!tpu.dma_semaphore, #tpu.memory_space<semaphore_mem>> -> memref<!tpu.dma_semaphore, #tpu.memory_space<semaphore_mem>>
    tpu.enqueue_indirect_dma source(%dma_start3A_190 : memref<10000x128xf32, #tpu.memory_space<hbm>>) target(%dma_start3A_184 : memref<80x128xf32, #tpu.memory_space<vmem>>) offsets(%dma_start3A_187 : memref<80xi32, #tpu.memory_space<vmem>>) semaphore(%dma_start3A_192 : memref<!tpu.dma_semaphore, #tpu.memory_space<semaphore_mem>>)
    %add3A_193 = arith.constant 160 : i32
    %add3A_194 = arith.addi %mul3A_2, %add3A_193 : i32
    %dma_wait3A_195 = arith.constant 2 : i32
    %dma_wait3A_196 = arith.constant 2 : i32
    %dma_wait3A_197 = arith.constant 0 : i32
    %dma_wait3A_198 = tpu.memref_slice %arg6[%dma_wait3A_195, %dma_wait3A_197] : memref<4x80xi32, #tpu.memory_space<vmem>> -> memref<1x80xi32, #tpu.memory_space<vmem>>
    %dma_wait3A_199 = tpu.memref_squeeze %dma_wait3A_198 : memref<1x80xi32, #tpu.memory_space<vmem>> -> memref<80xi32, #tpu.memory_space<vmem>>
    %dma_wait3A_200 = tpu.memref_slice %arg3[%add3A_194] : memref<320000xi32, #tpu.memory_space<hbm>> -> memref<80xi32, #tpu.memory_space<hbm>>
    %dma_wait3A_201 = tpu.memref_slice %arg10[%dma_wait3A_196] : memref<4x!tpu.dma_semaphore, #tpu.memory_space<semaphore_mem>> -> memref<1x!tpu.dma_semaphore, #tpu.memory_space<semaphore_mem>>
    %dma_wait3A_202 = tpu.memref_squeeze %dma_wait3A_201 : memref<1x!tpu.dma_semaphore, #tpu.memory_space<semaphore_mem>> -> memref<!tpu.dma_semaphore, #tpu.memory_space<semaphore_mem>>
    %dma_wait3A_203 = arith.constant 0 : i32
    %dma_wait3A_204 = tpu.memref_slice %arg6[%dma_wait3A_195, %dma_wait3A_203] : memref<4x80xi32, #tpu.memory_space<vmem>> -> memref<1x80xi32, #tpu.memory_space<vmem>>
    %dma_wait3A_205 = tpu.memref_squeeze %dma_wait3A_204 : memref<1x80xi32, #tpu.memory_space<vmem>> -> memref<80xi32, #tpu.memory_space<vmem>>
    %dma_wait3A_206 = tpu.memref_slice %arg3[%add3A_194] : memref<320000xi32, #tpu.memory_space<hbm>> -> memref<80xi32, #tpu.memory_space<hbm>>
    tpu.wait_dma2 semaphore(%dma_wait3A_202 : memref<!tpu.dma_semaphore, #tpu.memory_space<semaphore_mem>>) src(%dma_wait3A_206 : memref<80xi32, #tpu.memory_space<hbm>>) dst(%dma_wait3A_205 : memref<80xi32, #tpu.memory_space<vmem>>)
    %dma_wait3A_207 = arith.constant 2 : i32
    %dma_wait3A_208 = arith.constant 2 : i32
    %dma_wait3A_209 = arith.constant 0 : i32
    %dma_wait3A_210 = tpu.memref_slice %arg7[%dma_wait3A_207, %dma_wait3A_209] : memref<4x80xi32, #tpu.memory_space<vmem>> -> memref<1x80xi32, #tpu.memory_space<vmem>>
    %dma_wait3A_211 = tpu.memref_squeeze %dma_wait3A_210 : memref<1x80xi32, #tpu.memory_space<vmem>> -> memref<80xi32, #tpu.memory_space<vmem>>
    %dma_wait3A_212 = tpu.memref_slice %arg4[%add3A_194] : memref<320000xi32, #tpu.memory_space<hbm>> -> memref<80xi32, #tpu.memory_space<hbm>>
    %dma_wait3A_213 = tpu.memref_slice %arg10[%dma_wait3A_208] : memref<4x!tpu.dma_semaphore, #tpu.memory_space<semaphore_mem>> -> memref<1x!tpu.dma_semaphore, #tpu.memory_space<semaphore_mem>>
    %dma_wait3A_214 = tpu.memref_squeeze %dma_wait3A_213 : memref<1x!tpu.dma_semaphore, #tpu.memory_space<semaphore_mem>> -> memref<!tpu.dma_semaphore, #tpu.memory_space<semaphore_mem>>
    %dma_wait3A_215 = arith.constant 0 : i32
    %dma_wait3A_216 = tpu.memref_slice %arg7[%dma_wait3A_207, %dma_wait3A_215] : memref<4x80xi32, #tpu.memory_space<vmem>> -> memref<1x80xi32, #tpu.memory_space<vmem>>
    %dma_wait3A_217 = tpu.memref_squeeze %dma_wait3A_216 : memref<1x80xi32, #tpu.memory_space<vmem>> -> memref<80xi32, #tpu.memory_space<vmem>>
    %dma_wait3A_218 = tpu.memref_slice %arg4[%add3A_194] : memref<320000xi32, #tpu.memory_space<hbm>> -> memref<80xi32, #tpu.memory_space<hbm>>
    tpu.wait_dma2 semaphore(%dma_wait3A_214 : memref<!tpu.dma_semaphore, #tpu.memory_space<semaphore_mem>>) src(%dma_wait3A_218 : memref<80xi32, #tpu.memory_space<hbm>>) dst(%dma_wait3A_217 : memref<80xi32, #tpu.memory_space<vmem>>)
    %dma_start3A_219 = arith.constant 2 : i32
    %dma_start3A_220 = arith.constant 2 : i32
    %dma_start3A_221 = arith.constant 2 : i32
    %dma_start3A_222 = arith.constant 0 : i32
    %dma_start3A_223 = arith.constant 0 : i32
    %dma_start3A_224 = tpu.memref_slice %arg8[%dma_start3A_220, %dma_start3A_222, %dma_start3A_223] : memref<4x80x128xf32, #tpu.memory_space<vmem>> -> memref<1x80x128xf32, #tpu.memory_space<vmem>>
    %dma_start3A_225 = tpu.memref_squeeze %dma_start3A_224 : memref<1x80x128xf32, #tpu.memory_space<vmem>> -> memref<80x128xf32, #tpu.memory_space<vmem>>
    %dma_start3A_226 = arith.constant 0 : i32
    %dma_start3A_227 = tpu.memref_slice %arg6[%dma_start3A_219, %dma_start3A_226] : memref<4x80xi32, #tpu.memory_space<vmem>> -> memref<1x80xi32, #tpu.memory_space<vmem>>
    %dma_start3A_228 = tpu.memref_squeeze %dma_start3A_227 : memref<1x80xi32, #tpu.memory_space<vmem>> -> memref<80xi32, #tpu.memory_space<vmem>>
    %dma_start3A_229 = arith.constant 0 : i32
    %dma_start3A_230 = arith.constant 0 : i32
    %dma_start3A_231 = tpu.memref_slice %arg2[%dma_start3A_229, %dma_start3A_230] : memref<10000x128xf32, #tpu.memory_space<hbm>> -> memref<10000x128xf32, #tpu.memory_space<hbm>>
    %dma_start3A_232 = tpu.memref_slice %arg11[%dma_start3A_221] : memref<4x!tpu.dma_semaphore, #tpu.memory_space<semaphore_mem>> -> memref<1x!tpu.dma_semaphore, #tpu.memory_space<semaphore_mem>>
    %dma_start3A_233 = tpu.memref_squeeze %dma_start3A_232 : memref<1x!tpu.dma_semaphore, #tpu.memory_space<semaphore_mem>> -> memref<!tpu.dma_semaphore, #tpu.memory_space<semaphore_mem>>
    tpu.enqueue_indirect_dma source(%dma_start3A_231 : memref<10000x128xf32, #tpu.memory_space<hbm>>) target(%dma_start3A_225 : memref<80x128xf32, #tpu.memory_space<vmem>>) offsets(%dma_start3A_228 : memref<80xi32, #tpu.memory_space<vmem>>) semaphore(%dma_start3A_233 : memref<!tpu.dma_semaphore, #tpu.memory_space<semaphore_mem>>)
    %mul3A_234 = arith.constant 624 : i32
    %mul3A_235 = arith.muli %arg1, %mul3A_234 : i32
    %add3A_236 = arith.constant 0 : i32
    %add3A_237 = arith.addi %mul3A_235, %add3A_236 : i32
    %run_scoped3A = arith.constant 3 : i32
    "tpu.region"() ({
      %run_scoped3A_274 = tpu.sem_alloc : memref<!tpu.dma_semaphore, #tpu.memory_space<semaphore_mem>>
      %dma_start3A_275 = arith.constant 0 : i32
      %dma_start3A_276 = arith.constant 0 : i32
      %dma_start3A_277 = tpu.memref_slice %arg8[%run_scoped3A, %dma_start3A_275, %dma_start3A_276] : memref<4x80x128xf32, #tpu.memory_space<vmem>> -> memref<1x80x128xf32, #tpu.memory_space<vmem>>
      %dma_start3A_278 = tpu.memref_squeeze %dma_start3A_277 : memref<1x80x128xf32, #tpu.memory_space<vmem>> -> memref<80x128xf32, #tpu.memory_space<vmem>>
      %dma_start3A_279 = arith.constant 0 : i32
      %dma_start3A_280 = tpu.memref_slice %arg9[%add3A_237, %dma_start3A_279] : memref<10000x128xf32, #tpu.memory_space<vmem_shared>> -> memref<80x128xf32, #tpu.memory_space<vmem_shared>>
      %dma_start3A_281 = arith.constant 0 : i32
      %dma_start3A_282 = tpu.memref_slice %arg9[%add3A_237, %dma_start3A_281] : memref<10000x128xf32, #tpu.memory_space<vmem_shared>> -> memref<80x128xf32, #tpu.memory_space<vmem_shared>>
      %dma_start3A_283 = arith.constant 0 : i32
      %dma_start3A_284 = arith.constant 0 : i32
      %dma_start3A_285 = tpu.memref_slice %arg8[%run_scoped3A, %dma_start3A_283, %dma_start3A_284] : memref<4x80x128xf32, #tpu.memory_space<vmem>> -> memref<1x80x128xf32, #tpu.memory_space<vmem>>
      %dma_start3A_286 = tpu.memref_squeeze %dma_start3A_285 : memref<1x80x128xf32, #tpu.memory_space<vmem>> -> memref<80x128xf32, #tpu.memory_space<vmem>>
      tpu.enqueue_dma source(%dma_start3A_286 : memref<80x128xf32, #tpu.memory_space<vmem>>) target(%dma_start3A_282 : memref<80x128xf32, #tpu.memory_space<vmem_shared>>) target_semaphore(%run_scoped3A_274 : memref<!tpu.dma_semaphore, #tpu.memory_space<semaphore_mem>>)
      %dma_wait3A_287 = arith.constant 0 : i32
      %dma_wait3A_288 = arith.constant 0 : i32
      %dma_wait3A_289 = tpu.memref_slice %arg8[%run_scoped3A, %dma_wait3A_287, %dma_wait3A_288] : memref<4x80x128xf32, #tpu.memory_space<vmem>> -> memref<1x80x128xf32, #tpu.memory_space<vmem>>
      %dma_wait3A_290 = tpu.memref_squeeze %dma_wait3A_289 : memref<1x80x128xf32, #tpu.memory_space<vmem>> -> memref<80x128xf32, #tpu.memory_space<vmem>>
      %dma_wait3A_291 = arith.constant 0 : i32
      %dma_wait3A_292 = tpu.memref_slice %arg9[%add3A_237, %dma_wait3A_291] : memref<10000x128xf32, #tpu.memory_space<vmem_shared>> -> memref<80x128xf32, #tpu.memory_space<vmem_shared>>
      %dma_wait3A_293 = arith.constant 0 : i32
      %dma_wait3A_294 = tpu.memref_slice %arg9[%add3A_237, %dma_wait3A_293] : memref<10000x128xf32, #tpu.memory_space<vmem_shared>> -> memref<80x128xf32, #tpu.memory_space<vmem_shared>>
      %dma_wait3A_295 = arith.constant 0 : i32
      %dma_wait3A_296 = arith.constant 0 : i32
      %dma_wait3A_297 = tpu.memref_slice %arg8[%run_scoped3A, %dma_wait3A_295, %dma_wait3A_296] : memref<4x80x128xf32, #tpu.memory_space<vmem>> -> memref<1x80x128xf32, #tpu.memory_space<vmem>>
      %dma_wait3A_298 = tpu.memref_squeeze %dma_wait3A_297 : memref<1x80x128xf32, #tpu.memory_space<vmem>> -> memref<80x128xf32, #tpu.memory_space<vmem>>
      tpu.wait_dma2 semaphore(%run_scoped3A_274 : memref<!tpu.dma_semaphore, #tpu.memory_space<semaphore_mem>>) src(%dma_wait3A_298 : memref<80x128xf32, #tpu.memory_space<vmem>>) dst(%dma_wait3A_294 : memref<80x128xf32, #tpu.memory_space<vmem_shared>>)
      tpu.yield
    }) : () -> ()
    %add3A_238 = arith.constant 80 : i32
    %add3A_239 = arith.addi %mul3A_235, %add3A_238 : i32
    %run_scoped3A_240 = arith.constant 3 : i32
    "tpu.region"() ({
      %run_scoped3A_274 = tpu.sem_alloc : memref<!tpu.dma_semaphore, #tpu.memory_space<semaphore_mem>>
      %dma_start3A_275 = arith.constant 0 : i32
      %dma_start3A_276 = arith.constant 0 : i32
      %dma_start3A_277 = tpu.memref_slice %arg8[%run_scoped3A_240, %dma_start3A_275, %dma_start3A_276] : memref<4x80x128xf32, #tpu.memory_space<vmem>> -> memref<1x80x128xf32, #tpu.memory_space<vmem>>
      %dma_start3A_278 = tpu.memref_squeeze %dma_start3A_277 : memref<1x80x128xf32, #tpu.memory_space<vmem>> -> memref<80x128xf32, #tpu.memory_space<vmem>>
      %dma_start3A_279 = arith.constant 0 : i32
      %dma_start3A_280 = tpu.memref_slice %arg9[%add3A_239, %dma_start3A_279] : memref<10000x128xf32, #tpu.memory_space<vmem_shared>> -> memref<80x128xf32, #tpu.memory_space<vmem_shared>>
      %dma_start3A_281 = arith.constant 0 : i32
      %dma_start3A_282 = tpu.memref_slice %arg9[%add3A_239, %dma_start3A_281] : memref<10000x128xf32, #tpu.memory_space<vmem_shared>> -> memref<80x128xf32, #tpu.memory_space<vmem_shared>>
      %dma_start3A_283 = arith.constant 0 : i32
      %dma_start3A_284 = arith.constant 0 : i32
      %dma_start3A_285 = tpu.memref_slice %arg8[%run_scoped3A_240, %dma_start3A_283, %dma_start3A_284] : memref<4x80x128xf32, #tpu.memory_space<vmem>> -> memref<1x80x128xf32, #tpu.memory_space<vmem>>
      %dma_start3A_286 = tpu.memref_squeeze %dma_start3A_285 : memref<1x80x128xf32, #tpu.memory_space<vmem>> -> memref<80x128xf32, #tpu.memory_space<vmem>>
      tpu.enqueue_dma source(%dma_start3A_286 : memref<80x128xf32, #tpu.memory_space<vmem>>) target(%dma_start3A_282 : memref<80x128xf32, #tpu.memory_space<vmem_shared>>) target_semaphore(%run_scoped3A_274 : memref<!tpu.dma_semaphore, #tpu.memory_space<semaphore_mem>>)
      %dma_wait3A_287 = arith.constant 0 : i32
      %dma_wait3A_288 = arith.constant 0 : i32
      %dma_wait3A_289 = tpu.memref_slice %arg8[%run_scoped3A_240, %dma_wait3A_287, %dma_wait3A_288] : memref<4x80x128xf32, #tpu.memory_space<vmem>> -> memref<1x80x128xf32, #tpu.memory_space<vmem>>
      %dma_wait3A_290 = tpu.memref_squeeze %dma_wait3A_289 : memref<1x80x128xf32, #tpu.memory_space<vmem>> -> memref<80x128xf32, #tpu.memory_space<vmem>>
      %dma_wait3A_291 = arith.constant 0 : i32
      %dma_wait3A_292 = tpu.memref_slice %arg9[%add3A_239, %dma_wait3A_291] : memref<10000x128xf32, #tpu.memory_space<vmem_shared>> -> memref<80x128xf32, #tpu.memory_space<vmem_shared>>
      %dma_wait3A_293 = arith.constant 0 : i32
      %dma_wait3A_294 = tpu.memref_slice %arg9[%add3A_239, %dma_wait3A_293] : memref<10000x128xf32, #tpu.memory_space<vmem_shared>> -> memref<80x128xf32, #tpu.memory_space<vmem_shared>>
      %dma_wait3A_295 = arith.constant 0 : i32
      %dma_wait3A_296 = arith.constant 0 : i32
      %dma_wait3A_297 = tpu.memref_slice %arg8[%run_scoped3A_240, %dma_wait3A_295, %dma_wait3A_296] : memref<4x80x128xf32, #tpu.memory_space<vmem>> -> memref<1x80x128xf32, #tpu.memory_space<vmem>>
      %dma_wait3A_298 = tpu.memref_squeeze %dma_wait3A_297 : memref<1x80x128xf32, #tpu.memory_space<vmem>> -> memref<80x128xf32, #tpu.memory_space<vmem>>
      tpu.wait_dma2 semaphore(%run_scoped3A_274 : memref<!tpu.dma_semaphore, #tpu.memory_space<semaphore_mem>>) src(%dma_wait3A_298 : memref<80x128xf32, #tpu.memory_space<vmem>>) dst(%dma_wait3A_294 : memref<80x128xf32, #tpu.memory_space<vmem_shared>>)
      tpu.yield
    }) : () -> ()
    %add3A_241 = arith.constant 160 : i32
    %add3A_242 = arith.addi %mul3A_235, %add3A_241 : i32
    %run_scoped3A_243 = arith.constant 3 : i32
    "tpu.region"() ({
      %run_scoped3A_274 = tpu.sem_alloc : memref<!tpu.dma_semaphore, #tpu.memory_space<semaphore_mem>>
      %dma_start3A_275 = arith.constant 0 : i32
      %dma_start3A_276 = arith.constant 0 : i32
      %dma_start3A_277 = tpu.memref_slice %arg8[%run_scoped3A_243, %dma_start3A_275, %dma_start3A_276] : memref<4x80x128xf32, #tpu.memory_space<vmem>> -> memref<1x80x128xf32, #tpu.memory_space<vmem>>
      %dma_start3A_278 = tpu.memref_squeeze %dma_start3A_277 : memref<1x80x128xf32, #tpu.memory_space<vmem>> -> memref<80x128xf32, #tpu.memory_space<vmem>>
      %dma_start3A_279 = arith.constant 0 : i32
      %dma_start3A_280 = tpu.memref_slice %arg9[%add3A_242, %dma_start3A_279] : memref<10000x128xf32, #tpu.memory_space<vmem_shared>> -> memref<80x128xf32, #tpu.memory_space<vmem_shared>>
      %dma_start3A_281 = arith.constant 0 : i32
      %dma_start3A_282 = tpu.memref_slice %arg9[%add3A_242, %dma_start3A_281] : memref<10000x128xf32, #tpu.memory_space<vmem_shared>> -> memref<80x128xf32, #tpu.memory_space<vmem_shared>>
      %dma_start3A_283 = arith.constant 0 : i32
      %dma_start3A_284 = arith.constant 0 : i32
      %dma_start3A_285 = tpu.memref_slice %arg8[%run_scoped3A_243, %dma_start3A_283, %dma_start3A_284] : memref<4x80x128xf32, #tpu.memory_space<vmem>> -> memref<1x80x128xf32, #tpu.memory_space<vmem>>
      %dma_start3A_286 = tpu.memref_squeeze %dma_start3A_285 : memref<1x80x128xf32, #tpu.memory_space<vmem>> -> memref<80x128xf32, #tpu.memory_space<vmem>>
      tpu.enqueue_dma source(%dma_start3A_286 : memref<80x128xf32, #tpu.memory_space<vmem>>) target(%dma_start3A_282 : memref<80x128xf32, #tpu.memory_space<vmem_shared>>) target_semaphore(%run_scoped3A_274 : memref<!tpu.dma_semaphore, #tpu.memory_space<semaphore_mem>>)
      %dma_wait3A_287 = arith.constant 0 : i32
      %dma_wait3A_288 = arith.constant 0 : i32
      %dma_wait3A_289 = tpu.memref_slice %arg8[%run_scoped3A_243, %dma_wait3A_287, %dma_wait3A_288] : memref<4x80x128xf32, #tpu.memory_space<vmem>> -> memref<1x80x128xf32, #tpu.memory_space<vmem>>
      %dma_wait3A_290 = tpu.memref_squeeze %dma_wait3A_289 : memref<1x80x128xf32, #tpu.memory_space<vmem>> -> memref<80x128xf32, #tpu.memory_space<vmem>>
      %dma_wait3A_291 = arith.constant 0 : i32
      %dma_wait3A_292 = tpu.memref_slice %arg9[%add3A_242, %dma_wait3A_291] : memref<10000x128xf32, #tpu.memory_space<vmem_shared>> -> memref<80x128xf32, #tpu.memory_space<vmem_shared>>
      %dma_wait3A_293 = arith.constant 0 : i32
      %dma_wait3A_294 = tpu.memref_slice %arg9[%add3A_242, %dma_wait3A_293] : memref<10000x128xf32, #tpu.memory_space<vmem_shared>> -> memref<80x128xf32, #tpu.memory_space<vmem_shared>>
      %dma_wait3A_295 = arith.constant 0 : i32
      %dma_wait3A_296 = arith.constant 0 : i32
      %dma_wait3A_297 = tpu.memref_slice %arg8[%run_scoped3A_243, %dma_wait3A_295, %dma_wait3A_296] : memref<4x80x128xf32, #tpu.memory_space<vmem>> -> memref<1x80x128xf32, #tpu.memory_space<vmem>>
      %dma_wait3A_298 = tpu.memref_squeeze %dma_wait3A_297 : memref<1x80x128xf32, #tpu.memory_space<vmem>> -> memref<80x128xf32, #tpu.memory_space<vmem>>
      tpu.wait_dma2 semaphore(%run_scoped3A_274 : memref<!tpu.dma_semaphore, #tpu.memory_space<semaphore_mem>>) src(%dma_wait3A_298 : memref<80x128xf32, #tpu.memory_space<vmem>>) dst(%dma_wait3A_294 : memref<80x128xf32, #tpu.memory_space<vmem_shared>>)
      tpu.yield
    }) : () -> ()
    %add3A_244 = arith.constant 240 : i32
    %add3A_245 = arith.addi %mul3A_235, %add3A_244 : i32
    %run_scoped3A_246 = arith.constant 3 : i32
    "tpu.region"() ({
      %run_scoped3A_274 = tpu.sem_alloc : memref<!tpu.dma_semaphore, #tpu.memory_space<semaphore_mem>>
      %dma_start3A_275 = arith.constant 0 : i32
      %dma_start3A_276 = arith.constant 0 : i32
      %dma_start3A_277 = tpu.memref_slice %arg8[%run_scoped3A_246, %dma_start3A_275, %dma_start3A_276] : memref<4x80x128xf32, #tpu.memory_space<vmem>> -> memref<1x80x128xf32, #tpu.memory_space<vmem>>
      %dma_start3A_278 = tpu.memref_squeeze %dma_start3A_277 : memref<1x80x128xf32, #tpu.memory_space<vmem>> -> memref<80x128xf32, #tpu.memory_space<vmem>>
      %dma_start3A_279 = arith.constant 0 : i32
      %dma_start3A_280 = tpu.memref_slice %arg9[%add3A_245, %dma_start3A_279] : memref<10000x128xf32, #tpu.memory_space<vmem_shared>> -> memref<80x128xf32, #tpu.memory_space<vmem_shared>>
      %dma_start3A_281 = arith.constant 0 : i32
      %dma_start3A_282 = tpu.memref_slice %arg9[%add3A_245, %dma_start3A_281] : memref<10000x128xf32, #tpu.memory_space<vmem_shared>> -> memref<80x128xf32, #tpu.memory_space<vmem_shared>>
      %dma_start3A_283 = arith.constant 0 : i32
      %dma_start3A_284 = arith.constant 0 : i32
      %dma_start3A_285 = tpu.memref_slice %arg8[%run_scoped3A_246, %dma_start3A_283, %dma_start3A_284] : memref<4x80x128xf32, #tpu.memory_space<vmem>> -> memref<1x80x128xf32, #tpu.memory_space<vmem>>
      %dma_start3A_286 = tpu.memref_squeeze %dma_start3A_285 : memref<1x80x128xf32, #tpu.memory_space<vmem>> -> memref<80x128xf32, #tpu.memory_space<vmem>>
      tpu.enqueue_dma source(%dma_start3A_286 : memref<80x128xf32, #tpu.memory_space<vmem>>) target(%dma_start3A_282 : memref<80x128xf32, #tpu.memory_space<vmem_shared>>) target_semaphore(%run_scoped3A_274 : memref<!tpu.dma_semaphore, #tpu.memory_space<semaphore_mem>>)
      %dma_wait3A_287 = arith.constant 0 : i32
      %dma_wait3A_288 = arith.constant 0 : i32
      %dma_wait3A_289 = tpu.memref_slice %arg8[%run_scoped3A_246, %dma_wait3A_287, %dma_wait3A_288] : memref<4x80x128xf32, #tpu.memory_space<vmem>> -> memref<1x80x128xf32, #tpu.memory_space<vmem>>
      %dma_wait3A_290 = tpu.memref_squeeze %dma_wait3A_289 : memref<1x80x128xf32, #tpu.memory_space<vmem>> -> memref<80x128xf32, #tpu.memory_space<vmem>>
      %dma_wait3A_291 = arith.constant 0 : i32
      %dma_wait3A_292 = tpu.memref_slice %arg9[%add3A_245, %dma_wait3A_291] : memref<10000x128xf32, #tpu.memory_space<vmem_shared>> -> memref<80x128xf32, #tpu.memory_space<vmem_shared>>
      %dma_wait3A_293 = arith.constant 0 : i32
      %dma_wait3A_294 = tpu.memref_slice %arg9[%add3A_245, %dma_wait3A_293] : memref<10000x128xf32, #tpu.memory_space<vmem_shared>> -> memref<80x128xf32, #tpu.memory_space<vmem_shared>>
      %dma_wait3A_295 = arith.constant 0 : i32
      %dma_wait3A_296 = arith.constant 0 : i32
      %dma_wait3A_297 = tpu.memref_slice %arg8[%run_scoped3A_246, %dma_wait3A_295, %dma_wait3A_296] : memref<4x80x128xf32, #tpu.memory_space<vmem>> -> memref<1x80x128xf32, #tpu.memory_space<vmem>>
      %dma_wait3A_298 = tpu.memref_squeeze %dma_wait3A_297 : memref<1x80x128xf32, #tpu.memory_space<vmem>> -> memref<80x128xf32, #tpu.memory_space<vmem>>
      tpu.wait_dma2 semaphore(%run_scoped3A_274 : memref<!tpu.dma_semaphore, #tpu.memory_space<semaphore_mem>>) src(%dma_wait3A_298 : memref<80x128xf32, #tpu.memory_space<vmem>>) dst(%dma_wait3A_294 : memref<80x128xf32, #tpu.memory_space<vmem_shared>>)
      tpu.yield
    }) : () -> ()
    %add3A_247 = arith.constant 320 : i32
    %add3A_248 = arith.addi %mul3A_235, %add3A_247 : i32
    %run_scoped3A_249 = arith.constant 3 : i32
    "tpu.region"() ({
      %run_scoped3A_274 = tpu.sem_alloc : memref<!tpu.dma_semaphore, #tpu.memory_space<semaphore_mem>>
      %dma_start3A_275 = arith.constant 0 : i32
      %dma_start3A_276 = arith.constant 0 : i32
      %dma_start3A_277 = tpu.memref_slice %arg8[%run_scoped3A_249, %dma_start3A_275, %dma_start3A_276] : memref<4x80x128xf32, #tpu.memory_space<vmem>> -> memref<1x80x128xf32, #tpu.memory_space<vmem>>
      %dma_start3A_278 = tpu.memref_squeeze %dma_start3A_277 : memref<1x80x128xf32, #tpu.memory_space<vmem>> -> memref<80x128xf32, #tpu.memory_space<vmem>>
      %dma_start3A_279 = arith.constant 0 : i32
      %dma_start3A_280 = tpu.memref_slice %arg9[%add3A_248, %dma_start3A_279] : memref<10000x128xf32, #tpu.memory_space<vmem_shared>> -> memref<80x128xf32, #tpu.memory_space<vmem_shared>>
      %dma_start3A_281 = arith.constant 0 : i32
      %dma_start3A_282 = tpu.memref_slice %arg9[%add3A_248, %dma_start3A_281] : memref<10000x128xf32, #tpu.memory_space<vmem_shared>> -> memref<80x128xf32, #tpu.memory_space<vmem_shared>>
      %dma_start3A_283 = arith.constant 0 : i32
      %dma_start3A_284 = arith.constant 0 : i32
      %dma_start3A_285 = tpu.memref_slice %arg8[%run_scoped3A_249, %dma_start3A_283, %dma_start3A_284] : memref<4x80x128xf32, #tpu.memory_space<vmem>> -> memref<1x80x128xf32, #tpu.memory_space<vmem>>
      %dma_start3A_286 = tpu.memref_squeeze %dma_start3A_285 : memref<1x80x128xf32, #tpu.memory_space<vmem>> -> memref<80x128xf32, #tpu.memory_space<vmem>>
      tpu.enqueue_dma source(%dma_start3A_286 : memref<80x128xf32, #tpu.memory_space<vmem>>) target(%dma_start3A_282 : memref<80x128xf32, #tpu.memory_space<vmem_shared>>) target_semaphore(%run_scoped3A_274 : memref<!tpu.dma_semaphore, #tpu.memory_space<semaphore_mem>>)
      %dma_wait3A_287 = arith.constant 0 : i32
      %dma_wait3A_288 = arith.constant 0 : i32
      %dma_wait3A_289 = tpu.memref_slice %arg8[%run_scoped3A_249, %dma_wait3A_287, %dma_wait3A_288] : memref<4x80x128xf32, #tpu.memory_space<vmem>> -> memref<1x80x128xf32, #tpu.memory_space<vmem>>
      %dma_wait3A_290 = tpu.memref_squeeze %dma_wait3A_289 : memref<1x80x128xf32, #tpu.memory_space<vmem>> -> memref<80x128xf32, #tpu.memory_space<vmem>>
      %dma_wait3A_291 = arith.constant 0 : i32
      %dma_wait3A_292 = tpu.memref_slice %arg9[%add3A_248, %dma_wait3A_291] : memref<10000x128xf32, #tpu.memory_space<vmem_shared>> -> memref<80x128xf32, #tpu.memory_space<vmem_shared>>
      %dma_wait3A_293 = arith.constant 0 : i32
      %dma_wait3A_294 = tpu.memref_slice %arg9[%add3A_248, %dma_wait3A_293] : memref<10000x128xf32, #tpu.memory_space<vmem_shared>> -> memref<80x128xf32, #tpu.memory_space<vmem_shared>>
      %dma_wait3A_295 = arith.constant 0 : i32
      %dma_wait3A_296 = arith.constant 0 : i32
      %dma_wait3A_297 = tpu.memref_slice %arg8[%run_scoped3A_249, %dma_wait3A_295, %dma_wait3A_296] : memref<4x80x128xf32, #tpu.memory_space<vmem>> -> memref<1x80x128xf32, #tpu.memory_space<vmem>>
      %dma_wait3A_298 = tpu.memref_squeeze %dma_wait3A_297 : memref<1x80x128xf32, #tpu.memory_space<vmem>> -> memref<80x128xf32, #tpu.memory_space<vmem>>
      tpu.wait_dma2 semaphore(%run_scoped3A_274 : memref<!tpu.dma_semaphore, #tpu.memory_space<semaphore_mem>>) src(%dma_wait3A_298 : memref<80x128xf32, #tpu.memory_space<vmem>>) dst(%dma_wait3A_294 : memref<80x128xf32, #tpu.memory_space<vmem_shared>>)
      tpu.yield
    }) : () -> ()
    %add3A_250 = arith.constant 400 : i32
    %add3A_251 = arith.addi %mul3A_235, %add3A_250 : i32
    %run_scoped3A_252 = arith.constant 3 : i32
    "tpu.region"() ({
      %run_scoped3A_274 = tpu.sem_alloc : memref<!tpu.dma_semaphore, #tpu.memory_space<semaphore_mem>>
      %dma_start3A_275 = arith.constant 0 : i32
      %dma_start3A_276 = arith.constant 0 : i32
      %dma_start3A_277 = tpu.memref_slice %arg8[%run_scoped3A_252, %dma_start3A_275, %dma_start3A_276] : memref<4x80x128xf32, #tpu.memory_space<vmem>> -> memref<1x80x128xf32, #tpu.memory_space<vmem>>
      %dma_start3A_278 = tpu.memref_squeeze %dma_start3A_277 : memref<1x80x128xf32, #tpu.memory_space<vmem>> -> memref<80x128xf32, #tpu.memory_space<vmem>>
      %dma_start3A_279 = arith.constant 0 : i32
      %dma_start3A_280 = tpu.memref_slice %arg9[%add3A_251, %dma_start3A_279] : memref<10000x128xf32, #tpu.memory_space<vmem_shared>> -> memref<80x128xf32, #tpu.memory_space<vmem_shared>>
      %dma_start3A_281 = arith.constant 0 : i32
      %dma_start3A_282 = tpu.memref_slice %arg9[%add3A_251, %dma_start3A_281] : memref<10000x128xf32, #tpu.memory_space<vmem_shared>> -> memref<80x128xf32, #tpu.memory_space<vmem_shared>>
      %dma_start3A_283 = arith.constant 0 : i32
      %dma_start3A_284 = arith.constant 0 : i32
      %dma_start3A_285 = tpu.memref_slice %arg8[%run_scoped3A_252, %dma_start3A_283, %dma_start3A_284] : memref<4x80x128xf32, #tpu.memory_space<vmem>> -> memref<1x80x128xf32, #tpu.memory_space<vmem>>
      %dma_start3A_286 = tpu.memref_squeeze %dma_start3A_285 : memref<1x80x128xf32, #tpu.memory_space<vmem>> -> memref<80x128xf32, #tpu.memory_space<vmem>>
      tpu.enqueue_dma source(%dma_start3A_286 : memref<80x128xf32, #tpu.memory_space<vmem>>) target(%dma_start3A_282 : memref<80x128xf32, #tpu.memory_space<vmem_shared>>) target_semaphore(%run_scoped3A_274 : memref<!tpu.dma_semaphore, #tpu.memory_space<semaphore_mem>>)
      %dma_wait3A_287 = arith.constant 0 : i32
      %dma_wait3A_288 = arith.constant 0 : i32
      %dma_wait3A_289 = tpu.memref_slice %arg8[%run_scoped3A_252, %dma_wait3A_287, %dma_wait3A_288] : memref<4x80x128xf32, #tpu.memory_space<vmem>> -> memref<1x80x128xf32, #tpu.memory_space<vmem>>
      %dma_wait3A_290 = tpu.memref_squeeze %dma_wait3A_289 : memref<1x80x128xf32, #tpu.memory_space<vmem>> -> memref<80x128xf32, #tpu.memory_space<vmem>>
      %dma_wait3A_291 = arith.constant 0 : i32
      %dma_wait3A_292 = tpu.memref_slice %arg9[%add3A_251, %dma_wait3A_291] : memref<10000x128xf32, #tpu.memory_space<vmem_shared>> -> memref<80x128xf32, #tpu.memory_space<vmem_shared>>
      %dma_wait3A_293 = arith.constant 0 : i32
      %dma_wait3A_294 = tpu.memref_slice %arg9[%add3A_251, %dma_wait3A_293] : memref<10000x128xf32, #tpu.memory_space<vmem_shared>> -> memref<80x128xf32, #tpu.memory_space<vmem_shared>>
      %dma_wait3A_295 = arith.constant 0 : i32
      %dma_wait3A_296 = arith.constant 0 : i32
      %dma_wait3A_297 = tpu.memref_slice %arg8[%run_scoped3A_252, %dma_wait3A_295, %dma_wait3A_296] : memref<4x80x128xf32, #tpu.memory_space<vmem>> -> memref<1x80x128xf32, #tpu.memory_space<vmem>>
      %dma_wait3A_298 = tpu.memref_squeeze %dma_wait3A_297 : memref<1x80x128xf32, #tpu.memory_space<vmem>> -> memref<80x128xf32, #tpu.memory_space<vmem>>
      tpu.wait_dma2 semaphore(%run_scoped3A_274 : memref<!tpu.dma_semaphore, #tpu.memory_space<semaphore_mem>>) src(%dma_wait3A_298 : memref<80x128xf32, #tpu.memory_space<vmem>>) dst(%dma_wait3A_294 : memref<80x128xf32, #tpu.memory_space<vmem_shared>>)
      tpu.yield
    }) : () -> ()
    %add3A_253 = arith.constant 480 : i32
    %add3A_254 = arith.addi %mul3A_235, %add3A_253 : i32
    %run_scoped3A_255 = arith.constant 3 : i32
    "tpu.region"() ({
      %run_scoped3A_274 = tpu.sem_alloc : memref<!tpu.dma_semaphore, #tpu.memory_space<semaphore_mem>>
      %dma_start3A_275 = arith.constant 0 : i32
      %dma_start3A_276 = arith.constant 0 : i32
      %dma_start3A_277 = tpu.memref_slice %arg8[%run_scoped3A_255, %dma_start3A_275, %dma_start3A_276] : memref<4x80x128xf32, #tpu.memory_space<vmem>> -> memref<1x80x128xf32, #tpu.memory_space<vmem>>
      %dma_start3A_278 = tpu.memref_squeeze %dma_start3A_277 : memref<1x80x128xf32, #tpu.memory_space<vmem>> -> memref<80x128xf32, #tpu.memory_space<vmem>>
      %dma_start3A_279 = arith.constant 0 : i32
      %dma_start3A_280 = tpu.memref_slice %arg9[%add3A_254, %dma_start3A_279] : memref<10000x128xf32, #tpu.memory_space<vmem_shared>> -> memref<80x128xf32, #tpu.memory_space<vmem_shared>>
      %dma_start3A_281 = arith.constant 0 : i32
      %dma_start3A_282 = tpu.memref_slice %arg9[%add3A_254, %dma_start3A_281] : memref<10000x128xf32, #tpu.memory_space<vmem_shared>> -> memref<80x128xf32, #tpu.memory_space<vmem_shared>>
      %dma_start3A_283 = arith.constant 0 : i32
      %dma_start3A_284 = arith.constant 0 : i32
      %dma_start3A_285 = tpu.memref_slice %arg8[%run_scoped3A_255, %dma_start3A_283, %dma_start3A_284] : memref<4x80x128xf32, #tpu.memory_space<vmem>> -> memref<1x80x128xf32, #tpu.memory_space<vmem>>
      %dma_start3A_286 = tpu.memref_squeeze %dma_start3A_285 : memref<1x80x128xf32, #tpu.memory_space<vmem>> -> memref<80x128xf32, #tpu.memory_space<vmem>>
      tpu.enqueue_dma source(%dma_start3A_286 : memref<80x128xf32, #tpu.memory_space<vmem>>) target(%dma_start3A_282 : memref<80x128xf32, #tpu.memory_space<vmem_shared>>) target_semaphore(%run_scoped3A_274 : memref<!tpu.dma_semaphore, #tpu.memory_space<semaphore_mem>>)
      %dma_wait3A_287 = arith.constant 0 : i32
      %dma_wait3A_288 = arith.constant 0 : i32
      %dma_wait3A_289 = tpu.memref_slice %arg8[%run_scoped3A_255, %dma_wait3A_287, %dma_wait3A_288] : memref<4x80x128xf32, #tpu.memory_space<vmem>> -> memref<1x80x128xf32, #tpu.memory_space<vmem>>
      %dma_wait3A_290 = tpu.memref_squeeze %dma_wait3A_289 : memref<1x80x128xf32, #tpu.memory_space<vmem>> -> memref<80x128xf32, #tpu.memory_space<vmem>>
      %dma_wait3A_291 = arith.constant 0 : i32
      %dma_wait3A_292 = tpu.memref_slice %arg9[%add3A_254, %dma_wait3A_291] : memref<10000x128xf32, #tpu.memory_space<vmem_shared>> -> memref<80x128xf32, #tpu.memory_space<vmem_shared>>
      %dma_wait3A_293 = arith.constant 0 : i32
      %dma_wait3A_294 = tpu.memref_slice %arg9[%add3A_254, %dma_wait3A_293] : memref<10000x128xf32, #tpu.memory_space<vmem_shared>> -> memref<80x128xf32, #tpu.memory_space<vmem_shared>>
      %dma_wait3A_295 = arith.constant 0 : i32
      %dma_wait3A_296 = arith.constant 0 : i32
      %dma_wait3A_297 = tpu.memref_slice %arg8[%run_scoped3A_255, %dma_wait3A_295, %dma_wait3A_296] : memref<4x80x128xf32, #tpu.memory_space<vmem>> -> memref<1x80x128xf32, #tpu.memory_space<vmem>>
      %dma_wait3A_298 = tpu.memref_squeeze %dma_wait3A_297 : memref<1x80x128xf32, #tpu.memory_space<vmem>> -> memref<80x128xf32, #tpu.memory_space<vmem>>
      tpu.wait_dma2 semaphore(%run_scoped3A_274 : memref<!tpu.dma_semaphore, #tpu.memory_space<semaphore_mem>>) src(%dma_wait3A_298 : memref<80x128xf32, #tpu.memory_space<vmem>>) dst(%dma_wait3A_294 : memref<80x128xf32, #tpu.memory_space<vmem_shared>>)
      tpu.yield
    }) : () -> ()
    %add3A_256 = arith.constant 560 : i32
    %add3A_257 = arith.addi %mul3A_235, %add3A_256 : i32
    %run_scoped3A_258 = arith.constant 3 : i32
    "tpu.region"() ({
      %run_scoped3A_274 = tpu.sem_alloc : memref<!tpu.dma_semaphore, #tpu.memory_space<semaphore_mem>>
      %dma_start3A_275 = arith.constant 0 : i32
      %dma_start3A_276 = arith.constant 0 : i32
      %dma_start3A_277 = tpu.memref_slice %arg8[%run_scoped3A_258, %dma_start3A_275, %dma_start3A_276] : memref<4x80x128xf32, #tpu.memory_space<vmem>> -> memref<1x80x128xf32, #tpu.memory_space<vmem>>
      %dma_start3A_278 = tpu.memref_squeeze %dma_start3A_277 : memref<1x80x128xf32, #tpu.memory_space<vmem>> -> memref<80x128xf32, #tpu.memory_space<vmem>>
      %dma_start3A_279 = arith.constant 0 : i32
      %dma_start3A_280 = arith.constant 0 : i32
      %dma_start3A_281 = tpu.memref_slice %dma_start3A_278[%dma_start3A_279, %dma_start3A_280] : memref<80x128xf32, #tpu.memory_space<vmem>> -> memref<64x128xf32, #tpu.memory_space<vmem>>
      %dma_start3A_282 = arith.constant 0 : i32
      %dma_start3A_283 = tpu.memref_slice %arg9[%add3A_257, %dma_start3A_282] : memref<10000x128xf32, #tpu.memory_space<vmem_shared>> -> memref<64x128xf32, #tpu.memory_space<vmem_shared>>
      %dma_start3A_284 = arith.constant 0 : i32
      %dma_start3A_285 = tpu.memref_slice %arg9[%add3A_257, %dma_start3A_284] : memref<10000x128xf32, #tpu.memory_space<vmem_shared>> -> memref<64x128xf32, #tpu.memory_space<vmem_shared>>
      %dma_start3A_286 = arith.constant 0 : i32
      %dma_start3A_287 = arith.constant 0 : i32
      %dma_start3A_288 = tpu.memref_slice %arg8[%run_scoped3A_258, %dma_start3A_286, %dma_start3A_287] : memref<4x80x128xf32, #tpu.memory_space<vmem>> -> memref<1x80x128xf32, #tpu.memory_space<vmem>>
      %dma_start3A_289 = tpu.memref_squeeze %dma_start3A_288 : memref<1x80x128xf32, #tpu.memory_space<vmem>> -> memref<80x128xf32, #tpu.memory_space<vmem>>
      %dma_start3A_290 = arith.constant 0 : i32
      %dma_start3A_291 = arith.constant 0 : i32
      %dma_start3A_292 = tpu.memref_slice %dma_start3A_289[%dma_start3A_290, %dma_start3A_291] : memref<80x128xf32, #tpu.memory_space<vmem>> -> memref<64x128xf32, #tpu.memory_space<vmem>>
      tpu.enqueue_dma source(%dma_start3A_292 : memref<64x128xf32, #tpu.memory_space<vmem>>) target(%dma_start3A_285 : memref<64x128xf32, #tpu.memory_space<vmem_shared>>) target_semaphore(%run_scoped3A_274 : memref<!tpu.dma_semaphore, #tpu.memory_space<semaphore_mem>>)
      %dma_wait3A_293 = arith.constant 0 : i32
      %dma_wait3A_294 = arith.constant 0 : i32
      %dma_wait3A_295 = tpu.memref_slice %arg8[%run_scoped3A_258, %dma_wait3A_293, %dma_wait3A_294] : memref<4x80x128xf32, #tpu.memory_space<vmem>> -> memref<1x80x128xf32, #tpu.memory_space<vmem>>
      %dma_wait3A_296 = tpu.memref_squeeze %dma_wait3A_295 : memref<1x80x128xf32, #tpu.memory_space<vmem>> -> memref<80x128xf32, #tpu.memory_space<vmem>>
      %dma_wait3A_297 = arith.constant 0 : i32
      %dma_wait3A_298 = arith.constant 0 : i32
      %dma_wait3A_299 = tpu.memref_slice %dma_wait3A_296[%dma_wait3A_297, %dma_wait3A_298] : memref<80x128xf32, #tpu.memory_space<vmem>> -> memref<64x128xf32, #tpu.memory_space<vmem>>
      %dma_wait3A_300 = arith.constant 0 : i32
      %dma_wait3A_301 = tpu.memref_slice %arg9[%add3A_257, %dma_wait3A_300] : memref<10000x128xf32, #tpu.memory_space<vmem_shared>> -> memref<64x128xf32, #tpu.memory_space<vmem_shared>>
      %dma_wait3A_302 = arith.constant 0 : i32
      %dma_wait3A_303 = tpu.memref_slice %arg9[%add3A_257, %dma_wait3A_302] : memref<10000x128xf32, #tpu.memory_space<vmem_shared>> -> memref<64x128xf32, #tpu.memory_space<vmem_shared>>
      %dma_wait3A_304 = arith.constant 0 : i32
      %dma_wait3A_305 = arith.constant 0 : i32
      %dma_wait3A_306 = tpu.memref_slice %arg8[%run_scoped3A_258, %dma_wait3A_304, %dma_wait3A_305] : memref<4x80x128xf32, #tpu.memory_space<vmem>> -> memref<1x80x128xf32, #tpu.memory_space<vmem>>
      %dma_wait3A_307 = tpu.memref_squeeze %dma_wait3A_306 : memref<1x80x128xf32, #tpu.memory_space<vmem>> -> memref<80x128xf32, #tpu.memory_space<vmem>>
      %dma_wait3A_308 = arith.constant 0 : i32
      %dma_wait3A_309 = arith.constant 0 : i32
      %dma_wait3A_310 = tpu.memref_slice %dma_wait3A_307[%dma_wait3A_308, %dma_wait3A_309] : memref<80x128xf32, #tpu.memory_space<vmem>> -> memref<64x128xf32, #tpu.memory_space<vmem>>
      tpu.wait_dma2 semaphore(%run_scoped3A_274 : memref<!tpu.dma_semaphore, #tpu.memory_space<semaphore_mem>>) src(%dma_wait3A_310 : memref<64x128xf32, #tpu.memory_space<vmem>>) dst(%dma_wait3A_303 : memref<64x128xf32, #tpu.memory_space<vmem_shared>>)
      tpu.yield
    }) : () -> ()
    %eq3A = arith.constant 0 : i32
    %eq3A_259 = arith.cmpi eq, %arg1, %eq3A : i32
    %convert_element_type3A = arith.extui %eq3A_259 : i1 to i32
    %cond3A = arith.constant 3 : i32
    %cond3A_260 = arith.constant 0 : i32
    %cond3A_261 = arith.cmpi ne, %convert_element_type3A, %cond3A_260 : i32
    scf.if %cond3A_261 {
      "tpu.region"() ({
        %run_scoped3A_274 = tpu.sem_alloc : memref<!tpu.dma_semaphore, #tpu.memory_space<semaphore_mem>>
        %dma_start3A_275 = arith.constant 0 : i32
        %dma_start3A_276 = arith.constant 0 : i32
        %dma_start3A_277 = tpu.memref_slice %arg8[%cond3A, %dma_start3A_275, %dma_start3A_276] : memref<4x80x128xf32, #tpu.memory_space<vmem>> -> memref<1x80x128xf32, #tpu.memory_space<vmem>>
        %dma_start3A_278 = tpu.memref_squeeze %dma_start3A_277 : memref<1x80x128xf32, #tpu.memory_space<vmem>> -> memref<80x128xf32, #tpu.memory_space<vmem>>
        %dma_start3A_279 = arith.constant 0 : i32
        %dma_start3A_280 = arith.constant 0 : i32
        %dma_start3A_281 = tpu.memref_slice %dma_start3A_278[%dma_start3A_279, %dma_start3A_280] : memref<80x128xf32, #tpu.memory_space<vmem>> -> memref<16x128xf32, #tpu.memory_space<vmem>>
        %dma_start3A_282 = arith.constant 9984 : i32
        %dma_start3A_283 = arith.constant 0 : i32
        %dma_start3A_284 = tpu.memref_slice %arg9[%dma_start3A_282, %dma_start3A_283] : memref<10000x128xf32, #tpu.memory_space<vmem_shared>> -> memref<16x128xf32, #tpu.memory_space<vmem_shared>>
        %dma_start3A_285 = arith.constant 9984 : i32
        %dma_start3A_286 = arith.constant 0 : i32
        %dma_start3A_287 = tpu.memref_slice %arg9[%dma_start3A_285, %dma_start3A_286] : memref<10000x128xf32, #tpu.memory_space<vmem_shared>> -> memref<16x128xf32, #tpu.memory_space<vmem_shared>>
        %dma_start3A_288 = arith.constant 0 : i32
        %dma_start3A_289 = arith.constant 0 : i32
        %dma_start3A_290 = tpu.memref_slice %arg8[%cond3A, %dma_start3A_288, %dma_start3A_289] : memref<4x80x128xf32, #tpu.memory_space<vmem>> -> memref<1x80x128xf32, #tpu.memory_space<vmem>>
        %dma_start3A_291 = tpu.memref_squeeze %dma_start3A_290 : memref<1x80x128xf32, #tpu.memory_space<vmem>> -> memref<80x128xf32, #tpu.memory_space<vmem>>
        %dma_start3A_292 = arith.constant 0 : i32
        %dma_start3A_293 = arith.constant 0 : i32
        %dma_start3A_294 = tpu.memref_slice %dma_start3A_291[%dma_start3A_292, %dma_start3A_293] : memref<80x128xf32, #tpu.memory_space<vmem>> -> memref<16x128xf32, #tpu.memory_space<vmem>>
        tpu.enqueue_dma source(%dma_start3A_294 : memref<16x128xf32, #tpu.memory_space<vmem>>) target(%dma_start3A_287 : memref<16x128xf32, #tpu.memory_space<vmem_shared>>) target_semaphore(%run_scoped3A_274 : memref<!tpu.dma_semaphore, #tpu.memory_space<semaphore_mem>>)
        %dma_wait3A_295 = arith.constant 0 : i32
        %dma_wait3A_296 = arith.constant 0 : i32
        %dma_wait3A_297 = tpu.memref_slice %arg8[%cond3A, %dma_wait3A_295, %dma_wait3A_296] : memref<4x80x128xf32, #tpu.memory_space<vmem>> -> memref<1x80x128xf32, #tpu.memory_space<vmem>>
        %dma_wait3A_298 = tpu.memref_squeeze %dma_wait3A_297 : memref<1x80x128xf32, #tpu.memory_space<vmem>> -> memref<80x128xf32, #tpu.memory_space<vmem>>
        %dma_wait3A_299 = arith.constant 0 : i32
        %dma_wait3A_300 = arith.constant 0 : i32
        %dma_wait3A_301 = tpu.memref_slice %dma_wait3A_298[%dma_wait3A_299, %dma_wait3A_300] : memref<80x128xf32, #tpu.memory_space<vmem>> -> memref<16x128xf32, #tpu.memory_space<vmem>>
        %dma_wait3A_302 = arith.constant 9984 : i32
        %dma_wait3A_303 = arith.constant 0 : i32
        %dma_wait3A_304 = tpu.memref_slice %arg9[%dma_wait3A_302, %dma_wait3A_303] : memref<10000x128xf32, #tpu.memory_space<vmem_shared>> -> memref<16x128xf32, #tpu.memory_space<vmem_shared>>
        %dma_wait3A_305 = arith.constant 9984 : i32
        %dma_wait3A_306 = arith.constant 0 : i32
        %dma_wait3A_307 = tpu.memref_slice %arg9[%dma_wait3A_305, %dma_wait3A_306] : memref<10000x128xf32, #tpu.memory_space<vmem_shared>> -> memref<16x128xf32, #tpu.memory_space<vmem_shared>>
        %dma_wait3A_308 = arith.constant 0 : i32
        %dma_wait3A_309 = arith.constant 0 : i32
        %dma_wait3A_310 = tpu.memref_slice %arg8[%cond3A, %dma_wait3A_308, %dma_wait3A_309] : memref<4x80x128xf32, #tpu.memory_space<vmem>> -> memref<1x80x128xf32, #tpu.memory_space<vmem>>
        %dma_wait3A_311 = tpu.memref_squeeze %dma_wait3A_310 : memref<1x80x128xf32, #tpu.memory_space<vmem>> -> memref<80x128xf32, #tpu.memory_space<vmem>>
        %dma_wait3A_312 = arith.constant 0 : i32
        %dma_wait3A_313 = arith.constant 0 : i32
        %dma_wait3A_314 = tpu.memref_slice %dma_wait3A_311[%dma_wait3A_312, %dma_wait3A_313] : memref<80x128xf32, #tpu.memory_space<vmem>> -> memref<16x128xf32, #tpu.memory_space<vmem>>
        tpu.wait_dma2 semaphore(%run_scoped3A_274 : memref<!tpu.dma_semaphore, #tpu.memory_space<semaphore_mem>>) src(%dma_wait3A_314 : memref<16x128xf32, #tpu.memory_space<vmem>>) dst(%dma_wait3A_307 : memref<16x128xf32, #tpu.memory_space<vmem_shared>>)
        tpu.yield
      }) : () -> ()
    } else {
    }
    %barrier3A = arith.constant 0 : index
    tpu.barrier barrier_id(%barrier3A)
    %scan3A_262 = arith.constant 0 : i32
    %scan3A_263 = arith.constant 0 : i32
    %scan3A_264 = arith.constant 33 : i32
    %scan3A_265 = arith.addi %scan3A_263, %scan3A_264 : i32
    %scan3A_266 = arith.constant 1 : i32
    scf.for %scan3A_274 = %scan3A_263 to %scan3A_265 step %scan3A_266  : i32 {
      %mul3A_275 = arith.constant 4 : i32
      %mul3A_276 = arith.muli %scan3A_274, %mul3A_275 : i32
      %add3A_277 = arith.constant 0 : i32
      %add3A_278 = arith.addi %mul3A_276, %add3A_277 : i32
      %sub3A = arith.constant 1 : i32
      %sub3A_279 = arith.subi %add3A_278, %sub3A : i32
      %sub3A_280 = arith.constant 3 : i32
      %sub3A_281 = arith.subi %add3A_278, %sub3A_280 : i32
      %ge3A = arith.constant 4 : i32
      %ge3A_282 = arith.cmpi sge, %add3A_278, %ge3A : i32
      %lt3A = arith.constant 125 : i32
      %lt3A_283 = arith.cmpi slt, %add3A_278, %lt3A : i32
      %and3A = arith.andi %ge3A_282, %lt3A_283 : i1
      %convert_element_type3A_284 = arith.extui %and3A : i1 to i32
      %cond3A_285 = arith.constant 0 : i32
      %cond3A_286 = arith.cmpi ne, %convert_element_type3A_284, %cond3A_285 : i32
      scf.if %cond3A_286 {
        %mul3A_399 = arith.constant 80 : i32
        %mul3A_400 = arith.muli %add3A_278, %mul3A_399 : i32
        %add3A_401 = arith.addi %mul3A_2, %mul3A_400 : i32
        %dma_start3A_402 = arith.constant 0 : i32
        %dma_start3A_403 = arith.constant 0 : i32
        %dma_start3A_404 = arith.constant 0 : i32
        %dma_start3A_405 = tpu.memref_slice %arg6[%dma_start3A_402, %dma_start3A_404] : memref<4x80xi32, #tpu.memory_space<vmem>> -> memref<1x80xi32, #tpu.memory_space<vmem>>
        %dma_start3A_406 = tpu.memref_squeeze %dma_start3A_405 : memref<1x80xi32, #tpu.memory_space<vmem>> -> memref<80xi32, #tpu.memory_space<vmem>>
        %dma_start3A_407 = tpu.memref_slice %arg3[%add3A_401] : memref<320000xi32, #tpu.memory_space<hbm>> -> memref<80xi32, #tpu.memory_space<hbm>>
        %dma_start3A_408 = tpu.memref_slice %arg10[%dma_start3A_403] : memref<4x!tpu.dma_semaphore, #tpu.memory_space<semaphore_mem>> -> memref<1x!tpu.dma_semaphore, #tpu.memory_space<semaphore_mem>>
        %dma_start3A_409 = tpu.memref_squeeze %dma_start3A_408 : memref<1x!tpu.dma_semaphore, #tpu.memory_space<semaphore_mem>> -> memref<!tpu.dma_semaphore, #tpu.memory_space<semaphore_mem>>
        %dma_start3A_410 = arith.constant 0 : i32
        %dma_start3A_411 = tpu.memref_slice %arg6[%dma_start3A_402, %dma_start3A_410] : memref<4x80xi32, #tpu.memory_space<vmem>> -> memref<1x80xi32, #tpu.memory_space<vmem>>
        %dma_start3A_412 = tpu.memref_squeeze %dma_start3A_411 : memref<1x80xi32, #tpu.memory_space<vmem>> -> memref<80xi32, #tpu.memory_space<vmem>>
        %dma_start3A_413 = tpu.memref_slice %arg3[%add3A_401] : memref<320000xi32, #tpu.memory_space<hbm>> -> memref<80xi32, #tpu.memory_space<hbm>>
        tpu.enqueue_dma source(%dma_start3A_413 : memref<80xi32, #tpu.memory_space<hbm>>) target(%dma_start3A_412 : memref<80xi32, #tpu.memory_space<vmem>>) target_semaphore(%dma_start3A_409 : memref<!tpu.dma_semaphore, #tpu.memory_space<semaphore_mem>>)
        %dma_start3A_414 = arith.constant 0 : i32
        %dma_start3A_415 = arith.constant 0 : i32
        %dma_start3A_416 = arith.constant 0 : i32
        %dma_start3A_417 = tpu.memref_slice %arg7[%dma_start3A_414, %dma_start3A_416] : memref<4x80xi32, #tpu.memory_space<vmem>> -> memref<1x80xi32, #tpu.memory_space<vmem>>
        %dma_start3A_418 = tpu.memref_squeeze %dma_start3A_417 : memref<1x80xi32, #tpu.memory_space<vmem>> -> memref<80xi32, #tpu.memory_space<vmem>>
        %dma_start3A_419 = tpu.memref_slice %arg4[%add3A_401] : memref<320000xi32, #tpu.memory_space<hbm>> -> memref<80xi32, #tpu.memory_space<hbm>>
        %dma_start3A_420 = tpu.memref_slice %arg10[%dma_start3A_415] : memref<4x!tpu.dma_semaphore, #tpu.memory_space<semaphore_mem>> -> memref<1x!tpu.dma_semaphore, #tpu.memory_space<semaphore_mem>>
        %dma_start3A_421 = tpu.memref_squeeze %dma_start3A_420 : memref<1x!tpu.dma_semaphore, #tpu.memory_space<semaphore_mem>> -> memref<!tpu.dma_semaphore, #tpu.memory_space<semaphore_mem>>
        %dma_start3A_422 = arith.constant 0 : i32
        %dma_start3A_423 = tpu.memref_slice %arg7[%dma_start3A_414, %dma_start3A_422] : memref<4x80xi32, #tpu.memory_space<vmem>> -> memref<1x80xi32, #tpu.memory_space<vmem>>
        %dma_start3A_424 = tpu.memref_squeeze %dma_start3A_423 : memref<1x80xi32, #tpu.memory_space<vmem>> -> memref<80xi32, #tpu.memory_space<vmem>>
        %dma_start3A_425 = tpu.memref_slice %arg4[%add3A_401] : memref<320000xi32, #tpu.memory_space<hbm>> -> memref<80xi32, #tpu.memory_space<hbm>>
        tpu.enqueue_dma source(%dma_start3A_425 : memref<80xi32, #tpu.memory_space<hbm>>) target(%dma_start3A_424 : memref<80xi32, #tpu.memory_space<vmem>>) target_semaphore(%dma_start3A_421 : memref<!tpu.dma_semaphore, #tpu.memory_space<semaphore_mem>>)
      } else {
      }
      %ge3A_287 = arith.constant 3 : i32
      %ge3A_288 = arith.cmpi sge, %sub3A_279, %ge3A_287 : i32
      %lt3A_289 = arith.constant 125 : i32
      %lt3A_290 = arith.cmpi slt, %sub3A_279, %lt3A_289 : i32
      %and3A_291 = arith.andi %ge3A_288, %lt3A_290 : i1
      %convert_element_type3A_292 = arith.extui %and3A_291 : i1 to i32
      %cond3A_293 = arith.constant 0 : i32
      %cond3A_294 = arith.cmpi ne, %convert_element_type3A_292, %cond3A_293 : i32
      scf.if %cond3A_294 {
        %mul3A_399 = arith.constant 80 : i32
        %mul3A_400 = arith.muli %sub3A_279, %mul3A_399 : i32
        %add3A_401 = arith.addi %mul3A_2, %mul3A_400 : i32
        %dma_wait3A_402 = arith.constant 3 : i32
        %dma_wait3A_403 = arith.constant 3 : i32
        %dma_wait3A_404 = arith.constant 0 : i32
        %dma_wait3A_405 = tpu.memref_slice %arg6[%dma_wait3A_402, %dma_wait3A_404] : memref<4x80xi32, #tpu.memory_space<vmem>> -> memref<1x80xi32, #tpu.memory_space<vmem>>
        %dma_wait3A_406 = tpu.memref_squeeze %dma_wait3A_405 : memref<1x80xi32, #tpu.memory_space<vmem>> -> memref<80xi32, #tpu.memory_space<vmem>>
        %dma_wait3A_407 = tpu.memref_slice %arg3[%add3A_401] : memref<320000xi32, #tpu.memory_space<hbm>> -> memref<80xi32, #tpu.memory_space<hbm>>
        %dma_wait3A_408 = tpu.memref_slice %arg10[%dma_wait3A_403] : memref<4x!tpu.dma_semaphore, #tpu.memory_space<semaphore_mem>> -> memref<1x!tpu.dma_semaphore, #tpu.memory_space<semaphore_mem>>
        %dma_wait3A_409 = tpu.memref_squeeze %dma_wait3A_408 : memref<1x!tpu.dma_semaphore, #tpu.memory_space<semaphore_mem>> -> memref<!tpu.dma_semaphore, #tpu.memory_space<semaphore_mem>>
        %dma_wait3A_410 = arith.constant 0 : i32
        %dma_wait3A_411 = tpu.memref_slice %arg6[%dma_wait3A_402, %dma_wait3A_410] : memref<4x80xi32, #tpu.memory_space<vmem>> -> memref<1x80xi32, #tpu.memory_space<vmem>>
        %dma_wait3A_412 = tpu.memref_squeeze %dma_wait3A_411 : memref<1x80xi32, #tpu.memory_space<vmem>> -> memref<80xi32, #tpu.memory_space<vmem>>
        %dma_wait3A_413 = tpu.memref_slice %arg3[%add3A_401] : memref<320000xi32, #tpu.memory_space<hbm>> -> memref<80xi32, #tpu.memory_space<hbm>>
        tpu.wait_dma2 semaphore(%dma_wait3A_409 : memref<!tpu.dma_semaphore, #tpu.memory_space<semaphore_mem>>) src(%dma_wait3A_413 : memref<80xi32, #tpu.memory_space<hbm>>) dst(%dma_wait3A_412 : memref<80xi32, #tpu.memory_space<vmem>>)
        %dma_wait3A_414 = arith.constant 3 : i32
        %dma_wait3A_415 = arith.constant 3 : i32
        %dma_wait3A_416 = arith.constant 0 : i32
        %dma_wait3A_417 = tpu.memref_slice %arg7[%dma_wait3A_414, %dma_wait3A_416] : memref<4x80xi32, #tpu.memory_space<vmem>> -> memref<1x80xi32, #tpu.memory_space<vmem>>
        %dma_wait3A_418 = tpu.memref_squeeze %dma_wait3A_417 : memref<1x80xi32, #tpu.memory_space<vmem>> -> memref<80xi32, #tpu.memory_space<vmem>>
        %dma_wait3A_419 = tpu.memref_slice %arg4[%add3A_401] : memref<320000xi32, #tpu.memory_space<hbm>> -> memref<80xi32, #tpu.memory_space<hbm>>
        %dma_wait3A_420 = tpu.memref_slice %arg10[%dma_wait3A_415] : memref<4x!tpu.dma_semaphore, #tpu.memory_space<semaphore_mem>> -> memref<1x!tpu.dma_semaphore, #tpu.memory_space<semaphore_mem>>
        %dma_wait3A_421 = tpu.memref_squeeze %dma_wait3A_420 : memref<1x!tpu.dma_semaphore, #tpu.memory_space<semaphore_mem>> -> memref<!tpu.dma_semaphore, #tpu.memory_space<semaphore_mem>>
        %dma_wait3A_422 = arith.constant 0 : i32
        %dma_wait3A_423 = tpu.memref_slice %arg7[%dma_wait3A_414, %dma_wait3A_422] : memref<4x80xi32, #tpu.memory_space<vmem>> -> memref<1x80xi32, #tpu.memory_space<vmem>>
        %dma_wait3A_424 = tpu.memref_squeeze %dma_wait3A_423 : memref<1x80xi32, #tpu.memory_space<vmem>> -> memref<80xi32, #tpu.memory_space<vmem>>
        %dma_wait3A_425 = tpu.memref_slice %arg4[%add3A_401] : memref<320000xi32, #tpu.memory_space<hbm>> -> memref<80xi32, #tpu.memory_space<hbm>>
        tpu.wait_dma2 semaphore(%dma_wait3A_421 : memref<!tpu.dma_semaphore, #tpu.memory_space<semaphore_mem>>) src(%dma_wait3A_425 : memref<80xi32, #tpu.memory_space<hbm>>) dst(%dma_wait3A_424 : memref<80xi32, #tpu.memory_space<vmem>>)
        %dma_start3A_426 = arith.constant 3 : i32
        %dma_start3A_427 = arith.constant 3 : i32
        %dma_start3A_428 = arith.constant 3 : i32
        %dma_start3A_429 = arith.constant 0 : i32
        %dma_start3A_430 = arith.constant 0 : i32
        %dma_start3A_431 = tpu.memref_slice %arg8[%dma_start3A_427, %dma_start3A_429, %dma_start3A_430] : memref<4x80x128xf32, #tpu.memory_space<vmem>> -> memref<1x80x128xf32, #tpu.memory_space<vmem>>
        %dma_start3A_432 = tpu.memref_squeeze %dma_start3A_431 : memref<1x80x128xf32, #tpu.memory_space<vmem>> -> memref<80x128xf32, #tpu.memory_space<vmem>>
        %dma_start3A_433 = arith.constant 0 : i32
        %dma_start3A_434 = tpu.memref_slice %arg6[%dma_start3A_426, %dma_start3A_433] : memref<4x80xi32, #tpu.memory_space<vmem>> -> memref<1x80xi32, #tpu.memory_space<vmem>>
        %dma_start3A_435 = tpu.memref_squeeze %dma_start3A_434 : memref<1x80xi32, #tpu.memory_space<vmem>> -> memref<80xi32, #tpu.memory_space<vmem>>
        %dma_start3A_436 = arith.constant 0 : i32
        %dma_start3A_437 = arith.constant 0 : i32
        %dma_start3A_438 = tpu.memref_slice %arg2[%dma_start3A_436, %dma_start3A_437] : memref<10000x128xf32, #tpu.memory_space<hbm>> -> memref<10000x128xf32, #tpu.memory_space<hbm>>
        %dma_start3A_439 = tpu.memref_slice %arg11[%dma_start3A_428] : memref<4x!tpu.dma_semaphore, #tpu.memory_space<semaphore_mem>> -> memref<1x!tpu.dma_semaphore, #tpu.memory_space<semaphore_mem>>
        %dma_start3A_440 = tpu.memref_squeeze %dma_start3A_439 : memref<1x!tpu.dma_semaphore, #tpu.memory_space<semaphore_mem>> -> memref<!tpu.dma_semaphore, #tpu.memory_space<semaphore_mem>>
        tpu.enqueue_indirect_dma source(%dma_start3A_438 : memref<10000x128xf32, #tpu.memory_space<hbm>>) target(%dma_start3A_432 : memref<80x128xf32, #tpu.memory_space<vmem>>) offsets(%dma_start3A_435 : memref<80xi32, #tpu.memory_space<vmem>>) semaphore(%dma_start3A_440 : memref<!tpu.dma_semaphore, #tpu.memory_space<semaphore_mem>>)
      } else {
      }
      %ge3A_295 = arith.constant 0 : i32
      %ge3A_296 = arith.cmpi sge, %sub3A_281, %ge3A_295 : i32
      %lt3A_297 = arith.constant 125 : i32
      %lt3A_298 = arith.cmpi slt, %sub3A_281, %lt3A_297 : i32
      %and3A_299 = arith.andi %ge3A_296, %lt3A_298 : i1
      %convert_element_type3A_300 = arith.extui %and3A_299 : i1 to i32
      %cond3A_301 = arith.constant 0 : i32
      %cond3A_302 = arith.cmpi ne, %convert_element_type3A_300, %cond3A_301 : i32
      scf.if %cond3A_302 {
        %dma_wait3A_399 = arith.constant 1 : i32
        %dma_wait3A_400 = arith.constant 1 : i32
        %dma_wait3A_401 = arith.constant 1 : i32
        %dma_wait3A_402 = arith.constant 0 : i32
        %dma_wait3A_403 = arith.constant 0 : i32
        %dma_wait3A_404 = tpu.memref_slice %arg8[%dma_wait3A_400, %dma_wait3A_402, %dma_wait3A_403] : memref<4x80x128xf32, #tpu.memory_space<vmem>> -> memref<1x80x128xf32, #tpu.memory_space<vmem>>
        %dma_wait3A_405 = tpu.memref_squeeze %dma_wait3A_404 : memref<1x80x128xf32, #tpu.memory_space<vmem>> -> memref<80x128xf32, #tpu.memory_space<vmem>>
        %dma_wait3A_406 = arith.constant 0 : i32
        %dma_wait3A_407 = tpu.memref_slice %arg6[%dma_wait3A_399, %dma_wait3A_406] : memref<4x80xi32, #tpu.memory_space<vmem>> -> memref<1x80xi32, #tpu.memory_space<vmem>>
        %dma_wait3A_408 = tpu.memref_squeeze %dma_wait3A_407 : memref<1x80xi32, #tpu.memory_space<vmem>> -> memref<80xi32, #tpu.memory_space<vmem>>
        %dma_wait3A_409 = arith.constant 0 : i32
        %dma_wait3A_410 = arith.constant 0 : i32
        %dma_wait3A_411 = tpu.memref_slice %arg2[%dma_wait3A_409, %dma_wait3A_410] : memref<10000x128xf32, #tpu.memory_space<hbm>> -> memref<10000x128xf32, #tpu.memory_space<hbm>>
        %dma_wait3A_412 = tpu.memref_slice %arg11[%dma_wait3A_401] : memref<4x!tpu.dma_semaphore, #tpu.memory_space<semaphore_mem>> -> memref<1x!tpu.dma_semaphore, #tpu.memory_space<semaphore_mem>>
        %dma_wait3A_413 = tpu.memref_squeeze %dma_wait3A_412 : memref<1x!tpu.dma_semaphore, #tpu.memory_space<semaphore_mem>> -> memref<!tpu.dma_semaphore, #tpu.memory_space<semaphore_mem>>
        tpu.wait_indirect_dma semaphore(%dma_wait3A_413 : memref<!tpu.dma_semaphore, #tpu.memory_space<semaphore_mem>>) src(%dma_wait3A_411 : memref<10000x128xf32, #tpu.memory_space<hbm>>) dst(%dma_wait3A_405 : memref<80x128xf32, #tpu.memory_space<vmem>>)
        %run_scoped3A_414 = arith.constant 1 : i32
        %run_scoped3A_415 = arith.constant 1 : i32
        "tpu.region"() ({
          %run_scoped3A_416 = tpu.sem_alloc : memref<!tpu.dma_semaphore, #tpu.memory_space<semaphore_mem>>
          %dma_start3A_417 = arith.constant 0 : i32
          %dma_start3A_418 = arith.constant 0 : i32
          %dma_start3A_419 = tpu.memref_slice %arg8[%run_scoped3A_414, %dma_start3A_417, %dma_start3A_418] : memref<4x80x128xf32, #tpu.memory_space<vmem>> -> memref<1x80x128xf32, #tpu.memory_space<vmem>>
          %dma_start3A_420 = tpu.memref_squeeze %dma_start3A_419 : memref<1x80x128xf32, #tpu.memory_space<vmem>> -> memref<80x128xf32, #tpu.memory_space<vmem>>
          %dma_start3A_421 = arith.constant 0 : i32
          %dma_start3A_422 = tpu.memref_slice %arg7[%run_scoped3A_415, %dma_start3A_421] : memref<4x80xi32, #tpu.memory_space<vmem>> -> memref<1x80xi32, #tpu.memory_space<vmem>>
          %dma_start3A_423 = tpu.memref_squeeze %dma_start3A_422 : memref<1x80xi32, #tpu.memory_space<vmem>> -> memref<80xi32, #tpu.memory_space<vmem>>
          %dma_start3A_424 = arith.constant 0 : i32
          %dma_start3A_425 = arith.constant 0 : i32
          %dma_start3A_426 = tpu.memref_slice %arg9[%dma_start3A_424, %dma_start3A_425] : memref<10000x128xf32, #tpu.memory_space<vmem_shared>> -> memref<10000x128xf32, #tpu.memory_space<vmem_shared>>
          tpu.enqueue_indirect_dma source(%dma_start3A_420 : memref<80x128xf32, #tpu.memory_space<vmem>>) target(%dma_start3A_426 : memref<10000x128xf32, #tpu.memory_space<vmem_shared>>) offsets(%dma_start3A_423 : memref<80xi32, #tpu.memory_space<vmem>>) semaphore(%run_scoped3A_416 : memref<!tpu.dma_semaphore, #tpu.memory_space<semaphore_mem>>) {add = true}
          %dma_wait3A_427 = arith.constant 0 : i32
          %dma_wait3A_428 = arith.constant 0 : i32
          %dma_wait3A_429 = tpu.memref_slice %arg8[%run_scoped3A_414, %dma_wait3A_427, %dma_wait3A_428] : memref<4x80x128xf32, #tpu.memory_space<vmem>> -> memref<1x80x128xf32, #tpu.memory_space<vmem>>
          %dma_wait3A_430 = tpu.memref_squeeze %dma_wait3A_429 : memref<1x80x128xf32, #tpu.memory_space<vmem>> -> memref<80x128xf32, #tpu.memory_space<vmem>>
          %dma_wait3A_431 = arith.constant 0 : i32
          %dma_wait3A_432 = tpu.memref_slice %arg7[%run_scoped3A_415, %dma_wait3A_431] : memref<4x80xi32, #tpu.memory_space<vmem>> -> memref<1x80xi32, #tpu.memory_space<vmem>>
          %dma_wait3A_433 = tpu.memref_squeeze %dma_wait3A_432 : memref<1x80xi32, #tpu.memory_space<vmem>> -> memref<80xi32, #tpu.memory_space<vmem>>
          %dma_wait3A_434 = arith.constant 0 : i32
          %dma_wait3A_435 = arith.constant 0 : i32
          %dma_wait3A_436 = tpu.memref_slice %arg9[%dma_wait3A_434, %dma_wait3A_435] : memref<10000x128xf32, #tpu.memory_space<vmem_shared>> -> memref<10000x128xf32, #tpu.memory_space<vmem_shared>>
          tpu.wait_indirect_dma semaphore(%run_scoped3A_416 : memref<!tpu.dma_semaphore, #tpu.memory_space<semaphore_mem>>) src(%dma_wait3A_430 : memref<80x128xf32, #tpu.memory_space<vmem>>) dst(%dma_wait3A_436 : memref<10000x128xf32, #tpu.memory_space<vmem_shared>>)
          tpu.yield
        }) : () -> ()
      } else {
      }
      %mul3A_303 = arith.constant 4 : i32
      %mul3A_304 = arith.muli %scan3A_274, %mul3A_303 : i32
      %add3A_305 = arith.constant 1 : i32
      %add3A_306 = arith.addi %mul3A_304, %add3A_305 : i32
      %sub3A_307 = arith.constant 1 : i32
      %sub3A_308 = arith.subi %add3A_306, %sub3A_307 : i32
      %sub3A_309 = arith.constant 3 : i32
      %sub3A_310 = arith.subi %add3A_306, %sub3A_309 : i32
      %ge3A_311 = arith.constant 4 : i32
      %ge3A_312 = arith.cmpi sge, %add3A_306, %ge3A_311 : i32
      %lt3A_313 = arith.constant 125 : i32
      %lt3A_314 = arith.cmpi slt, %add3A_306, %lt3A_313 : i32
      %and3A_315 = arith.andi %ge3A_312, %lt3A_314 : i1
      %convert_element_type3A_316 = arith.extui %and3A_315 : i1 to i32
      %cond3A_317 = arith.constant 0 : i32
      %cond3A_318 = arith.cmpi ne, %convert_element_type3A_316, %cond3A_317 : i32
      scf.if %cond3A_318 {
        %mul3A_399 = arith.constant 80 : i32
        %mul3A_400 = arith.muli %add3A_306, %mul3A_399 : i32
        %add3A_401 = arith.addi %mul3A_2, %mul3A_400 : i32
        %dma_start3A_402 = arith.constant 1 : i32
        %dma_start3A_403 = arith.constant 1 : i32
        %dma_start3A_404 = arith.constant 0 : i32
        %dma_start3A_405 = tpu.memref_slice %arg6[%dma_start3A_402, %dma_start3A_404] : memref<4x80xi32, #tpu.memory_space<vmem>> -> memref<1x80xi32, #tpu.memory_space<vmem>>
        %dma_start3A_406 = tpu.memref_squeeze %dma_start3A_405 : memref<1x80xi32, #tpu.memory_space<vmem>> -> memref<80xi32, #tpu.memory_space<vmem>>
        %dma_start3A_407 = tpu.memref_slice %arg3[%add3A_401] : memref<320000xi32, #tpu.memory_space<hbm>> -> memref<80xi32, #tpu.memory_space<hbm>>
        %dma_start3A_408 = tpu.memref_slice %arg10[%dma_start3A_403] : memref<4x!tpu.dma_semaphore, #tpu.memory_space<semaphore_mem>> -> memref<1x!tpu.dma_semaphore, #tpu.memory_space<semaphore_mem>>
        %dma_start3A_409 = tpu.memref_squeeze %dma_start3A_408 : memref<1x!tpu.dma_semaphore, #tpu.memory_space<semaphore_mem>> -> memref<!tpu.dma_semaphore, #tpu.memory_space<semaphore_mem>>
        %dma_start3A_410 = arith.constant 0 : i32
        %dma_start3A_411 = tpu.memref_slice %arg6[%dma_start3A_402, %dma_start3A_410] : memref<4x80xi32, #tpu.memory_space<vmem>> -> memref<1x80xi32, #tpu.memory_space<vmem>>
        %dma_start3A_412 = tpu.memref_squeeze %dma_start3A_411 : memref<1x80xi32, #tpu.memory_space<vmem>> -> memref<80xi32, #tpu.memory_space<vmem>>
        %dma_start3A_413 = tpu.memref_slice %arg3[%add3A_401] : memref<320000xi32, #tpu.memory_space<hbm>> -> memref<80xi32, #tpu.memory_space<hbm>>
        tpu.enqueue_dma source(%dma_start3A_413 : memref<80xi32, #tpu.memory_space<hbm>>) target(%dma_start3A_412 : memref<80xi32, #tpu.memory_space<vmem>>) target_semaphore(%dma_start3A_409 : memref<!tpu.dma_semaphore, #tpu.memory_space<semaphore_mem>>)
        %dma_start3A_414 = arith.constant 1 : i32
        %dma_start3A_415 = arith.constant 1 : i32
        %dma_start3A_416 = arith.constant 0 : i32
        %dma_start3A_417 = tpu.memref_slice %arg7[%dma_start3A_414, %dma_start3A_416] : memref<4x80xi32, #tpu.memory_space<vmem>> -> memref<1x80xi32, #tpu.memory_space<vmem>>
        %dma_start3A_418 = tpu.memref_squeeze %dma_start3A_417 : memref<1x80xi32, #tpu.memory_space<vmem>> -> memref<80xi32, #tpu.memory_space<vmem>>
        %dma_start3A_419 = tpu.memref_slice %arg4[%add3A_401] : memref<320000xi32, #tpu.memory_space<hbm>> -> memref<80xi32, #tpu.memory_space<hbm>>
        %dma_start3A_420 = tpu.memref_slice %arg10[%dma_start3A_415] : memref<4x!tpu.dma_semaphore, #tpu.memory_space<semaphore_mem>> -> memref<1x!tpu.dma_semaphore, #tpu.memory_space<semaphore_mem>>
        %dma_start3A_421 = tpu.memref_squeeze %dma_start3A_420 : memref<1x!tpu.dma_semaphore, #tpu.memory_space<semaphore_mem>> -> memref<!tpu.dma_semaphore, #tpu.memory_space<semaphore_mem>>
        %dma_start3A_422 = arith.constant 0 : i32
        %dma_start3A_423 = tpu.memref_slice %arg7[%dma_start3A_414, %dma_start3A_422] : memref<4x80xi32, #tpu.memory_space<vmem>> -> memref<1x80xi32, #tpu.memory_space<vmem>>
        %dma_start3A_424 = tpu.memref_squeeze %dma_start3A_423 : memref<1x80xi32, #tpu.memory_space<vmem>> -> memref<80xi32, #tpu.memory_space<vmem>>
        %dma_start3A_425 = tpu.memref_slice %arg4[%add3A_401] : memref<320000xi32, #tpu.memory_space<hbm>> -> memref<80xi32, #tpu.memory_space<hbm>>
        tpu.enqueue_dma source(%dma_start3A_425 : memref<80xi32, #tpu.memory_space<hbm>>) target(%dma_start3A_424 : memref<80xi32, #tpu.memory_space<vmem>>) target_semaphore(%dma_start3A_421 : memref<!tpu.dma_semaphore, #tpu.memory_space<semaphore_mem>>)
      } else {
      }
      %ge3A_319 = arith.constant 3 : i32
      %ge3A_320 = arith.cmpi sge, %sub3A_308, %ge3A_319 : i32
      %lt3A_321 = arith.constant 125 : i32
      %lt3A_322 = arith.cmpi slt, %sub3A_308, %lt3A_321 : i32
      %and3A_323 = arith.andi %ge3A_320, %lt3A_322 : i1
      %convert_element_type3A_324 = arith.extui %and3A_323 : i1 to i32
      %cond3A_325 = arith.constant 0 : i32
      %cond3A_326 = arith.cmpi ne, %convert_element_type3A_324, %cond3A_325 : i32
      scf.if %cond3A_326 {
        %mul3A_399 = arith.constant 80 : i32
        %mul3A_400 = arith.muli %sub3A_308, %mul3A_399 : i32
        %add3A_401 = arith.addi %mul3A_2, %mul3A_400 : i32
        %dma_wait3A_402 = arith.constant 0 : i32
        %dma_wait3A_403 = arith.constant 0 : i32
        %dma_wait3A_404 = arith.constant 0 : i32
        %dma_wait3A_405 = tpu.memref_slice %arg6[%dma_wait3A_402, %dma_wait3A_404] : memref<4x80xi32, #tpu.memory_space<vmem>> -> memref<1x80xi32, #tpu.memory_space<vmem>>
        %dma_wait3A_406 = tpu.memref_squeeze %dma_wait3A_405 : memref<1x80xi32, #tpu.memory_space<vmem>> -> memref<80xi32, #tpu.memory_space<vmem>>
        %dma_wait3A_407 = tpu.memref_slice %arg3[%add3A_401] : memref<320000xi32, #tpu.memory_space<hbm>> -> memref<80xi32, #tpu.memory_space<hbm>>
        %dma_wait3A_408 = tpu.memref_slice %arg10[%dma_wait3A_403] : memref<4x!tpu.dma_semaphore, #tpu.memory_space<semaphore_mem>> -> memref<1x!tpu.dma_semaphore, #tpu.memory_space<semaphore_mem>>
        %dma_wait3A_409 = tpu.memref_squeeze %dma_wait3A_408 : memref<1x!tpu.dma_semaphore, #tpu.memory_space<semaphore_mem>> -> memref<!tpu.dma_semaphore, #tpu.memory_space<semaphore_mem>>
        %dma_wait3A_410 = arith.constant 0 : i32
        %dma_wait3A_411 = tpu.memref_slice %arg6[%dma_wait3A_402, %dma_wait3A_410] : memref<4x80xi32, #tpu.memory_space<vmem>> -> memref<1x80xi32, #tpu.memory_space<vmem>>
        %dma_wait3A_412 = tpu.memref_squeeze %dma_wait3A_411 : memref<1x80xi32, #tpu.memory_space<vmem>> -> memref<80xi32, #tpu.memory_space<vmem>>
        %dma_wait3A_413 = tpu.memref_slice %arg3[%add3A_401] : memref<320000xi32, #tpu.memory_space<hbm>> -> memref<80xi32, #tpu.memory_space<hbm>>
        tpu.wait_dma2 semaphore(%dma_wait3A_409 : memref<!tpu.dma_semaphore, #tpu.memory_space<semaphore_mem>>) src(%dma_wait3A_413 : memref<80xi32, #tpu.memory_space<hbm>>) dst(%dma_wait3A_412 : memref<80xi32, #tpu.memory_space<vmem>>)
        %dma_wait3A_414 = arith.constant 0 : i32
        %dma_wait3A_415 = arith.constant 0 : i32
        %dma_wait3A_416 = arith.constant 0 : i32
        %dma_wait3A_417 = tpu.memref_slice %arg7[%dma_wait3A_414, %dma_wait3A_416] : memref<4x80xi32, #tpu.memory_space<vmem>> -> memref<1x80xi32, #tpu.memory_space<vmem>>
        %dma_wait3A_418 = tpu.memref_squeeze %dma_wait3A_417 : memref<1x80xi32, #tpu.memory_space<vmem>> -> memref<80xi32, #tpu.memory_space<vmem>>
        %dma_wait3A_419 = tpu.memref_slice %arg4[%add3A_401] : memref<320000xi32, #tpu.memory_space<hbm>> -> memref<80xi32, #tpu.memory_space<hbm>>
        %dma_wait3A_420 = tpu.memref_slice %arg10[%dma_wait3A_415] : memref<4x!tpu.dma_semaphore, #tpu.memory_space<semaphore_mem>> -> memref<1x!tpu.dma_semaphore, #tpu.memory_space<semaphore_mem>>
        %dma_wait3A_421 = tpu.memref_squeeze %dma_wait3A_420 : memref<1x!tpu.dma_semaphore, #tpu.memory_space<semaphore_mem>> -> memref<!tpu.dma_semaphore, #tpu.memory_space<semaphore_mem>>
        %dma_wait3A_422 = arith.constant 0 : i32
        %dma_wait3A_423 = tpu.memref_slice %arg7[%dma_wait3A_414, %dma_wait3A_422] : memref<4x80xi32, #tpu.memory_space<vmem>> -> memref<1x80xi32, #tpu.memory_space<vmem>>
        %dma_wait3A_424 = tpu.memref_squeeze %dma_wait3A_423 : memref<1x80xi32, #tpu.memory_space<vmem>> -> memref<80xi32, #tpu.memory_space<vmem>>
        %dma_wait3A_425 = tpu.memref_slice %arg4[%add3A_401] : memref<320000xi32, #tpu.memory_space<hbm>> -> memref<80xi32, #tpu.memory_space<hbm>>
        tpu.wait_dma2 semaphore(%dma_wait3A_421 : memref<!tpu.dma_semaphore, #tpu.memory_space<semaphore_mem>>) src(%dma_wait3A_425 : memref<80xi32, #tpu.memory_space<hbm>>) dst(%dma_wait3A_424 : memref<80xi32, #tpu.memory_space<vmem>>)
        %dma_start3A_426 = arith.constant 0 : i32
        %dma_start3A_427 = arith.constant 0 : i32
        %dma_start3A_428 = arith.constant 0 : i32
        %dma_start3A_429 = arith.constant 0 : i32
        %dma_start3A_430 = arith.constant 0 : i32
        %dma_start3A_431 = tpu.memref_slice %arg8[%dma_start3A_427, %dma_start3A_429, %dma_start3A_430] : memref<4x80x128xf32, #tpu.memory_space<vmem>> -> memref<1x80x128xf32, #tpu.memory_space<vmem>>
        %dma_start3A_432 = tpu.memref_squeeze %dma_start3A_431 : memref<1x80x128xf32, #tpu.memory_space<vmem>> -> memref<80x128xf32, #tpu.memory_space<vmem>>
        %dma_start3A_433 = arith.constant 0 : i32
        %dma_start3A_434 = tpu.memref_slice %arg6[%dma_start3A_426, %dma_start3A_433] : memref<4x80xi32, #tpu.memory_space<vmem>> -> memref<1x80xi32, #tpu.memory_space<vmem>>
        %dma_start3A_435 = tpu.memref_squeeze %dma_start3A_434 : memref<1x80xi32, #tpu.memory_space<vmem>> -> memref<80xi32, #tpu.memory_space<vmem>>
        %dma_start3A_436 = arith.constant 0 : i32
        %dma_start3A_437 = arith.constant 0 : i32
        %dma_start3A_438 = tpu.memref_slice %arg2[%dma_start3A_436, %dma_start3A_437] : memref<10000x128xf32, #tpu.memory_space<hbm>> -> memref<10000x128xf32, #tpu.memory_space<hbm>>
        %dma_start3A_439 = tpu.memref_slice %arg11[%dma_start3A_428] : memref<4x!tpu.dma_semaphore, #tpu.memory_space<semaphore_mem>> -> memref<1x!tpu.dma_semaphore, #tpu.memory_space<semaphore_mem>>
        %dma_start3A_440 = tpu.memref_squeeze %dma_start3A_439 : memref<1x!tpu.dma_semaphore, #tpu.memory_space<semaphore_mem>> -> memref<!tpu.dma_semaphore, #tpu.memory_space<semaphore_mem>>
        tpu.enqueue_indirect_dma source(%dma_start3A_438 : memref<10000x128xf32, #tpu.memory_space<hbm>>) target(%dma_start3A_432 : memref<80x128xf32, #tpu.memory_space<vmem>>) offsets(%dma_start3A_435 : memref<80xi32, #tpu.memory_space<vmem>>) semaphore(%dma_start3A_440 : memref<!tpu.dma_semaphore, #tpu.memory_space<semaphore_mem>>)
      } else {
      }
      %ge3A_327 = arith.constant 0 : i32
      %ge3A_328 = arith.cmpi sge, %sub3A_310, %ge3A_327 : i32
      %lt3A_329 = arith.constant 125 : i32
      %lt3A_330 = arith.cmpi slt, %sub3A_310, %lt3A_329 : i32
      %and3A_331 = arith.andi %ge3A_328, %lt3A_330 : i1
      %convert_element_type3A_332 = arith.extui %and3A_331 : i1 to i32
      %cond3A_333 = arith.constant 0 : i32
      %cond3A_334 = arith.cmpi ne, %convert_element_type3A_332, %cond3A_333 : i32
      scf.if %cond3A_334 {
        %dma_wait3A_399 = arith.constant 2 : i32
        %dma_wait3A_400 = arith.constant 2 : i32
        %dma_wait3A_401 = arith.constant 2 : i32
        %dma_wait3A_402 = arith.constant 0 : i32
        %dma_wait3A_403 = arith.constant 0 : i32
        %dma_wait3A_404 = tpu.memref_slice %arg8[%dma_wait3A_400, %dma_wait3A_402, %dma_wait3A_403] : memref<4x80x128xf32, #tpu.memory_space<vmem>> -> memref<1x80x128xf32, #tpu.memory_space<vmem>>
        %dma_wait3A_405 = tpu.memref_squeeze %dma_wait3A_404 : memref<1x80x128xf32, #tpu.memory_space<vmem>> -> memref<80x128xf32, #tpu.memory_space<vmem>>
        %dma_wait3A_406 = arith.constant 0 : i32
        %dma_wait3A_407 = tpu.memref_slice %arg6[%dma_wait3A_399, %dma_wait3A_406] : memref<4x80xi32, #tpu.memory_space<vmem>> -> memref<1x80xi32, #tpu.memory_space<vmem>>
        %dma_wait3A_408 = tpu.memref_squeeze %dma_wait3A_407 : memref<1x80xi32, #tpu.memory_space<vmem>> -> memref<80xi32, #tpu.memory_space<vmem>>
        %dma_wait3A_409 = arith.constant 0 : i32
        %dma_wait3A_410 = arith.constant 0 : i32
        %dma_wait3A_411 = tpu.memref_slice %arg2[%dma_wait3A_409, %dma_wait3A_410] : memref<10000x128xf32, #tpu.memory_space<hbm>> -> memref<10000x128xf32, #tpu.memory_space<hbm>>
        %dma_wait3A_412 = tpu.memref_slice %arg11[%dma_wait3A_401] : memref<4x!tpu.dma_semaphore, #tpu.memory_space<semaphore_mem>> -> memref<1x!tpu.dma_semaphore, #tpu.memory_space<semaphore_mem>>
        %dma_wait3A_413 = tpu.memref_squeeze %dma_wait3A_412 : memref<1x!tpu.dma_semaphore, #tpu.memory_space<semaphore_mem>> -> memref<!tpu.dma_semaphore, #tpu.memory_space<semaphore_mem>>
        tpu.wait_indirect_dma semaphore(%dma_wait3A_413 : memref<!tpu.dma_semaphore, #tpu.memory_space<semaphore_mem>>) src(%dma_wait3A_411 : memref<10000x128xf32, #tpu.memory_space<hbm>>) dst(%dma_wait3A_405 : memref<80x128xf32, #tpu.memory_space<vmem>>)
        %run_scoped3A_414 = arith.constant 2 : i32
        %run_scoped3A_415 = arith.constant 2 : i32
        "tpu.region"() ({
          %run_scoped3A_416 = tpu.sem_alloc : memref<!tpu.dma_semaphore, #tpu.memory_space<semaphore_mem>>
          %dma_start3A_417 = arith.constant 0 : i32
          %dma_start3A_418 = arith.constant 0 : i32
          %dma_start3A_419 = tpu.memref_slice %arg8[%run_scoped3A_414, %dma_start3A_417, %dma_start3A_418] : memref<4x80x128xf32, #tpu.memory_space<vmem>> -> memref<1x80x128xf32, #tpu.memory_space<vmem>>
          %dma_start3A_420 = tpu.memref_squeeze %dma_start3A_419 : memref<1x80x128xf32, #tpu.memory_space<vmem>> -> memref<80x128xf32, #tpu.memory_space<vmem>>
          %dma_start3A_421 = arith.constant 0 : i32
          %dma_start3A_422 = tpu.memref_slice %arg7[%run_scoped3A_415, %dma_start3A_421] : memref<4x80xi32, #tpu.memory_space<vmem>> -> memref<1x80xi32, #tpu.memory_space<vmem>>
          %dma_start3A_423 = tpu.memref_squeeze %dma_start3A_422 : memref<1x80xi32, #tpu.memory_space<vmem>> -> memref<80xi32, #tpu.memory_space<vmem>>
          %dma_start3A_424 = arith.constant 0 : i32
          %dma_start3A_425 = arith.constant 0 : i32
          %dma_start3A_426 = tpu.memref_slice %arg9[%dma_start3A_424, %dma_start3A_425] : memref<10000x128xf32, #tpu.memory_space<vmem_shared>> -> memref<10000x128xf32, #tpu.memory_space<vmem_shared>>
          tpu.enqueue_indirect_dma source(%dma_start3A_420 : memref<80x128xf32, #tpu.memory_space<vmem>>) target(%dma_start3A_426 : memref<10000x128xf32, #tpu.memory_space<vmem_shared>>) offsets(%dma_start3A_423 : memref<80xi32, #tpu.memory_space<vmem>>) semaphore(%run_scoped3A_416 : memref<!tpu.dma_semaphore, #tpu.memory_space<semaphore_mem>>) {add = true}
          %dma_wait3A_427 = arith.constant 0 : i32
          %dma_wait3A_428 = arith.constant 0 : i32
          %dma_wait3A_429 = tpu.memref_slice %arg8[%run_scoped3A_414, %dma_wait3A_427, %dma_wait3A_428] : memref<4x80x128xf32, #tpu.memory_space<vmem>> -> memref<1x80x128xf32, #tpu.memory_space<vmem>>
          %dma_wait3A_430 = tpu.memref_squeeze %dma_wait3A_429 : memref<1x80x128xf32, #tpu.memory_space<vmem>> -> memref<80x128xf32, #tpu.memory_space<vmem>>
          %dma_wait3A_431 = arith.constant 0 : i32
          %dma_wait3A_432 = tpu.memref_slice %arg7[%run_scoped3A_415, %dma_wait3A_431] : memref<4x80xi32, #tpu.memory_space<vmem>> -> memref<1x80xi32, #tpu.memory_space<vmem>>
          %dma_wait3A_433 = tpu.memref_squeeze %dma_wait3A_432 : memref<1x80xi32, #tpu.memory_space<vmem>> -> memref<80xi32, #tpu.memory_space<vmem>>
          %dma_wait3A_434 = arith.constant 0 : i32
          %dma_wait3A_435 = arith.constant 0 : i32
          %dma_wait3A_436 = tpu.memref_slice %arg9[%dma_wait3A_434, %dma_wait3A_435] : memref<10000x128xf32, #tpu.memory_space<vmem_shared>> -> memref<10000x128xf32, #tpu.memory_space<vmem_shared>>
          tpu.wait_indirect_dma semaphore(%run_scoped3A_416 : memref<!tpu.dma_semaphore, #tpu.memory_space<semaphore_mem>>) src(%dma_wait3A_430 : memref<80x128xf32, #tpu.memory_space<vmem>>) dst(%dma_wait3A_436 : memref<10000x128xf32, #tpu.memory_space<vmem_shared>>)
          tpu.yield
        }) : () -> ()
      } else {
      }
      %mul3A_335 = arith.constant 4 : i32
      %mul3A_336 = arith.muli %scan3A_274, %mul3A_335 : i32
      %add3A_337 = arith.constant 2 : i32
      %add3A_338 = arith.addi %mul3A_336, %add3A_337 : i32
      %sub3A_339 = arith.constant 1 : i32
      %sub3A_340 = arith.subi %add3A_338, %sub3A_339 : i32
      %sub3A_341 = arith.constant 3 : i32
      %sub3A_342 = arith.subi %add3A_338, %sub3A_341 : i32
      %ge3A_343 = arith.constant 4 : i32
      %ge3A_344 = arith.cmpi sge, %add3A_338, %ge3A_343 : i32
      %lt3A_345 = arith.constant 125 : i32
      %lt3A_346 = arith.cmpi slt, %add3A_338, %lt3A_345 : i32
      %and3A_347 = arith.andi %ge3A_344, %lt3A_346 : i1
      %convert_element_type3A_348 = arith.extui %and3A_347 : i1 to i32
      %cond3A_349 = arith.constant 0 : i32
      %cond3A_350 = arith.cmpi ne, %convert_element_type3A_348, %cond3A_349 : i32
      scf.if %cond3A_350 {
        %mul3A_399 = arith.constant 80 : i32
        %mul3A_400 = arith.muli %add3A_338, %mul3A_399 : i32
        %add3A_401 = arith.addi %mul3A_2, %mul3A_400 : i32
        %dma_start3A_402 = arith.constant 2 : i32
        %dma_start3A_403 = arith.constant 2 : i32
        %dma_start3A_404 = arith.constant 0 : i32
        %dma_start3A_405 = tpu.memref_slice %arg6[%dma_start3A_402, %dma_start3A_404] : memref<4x80xi32, #tpu.memory_space<vmem>> -> memref<1x80xi32, #tpu.memory_space<vmem>>
        %dma_start3A_406 = tpu.memref_squeeze %dma_start3A_405 : memref<1x80xi32, #tpu.memory_space<vmem>> -> memref<80xi32, #tpu.memory_space<vmem>>
        %dma_start3A_407 = tpu.memref_slice %arg3[%add3A_401] : memref<320000xi32, #tpu.memory_space<hbm>> -> memref<80xi32, #tpu.memory_space<hbm>>
        %dma_start3A_408 = tpu.memref_slice %arg10[%dma_start3A_403] : memref<4x!tpu.dma_semaphore, #tpu.memory_space<semaphore_mem>> -> memref<1x!tpu.dma_semaphore, #tpu.memory_space<semaphore_mem>>
        %dma_start3A_409 = tpu.memref_squeeze %dma_start3A_408 : memref<1x!tpu.dma_semaphore, #tpu.memory_space<semaphore_mem>> -> memref<!tpu.dma_semaphore, #tpu.memory_space<semaphore_mem>>
        %dma_start3A_410 = arith.constant 0 : i32
        %dma_start3A_411 = tpu.memref_slice %arg6[%dma_start3A_402, %dma_start3A_410] : memref<4x80xi32, #tpu.memory_space<vmem>> -> memref<1x80xi32, #tpu.memory_space<vmem>>
        %dma_start3A_412 = tpu.memref_squeeze %dma_start3A_411 : memref<1x80xi32, #tpu.memory_space<vmem>> -> memref<80xi32, #tpu.memory_space<vmem>>
        %dma_start3A_413 = tpu.memref_slice %arg3[%add3A_401] : memref<320000xi32, #tpu.memory_space<hbm>> -> memref<80xi32, #tpu.memory_space<hbm>>
        tpu.enqueue_dma source(%dma_start3A_413 : memref<80xi32, #tpu.memory_space<hbm>>) target(%dma_start3A_412 : memref<80xi32, #tpu.memory_space<vmem>>) target_semaphore(%dma_start3A_409 : memref<!tpu.dma_semaphore, #tpu.memory_space<semaphore_mem>>)
        %dma_start3A_414 = arith.constant 2 : i32
        %dma_start3A_415 = arith.constant 2 : i32
        %dma_start3A_416 = arith.constant 0 : i32
        %dma_start3A_417 = tpu.memref_slice %arg7[%dma_start3A_414, %dma_start3A_416] : memref<4x80xi32, #tpu.memory_space<vmem>> -> memref<1x80xi32, #tpu.memory_space<vmem>>
        %dma_start3A_418 = tpu.memref_squeeze %dma_start3A_417 : memref<1x80xi32, #tpu.memory_space<vmem>> -> memref<80xi32, #tpu.memory_space<vmem>>
        %dma_start3A_419 = tpu.memref_slice %arg4[%add3A_401] : memref<320000xi32, #tpu.memory_space<hbm>> -> memref<80xi32, #tpu.memory_space<hbm>>
        %dma_start3A_420 = tpu.memref_slice %arg10[%dma_start3A_415] : memref<4x!tpu.dma_semaphore, #tpu.memory_space<semaphore_mem>> -> memref<1x!tpu.dma_semaphore, #tpu.memory_space<semaphore_mem>>
        %dma_start3A_421 = tpu.memref_squeeze %dma_start3A_420 : memref<1x!tpu.dma_semaphore, #tpu.memory_space<semaphore_mem>> -> memref<!tpu.dma_semaphore, #tpu.memory_space<semaphore_mem>>
        %dma_start3A_422 = arith.constant 0 : i32
        %dma_start3A_423 = tpu.memref_slice %arg7[%dma_start3A_414, %dma_start3A_422] : memref<4x80xi32, #tpu.memory_space<vmem>> -> memref<1x80xi32, #tpu.memory_space<vmem>>
        %dma_start3A_424 = tpu.memref_squeeze %dma_start3A_423 : memref<1x80xi32, #tpu.memory_space<vmem>> -> memref<80xi32, #tpu.memory_space<vmem>>
        %dma_start3A_425 = tpu.memref_slice %arg4[%add3A_401] : memref<320000xi32, #tpu.memory_space<hbm>> -> memref<80xi32, #tpu.memory_space<hbm>>
        tpu.enqueue_dma source(%dma_start3A_425 : memref<80xi32, #tpu.memory_space<hbm>>) target(%dma_start3A_424 : memref<80xi32, #tpu.memory_space<vmem>>) target_semaphore(%dma_start3A_421 : memref<!tpu.dma_semaphore, #tpu.memory_space<semaphore_mem>>)
      } else {
      }
      %ge3A_351 = arith.constant 3 : i32
      %ge3A_352 = arith.cmpi sge, %sub3A_340, %ge3A_351 : i32
      %lt3A_353 = arith.constant 125 : i32
      %lt3A_354 = arith.cmpi slt, %sub3A_340, %lt3A_353 : i32
      %and3A_355 = arith.andi %ge3A_352, %lt3A_354 : i1
      %convert_element_type3A_356 = arith.extui %and3A_355 : i1 to i32
      %cond3A_357 = arith.constant 0 : i32
      %cond3A_358 = arith.cmpi ne, %convert_element_type3A_356, %cond3A_357 : i32
      scf.if %cond3A_358 {
        %mul3A_399 = arith.constant 80 : i32
        %mul3A_400 = arith.muli %sub3A_340, %mul3A_399 : i32
        %add3A_401 = arith.addi %mul3A_2, %mul3A_400 : i32
        %dma_wait3A_402 = arith.constant 1 : i32
        %dma_wait3A_403 = arith.constant 1 : i32
        %dma_wait3A_404 = arith.constant 0 : i32
        %dma_wait3A_405 = tpu.memref_slice %arg6[%dma_wait3A_402, %dma_wait3A_404] : memref<4x80xi32, #tpu.memory_space<vmem>> -> memref<1x80xi32, #tpu.memory_space<vmem>>
        %dma_wait3A_406 = tpu.memref_squeeze %dma_wait3A_405 : memref<1x80xi32, #tpu.memory_space<vmem>> -> memref<80xi32, #tpu.memory_space<vmem>>
        %dma_wait3A_407 = tpu.memref_slice %arg3[%add3A_401] : memref<320000xi32, #tpu.memory_space<hbm>> -> memref<80xi32, #tpu.memory_space<hbm>>
        %dma_wait3A_408 = tpu.memref_slice %arg10[%dma_wait3A_403] : memref<4x!tpu.dma_semaphore, #tpu.memory_space<semaphore_mem>> -> memref<1x!tpu.dma_semaphore, #tpu.memory_space<semaphore_mem>>
        %dma_wait3A_409 = tpu.memref_squeeze %dma_wait3A_408 : memref<1x!tpu.dma_semaphore, #tpu.memory_space<semaphore_mem>> -> memref<!tpu.dma_semaphore, #tpu.memory_space<semaphore_mem>>
        %dma_wait3A_410 = arith.constant 0 : i32
        %dma_wait3A_411 = tpu.memref_slice %arg6[%dma_wait3A_402, %dma_wait3A_410] : memref<4x80xi32, #tpu.memory_space<vmem>> -> memref<1x80xi32, #tpu.memory_space<vmem>>
        %dma_wait3A_412 = tpu.memref_squeeze %dma_wait3A_411 : memref<1x80xi32, #tpu.memory_space<vmem>> -> memref<80xi32, #tpu.memory_space<vmem>>
        %dma_wait3A_413 = tpu.memref_slice %arg3[%add3A_401] : memref<320000xi32, #tpu.memory_space<hbm>> -> memref<80xi32, #tpu.memory_space<hbm>>
        tpu.wait_dma2 semaphore(%dma_wait3A_409 : memref<!tpu.dma_semaphore, #tpu.memory_space<semaphore_mem>>) src(%dma_wait3A_413 : memref<80xi32, #tpu.memory_space<hbm>>) dst(%dma_wait3A_412 : memref<80xi32, #tpu.memory_space<vmem>>)
        %dma_wait3A_414 = arith.constant 1 : i32
        %dma_wait3A_415 = arith.constant 1 : i32
        %dma_wait3A_416 = arith.constant 0 : i32
        %dma_wait3A_417 = tpu.memref_slice %arg7[%dma_wait3A_414, %dma_wait3A_416] : memref<4x80xi32, #tpu.memory_space<vmem>> -> memref<1x80xi32, #tpu.memory_space<vmem>>
        %dma_wait3A_418 = tpu.memref_squeeze %dma_wait3A_417 : memref<1x80xi32, #tpu.memory_space<vmem>> -> memref<80xi32, #tpu.memory_space<vmem>>
        %dma_wait3A_419 = tpu.memref_slice %arg4[%add3A_401] : memref<320000xi32, #tpu.memory_space<hbm>> -> memref<80xi32, #tpu.memory_space<hbm>>
        %dma_wait3A_420 = tpu.memref_slice %arg10[%dma_wait3A_415] : memref<4x!tpu.dma_semaphore, #tpu.memory_space<semaphore_mem>> -> memref<1x!tpu.dma_semaphore, #tpu.memory_space<semaphore_mem>>
        %dma_wait3A_421 = tpu.memref_squeeze %dma_wait3A_420 : memref<1x!tpu.dma_semaphore, #tpu.memory_space<semaphore_mem>> -> memref<!tpu.dma_semaphore, #tpu.memory_space<semaphore_mem>>
        %dma_wait3A_422 = arith.constant 0 : i32
        %dma_wait3A_423 = tpu.memref_slice %arg7[%dma_wait3A_414, %dma_wait3A_422] : memref<4x80xi32, #tpu.memory_space<vmem>> -> memref<1x80xi32, #tpu.memory_space<vmem>>
        %dma_wait3A_424 = tpu.memref_squeeze %dma_wait3A_423 : memref<1x80xi32, #tpu.memory_space<vmem>> -> memref<80xi32, #tpu.memory_space<vmem>>
        %dma_wait3A_425 = tpu.memref_slice %arg4[%add3A_401] : memref<320000xi32, #tpu.memory_space<hbm>> -> memref<80xi32, #tpu.memory_space<hbm>>
        tpu.wait_dma2 semaphore(%dma_wait3A_421 : memref<!tpu.dma_semaphore, #tpu.memory_space<semaphore_mem>>) src(%dma_wait3A_425 : memref<80xi32, #tpu.memory_space<hbm>>) dst(%dma_wait3A_424 : memref<80xi32, #tpu.memory_space<vmem>>)
        %dma_start3A_426 = arith.constant 1 : i32
        %dma_start3A_427 = arith.constant 1 : i32
        %dma_start3A_428 = arith.constant 1 : i32
        %dma_start3A_429 = arith.constant 0 : i32
        %dma_start3A_430 = arith.constant 0 : i32
        %dma_start3A_431 = tpu.memref_slice %arg8[%dma_start3A_427, %dma_start3A_429, %dma_start3A_430] : memref<4x80x128xf32, #tpu.memory_space<vmem>> -> memref<1x80x128xf32, #tpu.memory_space<vmem>>
        %dma_start3A_432 = tpu.memref_squeeze %dma_start3A_431 : memref<1x80x128xf32, #tpu.memory_space<vmem>> -> memref<80x128xf32, #tpu.memory_space<vmem>>
        %dma_start3A_433 = arith.constant 0 : i32
        %dma_start3A_434 = tpu.memref_slice %arg6[%dma_start3A_426, %dma_start3A_433] : memref<4x80xi32, #tpu.memory_space<vmem>> -> memref<1x80xi32, #tpu.memory_space<vmem>>
        %dma_start3A_435 = tpu.memref_squeeze %dma_start3A_434 : memref<1x80xi32, #tpu.memory_space<vmem>> -> memref<80xi32, #tpu.memory_space<vmem>>
        %dma_start3A_436 = arith.constant 0 : i32
        %dma_start3A_437 = arith.constant 0 : i32
        %dma_start3A_438 = tpu.memref_slice %arg2[%dma_start3A_436, %dma_start3A_437] : memref<10000x128xf32, #tpu.memory_space<hbm>> -> memref<10000x128xf32, #tpu.memory_space<hbm>>
        %dma_start3A_439 = tpu.memref_slice %arg11[%dma_start3A_428] : memref<4x!tpu.dma_semaphore, #tpu.memory_space<semaphore_mem>> -> memref<1x!tpu.dma_semaphore, #tpu.memory_space<semaphore_mem>>
        %dma_start3A_440 = tpu.memref_squeeze %dma_start3A_439 : memref<1x!tpu.dma_semaphore, #tpu.memory_space<semaphore_mem>> -> memref<!tpu.dma_semaphore, #tpu.memory_space<semaphore_mem>>
        tpu.enqueue_indirect_dma source(%dma_start3A_438 : memref<10000x128xf32, #tpu.memory_space<hbm>>) target(%dma_start3A_432 : memref<80x128xf32, #tpu.memory_space<vmem>>) offsets(%dma_start3A_435 : memref<80xi32, #tpu.memory_space<vmem>>) semaphore(%dma_start3A_440 : memref<!tpu.dma_semaphore, #tpu.memory_space<semaphore_mem>>)
      } else {
      }
      %ge3A_359 = arith.constant 0 : i32
      %ge3A_360 = arith.cmpi sge, %sub3A_342, %ge3A_359 : i32
      %lt3A_361 = arith.constant 125 : i32
      %lt3A_362 = arith.cmpi slt, %sub3A_342, %lt3A_361 : i32
      %and3A_363 = arith.andi %ge3A_360, %lt3A_362 : i1
      %convert_element_type3A_364 = arith.extui %and3A_363 : i1 to i32
      %cond3A_365 = arith.constant 0 : i32
      %cond3A_366 = arith.cmpi ne, %convert_element_type3A_364, %cond3A_365 : i32
      scf.if %cond3A_366 {
        %dma_wait3A_399 = arith.constant 3 : i32
        %dma_wait3A_400 = arith.constant 3 : i32
        %dma_wait3A_401 = arith.constant 3 : i32
        %dma_wait3A_402 = arith.constant 0 : i32
        %dma_wait3A_403 = arith.constant 0 : i32
        %dma_wait3A_404 = tpu.memref_slice %arg8[%dma_wait3A_400, %dma_wait3A_402, %dma_wait3A_403] : memref<4x80x128xf32, #tpu.memory_space<vmem>> -> memref<1x80x128xf32, #tpu.memory_space<vmem>>
        %dma_wait3A_405 = tpu.memref_squeeze %dma_wait3A_404 : memref<1x80x128xf32, #tpu.memory_space<vmem>> -> memref<80x128xf32, #tpu.memory_space<vmem>>
        %dma_wait3A_406 = arith.constant 0 : i32
        %dma_wait3A_407 = tpu.memref_slice %arg6[%dma_wait3A_399, %dma_wait3A_406] : memref<4x80xi32, #tpu.memory_space<vmem>> -> memref<1x80xi32, #tpu.memory_space<vmem>>
        %dma_wait3A_408 = tpu.memref_squeeze %dma_wait3A_407 : memref<1x80xi32, #tpu.memory_space<vmem>> -> memref<80xi32, #tpu.memory_space<vmem>>
        %dma_wait3A_409 = arith.constant 0 : i32
        %dma_wait3A_410 = arith.constant 0 : i32
        %dma_wait3A_411 = tpu.memref_slice %arg2[%dma_wait3A_409, %dma_wait3A_410] : memref<10000x128xf32, #tpu.memory_space<hbm>> -> memref<10000x128xf32, #tpu.memory_space<hbm>>
        %dma_wait3A_412 = tpu.memref_slice %arg11[%dma_wait3A_401] : memref<4x!tpu.dma_semaphore, #tpu.memory_space<semaphore_mem>> -> memref<1x!tpu.dma_semaphore, #tpu.memory_space<semaphore_mem>>
        %dma_wait3A_413 = tpu.memref_squeeze %dma_wait3A_412 : memref<1x!tpu.dma_semaphore, #tpu.memory_space<semaphore_mem>> -> memref<!tpu.dma_semaphore, #tpu.memory_space<semaphore_mem>>
        tpu.wait_indirect_dma semaphore(%dma_wait3A_413 : memref<!tpu.dma_semaphore, #tpu.memory_space<semaphore_mem>>) src(%dma_wait3A_411 : memref<10000x128xf32, #tpu.memory_space<hbm>>) dst(%dma_wait3A_405 : memref<80x128xf32, #tpu.memory_space<vmem>>)
        %run_scoped3A_414 = arith.constant 3 : i32
        %run_scoped3A_415 = arith.constant 3 : i32
        "tpu.region"() ({
          %run_scoped3A_416 = tpu.sem_alloc : memref<!tpu.dma_semaphore, #tpu.memory_space<semaphore_mem>>
          %dma_start3A_417 = arith.constant 0 : i32
          %dma_start3A_418 = arith.constant 0 : i32
          %dma_start3A_419 = tpu.memref_slice %arg8[%run_scoped3A_414, %dma_start3A_417, %dma_start3A_418] : memref<4x80x128xf32, #tpu.memory_space<vmem>> -> memref<1x80x128xf32, #tpu.memory_space<vmem>>
          %dma_start3A_420 = tpu.memref_squeeze %dma_start3A_419 : memref<1x80x128xf32, #tpu.memory_space<vmem>> -> memref<80x128xf32, #tpu.memory_space<vmem>>
          %dma_start3A_421 = arith.constant 0 : i32
          %dma_start3A_422 = tpu.memref_slice %arg7[%run_scoped3A_415, %dma_start3A_421] : memref<4x80xi32, #tpu.memory_space<vmem>> -> memref<1x80xi32, #tpu.memory_space<vmem>>
          %dma_start3A_423 = tpu.memref_squeeze %dma_start3A_422 : memref<1x80xi32, #tpu.memory_space<vmem>> -> memref<80xi32, #tpu.memory_space<vmem>>
          %dma_start3A_424 = arith.constant 0 : i32
          %dma_start3A_425 = arith.constant 0 : i32
          %dma_start3A_426 = tpu.memref_slice %arg9[%dma_start3A_424, %dma_start3A_425] : memref<10000x128xf32, #tpu.memory_space<vmem_shared>> -> memref<10000x128xf32, #tpu.memory_space<vmem_shared>>
          tpu.enqueue_indirect_dma source(%dma_start3A_420 : memref<80x128xf32, #tpu.memory_space<vmem>>) target(%dma_start3A_426 : memref<10000x128xf32, #tpu.memory_space<vmem_shared>>) offsets(%dma_start3A_423 : memref<80xi32, #tpu.memory_space<vmem>>) semaphore(%run_scoped3A_416 : memref<!tpu.dma_semaphore, #tpu.memory_space<semaphore_mem>>) {add = true}
          %dma_wait3A_427 = arith.constant 0 : i32
          %dma_wait3A_428 = arith.constant 0 : i32
          %dma_wait3A_429 = tpu.memref_slice %arg8[%run_scoped3A_414, %dma_wait3A_427, %dma_wait3A_428] : memref<4x80x128xf32, #tpu.memory_space<vmem>> -> memref<1x80x128xf32, #tpu.memory_space<vmem>>
          %dma_wait3A_430 = tpu.memref_squeeze %dma_wait3A_429 : memref<1x80x128xf32, #tpu.memory_space<vmem>> -> memref<80x128xf32, #tpu.memory_space<vmem>>
          %dma_wait3A_431 = arith.constant 0 : i32
          %dma_wait3A_432 = tpu.memref_slice %arg7[%run_scoped3A_415, %dma_wait3A_431] : memref<4x80xi32, #tpu.memory_space<vmem>> -> memref<1x80xi32, #tpu.memory_space<vmem>>
          %dma_wait3A_433 = tpu.memref_squeeze %dma_wait3A_432 : memref<1x80xi32, #tpu.memory_space<vmem>> -> memref<80xi32, #tpu.memory_space<vmem>>
          %dma_wait3A_434 = arith.constant 0 : i32
          %dma_wait3A_435 = arith.constant 0 : i32
          %dma_wait3A_436 = tpu.memref_slice %arg9[%dma_wait3A_434, %dma_wait3A_435] : memref<10000x128xf32, #tpu.memory_space<vmem_shared>> -> memref<10000x128xf32, #tpu.memory_space<vmem_shared>>
          tpu.wait_indirect_dma semaphore(%run_scoped3A_416 : memref<!tpu.dma_semaphore, #tpu.memory_space<semaphore_mem>>) src(%dma_wait3A_430 : memref<80x128xf32, #tpu.memory_space<vmem>>) dst(%dma_wait3A_436 : memref<10000x128xf32, #tpu.memory_space<vmem_shared>>)
          tpu.yield
        }) : () -> ()
      } else {
      }
      %mul3A_367 = arith.constant 4 : i32
      %mul3A_368 = arith.muli %scan3A_274, %mul3A_367 : i32
      %add3A_369 = arith.constant 3 : i32
      %add3A_370 = arith.addi %mul3A_368, %add3A_369 : i32
      %sub3A_371 = arith.constant 1 : i32
      %sub3A_372 = arith.subi %add3A_370, %sub3A_371 : i32
      %sub3A_373 = arith.constant 3 : i32
      %sub3A_374 = arith.subi %add3A_370, %sub3A_373 : i32
      %ge3A_375 = arith.constant 4 : i32
      %ge3A_376 = arith.cmpi sge, %add3A_370, %ge3A_375 : i32
      %lt3A_377 = arith.constant 125 : i32
      %lt3A_378 = arith.cmpi slt, %add3A_370, %lt3A_377 : i32
      %and3A_379 = arith.andi %ge3A_376, %lt3A_378 : i1
      %convert_element_type3A_380 = arith.extui %and3A_379 : i1 to i32
      %cond3A_381 = arith.constant 0 : i32
      %cond3A_382 = arith.cmpi ne, %convert_element_type3A_380, %cond3A_381 : i32
      scf.if %cond3A_382 {
        %mul3A_399 = arith.constant 80 : i32
        %mul3A_400 = arith.muli %add3A_370, %mul3A_399 : i32
        %add3A_401 = arith.addi %mul3A_2, %mul3A_400 : i32
        %dma_start3A_402 = arith.constant 3 : i32
        %dma_start3A_403 = arith.constant 3 : i32
        %dma_start3A_404 = arith.constant 0 : i32
        %dma_start3A_405 = tpu.memref_slice %arg6[%dma_start3A_402, %dma_start3A_404] : memref<4x80xi32, #tpu.memory_space<vmem>> -> memref<1x80xi32, #tpu.memory_space<vmem>>
        %dma_start3A_406 = tpu.memref_squeeze %dma_start3A_405 : memref<1x80xi32, #tpu.memory_space<vmem>> -> memref<80xi32, #tpu.memory_space<vmem>>
        %dma_start3A_407 = tpu.memref_slice %arg3[%add3A_401] : memref<320000xi32, #tpu.memory_space<hbm>> -> memref<80xi32, #tpu.memory_space<hbm>>
        %dma_start3A_408 = tpu.memref_slice %arg10[%dma_start3A_403] : memref<4x!tpu.dma_semaphore, #tpu.memory_space<semaphore_mem>> -> memref<1x!tpu.dma_semaphore, #tpu.memory_space<semaphore_mem>>
        %dma_start3A_409 = tpu.memref_squeeze %dma_start3A_408 : memref<1x!tpu.dma_semaphore, #tpu.memory_space<semaphore_mem>> -> memref<!tpu.dma_semaphore, #tpu.memory_space<semaphore_mem>>
        %dma_start3A_410 = arith.constant 0 : i32
        %dma_start3A_411 = tpu.memref_slice %arg6[%dma_start3A_402, %dma_start3A_410] : memref<4x80xi32, #tpu.memory_space<vmem>> -> memref<1x80xi32, #tpu.memory_space<vmem>>
        %dma_start3A_412 = tpu.memref_squeeze %dma_start3A_411 : memref<1x80xi32, #tpu.memory_space<vmem>> -> memref<80xi32, #tpu.memory_space<vmem>>
        %dma_start3A_413 = tpu.memref_slice %arg3[%add3A_401] : memref<320000xi32, #tpu.memory_space<hbm>> -> memref<80xi32, #tpu.memory_space<hbm>>
        tpu.enqueue_dma source(%dma_start3A_413 : memref<80xi32, #tpu.memory_space<hbm>>) target(%dma_start3A_412 : memref<80xi32, #tpu.memory_space<vmem>>) target_semaphore(%dma_start3A_409 : memref<!tpu.dma_semaphore, #tpu.memory_space<semaphore_mem>>)
        %dma_start3A_414 = arith.constant 3 : i32
        %dma_start3A_415 = arith.constant 3 : i32
        %dma_start3A_416 = arith.constant 0 : i32
        %dma_start3A_417 = tpu.memref_slice %arg7[%dma_start3A_414, %dma_start3A_416] : memref<4x80xi32, #tpu.memory_space<vmem>> -> memref<1x80xi32, #tpu.memory_space<vmem>>
        %dma_start3A_418 = tpu.memref_squeeze %dma_start3A_417 : memref<1x80xi32, #tpu.memory_space<vmem>> -> memref<80xi32, #tpu.memory_space<vmem>>
        %dma_start3A_419 = tpu.memref_slice %arg4[%add3A_401] : memref<320000xi32, #tpu.memory_space<hbm>> -> memref<80xi32, #tpu.memory_space<hbm>>
        %dma_start3A_420 = tpu.memref_slice %arg10[%dma_start3A_415] : memref<4x!tpu.dma_semaphore, #tpu.memory_space<semaphore_mem>> -> memref<1x!tpu.dma_semaphore, #tpu.memory_space<semaphore_mem>>
        %dma_start3A_421 = tpu.memref_squeeze %dma_start3A_420 : memref<1x!tpu.dma_semaphore, #tpu.memory_space<semaphore_mem>> -> memref<!tpu.dma_semaphore, #tpu.memory_space<semaphore_mem>>
        %dma_start3A_422 = arith.constant 0 : i32
        %dma_start3A_423 = tpu.memref_slice %arg7[%dma_start3A_414, %dma_start3A_422] : memref<4x80xi32, #tpu.memory_space<vmem>> -> memref<1x80xi32, #tpu.memory_space<vmem>>
        %dma_start3A_424 = tpu.memref_squeeze %dma_start3A_423 : memref<1x80xi32, #tpu.memory_space<vmem>> -> memref<80xi32, #tpu.memory_space<vmem>>
        %dma_start3A_425 = tpu.memref_slice %arg4[%add3A_401] : memref<320000xi32, #tpu.memory_space<hbm>> -> memref<80xi32, #tpu.memory_space<hbm>>
        tpu.enqueue_dma source(%dma_start3A_425 : memref<80xi32, #tpu.memory_space<hbm>>) target(%dma_start3A_424 : memref<80xi32, #tpu.memory_space<vmem>>) target_semaphore(%dma_start3A_421 : memref<!tpu.dma_semaphore, #tpu.memory_space<semaphore_mem>>)
      } else {
      }
      %ge3A_383 = arith.constant 3 : i32
      %ge3A_384 = arith.cmpi sge, %sub3A_372, %ge3A_383 : i32
      %lt3A_385 = arith.constant 125 : i32
      %lt3A_386 = arith.cmpi slt, %sub3A_372, %lt3A_385 : i32
      %and3A_387 = arith.andi %ge3A_384, %lt3A_386 : i1
      %convert_element_type3A_388 = arith.extui %and3A_387 : i1 to i32
      %cond3A_389 = arith.constant 0 : i32
      %cond3A_390 = arith.cmpi ne, %convert_element_type3A_388, %cond3A_389 : i32
      scf.if %cond3A_390 {
        %mul3A_399 = arith.constant 80 : i32
        %mul3A_400 = arith.muli %sub3A_372, %mul3A_399 : i32
        %add3A_401 = arith.addi %mul3A_2, %mul3A_400 : i32
        %dma_wait3A_402 = arith.constant 2 : i32
        %dma_wait3A_403 = arith.constant 2 : i32
        %dma_wait3A_404 = arith.constant 0 : i32
        %dma_wait3A_405 = tpu.memref_slice %arg6[%dma_wait3A_402, %dma_wait3A_404] : memref<4x80xi32, #tpu.memory_space<vmem>> -> memref<1x80xi32, #tpu.memory_space<vmem>>
        %dma_wait3A_406 = tpu.memref_squeeze %dma_wait3A_405 : memref<1x80xi32, #tpu.memory_space<vmem>> -> memref<80xi32, #tpu.memory_space<vmem>>
        %dma_wait3A_407 = tpu.memref_slice %arg3[%add3A_401] : memref<320000xi32, #tpu.memory_space<hbm>> -> memref<80xi32, #tpu.memory_space<hbm>>
        %dma_wait3A_408 = tpu.memref_slice %arg10[%dma_wait3A_403] : memref<4x!tpu.dma_semaphore, #tpu.memory_space<semaphore_mem>> -> memref<1x!tpu.dma_semaphore, #tpu.memory_space<semaphore_mem>>
        %dma_wait3A_409 = tpu.memref_squeeze %dma_wait3A_408 : memref<1x!tpu.dma_semaphore, #tpu.memory_space<semaphore_mem>> -> memref<!tpu.dma_semaphore, #tpu.memory_space<semaphore_mem>>
        %dma_wait3A_410 = arith.constant 0 : i32
        %dma_wait3A_411 = tpu.memref_slice %arg6[%dma_wait3A_402, %dma_wait3A_410] : memref<4x80xi32, #tpu.memory_space<vmem>> -> memref<1x80xi32, #tpu.memory_space<vmem>>
        %dma_wait3A_412 = tpu.memref_squeeze %dma_wait3A_411 : memref<1x80xi32, #tpu.memory_space<vmem>> -> memref<80xi32, #tpu.memory_space<vmem>>
        %dma_wait3A_413 = tpu.memref_slice %arg3[%add3A_401] : memref<320000xi32, #tpu.memory_space<hbm>> -> memref<80xi32, #tpu.memory_space<hbm>>
        tpu.wait_dma2 semaphore(%dma_wait3A_409 : memref<!tpu.dma_semaphore, #tpu.memory_space<semaphore_mem>>) src(%dma_wait3A_413 : memref<80xi32, #tpu.memory_space<hbm>>) dst(%dma_wait3A_412 : memref<80xi32, #tpu.memory_space<vmem>>)
        %dma_wait3A_414 = arith.constant 2 : i32
        %dma_wait3A_415 = arith.constant 2 : i32
        %dma_wait3A_416 = arith.constant 0 : i32
        %dma_wait3A_417 = tpu.memref_slice %arg7[%dma_wait3A_414, %dma_wait3A_416] : memref<4x80xi32, #tpu.memory_space<vmem>> -> memref<1x80xi32, #tpu.memory_space<vmem>>
        %dma_wait3A_418 = tpu.memref_squeeze %dma_wait3A_417 : memref<1x80xi32, #tpu.memory_space<vmem>> -> memref<80xi32, #tpu.memory_space<vmem>>
        %dma_wait3A_419 = tpu.memref_slice %arg4[%add3A_401] : memref<320000xi32, #tpu.memory_space<hbm>> -> memref<80xi32, #tpu.memory_space<hbm>>
        %dma_wait3A_420 = tpu.memref_slice %arg10[%dma_wait3A_415] : memref<4x!tpu.dma_semaphore, #tpu.memory_space<semaphore_mem>> -> memref<1x!tpu.dma_semaphore, #tpu.memory_space<semaphore_mem>>
        %dma_wait3A_421 = tpu.memref_squeeze %dma_wait3A_420 : memref<1x!tpu.dma_semaphore, #tpu.memory_space<semaphore_mem>> -> memref<!tpu.dma_semaphore, #tpu.memory_space<semaphore_mem>>
        %dma_wait3A_422 = arith.constant 0 : i32
        %dma_wait3A_423 = tpu.memref_slice %arg7[%dma_wait3A_414, %dma_wait3A_422] : memref<4x80xi32, #tpu.memory_space<vmem>> -> memref<1x80xi32, #tpu.memory_space<vmem>>
        %dma_wait3A_424 = tpu.memref_squeeze %dma_wait3A_423 : memref<1x80xi32, #tpu.memory_space<vmem>> -> memref<80xi32, #tpu.memory_space<vmem>>
        %dma_wait3A_425 = tpu.memref_slice %arg4[%add3A_401] : memref<320000xi32, #tpu.memory_space<hbm>> -> memref<80xi32, #tpu.memory_space<hbm>>
        tpu.wait_dma2 semaphore(%dma_wait3A_421 : memref<!tpu.dma_semaphore, #tpu.memory_space<semaphore_mem>>) src(%dma_wait3A_425 : memref<80xi32, #tpu.memory_space<hbm>>) dst(%dma_wait3A_424 : memref<80xi32, #tpu.memory_space<vmem>>)
        %dma_start3A_426 = arith.constant 2 : i32
        %dma_start3A_427 = arith.constant 2 : i32
        %dma_start3A_428 = arith.constant 2 : i32
        %dma_start3A_429 = arith.constant 0 : i32
        %dma_start3A_430 = arith.constant 0 : i32
        %dma_start3A_431 = tpu.memref_slice %arg8[%dma_start3A_427, %dma_start3A_429, %dma_start3A_430] : memref<4x80x128xf32, #tpu.memory_space<vmem>> -> memref<1x80x128xf32, #tpu.memory_space<vmem>>
        %dma_start3A_432 = tpu.memref_squeeze %dma_start3A_431 : memref<1x80x128xf32, #tpu.memory_space<vmem>> -> memref<80x128xf32, #tpu.memory_space<vmem>>
        %dma_start3A_433 = arith.constant 0 : i32
        %dma_start3A_434 = tpu.memref_slice %arg6[%dma_start3A_426, %dma_start3A_433] : memref<4x80xi32, #tpu.memory_space<vmem>> -> memref<1x80xi32, #tpu.memory_space<vmem>>
        %dma_start3A_435 = tpu.memref_squeeze %dma_start3A_434 : memref<1x80xi32, #tpu.memory_space<vmem>> -> memref<80xi32, #tpu.memory_space<vmem>>
        %dma_start3A_436 = arith.constant 0 : i32
        %dma_start3A_437 = arith.constant 0 : i32
        %dma_start3A_438 = tpu.memref_slice %arg2[%dma_start3A_436, %dma_start3A_437] : memref<10000x128xf32, #tpu.memory_space<hbm>> -> memref<10000x128xf32, #tpu.memory_space<hbm>>
        %dma_start3A_439 = tpu.memref_slice %arg11[%dma_start3A_428] : memref<4x!tpu.dma_semaphore, #tpu.memory_space<semaphore_mem>> -> memref<1x!tpu.dma_semaphore, #tpu.memory_space<semaphore_mem>>
        %dma_start3A_440 = tpu.memref_squeeze %dma_start3A_439 : memref<1x!tpu.dma_semaphore, #tpu.memory_space<semaphore_mem>> -> memref<!tpu.dma_semaphore, #tpu.memory_space<semaphore_mem>>
        tpu.enqueue_indirect_dma source(%dma_start3A_438 : memref<10000x128xf32, #tpu.memory_space<hbm>>) target(%dma_start3A_432 : memref<80x128xf32, #tpu.memory_space<vmem>>) offsets(%dma_start3A_435 : memref<80xi32, #tpu.memory_space<vmem>>) semaphore(%dma_start3A_440 : memref<!tpu.dma_semaphore, #tpu.memory_space<semaphore_mem>>)
      } else {
      }
      %ge3A_391 = arith.constant 0 : i32
      %ge3A_392 = arith.cmpi sge, %sub3A_374, %ge3A_391 : i32
      %lt3A_393 = arith.constant 125 : i32
      %lt3A_394 = arith.cmpi slt, %sub3A_374, %lt3A_393 : i32
      %and3A_395 = arith.andi %ge3A_392, %lt3A_394 : i1
      %convert_element_type3A_396 = arith.extui %and3A_395 : i1 to i32
      %cond3A_397 = arith.constant 0 : i32
      %cond3A_398 = arith.cmpi ne, %convert_element_type3A_396, %cond3A_397 : i32
      scf.if %cond3A_398 {
        %dma_wait3A_399 = arith.constant 0 : i32
        %dma_wait3A_400 = arith.constant 0 : i32
        %dma_wait3A_401 = arith.constant 0 : i32
        %dma_wait3A_402 = arith.constant 0 : i32
        %dma_wait3A_403 = arith.constant 0 : i32
        %dma_wait3A_404 = tpu.memref_slice %arg8[%dma_wait3A_400, %dma_wait3A_402, %dma_wait3A_403] : memref<4x80x128xf32, #tpu.memory_space<vmem>> -> memref<1x80x128xf32, #tpu.memory_space<vmem>>
        %dma_wait3A_405 = tpu.memref_squeeze %dma_wait3A_404 : memref<1x80x128xf32, #tpu.memory_space<vmem>> -> memref<80x128xf32, #tpu.memory_space<vmem>>
        %dma_wait3A_406 = arith.constant 0 : i32
        %dma_wait3A_407 = tpu.memref_slice %arg6[%dma_wait3A_399, %dma_wait3A_406] : memref<4x80xi32, #tpu.memory_space<vmem>> -> memref<1x80xi32, #tpu.memory_space<vmem>>
        %dma_wait3A_408 = tpu.memref_squeeze %dma_wait3A_407 : memref<1x80xi32, #tpu.memory_space<vmem>> -> memref<80xi32, #tpu.memory_space<vmem>>
        %dma_wait3A_409 = arith.constant 0 : i32
        %dma_wait3A_410 = arith.constant 0 : i32
        %dma_wait3A_411 = tpu.memref_slice %arg2[%dma_wait3A_409, %dma_wait3A_410] : memref<10000x128xf32, #tpu.memory_space<hbm>> -> memref<10000x128xf32, #tpu.memory_space<hbm>>
        %dma_wait3A_412 = tpu.memref_slice %arg11[%dma_wait3A_401] : memref<4x!tpu.dma_semaphore, #tpu.memory_space<semaphore_mem>> -> memref<1x!tpu.dma_semaphore, #tpu.memory_space<semaphore_mem>>
        %dma_wait3A_413 = tpu.memref_squeeze %dma_wait3A_412 : memref<1x!tpu.dma_semaphore, #tpu.memory_space<semaphore_mem>> -> memref<!tpu.dma_semaphore, #tpu.memory_space<semaphore_mem>>
        tpu.wait_indirect_dma semaphore(%dma_wait3A_413 : memref<!tpu.dma_semaphore, #tpu.memory_space<semaphore_mem>>) src(%dma_wait3A_411 : memref<10000x128xf32, #tpu.memory_space<hbm>>) dst(%dma_wait3A_405 : memref<80x128xf32, #tpu.memory_space<vmem>>)
        %run_scoped3A_414 = arith.constant 0 : i32
        %run_scoped3A_415 = arith.constant 0 : i32
        "tpu.region"() ({
          %run_scoped3A_416 = tpu.sem_alloc : memref<!tpu.dma_semaphore, #tpu.memory_space<semaphore_mem>>
          %dma_start3A_417 = arith.constant 0 : i32
          %dma_start3A_418 = arith.constant 0 : i32
          %dma_start3A_419 = tpu.memref_slice %arg8[%run_scoped3A_414, %dma_start3A_417, %dma_start3A_418] : memref<4x80x128xf32, #tpu.memory_space<vmem>> -> memref<1x80x128xf32, #tpu.memory_space<vmem>>
          %dma_start3A_420 = tpu.memref_squeeze %dma_start3A_419 : memref<1x80x128xf32, #tpu.memory_space<vmem>> -> memref<80x128xf32, #tpu.memory_space<vmem>>
          %dma_start3A_421 = arith.constant 0 : i32
          %dma_start3A_422 = tpu.memref_slice %arg7[%run_scoped3A_415, %dma_start3A_421] : memref<4x80xi32, #tpu.memory_space<vmem>> -> memref<1x80xi32, #tpu.memory_space<vmem>>
          %dma_start3A_423 = tpu.memref_squeeze %dma_start3A_422 : memref<1x80xi32, #tpu.memory_space<vmem>> -> memref<80xi32, #tpu.memory_space<vmem>>
          %dma_start3A_424 = arith.constant 0 : i32
          %dma_start3A_425 = arith.constant 0 : i32
          %dma_start3A_426 = tpu.memref_slice %arg9[%dma_start3A_424, %dma_start3A_425] : memref<10000x128xf32, #tpu.memory_space<vmem_shared>> -> memref<10000x128xf32, #tpu.memory_space<vmem_shared>>
          tpu.enqueue_indirect_dma source(%dma_start3A_420 : memref<80x128xf32, #tpu.memory_space<vmem>>) target(%dma_start3A_426 : memref<10000x128xf32, #tpu.memory_space<vmem_shared>>) offsets(%dma_start3A_423 : memref<80xi32, #tpu.memory_space<vmem>>) semaphore(%run_scoped3A_416 : memref<!tpu.dma_semaphore, #tpu.memory_space<semaphore_mem>>) {add = true}
          %dma_wait3A_427 = arith.constant 0 : i32
          %dma_wait3A_428 = arith.constant 0 : i32
          %dma_wait3A_429 = tpu.memref_slice %arg8[%run_scoped3A_414, %dma_wait3A_427, %dma_wait3A_428] : memref<4x80x128xf32, #tpu.memory_space<vmem>> -> memref<1x80x128xf32, #tpu.memory_space<vmem>>
          %dma_wait3A_430 = tpu.memref_squeeze %dma_wait3A_429 : memref<1x80x128xf32, #tpu.memory_space<vmem>> -> memref<80x128xf32, #tpu.memory_space<vmem>>
          %dma_wait3A_431 = arith.constant 0 : i32
          %dma_wait3A_432 = tpu.memref_slice %arg7[%run_scoped3A_415, %dma_wait3A_431] : memref<4x80xi32, #tpu.memory_space<vmem>> -> memref<1x80xi32, #tpu.memory_space<vmem>>
          %dma_wait3A_433 = tpu.memref_squeeze %dma_wait3A_432 : memref<1x80xi32, #tpu.memory_space<vmem>> -> memref<80xi32, #tpu.memory_space<vmem>>
          %dma_wait3A_434 = arith.constant 0 : i32
          %dma_wait3A_435 = arith.constant 0 : i32
          %dma_wait3A_436 = tpu.memref_slice %arg9[%dma_wait3A_434, %dma_wait3A_435] : memref<10000x128xf32, #tpu.memory_space<vmem_shared>> -> memref<10000x128xf32, #tpu.memory_space<vmem_shared>>
          tpu.wait_indirect_dma semaphore(%run_scoped3A_416 : memref<!tpu.dma_semaphore, #tpu.memory_space<semaphore_mem>>) src(%dma_wait3A_430 : memref<80x128xf32, #tpu.memory_space<vmem>>) dst(%dma_wait3A_436 : memref<10000x128xf32, #tpu.memory_space<vmem_shared>>)
          tpu.yield
        }) : () -> ()
      } else {
      }
    }
    %scan3A_267 = arith.constant 33 : i32
    %barrier3A_268 = arith.constant 0 : index
    tpu.barrier barrier_id(%barrier3A_268)
    "tpu.region"() ({
      %run_scoped3A_274 = tpu.sem_alloc : memref<!tpu.dma_semaphore, #tpu.memory_space<semaphore_mem>>
      %dma_start3A_275 = arith.constant 0 : i32
      %dma_start3A_276 = tpu.memref_slice %arg5[%arg0, %mul3A_235, %dma_start3A_275] : memref<2x10000x128xf32, #tpu.memory_space<hbm>> -> memref<1x624x128xf32, #tpu.memory_space<hbm>>
      %dma_start3A_277 = tpu.memref_squeeze %dma_start3A_276 : memref<1x624x128xf32, #tpu.memory_space<hbm>> -> memref<624x128xf32, #tpu.memory_space<hbm>>
      %dma_start3A_278 = arith.constant 0 : i32
      %dma_start3A_279 = tpu.memref_slice %arg9[%mul3A_235, %dma_start3A_278] : memref<10000x128xf32, #tpu.memory_space<vmem_shared>> -> memref<624x128xf32, #tpu.memory_space<vmem_shared>>
      tpu.enqueue_dma source(%dma_start3A_279 : memref<624x128xf32, #tpu.memory_space<vmem_shared>>) target(%dma_start3A_277 : memref<624x128xf32, #tpu.memory_space<hbm>>) target_semaphore(%run_scoped3A_274 : memref<!tpu.dma_semaphore, #tpu.memory_space<semaphore_mem>>)
      %dma_wait3A_280 = arith.constant 0 : i32
      %dma_wait3A_281 = tpu.memref_slice %arg5[%arg0, %mul3A_235, %dma_wait3A_280] : memref<2x10000x128xf32, #tpu.memory_space<hbm>> -> memref<1x624x128xf32, #tpu.memory_space<hbm>>
      %dma_wait3A_282 = tpu.memref_squeeze %dma_wait3A_281 : memref<1x624x128xf32, #tpu.memory_space<hbm>> -> memref<624x128xf32, #tpu.memory_space<hbm>>
      %dma_wait3A_283 = arith.constant 0 : i32
      %dma_wait3A_284 = tpu.memref_slice %arg9[%mul3A_235, %dma_wait3A_283] : memref<10000x128xf32, #tpu.memory_space<vmem_shared>> -> memref<624x128xf32, #tpu.memory_space<vmem_shared>>
      tpu.wait_dma2 semaphore(%run_scoped3A_274 : memref<!tpu.dma_semaphore, #tpu.memory_space<semaphore_mem>>) src(%dma_wait3A_284 : memref<624x128xf32, #tpu.memory_space<vmem_shared>>) dst(%dma_wait3A_282 : memref<624x128xf32, #tpu.memory_space<hbm>>)
      tpu.yield
    }) : () -> ()
    %eq3A_269 = arith.constant 0 : i32
    %eq3A_270 = arith.cmpi eq, %arg1, %eq3A_269 : i32
    %convert_element_type3A_271 = arith.extui %eq3A_270 : i1 to i32
    %cond3A_272 = arith.constant 0 : i32
    %cond3A_273 = arith.cmpi ne, %convert_element_type3A_271, %cond3A_272 : i32
    scf.if %cond3A_273 {
      "tpu.region"() ({
        %run_scoped3A_274 = tpu.sem_alloc : memref<!tpu.dma_semaphore, #tpu.memory_space<semaphore_mem>>
        %dma_start3A_275 = arith.constant 9984 : i32
        %dma_start3A_276 = arith.constant 0 : i32
        %dma_start3A_277 = tpu.memref_slice %arg5[%arg0, %dma_start3A_275, %dma_start3A_276] : memref<2x10000x128xf32, #tpu.memory_space<hbm>> -> memref<1x16x128xf32, #tpu.memory_space<hbm>>
        %dma_start3A_278 = tpu.memref_squeeze %dma_start3A_277 : memref<1x16x128xf32, #tpu.memory_space<hbm>> -> memref<16x128xf32, #tpu.memory_space<hbm>>
        %dma_start3A_279 = arith.constant 9984 : i32
        %dma_start3A_280 = arith.constant 0 : i32
        %dma_start3A_281 = tpu.memref_slice %arg9[%dma_start3A_279, %dma_start3A_280] : memref<10000x128xf32, #tpu.memory_space<vmem_shared>> -> memref<16x128xf32, #tpu.memory_space<vmem_shared>>
        tpu.enqueue_dma source(%dma_start3A_281 : memref<16x128xf32, #tpu.memory_space<vmem_shared>>) target(%dma_start3A_278 : memref<16x128xf32, #tpu.memory_space<hbm>>) target_semaphore(%run_scoped3A_274 : memref<!tpu.dma_semaphore, #tpu.memory_space<semaphore_mem>>)
        %dma_wait3A_282 = arith.constant 9984 : i32
        %dma_wait3A_283 = arith.constant 0 : i32
        %dma_wait3A_284 = tpu.memref_slice %arg5[%arg0, %dma_wait3A_282, %dma_wait3A_283] : memref<2x10000x128xf32, #tpu.memory_space<hbm>> -> memref<1x16x128xf32, #tpu.memory_space<hbm>>
        %dma_wait3A_285 = tpu.memref_squeeze %dma_wait3A_284 : memref<1x16x128xf32, #tpu.memory_space<hbm>> -> memref<16x128xf32, #tpu.memory_space<hbm>>
        %dma_wait3A_286 = arith.constant 9984 : i32
        %dma_wait3A_287 = arith.constant 0 : i32
        %dma_wait3A_288 = tpu.memref_slice %arg9[%dma_wait3A_286, %dma_wait3A_287] : memref<10000x128xf32, #tpu.memory_space<vmem_shared>> -> memref<16x128xf32, #tpu.memory_space<vmem_shared>>
        tpu.wait_dma2 semaphore(%run_scoped3A_274 : memref<!tpu.dma_semaphore, #tpu.memory_space<semaphore_mem>>) src(%dma_wait3A_288 : memref<16x128xf32, #tpu.memory_space<vmem_shared>>) dst(%dma_wait3A_285 : memref<16x128xf32, #tpu.memory_space<hbm>>)
        tpu.yield
      }) : () -> ()
    } else {
    }
    return
  }
}

module attributes {stable_mosaic.version = 14 : i64} {
  func.func @kfn(%arg0: memref<10000x128xf32, #tpu.memory_space<vmem>>, %arg1: memref<2x10000x128xf32, #tpu.memory_space<vmem>>, %arg2: memref<1xf32, #tpu.memory_space<smem>>, %arg3: memref<128x128xf32, #tpu.memory_space<vmem>>, %arg4: memref<1x128xf32, #tpu.memory_space<vmem>>, %arg5: memref<1x128xf32, #tpu.memory_space<vmem>>, %arg6: memref<1x128xf32, #tpu.memory_space<vmem>>, %arg7: memref<128x128xf32, #tpu.memory_space<vmem>>, %arg8: memref<1x128xf32, #tpu.memory_space<vmem>>, %arg9: memref<10000x128xf32, #tpu.memory_space<vmem>>) attributes {dimension_semantics = [], scalar_prefetch = 0 : i64, scratch_operands = 0 : i64, tpu.core_type = #tpu.core_type<tc>} {
    %get3A = arith.constant 0 : index
    %get3A_0 = memref.load %arg2[%get3A] : memref<1xf32, #tpu.memory_space<smem>>
    %add3A = arith.constant 1.000000e+00 : f32
    %add3A_1 = arith.addf %add3A, %get3A_0 : f32
    %get3A_2 = arith.constant 0 : index
    %get3A_3 = arith.constant 0 : index
    %get3A_4 = vector.load %arg0[%get3A_2, %get3A_3] : memref<10000x128xf32, #tpu.memory_space<vmem>>, vector<10000x128xf32>
    %mul3A = vector.broadcast %add3A_1 : f32 to vector<10000x128xf32>
    %mul3A_5 = arith.mulf %mul3A, %get3A_4 : vector<10000x128xf32>
    %get3A_6 = arith.constant 0 : index
    %get3A_7 = arith.constant 0 : index
    %get3A_8 = arith.constant 0 : index
    %get3A_9 = vector.load %arg1[%get3A_6, %get3A_7, %get3A_8] : memref<2x10000x128xf32, #tpu.memory_space<vmem>>, vector<1x10000x128xf32>
    %get3A_10 = vector.shape_cast %get3A_9 : vector<1x10000x128xf32> to vector<10000x128xf32>
    %add3A_11 = arith.addf %mul3A_5, %get3A_10 : vector<10000x128xf32>
    %get3A_12 = arith.constant 1 : index
    %get3A_13 = arith.constant 0 : index
    %get3A_14 = arith.constant 0 : index
    %get3A_15 = vector.load %arg1[%get3A_12, %get3A_13, %get3A_14] : memref<2x10000x128xf32, #tpu.memory_space<vmem>>, vector<1x10000x128xf32>
    %get3A_16 = vector.shape_cast %get3A_15 : vector<1x10000x128xf32> to vector<10000x128xf32>
    %add3A_17 = arith.addf %add3A_11, %get3A_16 : vector<10000x128xf32>
    %get3A_18 = arith.constant 0 : index
    %get3A_19 = arith.constant 0 : index
    %get3A_20 = vector.load %arg3[%get3A_18, %get3A_19] : memref<128x128xf32, #tpu.memory_space<vmem>>, vector<128x128xf32>
    %dot_general3A = arith.constant dense<0.000000e+00> : vector<10000x128xf32>
    %dot_general3A_21 = tpu.matmul %add3A_17, %get3A_20, %dot_general3A {dimension_numbers = #tpu.dot_dimension_numbers<[1], [0], [0], [1], [0, 0, 1, 1], [], []>, transpose_lhs_hint = false} : vector<10000x128xf32>, vector<128x128xf32>, vector<10000x128xf32> -> vector<10000x128xf32>
    %get3A_22 = arith.constant 0 : index
    %get3A_23 = arith.constant 0 : index
    %get3A_24 = vector.load %arg4[%get3A_22, %get3A_23] : memref<1x128xf32, #tpu.memory_space<vmem>>, vector<1x128xf32>
    %add3A_25 = vector.broadcast %get3A_24 : vector<1x128xf32> to vector<10000x128xf32>
    %add3A_26 = arith.addf %dot_general3A_21, %add3A_25 : vector<10000x128xf32>
    %reduce_sum3A = arith.constant dense<0.000000e+00> : vector<128xf32>
    %reduce_sum3A_27 = vector.multi_reduction <add>, %add3A_26, %reduce_sum3A [0] : vector<10000x128xf32> to vector<128xf32>
    %broadcast_in_dim3A = vector.shape_cast %reduce_sum3A_27 : vector<128xf32> to vector<1x128xf32>
    %div3A = arith.constant 1.000000e+04 : f32
    %div3A_28 = vector.broadcast %div3A : f32 to vector<1x128xf32>
    %div3A_29 = arith.divf %broadcast_in_dim3A, %div3A_28 : vector<1x128xf32>
    %sub3A = vector.broadcast %div3A_29 : vector<1x128xf32> to vector<10000x128xf32>
    %sub3A_30 = arith.subf %add3A_26, %sub3A : vector<10000x128xf32>
    %integer_pow3A = arith.mulf %sub3A_30, %sub3A_30 : vector<10000x128xf32>
    %reduce_sum3A_31 = arith.constant dense<0.000000e+00> : vector<128xf32>
    %reduce_sum3A_32 = vector.multi_reduction <add>, %integer_pow3A, %reduce_sum3A_31 [0] : vector<10000x128xf32> to vector<128xf32>
    %broadcast_in_dim3A_33 = vector.shape_cast %reduce_sum3A_32 : vector<128xf32> to vector<1x128xf32>
    %div3A_34 = arith.constant 1.000000e+04 : f32
    %div3A_35 = vector.broadcast %div3A_34 : f32 to vector<1x128xf32>
    %div3A_36 = arith.divf %broadcast_in_dim3A_33, %div3A_35 : vector<1x128xf32>
    %sub3A_37 = vector.broadcast %div3A_29 : vector<1x128xf32> to vector<10000x128xf32>
    %sub3A_38 = arith.subf %add3A_26, %sub3A_37 : vector<10000x128xf32>
    %add3A_39 = arith.constant 9.99999974E-6 : f32
    %add3A_40 = vector.broadcast %add3A_39 : f32 to vector<1x128xf32>
    %add3A_41 = arith.addf %div3A_36, %add3A_40 : vector<1x128xf32>
    %rsqrt3A = math.rsqrt %add3A_41 : vector<1x128xf32>
    %mul3A_42 = vector.broadcast %rsqrt3A : vector<1x128xf32> to vector<10000x128xf32>
    %mul3A_43 = arith.mulf %sub3A_38, %mul3A_42 : vector<10000x128xf32>
    %get3A_44 = arith.constant 0 : index
    %get3A_45 = arith.constant 0 : index
    %get3A_46 = vector.load %arg5[%get3A_44, %get3A_45] : memref<1x128xf32, #tpu.memory_space<vmem>>, vector<1x128xf32>
    %mul3A_47 = vector.broadcast %get3A_46 : vector<1x128xf32> to vector<10000x128xf32>
    %mul3A_48 = arith.mulf %mul3A_43, %mul3A_47 : vector<10000x128xf32>
    %get3A_49 = arith.constant 0 : index
    %get3A_50 = arith.constant 0 : index
    %get3A_51 = vector.load %arg6[%get3A_49, %get3A_50] : memref<1x128xf32, #tpu.memory_space<vmem>>, vector<1x128xf32>
    %add3A_52 = vector.broadcast %get3A_51 : vector<1x128xf32> to vector<10000x128xf32>
    %add3A_53 = arith.addf %mul3A_48, %add3A_52 : vector<10000x128xf32>
    %max3A = arith.constant 0.000000e+00 : f32
    %max3A_54 = vector.broadcast %max3A : f32 to vector<10000x128xf32>
    %max3A_55 = arith.maximumf %add3A_53, %max3A_54 : vector<10000x128xf32>
    %get3A_56 = arith.constant 0 : index
    %get3A_57 = arith.constant 0 : index
    %get3A_58 = vector.load %arg7[%get3A_56, %get3A_57] : memref<128x128xf32, #tpu.memory_space<vmem>>, vector<128x128xf32>
    %dot_general3A_59 = arith.constant dense<0.000000e+00> : vector<10000x128xf32>
    %dot_general3A_60 = tpu.matmul %max3A_55, %get3A_58, %dot_general3A_59 {dimension_numbers = #tpu.dot_dimension_numbers<[1], [0], [0], [1], [0, 0, 1, 1], [], []>, transpose_lhs_hint = false} : vector<10000x128xf32>, vector<128x128xf32>, vector<10000x128xf32> -> vector<10000x128xf32>
    %get3A_61 = arith.constant 0 : index
    %get3A_62 = arith.constant 0 : index
    %get3A_63 = vector.load %arg8[%get3A_61, %get3A_62] : memref<1x128xf32, #tpu.memory_space<vmem>>, vector<1x128xf32>
    %add3A_64 = vector.broadcast %get3A_63 : vector<1x128xf32> to vector<10000x128xf32>
    %add3A_65 = arith.addf %dot_general3A_60, %add3A_64 : vector<10000x128xf32>
    %max3A_66 = arith.constant 0.000000e+00 : f32
    %max3A_67 = vector.broadcast %max3A_66 : f32 to vector<10000x128xf32>
    %max3A_68 = arith.maximumf %add3A_65, %max3A_67 : vector<10000x128xf32>
    %swap3A = arith.constant 0 : index
    %swap3A_69 = arith.constant 0 : index
    %swap3A_70 = vector.load %arg9[%swap3A, %swap3A_69] : memref<10000x128xf32, #tpu.memory_space<vmem>>, vector<10000x128xf32>
    tpu.vector_store %arg9[%swap3A, %swap3A_69], %max3A_68 {strides = array<i32>} : memref<10000x128xf32, #tpu.memory_space<vmem>>, vector<10000x128xf32>,
    return
  }
}

module attributes {stable_mosaic.version = 14 : i64} {
  func.func @kfn(%arg0: memref<10000x128xf32, #tpu.memory_space<vmem>>, %arg1: memref<2x10000x128xf32, #tpu.memory_space<vmem>>, %arg2: memref<1xf32, #tpu.memory_space<smem>>, %arg3: memref<128x128xf32, #tpu.memory_space<vmem>>, %arg4: memref<1x128xf32, #tpu.memory_space<vmem>>, %arg5: memref<1x128xf32, #tpu.memory_space<vmem>>, %arg6: memref<1x128xf32, #tpu.memory_space<vmem>>, %arg7: memref<128x128xf32, #tpu.memory_space<vmem>>, %arg8: memref<1x128xf32, #tpu.memory_space<vmem>>, %arg9: memref<128x128xf32, #tpu.memory_space<vmem>>, %arg10: memref<1x128xf32, #tpu.memory_space<vmem>>, %arg11: memref<128x128xf32, #tpu.memory_space<vmem>>, %arg12: memref<1x128xf32, #tpu.memory_space<vmem>>, %arg13: memref<10000x128xf32, #tpu.memory_space<vmem>>) attributes {dimension_semantics = [], scalar_prefetch = 0 : i64, scratch_operands = 0 : i64, tpu.core_type = #tpu.core_type<tc>} {
    %get3A = arith.constant 0 : index
    %get3A_0 = memref.load %arg2[%get3A] : memref<1xf32, #tpu.memory_space<smem>>
    %add3A = arith.constant 1.000000e+00 : f32
    %add3A_1 = arith.addf %add3A, %get3A_0 : f32
    %get3A_2 = arith.constant 0 : index
    %get3A_3 = arith.constant 0 : index
    %get3A_4 = vector.load %arg0[%get3A_2, %get3A_3] : memref<10000x128xf32, #tpu.memory_space<vmem>>, vector<10000x128xf32>
    %mul3A = vector.broadcast %add3A_1 : f32 to vector<10000x128xf32>
    %mul3A_5 = arith.mulf %mul3A, %get3A_4 : vector<10000x128xf32>
    %get3A_6 = arith.constant 0 : index
    %get3A_7 = arith.constant 0 : index
    %get3A_8 = arith.constant 0 : index
    %get3A_9 = vector.load %arg1[%get3A_6, %get3A_7, %get3A_8] : memref<2x10000x128xf32, #tpu.memory_space<vmem>>, vector<1x10000x128xf32>
    %get3A_10 = vector.shape_cast %get3A_9 : vector<1x10000x128xf32> to vector<10000x128xf32>
    %add3A_11 = arith.addf %mul3A_5, %get3A_10 : vector<10000x128xf32>
    %get3A_12 = arith.constant 1 : index
    %get3A_13 = arith.constant 0 : index
    %get3A_14 = arith.constant 0 : index
    %get3A_15 = vector.load %arg1[%get3A_12, %get3A_13, %get3A_14] : memref<2x10000x128xf32, #tpu.memory_space<vmem>>, vector<1x10000x128xf32>
    %get3A_16 = vector.shape_cast %get3A_15 : vector<1x10000x128xf32> to vector<10000x128xf32>
    %add3A_17 = arith.addf %add3A_11, %get3A_16 : vector<10000x128xf32>
    %get3A_18 = arith.constant 0 : index
    %get3A_19 = arith.constant 0 : index
    %get3A_20 = vector.load %arg3[%get3A_18, %get3A_19] : memref<128x128xf32, #tpu.memory_space<vmem>>, vector<128x128xf32>
    %dot_general3A = arith.constant dense<0.000000e+00> : vector<10000x128xf32>
    %dot_general3A_21 = tpu.matmul %add3A_17, %get3A_20, %dot_general3A {dimension_numbers = #tpu.dot_dimension_numbers<[1], [0], [0], [1], [0, 0, 1, 1], [], []>, transpose_lhs_hint = false} : vector<10000x128xf32>, vector<128x128xf32>, vector<10000x128xf32> -> vector<10000x128xf32>
    %get3A_22 = arith.constant 0 : index
    %get3A_23 = arith.constant 0 : index
    %get3A_24 = vector.load %arg4[%get3A_22, %get3A_23] : memref<1x128xf32, #tpu.memory_space<vmem>>, vector<1x128xf32>
    %add3A_25 = vector.broadcast %get3A_24 : vector<1x128xf32> to vector<10000x128xf32>
    %add3A_26 = arith.addf %dot_general3A_21, %add3A_25 : vector<10000x128xf32>
    %reduce_sum3A = arith.constant dense<0.000000e+00> : vector<128xf32>
    %reduce_sum3A_27 = vector.multi_reduction <add>, %add3A_26, %reduce_sum3A [0] : vector<10000x128xf32> to vector<128xf32>
    %broadcast_in_dim3A = vector.shape_cast %reduce_sum3A_27 : vector<128xf32> to vector<1x128xf32>
    %div3A = arith.constant 1.000000e+04 : f32
    %div3A_28 = vector.broadcast %div3A : f32 to vector<1x128xf32>
    %div3A_29 = arith.divf %broadcast_in_dim3A, %div3A_28 : vector<1x128xf32>
    %sub3A = vector.broadcast %div3A_29 : vector<1x128xf32> to vector<10000x128xf32>
    %sub3A_30 = arith.subf %add3A_26, %sub3A : vector<10000x128xf32>
    %integer_pow3A = arith.mulf %sub3A_30, %sub3A_30 : vector<10000x128xf32>
    %reduce_sum3A_31 = arith.constant dense<0.000000e+00> : vector<128xf32>
    %reduce_sum3A_32 = vector.multi_reduction <add>, %integer_pow3A, %reduce_sum3A_31 [0] : vector<10000x128xf32> to vector<128xf32>
    %broadcast_in_dim3A_33 = vector.shape_cast %reduce_sum3A_32 : vector<128xf32> to vector<1x128xf32>
    %div3A_34 = arith.constant 1.000000e+04 : f32
    %div3A_35 = vector.broadcast %div3A_34 : f32 to vector<1x128xf32>
    %div3A_36 = arith.divf %broadcast_in_dim3A_33, %div3A_35 : vector<1x128xf32>
    %sub3A_37 = vector.broadcast %div3A_29 : vector<1x128xf32> to vector<10000x128xf32>
    %sub3A_38 = arith.subf %add3A_26, %sub3A_37 : vector<10000x128xf32>
    %add3A_39 = arith.constant 9.99999974E-6 : f32
    %add3A_40 = vector.broadcast %add3A_39 : f32 to vector<1x128xf32>
    %add3A_41 = arith.addf %div3A_36, %add3A_40 : vector<1x128xf32>
    %rsqrt3A = math.rsqrt %add3A_41 : vector<1x128xf32>
    %mul3A_42 = vector.broadcast %rsqrt3A : vector<1x128xf32> to vector<10000x128xf32>
    %mul3A_43 = arith.mulf %sub3A_38, %mul3A_42 : vector<10000x128xf32>
    %get3A_44 = arith.constant 0 : index
    %get3A_45 = arith.constant 0 : index
    %get3A_46 = vector.load %arg5[%get3A_44, %get3A_45] : memref<1x128xf32, #tpu.memory_space<vmem>>, vector<1x128xf32>
    %mul3A_47 = vector.broadcast %get3A_46 : vector<1x128xf32> to vector<10000x128xf32>
    %mul3A_48 = arith.mulf %mul3A_43, %mul3A_47 : vector<10000x128xf32>
    %get3A_49 = arith.constant 0 : index
    %get3A_50 = arith.constant 0 : index
    %get3A_51 = vector.load %arg6[%get3A_49, %get3A_50] : memref<1x128xf32, #tpu.memory_space<vmem>>, vector<1x128xf32>
    %add3A_52 = vector.broadcast %get3A_51 : vector<1x128xf32> to vector<10000x128xf32>
    %add3A_53 = arith.addf %mul3A_48, %add3A_52 : vector<10000x128xf32>
    %max3A = arith.constant 0.000000e+00 : f32
    %max3A_54 = vector.broadcast %max3A : f32 to vector<10000x128xf32>
    %max3A_55 = arith.maximumf %add3A_53, %max3A_54 : vector<10000x128xf32>
    %get3A_56 = arith.constant 0 : index
    %get3A_57 = arith.constant 0 : index
    %get3A_58 = vector.load %arg7[%get3A_56, %get3A_57] : memref<128x128xf32, #tpu.memory_space<vmem>>, vector<128x128xf32>
    %dot_general3A_59 = arith.constant dense<0.000000e+00> : vector<10000x128xf32>
    %dot_general3A_60 = tpu.matmul %max3A_55, %get3A_58, %dot_general3A_59 {dimension_numbers = #tpu.dot_dimension_numbers<[1], [0], [0], [1], [0, 0, 1, 1], [], []>, transpose_lhs_hint = false} : vector<10000x128xf32>, vector<128x128xf32>, vector<10000x128xf32> -> vector<10000x128xf32>
    %get3A_61 = arith.constant 0 : index
    %get3A_62 = arith.constant 0 : index
    %get3A_63 = vector.load %arg8[%get3A_61, %get3A_62] : memref<1x128xf32, #tpu.memory_space<vmem>>, vector<1x128xf32>
    %add3A_64 = vector.broadcast %get3A_63 : vector<1x128xf32> to vector<10000x128xf32>
    %add3A_65 = arith.addf %dot_general3A_60, %add3A_64 : vector<10000x128xf32>
    %max3A_66 = arith.constant 0.000000e+00 : f32
    %max3A_67 = vector.broadcast %max3A_66 : f32 to vector<10000x128xf32>
    %max3A_68 = arith.maximumf %add3A_65, %max3A_67 : vector<10000x128xf32>
    %get3A_69 = arith.constant 0 : index
    %get3A_70 = arith.constant 0 : index
    %get3A_71 = vector.load %arg9[%get3A_69, %get3A_70] : memref<128x128xf32, #tpu.memory_space<vmem>>, vector<128x128xf32>
    %dot_general3A_72 = arith.constant dense<0.000000e+00> : vector<10000x128xf32>
    %dot_general3A_73 = tpu.matmul %max3A_68, %get3A_71, %dot_general3A_72 {dimension_numbers = #tpu.dot_dimension_numbers<[1], [0], [0], [1], [0, 0, 1, 1], [], []>, transpose_lhs_hint = false} : vector<10000x128xf32>, vector<128x128xf32>, vector<10000x128xf32> -> vector<10000x128xf32>
    %get3A_74 = arith.constant 0 : index
    %get3A_75 = arith.constant 0 : index
    %get3A_76 = vector.load %arg10[%get3A_74, %get3A_75] : memref<1x128xf32, #tpu.memory_space<vmem>>, vector<1x128xf32>
    %add3A_77 = vector.broadcast %get3A_76 : vector<1x128xf32> to vector<10000x128xf32>
    %add3A_78 = arith.addf %dot_general3A_73, %add3A_77 : vector<10000x128xf32>
    %max3A_79 = arith.constant 0.000000e+00 : f32
    %max3A_80 = vector.broadcast %max3A_79 : f32 to vector<10000x128xf32>
    %max3A_81 = arith.maximumf %add3A_78, %max3A_80 : vector<10000x128xf32>
    %get3A_82 = arith.constant 0 : index
    %get3A_83 = arith.constant 0 : index
    %get3A_84 = vector.load %arg11[%get3A_82, %get3A_83] : memref<128x128xf32, #tpu.memory_space<vmem>>, vector<128x128xf32>
    %dot_general3A_85 = arith.constant dense<0.000000e+00> : vector<10000x128xf32>
    %dot_general3A_86 = tpu.matmul %max3A_81, %get3A_84, %dot_general3A_85 {dimension_numbers = #tpu.dot_dimension_numbers<[1], [0], [0], [1], [0, 0, 1, 1], [], []>, transpose_lhs_hint = false} : vector<10000x128xf32>, vector<128x128xf32>, vector<10000x128xf32> -> vector<10000x128xf32>
    %get3A_87 = arith.constant 0 : index
    %get3A_88 = arith.constant 0 : index
    %get3A_89 = vector.load %arg12[%get3A_87, %get3A_88] : memref<1x128xf32, #tpu.memory_space<vmem>>, vector<1x128xf32>
    %add3A_90 = vector.broadcast %get3A_89 : vector<1x128xf32> to vector<10000x128xf32>
    %add3A_91 = arith.addf %dot_general3A_86, %add3A_90 : vector<10000x128xf32>
    %swap3A = arith.constant 0 : index
    %swap3A_92 = arith.constant 0 : index
    %swap3A_93 = vector.load %arg13[%swap3A, %swap3A_92] : memref<10000x128xf32, #tpu.memory_space<vmem>>, vector<10000x128xf32>
    tpu.vector_store %arg13[%swap3A, %swap3A_92], %add3A_91 {strides = array<i32>} : memref<10000x128xf32, #tpu.memory_space<vmem>>, vector<10000x128xf32>,
    return
  }
}

</mosaic_0001>

<sc_bundles>
// kernel: kernel.11.cloned.1.call-start
scs
__scs_entry_jumppad:
0x0: {  	(pc) =	sbr.rel $0x88, $3  }
0x1: {  	(tag) =	ssettag $0x0;
	lr =	simm.s32 $0x1  }
0x2: {  	[smem:$0x3F86] =	sst lr;
	_ =	strace $0xD0000000  }
0x3: {  	_ = 	snop  }
0x4: {  	_ = 	snop  }
0x5: {  	_ = 	snop  }
0x6: {  	_ = 	snop  }
0x7: {  	_ = 	snop  }
__scs_overlays_trampoline_lowered:
0x8: {  	[smem:$0x3F95] =	sst s0  }
0x9: {  	[smem:$0x3F96] =	sst s1  }
0xa: {  	[smem:$0x3F97] =	sst s2  }
0xb: {  	[smem:$0x3F98] =	sst s3  }
0xc: {  	[smem:$0x3F99] =	sst s4  }
0xd: {  	[smem:$0x3F9A] =	sst s5  }
0xe: {  	[smem:$0x3F9B] =	sst s6  }
0xf: {  	[smem:$0x3F9C] =	sst s7  }
0x10: {  	[smem:$0x3F9D] =	sst s8  }
0x11: {  	[smem:$0x3F9E] =	sst s9;
	s0 =	simm.s32 @!p0 $0x0  }
0x12: {  	s1 =	sld [smem:$0x3F84];
	s0 =	simm.s32 @p0 $0x1  }
0x13: {  	[smem:$0x3F9F] =	sst s0;
	s0 =	simm.s32 @!p1 $0x0  }
0x14: {  	s2 =	sld [smem:$0x3F83];
	s0 =	simm.s32 @p1 $0x1  }
0x15: {  	[smem:$0x3FA0] =	sst s0;
	s0 =	simm.s32 @!p2 $0x0  }
0x16: {  	s3 =	sld [smem:$0x3FDB];
	s0 =	simm.s32 @p2 $0x1  }
0x17: {  	s4 =	simm.s32 $0x1BF5;
	[smem:$0x3FA2] =	sst s0  }
0x18: {  	s0 =	sld [smem:$0x3F85];
	_ =	swait.ge [sflag:s4], $0x0  }
0x19: {  	s7 =	sld [smem:$0x3F86]  }
0x1a: {  	s8 =	sadd.s32 $0xFFFFE003, lr  }
0x1b: {  	s9 =	sadd.s32 $0xFFFFFEF7, lr;
	s5 =	simm.s32 $0xFFFFFFFF;
	p2 =	slt.u32 s8, $0xFFFFF086  }
0x1c: {  	p1 =	slt.u32 s9, $0xF7A;
	s5 =	simm.s32 @!p2 $0x0  }
0x1d: {  	s5 =	simm.s32 @p1 $0x1;
	p0 =	seq.s32 s7, s2  }
0x1e: {  	s7 =	smul.u32 @!p0 $0xF7A, s2;
	p2 =	seq.s32 @!p0 s5, $0x0  }
0x1f: {  	s9 =	smul.u32 $0xF7A, s1;
	s8 =	simm.s32 @!p0 $0x1BF5;
	p2 =	por !p2, p0  }
0x20: {  	[sflag:s8] =	ssyncset.s32 @!p0 $0xFFFFF086;
	s6 =	sadd.s32 @!p0 s3, s7;
	s7 =	simm.s32 @!p0 $0x108  }
0x21: {  	s3 =	sadd.s32 s3, s9;
	s6 =	sadd.s32 @!p0 $0x88, s6;
	s7 =	simm.s32 @p2 $0x1082  }
0x22: {  	[simem:s7], [sflag:s8] =	dma.local @!p0 [hbm:s6], $0xF7A  }
0x23: {  	s9 =	sor.u32 $0xD0000000, s2;
	s6 =	simm.s32 $0x108;
	_ =	swait.ge @!p0 [sflag:s8], $0x0  }
0x24: {  	s3 =	sadd.s32 $0x88, s3;
	s6 =	simm.s32 @!p1 $0x1082;
	[sflag:s4] =	ssyncset.s32 $0xFFFFF086  }
0x25: {  	[simem:s6], [sflag:s4] =	dma.local [hbm:s3], $0xF7A  }
0x26: {  	[smem:$0x3F86] =	sst s1;
	(tag) =	ssettag s2;
	_ =	strace s9  }
0x27: {  	s1 =	sld [smem:$0x3F96]  }
0x28: {  	s2 =	sld [smem:$0x3F97]  }
0x29: {  	s4 =	sld [smem:$0x3F99]  }
0x2a: {  	p0 =	seq.s32 s5, $0x0;
	s5 =	sld [smem:$0x3F9A]  }
0x2b: {  	s6 =	sld [smem:$0x3F9B]  }
0x2c: {  	s7 =	sld [smem:$0x3F9C]  }
0x2d: {  	s3 =	simm.s32 $0x108;
	s8 =	sld [smem:$0x3F9D]  }
0x2e: {  	s3 =	simm.s32 @!p0 $0x1082;
	s9 =	sld [smem:$0x3F9E]  }
0x2f: {  	lr =	sadd.s32 s0, s3;
	s0 =	sld [smem:$0x3F95]  }
0x30: {  	s3 =	sld [smem:$0x3F98]  }
0x31: {  	[smem:$0x3FA1] =	sst s10  }
0x32: {  	s10 =	sld [smem:$0x3F9F];
	_ =	sdelay $0x3  }
0x33: {  	p0 =	seq.s32 s10, $0x1;
	s10 =	sld [smem:$0x3FA1];
	_ =	sdelay $0x3  }
0x34: {  	[smem:$0x3FA1] =	sst s10  }
0x35: {  	s10 =	sld [smem:$0x3FA0];
	_ =	sdelay $0x3  }
0x36: {  	p1 =	seq.s32 s10, $0x1;
	s10 =	sld [smem:$0x3FA1];
	_ =	sdelay $0x3  }
0x37: {  	[smem:$0x3FA1] =	sst s10  }
0x38: {  	s10 =	sld [smem:$0x3FA2]  }
0x39: {  	_ = 	snop;
	(pc) =	sbr.ind lr, $3  }
0x3a: {  	_ = 	snop  }
0x3b: {  	_ = 	snop  }
0x3c: {  	p2 =	seq.s32 s10, $0x1;
	s10 =	sld [smem:$0x3FA1]  }
0x3d: {  	_ =	shalt  }
0x3e: {  	_ =	shalt  }
0x3f: {  	_ =	shalt  }
0x40: {  	_ =	shalt  }
0x41: {  	_ =	shalt  }
0x42: {  	_ =	shalt  }
0x43: {  	_ =	shalt  }
0x44: {  	_ =	shalt  }
0x45: {  	_ =	shalt  }
0x46: {  	_ =	shalt  }
0x47: {  	_ =	shalt  }
0x48: {  	_ =	shalt  }
0x49: {  	_ =	shalt  }
0x4a: {  	_ =	shalt  }
0x4b: {  	_ =	shalt  }
0x4c: {  	_ =	shalt  }
0x4d: {  	_ =	shalt  }
0x4e: {  	_ =	shalt  }
0x4f: {  	_ =	shalt  }
0x50: {  	_ =	shalt  }
0x51: {  	_ =	shalt  }
0x52: {  	_ =	shalt  }
0x53: {  	_ =	shalt  }
0x54: {  	_ =	shalt  }
0x55: {  	_ =	shalt  }
0x56: {  	_ =	shalt  }
0x57: {  	_ =	shalt  }
0x58: {  	_ =	shalt  }
0x59: {  	_ =	shalt  }
0x5a: {  	_ =	shalt  }
0x5b: {  	_ =	shalt  }
0x5c: {  	_ =	shalt  }
0x5d: {  	_ =	shalt  }
0x5e: {  	_ =	shalt  }
0x5f: {  	_ =	shalt  }
0x60: {  	_ =	shalt  }
0x61: {  	_ =	shalt  }
0x62: {  	_ =	shalt  }
0x63: {  	_ =	shalt  }
0x64: {  	_ =	shalt  }
0x65: {  	_ =	shalt  }
0x66: {  	_ =	shalt  }
0x67: {  	_ =	shalt  }
0x68: {  	_ =	shalt  }
0x69: {  	_ =	shalt  }
0x6a: {  	_ =	shalt  }
0x6b: {  	_ =	shalt  }
0x6c: {  	_ =	shalt  }
0x6d: {  	_ =	shalt  }
0x6e: {  	_ =	shalt  }
0x6f: {  	_ =	shalt  }
0x70: {  	_ =	shalt  }
0x71: {  	_ =	shalt  }
0x72: {  	_ =	shalt  }
0x73: {  	_ =	shalt  }
0x74: {  	_ =	shalt  }
0x75: {  	_ =	shalt  }
0x76: {  	_ =	shalt  }
0x77: {  	_ =	shalt  }
0x78: {  	_ =	shalt  }
0x79: {  	_ =	shalt  }
0x7a: {  	_ =	shalt  }
0x7b: {  	_ =	shalt  }
0x7c: {  	_ =	shalt  }
0x7d: {  	_ =	shalt  }
0x7e: {  	_ =	shalt  }
0x7f: {  	_ =	shalt  }
0x80: {  	_ =	shalt  }
0x81: {  	_ =	shalt  }
0x82: {  	_ =	shalt  }
0x83: {  	_ =	shalt  }
0x84: {  	_ =	shalt  }
0x85: {  	_ =	shalt  }
0x86: {  	_ =	shalt  }
0x87: {  	_ =	shalt  }
.Lfunc_end0:
.L_simem_size_0:
called_computation.1_lowered:
.L_overlay_start_0:
0x88: {  	s2 =	sld [smem:$0x3FD9]  }
0x89: {  	s3 =	sld [smem:$0x3FFE];
	_ =	sdelay $0x1  }
0x8a: {  	s1 =	srdreg.scid  }
0x8b: {  	s0 =	sand.u32 $0x1, s1  }
0x8c: {  	s17 =	sshll.u32 s0, $0xA;
	s2 =	sadd.s32 s3, s2  }
0x8d: {  	s2 =	sadd.s32 s2, s17  }
0x8e: {  	[smem:$0x3FAD] =	sst s2  }
0x8f: {  	_ = 	snop  }
0x90: {  	s2 =	sld [smem:$0x3FD0];
	(tm) =	ssettm $0x1  }
0x91: {  	s18 =	sld [smem:$0x3FFB];
	_ =	sdelay $0x3  }
0x92: {  	_ =	strace s18  }
0x93: {  	s3 =	sld [smem:$0x3FFC];
	_ =	sdelay $0x3  }
0x94: {  	_ =	strace s3  }
0x95: {  	s3 =	sld [smem:$0x3FFD];
	_ =	sdelay $0x3  }
0x96: {  	_ =	strace s3  }
0x97: {  	_ =	strace $0x8FFFFFFF  }
0x98: {  	s19 =	sld [smem:$0x3FDB];
	_ =	sdelay $0x1  }
0x99: {  	s4 =	simm.s32 $_scs_section_size  }
0x9a: {  	s5 =	simm.s32 $_size__tile_overlayer_lowered;
	s6 =	simm.s32 $_tile_overlayer_lowered  }
0x9b: {  	s22 =	simm.s32 $0x1BFF;
	s21 =	sshll.u32 s6, $0x1;
	s3 =	sadd.s32 s4, s19  }
0x9c: {  	s7 =	simm.s32 $0x0;
	s20 =	sshll.u32 s5, $0x1;
	s5 =	sadd.s32 s21, s3  }
0x9d: {  	[timem:s7], [sflag:s22] =	dma.local [hbm:s5], s20  }
0x9e: {  	_ =	swait.ge [sflag:s22], s20  }
0x9f: {  	s4 =	ssub.s32 $0x0, s20;
	[sflag:s22] =	ssyncset.done $0x0  }
0xa0: {  	[sflag:s22] =	ssyncadd.s32 s4;
	_ =	sdelay $0x1  }
0xa1: {  	s23 =	simm.s32 $0x1B8B  }
0xa2: {  	_ =	swait.ge [sflag:s23], $0x1  }
0xa3: {  	[sflag:s23] =	ssyncset.done $0x0  }
0xa4: {  	s25 =	simm.s32 $0x1B8E;
	s24 =	sld [smem:$0x3FFE];
	[sflag:s23] =	ssyncadd.s32 $0xFFFFFFFF  }
0xa5: {  	s26 =	simm.s32 $execute0_lowered;
	[smem:$0x3FD2] =	sst s25  }
0xa6: {  	s5 =	sshll.u32 s26, $0x1;
	_ =	strace $0x80000049;
	[dreg:$0x1] =	wrdreg $0xFFFFFFFF  }
0xa7: {  	s28 =	simm.s32 $_size_execute0_lowered;
	s3 =	sadd.s32 s3, s5;
	[dreg:$0x0] =	wrdreg $0x0  }
0xa8: {  	s5 =	sshll.u32 s28, $0x1;
	[dreg:$0x2] =	wrdreg s3  }
0xa9: {  	[dreg:$0x3] =	wrdreg s5  }
0xaa: {  	[dreg:$0x4] =	wrdreg $0xC0  }
0xab: {  	_ =	task [dreg:s7], $0x5FFFF  }
0xac: {  	[dreg:$0x1] =	wrdreg $0xFFFFFFFF  }
0xad: {  	[dreg:$0x0] =	wrdreg $0x60  }
0xae: {  	[dreg:$0x2] =	wrdreg s2  }
0xaf: {  	[dreg:$0x3] =	wrdreg s24  }
0xb0: {  	[dreg:$0x4] =	wrdreg $0xA4000  }
0xb1: {  	[dreg:$0x5] =	wrdreg $0x9  }
0xb2: {  	_ =	task.clear_ibuf [dreg:s7], $0x6FFFF;
	_ =	strace $0x90000049  }
0xb3: {  	s29 =	simm.s32 $0x9;
	_ =	strace $0x8000004B  }
0xb4: {  	_ =	swait.ge [sflag:s29], $0x1  }
0xb5: {  	[sflag:s29] =	ssyncadd.s32 $0xFFFFFFFF  }
0xb6: {  	_ =	strace $0x9000004B  }
0xb7: {  	_ =	sfence  }
0xb8: {  	s30 =	sld [smem:$0x0];
	_ =	sdelay $0x2  }
0xb9: {  	s31 =	sshll.u32 s1, $0xD;
	s1 =	sshrl.u32 s1, $0x2  }
0xba: {  	s3 =	sand.u32 $0x4000, s31;
	s1 =	sadd.s32 s1, s30  }
0xbb: {  	s0 =	sor.u32 s3, s0;
	s1 =	sshll.u32 s1, $0x11  }
0xbc: {  	s0 =	sor.u32 s1, s0  }
0xbd: {  	s0 =	sadd.s32 $0x8F2B, s0  }
0xbe: {  	[sflag:s0] =	ssyncadd.remote.s32 $0x1  }
0xbf: {  	_ =	sfence.sel $0xFFFF  }
0xc0: {  	[dreg:$0x0] =	wrdreg $0xFFFFFFFF;
	(pc) =	sbr.abs _section_cstart, $3  }
0xc1: {  	[dreg:$0x1] =	wrdreg $0xFFFFFFFF  }
0xc2: {  	_ =	task.clear_ibuf [dreg:s7], $0x2FFFF;
	_ =	strace $0x9FFFFFFF  }
0xc3: {  	(tm) =	ssettm $0x7FFFFFFF  }
tec
execute0_lowered:
.L_overlay_start_1:
0x0: {  	(tag) =	ssettag $0x1  }
0x1: {  	s1 =	rddreg [dreg:$0x0]  }
0x2: {  	s0 =	rddreg [dreg:$0x1]  }
0x3: {  	s2 =	rddreg [dreg:$0x2]  }
0x4: {  	s3 =	srdreg.scid;
	s14 =	stileid.u32  }
0x5: {  	s4 =	simm.s32 $0x0;
	s3 =	sand.u32 $0x1, s3;
	s22 =	smul.u32 $0x4E000, s14  }
0x6: {  	s5 =	sshll.u32 s14, $0x1;
	[smem:$0x7FF] =	sst s4;
	s24 =	smul.u32 $0x13800, s14  }
0x7: {  	s6 =	sadd.s32 $0xE400, s0;
	s7 =	sadd.s32 $0x4600, s0;
	s26 =	smul.u32 $0x4E20, s14  }
0x8: {  	s0 =	sadd.s32 $0x18200, s0;
	p0 =	sne.s32 s14, $0x0;
	s11 =	smul.u32 $0x138800, s3  }
0x9: {  	s5 =	sor.u32 s3, s5;
	s8 =	ssub.s32 $0x2, s3;
	s3 =	smul.u32 $0x2710, s3  }
0xa: {  	s14 =	simm.s32 $0x7C00;
	s5 =	smul.u32 $0x2710, s5;
	s9 =	sshrl.u32 s8, $0x1  }
0xb: {  	_ =	strace $0x8000004A;
	s8 =	ssub.s32 s8, s9;
	s3 =	sadd.s32 s3, s26  }
0xc: {  	s29 =	sshrl.u32 s11, $0x3;
	s5 =	sshrl.u32 s5, $0x3;
	s30 =	sshrl.u32 s3, $0x3  }
0xd: {  	s19 =	sadd.s32 s6, s5;
	s20 =	sadd.s32 $0xA, s5;
	s10 =	sadd.s32 s7, s5  }
0xe: {  	s23 =	sadd.s32 $0x14, s5;
	s5 =	sadd.s32 $0x1E, s5;
	[dreg:$0x4] =	wrdreg s19  }
0xf: {  	s15 =	sadd.s32 s30, s7;
	[dreg:$0x5] =	wrdreg s10;
	s21 =	sadd.s32 s6, s20  }
0x10: {  	s16 =	sadd.s32 s30, s6;
	s9 =	sadd.s32 s7, s20;
	[dreg:$0x6] =	wrdreg s21  }
0x11: {  	s12 =	sadd.s32 s6, s23;
	s25 =	sadd.s32 s6, s5;
	[dreg:$0x7] =	wrdreg s9  }
0x12: {  	s10 =	sshrl.u32 s22, $0x2;
	s5 =	sadd.s32 s7, s5;
	[dreg:$0x8] =	wrdreg s12  }
0x13: {  	s9 =	sadd.s32 s7, s23;
	[dreg:$0xa] =	wrdreg s25;
	s12 =	sadd.s32 s24, s11  }
0x14: {  	[dreg:$0xb] =	wrdreg s5;
	s31 =	sadd.s32 s10, s2;
	s11 =	sadd.s32 $0xA0, s3  }
0x15: {  	s23 =	smax.u32 s8, $0x1;
	s8 =	simm.s32 $0x1;
	[dreg:$0x9] =	wrdreg s9  }
0x16: {  	s28 =	sshrl.u32 s12, $0x3;
	s9 =	sadd.s32 $0xF0, s3;
	s3 =	sadd.s32 $0x50, s3  }
0x17: {  	s12 =	sshrl.u32 s11, $0x3;
	s13 =	sadd.s32 $0x2800, s31;
	[dreg:$0xf] =	wrdreg s23  }
0x18: {  	s24 =	sadd.s32 $0x5000, s31;
	s25 =	sadd.s32 $0x7800, s31;
	s26 =	sadd.s32 $0xA000, s31  }
0x19: {  	s30 =	sadd.s32 $0x11800, s31;
	s11 =	simm.s32 $0x2;
	[dreg:$0x16] =	wrdreg s31  }
0x1a: {  	s23 =	simm.s32 $0x9;
	s5 =	sadd.s32 s0, s28;
	[dreg:$0xd] =	wrdreg s13  }
0x1b: {  	s0 =	sadd.s32 s0, s29;
	s10 =	sshrl.u32 s9, $0x3;
	[dreg:$0x10] =	wrdreg s24  }
0x1c: {  	s3 =	sshrl.u32 s3, $0x3;
	s19 =	sadd.s32 s12, s7;
	[dreg:$0x11] =	wrdreg s25  }
0x1d: {  	s20 =	sadd.s32 s12, s6;
	[dreg:$0x12] =	wrdreg s26;
	s28 =	sadd.s32 $0xC800, s31  }
0x1e: {  	s29 =	sadd.s32 $0xF000, s31;
	[dreg:$0x15] =	wrdreg s30;
	s13 =	simm.s32 $0x100  }
0x1f: {  	s9 =	simm.s32 $0x50;
	s12 =	simm.s32 $0x3;
	s24 =	simm.s32 $0x5  }
.Ltmp0:
0x20: {  	s25 =	simm.s32 $0x0;
	[dreg:$0xc] =	wrdreg s5;
	(pc) =	sbr.rel .LBB2_1-.Ltmp0, $4  }
0x21: {  	s17 =	sadd.s32 s10, s7;
	s18 =	sadd.s32 s10, s6;
	s21 =	sadd.s32 s3, s7  }
0x22: {  	s22 =	sadd.s32 s3, s6;
	s0 =	sadd.s32 $0x27000, s0;
	[dreg:$0x13] =	wrdreg s28  }
0x23: {  	[dreg:$0x14] =	wrdreg s29;
	s7 =	sadd.s32 $0x138000, s2;
	s5 =	simm.s32 $0x200  }
0x24: {  	v0 =	vimm.f32 $0.0e+00;
	s3 =	simm.s32 $0x80;
	s10 =	simm.s32 $0x400;
	[dreg:$0xe] =	wrdreg s0  }
.LBB2_6:
0x25: {  	s0 =	stileid.u32;
	[bflag:$0x0] =	sbarrier.arrive $0xFFFF  }
0x26: {  	s0 =	sshll.u32 s0, $0x6;
	s31 =	rddreg [dreg:$0x16]  }
0x27: {  	s6 =	rddreg [dreg:$0xc];
	s0 =	sor.u32 $0x1C09, s0;
	s3 =	sshrl.u32 s31, $0x3  }
0x28: {  	[hbm:s6], [sflag:s0] =	dma.local [spmem:s3], $0x2700  }
0x29: {  	_ =	swait.ge [sflag:s23], $0x2700  }
0x2a: {  	[sflag:s23] =	ssyncset.done $0x0  }
0x2b: {  	s3 =	sshrl.u32 @!p0 s13, $0x3;
	s6 =	rddreg [dreg:$0xe];
	[sflag:s23] =	ssyncadd.s32 $0xFFFFD900  }
0x2c: {  	[hbm:s6], [sflag:s0] =	dma.local @!p0 [spmem:s3], $0x100  }
0x2d: {  	s0 =	simm.s32 @!p0 $0x9  }
0x2e: {  	_ =	swait.ge @!p0 [sflag:s0], $0x100  }
0x2f: {  	s25 =	sadd.s32 $0x1, s25;
	s30 =	rddreg [dreg:$0xf]  }
0x30: {  	p1 =	sne.s32 s25, s30  }
.Ltmp1:
0x31: {  	_ = 	snop;
	(pc) =	sbr.rel @!p1 .LBB2_7-.Ltmp1, $3  }
0x32: {  	_ =	sdelay $0x1  }
0x33: {  	s7 =	smov.u32 s13;
	[sflag:s0] =	ssyncset.done @!p0 $0x0  }
0x34: {  	s13 =	simm.s32 $0x100;
	s3 =	simm.s32 $0x80;
	[sflag:s0] =	ssyncadd.s32 @!p0 $0xFFFFFF00  }
.LBB2_1:
0x35: {  	s0 =	rddreg [dreg:$0x4]  }
0x36: {  	[tilespmem:s4], [sflag:$0x1] =	stream.linear.gather [hbm4b:s0+s4], $0x50, $0x38;
	[tilespmem:$0x1DC80] =	vst v63  }
0x37: {  	s6 =	rddreg [dreg:$0x5]  }
0x38: {  	[tilespmem:s5], [sflag:$0x1] =	stream.linear.gather [hbm4b:s6+s4], $0x50, $0x38;
	[tilespmem:$0x1DC80] =	vst v63  }
0x39: {  	s26 =	rddreg [dreg:$0x6]  }
0x3a: {  	[tilespmem:s3], [sflag:$0x2] =	stream.linear.gather [hbm4b:s26+s4], $0x50, $0x38;
	[tilespmem:$0x1DC80] =	vst v63  }
0x3b: {  	s30 =	rddreg [dreg:$0x7];
	s6 =	simm.s32 $0x280  }
0x3c: {  	[tilespmem:s6], [sflag:$0x2] =	stream.linear.gather [hbm4b:s30+s4], $0x50, $0x38;
	[tilespmem:$0x1DC80] =	vst v63  }
0x3d: {  	s6 =	rddreg [dreg:$0x8]  }
0x3e: {  	[tilespmem:s13], [sflag:$0x3] =	stream.linear.gather [hbm4b:s6+s4], $0x50, $0x38;
	[tilespmem:$0x1DC80] =	vst v63  }
0x3f: {  	s26 =	rddreg [dreg:$0x9];
	s30 =	simm.s32 $0x300  }
0x40: {  	[tilespmem:s30], [sflag:$0x3] =	stream.linear.gather [hbm4b:s26+s4], $0x50, $0x38;
	[tilespmem:$0x1DC80] =	vst v63  }
0x41: {  	s26 =	rddreg [dreg:$0xa];
	s30 =	simm.s32 $0x180  }
0x42: {  	[tilespmem:s30], [sflag:$0x4] =	stream.linear.gather [hbm4b:s26+s4], $0x50, $0x38;
	[tilespmem:$0x1DC80] =	vst v63  }
0x43: {  	s26 =	rddreg [dreg:$0xb];
	s30 =	simm.s32 $0x380  }
0x44: {  	[tilespmem:s30], [sflag:$0x4] =	stream.linear.gather [hbm4b:s26+s4], $0x50, $0x38;
	[tilespmem:$0x1DC80] =	vst v63  }
0x45: {  	s26 =	sand.u32 $0xFE00, s4  }
0x46: {  	s28 =	sand.u32 $0x70, s4;
	s29 =	sshrl.u32 s26, $0x2  }
0x47: {  	s26 =	simm.s32 $0x40;
	s29 =	sor.u32 s28, s29;
	s28 =	simm.s32 $0x0  }
.LBB2_2:
0x48: {  	p1 =	sne.s32 s26, $0x9FC0  }
0x49: {  	[tilespmem:s29+$0x7C00] =	vst v0;
	s28 =	sadd.s32 $0x10, s28;
	s29 =	smov.u32 s26;
	s26 =	sadd.s32 $0x40, s26  }
.Ltmp2:
0x4a: {  	(pc) =	sbr.rel @p1 .LBB2_2-.Ltmp2, $4  }
0x4b: {  	_ = 	snop  }
0x4c: {  	s29 =	sand.u32 $0xFE00, s29  }
0x4d: {  	s30 =	sand.u32 $0x70, s28;
	s29 =	sshrl.u32 s29, $0x2  }
0x4e: {  	s29 =	sor.u32 s30, s29  }
0x4f: {  	[tilespmem:s29+$0x7C00] =	vst v0  }
0x50: {  	_ =	swait.ge [sflag:s8], $0x50  }
0x51: {  	[sflag:s8] =	ssyncset.done $0x0  }
0x52: {  	[sflag:s8] =	ssyncadd.s32 $0xFFFFFFB0  }
0x53: {  	_ =	swait.ge [sflag:s8], $0x50  }
0x54: {  	[sflag:s8] =	ssyncset.done $0x0  }
0x55: {  	[sflag:s8] =	ssyncadd.s32 $0xFFFFFFB0  }
0x56: {  	[tilespmem:s10], [sflag:$0x5] =	stream.indirect.gather [hbm4b:s1+s9], $0x80, s4, s9, $0xb8;
	[tilespmem:$0x1DC80] =	vst v63  }
0x57: {  	_ =	swait.ge [sflag:s11], $0x50  }
0x58: {  	[sflag:s11] =	ssyncset.done $0x0  }
0x59: {  	[sflag:s11] =	ssyncadd.s32 $0xFFFFFFB0  }
0x5a: {  	_ =	swait.ge [sflag:s11], $0x50  }
0x5b: {  	[sflag:s11] =	ssyncset.done $0x0  }
0x5c: {  	s0 =	simm.s32 $0x2C00;
	[sflag:s11] =	ssyncadd.s32 $0xFFFFFFB0  }
0x5d: {  	[tilespmem:s0], [sflag:$0x6] =	stream.indirect.gather [hbm4b:s1+s9], $0x80, s3, s9, $0xb8;
	[tilespmem:$0x1DC80] =	vst v63  }
0x5e: {  	_ =	swait.ge [sflag:s12], $0x50  }
0x5f: {  	[sflag:s12] =	ssyncset.done $0x0  }
0x60: {  	[sflag:s12] =	ssyncadd.s32 $0xFFFFFFB0  }
0x61: {  	_ =	swait.ge [sflag:s12], $0x50  }
0x62: {  	[sflag:s12] =	ssyncset.done $0x0  }
0x63: {  	s30 =	simm.s32 $0x5400;
	[sflag:s12] =	ssyncadd.s32 $0xFFFFFFB0  }
0x64: {  	[tilespmem:s30], [sflag:$0x7] =	stream.indirect.gather [hbm4b:s1+s9], $0x80, s13, s9, $0xb8;
	[tilespmem:$0x1DC80] =	vst v63  }
0x65: {  	_ = 	snop  }
0x66: {  	[spmem:s31] =	stream.linear.scatter [tilespmem:s14], [sflag:$0x9], $0x2800, $0x38;
	[tilespmem:$0x1DC80] =	vst v63  }
0x67: {  	_ =	swait.ge [sflag:s23], $0x2800  }
0x68: {  	[sflag:s23] =	ssyncset.done $0x0  }
0x69: {  	s31 =	rddreg [dreg:$0xd];
	[sflag:s23] =	ssyncadd.s32 $0xFFFFD800  }
0x6a: {  	[spmem:s31] =	stream.linear.scatter [tilespmem:s14], [sflag:$0x9], $0x2800, $0x38;
	[tilespmem:$0x1DC80] =	vst v63  }
0x6b: {  	_ =	swait.ge [sflag:s23], $0x2800  }
0x6c: {  	[sflag:s23] =	ssyncset.done $0x0  }
0x6d: {  	s3 =	rddreg [dreg:$0x10];
	[sflag:s23] =	ssyncadd.s32 $0xFFFFD800  }
0x6e: {  	[spmem:s3] =	stream.linear.scatter [tilespmem:s14], [sflag:$0x9], $0x2800, $0x38;
	[tilespmem:$0x1DC80] =	vst v63  }
0x6f: {  	_ =	swait.ge [sflag:s23], $0x2800  }
0x70: {  	[sflag:s23] =	ssyncset.done $0x0  }
0x71: {  	s6 =	rddreg [dreg:$0x11];
	[sflag:s23] =	ssyncadd.s32 $0xFFFFD800  }
0x72: {  	[spmem:s6] =	stream.linear.scatter [tilespmem:s14], [sflag:$0x9], $0x2800, $0x38;
	[tilespmem:$0x1DC80] =	vst v63  }
0x73: {  	_ =	swait.ge [sflag:s23], $0x2800  }
0x74: {  	[sflag:s23] =	ssyncset.done $0x0  }
0x75: {  	s13 =	rddreg [dreg:$0x12];
	[sflag:s23] =	ssyncadd.s32 $0xFFFFD800  }
0x76: {  	[spmem:s13] =	stream.linear.scatter [tilespmem:s14], [sflag:$0x9], $0x2800, $0x38;
	[tilespmem:$0x1DC80] =	vst v63  }
0x77: {  	_ =	swait.ge [sflag:s23], $0x2800  }
0x78: {  	[sflag:s23] =	ssyncset.done $0x0  }
0x79: {  	s26 =	rddreg [dreg:$0x13];
	[sflag:s23] =	ssyncadd.s32 $0xFFFFD800  }
0x7a: {  	[spmem:s26] =	stream.linear.scatter [tilespmem:s14], [sflag:$0x9], $0x2800, $0x38;
	[tilespmem:$0x1DC80] =	vst v63  }
0x7b: {  	_ =	swait.ge [sflag:s23], $0x2800  }
0x7c: {  	[sflag:s23] =	ssyncset.done $0x0  }
0x7d: {  	s30 =	rddreg [dreg:$0x14];
	[sflag:s23] =	ssyncadd.s32 $0xFFFFD800  }
0x7e: {  	[spmem:s30] =	stream.linear.scatter [tilespmem:s14], [sflag:$0x9], $0x2800, $0x38;
	[tilespmem:$0x1DC80] =	vst v63  }
0x7f: {  	_ =	swait.ge [sflag:s23], $0x2800  }
0x80: {  	[sflag:s23] =	ssyncset.done $0x0  }
0x81: {  	s31 =	rddreg [dreg:$0x15];
	[sflag:s23] =	ssyncadd.s32 $0xFFFFD800  }
0x82: {  	[spmem:s31] =	stream.linear.scatter [tilespmem:s14], [sflag:$0x9], $0x2000, $0x38;
	[tilespmem:$0x1DC80] =	vst v63  }
0x83: {  	_ =	swait.ge [sflag:s23], $0x2000  }
0x84: {  	[sflag:s23] =	ssyncset.done $0x0  }
0x85: {  	s26 =	simm.s32 @!p0 $0x7C00;
	[sflag:s23] =	ssyncadd.s32 $0xFFFFE000  }
0x86: {  	[spmem:s7] =	stream.linear.scatter @!p0 [tilespmem:s26], [sflag:$0x9], $0x800, $0x38;
	[tilespmem:$0x1DC80] =	vst v63  }
0x87: {  	s26 =	simm.s32 @!p0 $0x9  }
0x88: {  	_ =	swait.ge @!p0 [sflag:s26], $0x800  }
0x89: {  	[sflag:s26] =	ssyncset.done @!p0 $0x0  }
0x8a: {  	s28 =	simm.s32 $0x3;
	s29 =	simm.s32 $0x0;
	[sflag:s26] =	ssyncadd.s32 @!p0 $0xFFFFF800  }
0x8b: {  	s13 =	smov.u32 s7;
	s26 =	simm.s32 $0x0;
	[bflag:$0x0] =	sbarrier.arrive $0xFFFF  }
.LBB2_4:
0x8c: {  	s30 =	sadd.s32 $0xFFFFFFF9, s28  }
0x8d: {  	p1 =	sgt.u32 s30, $0x78  }
0x8e: {  	s30 =	sadd.s32 @!p1 s26, s16;
	s6 =	simm.s32 @!p1 $0x0  }
0x8f: {  	[tilespmem:s6], [sflag:$0x1] =	stream.linear.gather @!p1 [hbm4b:s30+s6], $0x50, $0x38;
	[tilespmem:$0x1DC80] =	vst v63  }
0x90: {  	s31 =	simm.s32 @!p1 $0x200;
	s30 =	sadd.s32 @!p1 s26, s15  }
0x91: {  	[tilespmem:s31], [sflag:$0x1] =	stream.linear.gather @!p1 [hbm4b:s30+s6], $0x50, $0x38;
	[tilespmem:$0x1DC80] =	vst v63  }
0x92: {  	s30 =	simm.s32 @!p1 $0x4  }
0x93: {  	_ =	swait.ge @!p1 [sflag:s30], $0x50  }
0x94: {  	[sflag:s30] =	ssyncset.done @!p1 $0x0  }
0x95: {  	[sflag:s30] =	ssyncadd.s32 @!p1 $0xFFFFFFB0  }
0x96: {  	s3 =	sadd.s32 $0xFFFFFFFA, s28;
	_ =	swait.ge @!p1 [sflag:s30], $0x50  }
0x97: {  	p2 =	sgt.u32 s3, $0x7C;
	s0 =	simm.s32 @!p1 $0x180;
	[sflag:s30] =	ssyncset.done @!p1 $0x0  }
0x98: {  	s7 =	simm.s32 @!p1 $0x7C00;
	[sflag:s30] =	ssyncadd.s32 @!p1 $0xFFFFFFB0;
	s30 =	simm.s32 @!p1 $0x50  }
0x99: {  	[tilespmem:s7], [sflag:$0x8] =	stream.indirect.gather @!p1 [hbm4b:s1+s30], $0x80, s0, s30, $0xb8;
	[tilespmem:$0x1DC80] =	vst v63  }
0x9a: {  	s0 =	simm.s32 @!p2 $0x6  }
0x9b: {  	_ =	swait.ge @!p2 [sflag:s0], $0x2800  }
0x9c: {  	s31 =	simm.s32 @!p2 $0x2C00;
	[sflag:s0] =	ssyncset.done @!p2 $0x0  }
0x9d: {  	s7 =	simm.s32 @!p2 $0x280;
	[sflag:s0] =	ssyncadd.s32 @!p2 $0xFFFFD800;
	s0 =	simm.s32 @!p2 $0x50  }
0x9e: {  	[spmem:s2] =	stream.indirect.scatter.add.f32 @!p2 [tilespmem:s31], [sflag:$0xA], $0x80, s7, s0, $0xb8;
	[tilespmem:$0x1DC80] =	vst v63  }
0x9f: {  	s3 =	sadd.s32 $0xFFFFFFFE, s28;
	s0 =	simm.s32 @!p2 $0xA  }
0xa0: {  	p3 =	sne.s32 s26, $0x0;
	p4 =	slt.u32 s3, $0x7D;
	_ =	swait.ge @!p2 [sflag:s0], $0x2800  }
0xa1: {  	p3 =	por !p3, !p4;
	[sflag:s0] =	ssyncset.done @!p2 $0x0  }
0xa2: {  	[sflag:s0] =	ssyncadd.s32 @!p2 $0xFFFFD800;
	p2 =	por !p3, !p3  }
0xa3: {  	s0 =	sadd.s32 @p2 s26, s22;
	s7 =	simm.s32 @p2 $0x0;
	s31 =	simm.s32 @p2 $0x80  }
0xa4: {  	[tilespmem:s31], [sflag:$0x2] =	stream.linear.gather @p2 [hbm4b:s0+s7], $0x50, $0x38;
	[tilespmem:$0x1DC80] =	vst v63  }
0xa5: {  	s3 =	simm.s32 @p2 $0x280;
	s0 =	sadd.s32 @p2 s26, s21  }
0xa6: {  	[tilespmem:s3], [sflag:$0x2] =	stream.linear.gather @p2 [hbm4b:s0+s7], $0x50, $0x38;
	[tilespmem:$0x1DC80] =	vst v63  }
0xa7: {  	s0 =	simm.s32 @!p1 $0x1  }
0xa8: {  	_ =	swait.ge @!p1 [sflag:s0], $0x50  }
0xa9: {  	[sflag:s0] =	ssyncset.done @!p1 $0x0  }
0xaa: {  	[sflag:s0] =	ssyncadd.s32 @!p1 $0xFFFFFFB0  }
0xab: {  	_ =	swait.ge @!p1 [sflag:s0], $0x50  }
0xac: {  	[sflag:s0] =	ssyncset.done @!p1 $0x0  }
0xad: {  	s7 =	sadd.s32 $0xFFFFFFFB, s28;
	[sflag:s0] =	ssyncadd.s32 @!p1 $0xFFFFFFB0;
	s0 =	simm.s32 @!p1 $0x400  }
0xae: {  	[tilespmem:s0], [sflag:$0x5] =	stream.indirect.gather @!p1 [hbm4b:s1+s30], $0x80, s6, s30, $0xb8;
	[tilespmem:$0x1DC80] =	vst v63  }
0xaf: {  	p1 =	slt.u32 s7, $0x7D  }
0xb0: {  	s0 =	simm.s32 @p1 $0x7  }
0xb1: {  	_ =	swait.ge @p1 [sflag:s0], $0x2800  }
0xb2: {  	s3 =	simm.s32 @p1 $0x300;
	[sflag:s0] =	ssyncset.done @p1 $0x0  }
0xb3: {  	s6 =	simm.s32 @p1 $0x5400;
	[sflag:s0] =	ssyncadd.s32 @p1 $0xFFFFD800;
	s0 =	simm.s32 @p1 $0x50  }
0xb4: {  	[spmem:s2] =	stream.indirect.scatter.add.f32 @p1 [tilespmem:s6], [sflag:$0xA], $0x80, s3, s0, $0xb8;
	[tilespmem:$0x1DC80] =	vst v63  }
0xb5: {  	p3 =	sgt.u32 @p1 s29, $0x1E;
	s0 =	simm.s32 @p1 $0xA  }
0xb6: {  	p3 =	por p3, !p1;
	_ =	swait.ge @p1 [sflag:s0], $0x2800  }
0xb7: {  	s3 =	simm.s32 @!p3 $0x0;
	[sflag:s0] =	ssyncset.done @p1 $0x0  }
0xb8: {  	s6 =	simm.s32 @!p3 $0x100;
	[sflag:s0] =	ssyncadd.s32 @p1 $0xFFFFD800;
	s0 =	sadd.s32 @!p3 s26, s20  }
0xb9: {  	[tilespmem:s6], [sflag:$0x3] =	stream.linear.gather @!p3 [hbm4b:s0+s3], $0x50, $0x38;
	[tilespmem:$0x1DC80] =	vst v63  }
0xba: {  	s0 =	sadd.s32 @!p3 s26, s19;
	s6 =	simm.s32 @!p3 $0x300  }
0xbb: {  	[tilespmem:s6], [sflag:$0x3] =	stream.linear.gather @!p3 [hbm4b:s0+s3], $0x50, $0x38;
	[tilespmem:$0x1DC80] =	vst v63  }
0xbc: {  	s0 =	simm.s32 @p2 $0x2  }
0xbd: {  	_ =	swait.ge @p2 [sflag:s0], $0x50  }
0xbe: {  	[sflag:s0] =	ssyncset.done @p2 $0x0  }
0xbf: {  	[sflag:s0] =	ssyncadd.s32 @p2 $0xFFFFFFB0  }
0xc0: {  	_ =	swait.ge @p2 [sflag:s0], $0x50  }
0xc1: {  	s30 =	sadd.s32 $0xFFFFFFFC, s28;
	[sflag:s0] =	ssyncset.done @p2 $0x0  }
0xc2: {  	s6 =	simm.s32 @p2 $0x2C00;
	[sflag:s0] =	ssyncadd.s32 @p2 $0xFFFFFFB0;
	s0 =	simm.s32 @p2 $0x50  }
0xc3: {  	[tilespmem:s6], [sflag:$0x6] =	stream.indirect.gather @p2 [hbm4b:s1+s0], $0x80, s31, s0, $0xb8;
	[tilespmem:$0x1DC80] =	vst v63  }
0xc4: {  	p2 =	sgt.u32 s30, $0x7C  }
0xc5: {  	s0 =	simm.s32 @!p2 $0x8  }
0xc6: {  	p3 =	seq.s32 s26, $0x0;
	_ =	swait.ge @!p2 [sflag:s0], $0x2800  }
0xc7: {  	p5 =	sgt.u32 @!p3 s28, $0x7C;
	s3 =	simm.s32 @!p2 $0x380;
	[sflag:s0] =	ssyncset.done @!p2 $0x0  }
0xc8: {  	s6 =	simm.s32 @!p2 $0x7C00;
	[sflag:s0] =	ssyncadd.s32 @!p2 $0xFFFFD800;
	s0 =	simm.s32 @!p2 $0x50  }
0xc9: {  	[spmem:s2] =	stream.indirect.scatter.add.f32 @!p2 [tilespmem:s6], [sflag:$0xA], $0x80, s3, s0, $0xb8;
	[tilespmem:$0x1DC80] =	vst v63  }
0xca: {  	p5 =	por p5, p3;
	s0 =	simm.s32 @!p2 $0xA  }
0xcb: {  	s3 =	sadd.s32 @p1 $0xFFFFFFFF, s28;
	s6 =	simm.s32 @!p5 $0x180;
	_ =	swait.ge @!p2 [sflag:s0], $0x2800  }
0xcc: {  	p4 =	slt.u32 @p1 s3, $0x7D;
	s3 =	simm.s32 @!p5 $0x0;
	[sflag:s0] =	ssyncset.done @!p2 $0x0  }
0xcd: {  	[sflag:s0] =	ssyncadd.s32 @!p2 $0xFFFFD800;
	p2 =	slt.u32 @!p1 s29, $0x1F;
	s0 =	sadd.s32 @!p5 s26, s18  }
0xce: {  	[tilespmem:s6], [sflag:$0x4] =	stream.linear.gather @!p5 [hbm4b:s0+s3], $0x50, $0x38;
	[tilespmem:$0x1DC80] =	vst v63  }
0xcf: {  	p4 =	por @!p1 p2, p2  }
0xd0: {  	s0 =	sadd.s32 @!p5 s26, s17;
	s6 =	simm.s32 @!p5 $0x380;
	p1 =	por !p4, !p4  }
0xd1: {  	[tilespmem:s6], [sflag:$0x4] =	stream.linear.gather @!p5 [hbm4b:s0+s3], $0x50, $0x38;
	[tilespmem:$0x1DC80] =	vst v63  }
0xd2: {  	p1 =	por p3, p1  }
0xd3: {  	s0 =	simm.s32 @!p1 $0x3  }
0xd4: {  	_ =	swait.ge @!p1 [sflag:s0], $0x50  }
0xd5: {  	[sflag:s0] =	ssyncset.done @!p1 $0x0  }
0xd6: {  	[sflag:s0] =	ssyncadd.s32 @!p1 $0xFFFFFFB0  }
0xd7: {  	_ =	swait.ge @!p1 [sflag:s0], $0x50  }
0xd8: {  	s3 =	simm.s32 @!p1 $0x100;
	[sflag:s0] =	ssyncset.done @!p1 $0x0  }
0xd9: {  	s6 =	simm.s32 @!p1 $0x5400;
	[sflag:s0] =	ssyncadd.s32 @!p1 $0xFFFFFFB0;
	s0 =	simm.s32 @!p1 $0x50  }
0xda: {  	[tilespmem:s6], [sflag:$0x7] =	stream.indirect.gather @!p1 [hbm4b:s1+s0], $0x80, s3, s0, $0xb8;
	[tilespmem:$0x1DC80] =	vst v63  }
0xdb: {  	p1 =	seq.s32 s26, $0x500  }
.Ltmp3:
0xdc: {  	_ = 	snop;
	(pc) =	sbr.rel @p1 .LBB2_6-.Ltmp3, $1  }
0xdd: {  	_ =	sdelay $0x3  }
0xde: {  	_ =	swait.ge [sflag:s24], $0x2800  }
0xdf: {  	[sflag:s24] =	ssyncset.done $0x0  }
.Ltmp4:
0xe0: {  	[sflag:s24] =	ssyncadd.s32 $0xFFFFD800;
	(pc) =	sbr.rel .LBB2_4-.Ltmp4, $4  }
0xe1: {  	[spmem:s2] =	stream.indirect.scatter.add.f32 [tilespmem:s10], [sflag:$0x9], $0x80, s5, s9, $0xb8;
	[tilespmem:$0x1DC80] =	vst v63  }
0xe2: {  	_ =	swait.ge [sflag:s23], $0x2800  }
0xe3: {  	s29 =	sadd.s32 $0x1, s29;
	[sflag:s23] =	ssyncset.done $0x0  }
0xe4: {  	s26 =	sadd.s32 $0x28, s26;
	s28 =	sadd.s32 $0x4, s28;
	[sflag:s23] =	ssyncadd.s32 $0xFFFFD800  }
.LBB2_7:
0xe5: {  	_ =	sfence.sel $0x180000  }
0xe6: {  	[bflag:$0x0] =	sbarrier.arrive $0xFFFF  }
0xe7: {  	_ =	strace $0x9000004A  }
0xe8: {  	[bflag:$0x2] =	sbarrier.arrive $0xFFFF  }
0xe9: {  	s0 =	rddreg [dreg:$0x3]  }
0xea: {  	s0 =	sadd.s32 @!p0 $0x100000, s0  }
0xeb: {  	[sflag:s0] =	ssyncadd.tile.s32 @!p0 $0x1;
	_ =	shalt  }
.Lfunc_end2:
_tile_overlayer_lowered:
.L_overlay_start_2:
0xec: {  	(tag) =	ssettag $0x2  }
0xed: {  	s0 =	rddreg [dreg:$0x0];
	s2 =	stileid.u32  }
0xee: {  	s1 =	rddreg [dreg:$0x1];
	p0 =	sne.s32 s2, $0x0  }
0xef: {  	s3 =	rddreg [dreg:$0x2];
	[bflag:$0x3] =	sbarrier.arrive $0xFFFF;
	s2 =	simm.s32 @!p0 $0x1C09  }
0xf0: {  	[timem:s3], [sflag:s2] =	dma.local @!p0 [hbm:s0], s1  }
0xf1: {  	s0 =	simm.s32 @!p0 $0x9  }
0xf2: {  	_ =	swait.ge @!p0 [sflag:s0], s1  }
0xf3: {  	s1 =	ssub.s32 @!p0 $0x0, s1;
	[sflag:s0] =	ssyncset.done @!p0 $0x0  }
0xf4: {  	[sflag:s0] =	ssyncadd.s32 @!p0 s1  }
0xf5: {  	[bflag:$0x3] =	sbarrier.arrive $0xFFFF  }
0xf6: {  	_ =	shalt  }

// kernel: kernel.14.cloned.1.call-start
scs
__scs_entry_jumppad:
0x0: {  	(pc) =	sbr.rel $0x88, $3  }
0x1: {  	(tag) =	ssettag $0x0;
	lr =	simm.s32 $0x1  }
0x2: {  	[smem:$0x3F86] =	sst lr;
	_ =	strace $0xD0000000  }
0x3: {  	_ = 	snop  }
0x4: {  	_ = 	snop  }
0x5: {  	_ = 	snop  }
0x6: {  	_ = 	snop  }
0x7: {  	_ = 	snop  }
__scs_overlays_trampoline_lowered:
0x8: {  	[smem:$0x3F95] =	sst s0  }
0x9: {  	[smem:$0x3F96] =	sst s1  }
0xa: {  	[smem:$0x3F97] =	sst s2  }
0xb: {  	[smem:$0x3F98] =	sst s3  }
0xc: {  	[smem:$0x3F99] =	sst s4  }
0xd: {  	[smem:$0x3F9A] =	sst s5  }
0xe: {  	[smem:$0x3F9B] =	sst s6  }
0xf: {  	[smem:$0x3F9C] =	sst s7  }
0x10: {  	[smem:$0x3F9D] =	sst s8  }
0x11: {  	[smem:$0x3F9E] =	sst s9;
	s0 =	simm.s32 @!p0 $0x0  }
0x12: {  	s1 =	sld [smem:$0x3F84];
	s0 =	simm.s32 @p0 $0x1  }
0x13: {  	[smem:$0x3F9F] =	sst s0;
	s0 =	simm.s32 @!p1 $0x0  }
0x14: {  	s2 =	sld [smem:$0x3F83];
	s0 =	simm.s32 @p1 $0x1  }
0x15: {  	[smem:$0x3FA0] =	sst s0;
	s0 =	simm.s32 @!p2 $0x0  }
0x16: {  	s3 =	sld [smem:$0x3FDB];
	s0 =	simm.s32 @p2 $0x1  }
0x17: {  	s4 =	simm.s32 $0x1BF5;
	[smem:$0x3FA2] =	sst s0  }
0x18: {  	s0 =	sld [smem:$0x3F85];
	_ =	swait.ge [sflag:s4], $0x0  }
0x19: {  	s7 =	sld [smem:$0x3F86]  }
0x1a: {  	s8 =	sadd.s32 $0xFFFFE003, lr  }
0x1b: {  	s9 =	sadd.s32 $0xFFFFFEF7, lr;
	s5 =	simm.s32 $0xFFFFFFFF;
	p2 =	slt.u32 s8, $0xFFFFF086  }
0x1c: {  	p1 =	slt.u32 s9, $0xF7A;
	s5 =	simm.s32 @!p2 $0x0  }
0x1d: {  	s5 =	simm.s32 @p1 $0x1;
	p0 =	seq.s32 s7, s2  }
0x1e: {  	s7 =	smul.u32 @!p0 $0xF7A, s2;
	p2 =	seq.s32 @!p0 s5, $0x0  }
0x1f: {  	s9 =	smul.u32 $0xF7A, s1;
	s8 =	simm.s32 @!p0 $0x1BF5;
	p2 =	por !p2, p0  }
0x20: {  	[sflag:s8] =	ssyncset.s32 @!p0 $0xFFFFF086;
	s6 =	sadd.s32 @!p0 s3, s7;
	s7 =	simm.s32 @!p0 $0x108  }
0x21: {  	s3 =	sadd.s32 s3, s9;
	s6 =	sadd.s32 @!p0 $0x88, s6;
	s7 =	simm.s32 @p2 $0x1082  }
0x22: {  	[simem:s7], [sflag:s8] =	dma.local @!p0 [hbm:s6], $0xF7A  }
0x23: {  	s9 =	sor.u32 $0xD0000000, s2;
	s6 =	simm.s32 $0x108;
	_ =	swait.ge @!p0 [sflag:s8], $0x0  }
0x24: {  	s3 =	sadd.s32 $0x88, s3;
	s6 =	simm.s32 @!p1 $0x1082;
	[sflag:s4] =	ssyncset.s32 $0xFFFFF086  }
0x25: {  	[simem:s6], [sflag:s4] =	dma.local [hbm:s3], $0xF7A  }
0x26: {  	[smem:$0x3F86] =	sst s1;
	(tag) =	ssettag s2;
	_ =	strace s9  }
0x27: {  	s1 =	sld [smem:$0x3F96]  }
0x28: {  	s2 =	sld [smem:$0x3F97]  }
0x29: {  	s4 =	sld [smem:$0x3F99]  }
0x2a: {  	p0 =	seq.s32 s5, $0x0;
	s5 =	sld [smem:$0x3F9A]  }
0x2b: {  	s6 =	sld [smem:$0x3F9B]  }
0x2c: {  	s7 =	sld [smem:$0x3F9C]  }
0x2d: {  	s3 =	simm.s32 $0x108;
	s8 =	sld [smem:$0x3F9D]  }
0x2e: {  	s3 =	simm.s32 @!p0 $0x1082;
	s9 =	sld [smem:$0x3F9E]  }
0x2f: {  	lr =	sadd.s32 s0, s3;
	s0 =	sld [smem:$0x3F95]  }
0x30: {  	s3 =	sld [smem:$0x3F98]  }
0x31: {  	[smem:$0x3FA1] =	sst s10  }
0x32: {  	s10 =	sld [smem:$0x3F9F];
	_ =	sdelay $0x3  }
0x33: {  	p0 =	seq.s32 s10, $0x1;
	s10 =	sld [smem:$0x3FA1];
	_ =	sdelay $0x3  }
0x34: {  	[smem:$0x3FA1] =	sst s10  }
0x35: {  	s10 =	sld [smem:$0x3FA0];
	_ =	sdelay $0x3  }
0x36: {  	p1 =	seq.s32 s10, $0x1;
	s10 =	sld [smem:$0x3FA1];
	_ =	sdelay $0x3  }
0x37: {  	[smem:$0x3FA1] =	sst s10  }
0x38: {  	s10 =	sld [smem:$0x3FA2]  }
0x39: {  	_ = 	snop;
	(pc) =	sbr.ind lr, $3  }
0x3a: {  	_ = 	snop  }
0x3b: {  	_ = 	snop  }
0x3c: {  	p2 =	seq.s32 s10, $0x1;
	s10 =	sld [smem:$0x3FA1]  }
0x3d: {  	_ =	shalt  }
0x3e: {  	_ =	shalt  }
0x3f: {  	_ =	shalt  }
0x40: {  	_ =	shalt  }
0x41: {  	_ =	shalt  }
0x42: {  	_ =	shalt  }
0x43: {  	_ =	shalt  }
0x44: {  	_ =	shalt  }
0x45: {  	_ =	shalt  }
0x46: {  	_ =	shalt  }
0x47: {  	_ =	shalt  }
0x48: {  	_ =	shalt  }
0x49: {  	_ =	shalt  }
0x4a: {  	_ =	shalt  }
0x4b: {  	_ =	shalt  }
0x4c: {  	_ =	shalt  }
0x4d: {  	_ =	shalt  }
0x4e: {  	_ =	shalt  }
0x4f: {  	_ =	shalt  }
0x50: {  	_ =	shalt  }
0x51: {  	_ =	shalt  }
0x52: {  	_ =	shalt  }
0x53: {  	_ =	shalt  }
0x54: {  	_ =	shalt  }
0x55: {  	_ =	shalt  }
0x56: {  	_ =	shalt  }
0x57: {  	_ =	shalt  }
0x58: {  	_ =	shalt  }
0x59: {  	_ =	shalt  }
0x5a: {  	_ =	shalt  }
0x5b: {  	_ =	shalt  }
0x5c: {  	_ =	shalt  }
0x5d: {  	_ =	shalt  }
0x5e: {  	_ =	shalt  }
0x5f: {  	_ =	shalt  }
0x60: {  	_ =	shalt  }
0x61: {  	_ =	shalt  }
0x62: {  	_ =	shalt  }
0x63: {  	_ =	shalt  }
0x64: {  	_ =	shalt  }
0x65: {  	_ =	shalt  }
0x66: {  	_ =	shalt  }
0x67: {  	_ =	shalt  }
0x68: {  	_ =	shalt  }
0x69: {  	_ =	shalt  }
0x6a: {  	_ =	shalt  }
0x6b: {  	_ =	shalt  }
0x6c: {  	_ =	shalt  }
0x6d: {  	_ =	shalt  }
0x6e: {  	_ =	shalt  }
0x6f: {  	_ =	shalt  }
0x70: {  	_ =	shalt  }
0x71: {  	_ =	shalt  }
0x72: {  	_ =	shalt  }
0x73: {  	_ =	shalt  }
0x74: {  	_ =	shalt  }
0x75: {  	_ =	shalt  }
0x76: {  	_ =	shalt  }
0x77: {  	_ =	shalt  }
0x78: {  	_ =	shalt  }
0x79: {  	_ =	shalt  }
0x7a: {  	_ =	shalt  }
0x7b: {  	_ =	shalt  }
0x7c: {  	_ =	shalt  }
0x7d: {  	_ =	shalt  }
0x7e: {  	_ =	shalt  }
0x7f: {  	_ =	shalt  }
0x80: {  	_ =	shalt  }
0x81: {  	_ =	shalt  }
0x82: {  	_ =	shalt  }
0x83: {  	_ =	shalt  }
0x84: {  	_ =	shalt  }
0x85: {  	_ =	shalt  }
0x86: {  	_ =	shalt  }
0x87: {  	_ =	shalt  }
.Lfunc_end0:
.L_simem_size_0:
called_computation.2_lowered:
.L_overlay_start_0:
0x88: {  	s2 =	sld [smem:$0x3FD9]  }
0x89: {  	s3 =	sld [smem:$0x3FFE];
	_ =	sdelay $0x1  }
0x8a: {  	s1 =	srdreg.scid  }
0x8b: {  	s0 =	sand.u32 $0x1, s1  }
0x8c: {  	s17 =	sshll.u32 s0, $0xA;
	s2 =	sadd.s32 s3, s2  }
0x8d: {  	s2 =	sadd.s32 s2, s17  }
0x8e: {  	[smem:$0x3FAD] =	sst s2  }
0x8f: {  	_ = 	snop  }
0x90: {  	s2 =	sld [smem:$0x3FD0];
	(tm) =	ssettm $0x1  }
0x91: {  	s18 =	sld [smem:$0x3FFB];
	_ =	sdelay $0x3  }
0x92: {  	_ =	strace s18  }
0x93: {  	s3 =	sld [smem:$0x3FFC];
	_ =	sdelay $0x3  }
0x94: {  	_ =	strace s3  }
0x95: {  	s3 =	sld [smem:$0x3FFD];
	_ =	sdelay $0x3  }
0x96: {  	_ =	strace s3  }
0x97: {  	_ =	strace $0x8FFFFFFF  }
0x98: {  	s19 =	sld [smem:$0x3FDB];
	_ =	sdelay $0x1  }
0x99: {  	s4 =	simm.s32 $_scs_section_size  }
0x9a: {  	s5 =	simm.s32 $_size__tile_overlayer_lowered;
	s6 =	simm.s32 $_tile_overlayer_lowered  }
0x9b: {  	s22 =	simm.s32 $0x1BFF;
	s21 =	sshll.u32 s6, $0x1;
	s3 =	sadd.s32 s4, s19  }
0x9c: {  	s7 =	simm.s32 $0x0;
	s20 =	sshll.u32 s5, $0x1;
	s5 =	sadd.s32 s21, s3  }
0x9d: {  	[timem:s7], [sflag:s22] =	dma.local [hbm:s5], s20  }
0x9e: {  	_ =	swait.ge [sflag:s22], s20  }
0x9f: {  	s4 =	ssub.s32 $0x0, s20;
	[sflag:s22] =	ssyncset.done $0x0  }
0xa0: {  	[sflag:s22] =	ssyncadd.s32 s4;
	_ =	sdelay $0x1  }
0xa1: {  	s23 =	simm.s32 $0x1B8B  }
0xa2: {  	_ =	swait.ge [sflag:s23], $0x1  }
0xa3: {  	[sflag:s23] =	ssyncset.done $0x0  }
0xa4: {  	s25 =	simm.s32 $0x1B8E;
	s24 =	sld [smem:$0x3FFE];
	[sflag:s23] =	ssyncadd.s32 $0xFFFFFFFF  }
0xa5: {  	s26 =	simm.s32 $execute0_lowered;
	[smem:$0x3FD2] =	sst s25  }
0xa6: {  	s5 =	sshll.u32 s26, $0x1;
	_ =	strace $0x8000004C;
	[dreg:$0x1] =	wrdreg $0xFFFFFFFF  }
0xa7: {  	s28 =	simm.s32 $_size_execute0_lowered;
	s3 =	sadd.s32 s3, s5;
	[dreg:$0x0] =	wrdreg $0x0  }
0xa8: {  	s5 =	sshll.u32 s28, $0x1;
	[dreg:$0x2] =	wrdreg s3  }
0xa9: {  	[dreg:$0x3] =	wrdreg s5  }
0xaa: {  	[dreg:$0x4] =	wrdreg $0xC0  }
0xab: {  	_ =	task [dreg:s7], $0x5FFFF  }
0xac: {  	[dreg:$0x1] =	wrdreg $0xFFFFFFFF  }
0xad: {  	[dreg:$0x0] =	wrdreg $0x60  }
0xae: {  	[dreg:$0x2] =	wrdreg s2  }
0xaf: {  	[dreg:$0x3] =	wrdreg s24  }
0xb0: {  	[dreg:$0x4] =	wrdreg $0xA4000  }
0xb1: {  	[dreg:$0x5] =	wrdreg $0x9  }
0xb2: {  	_ =	task.clear_ibuf [dreg:s7], $0x6FFFF;
	_ =	strace $0x9000004C  }
0xb3: {  	s29 =	simm.s32 $0x9;
	_ =	strace $0x8000004E  }
0xb4: {  	_ =	swait.ge [sflag:s29], $0x1  }
0xb5: {  	[sflag:s29] =	ssyncadd.s32 $0xFFFFFFFF  }
0xb6: {  	_ =	strace $0x9000004E  }
0xb7: {  	_ =	sfence  }
0xb8: {  	s30 =	sld [smem:$0x0];
	_ =	sdelay $0x2  }
0xb9: {  	s31 =	sshll.u32 s1, $0xD;
	s1 =	sshrl.u32 s1, $0x2  }
0xba: {  	s3 =	sand.u32 $0x4000, s31;
	s1 =	sadd.s32 s1, s30  }
0xbb: {  	s0 =	sor.u32 s3, s0;
	s1 =	sshll.u32 s1, $0x11  }
0xbc: {  	s0 =	sor.u32 s1, s0  }
0xbd: {  	s0 =	sadd.s32 $0x8F2B, s0  }
0xbe: {  	[sflag:s0] =	ssyncadd.remote.s32 $0x1  }
0xbf: {  	_ =	sfence.sel $0xFFFF  }
0xc0: {  	[dreg:$0x0] =	wrdreg $0xFFFFFFFF;
	(pc) =	sbr.abs _section_cstart, $3  }
0xc1: {  	[dreg:$0x1] =	wrdreg $0xFFFFFFFF  }
0xc2: {  	_ =	task.clear_ibuf [dreg:s7], $0x2FFFF;
	_ =	strace $0x9FFFFFFF  }
0xc3: {  	(tm) =	ssettm $0x7FFFFFFF  }
tec
execute0_lowered:
.L_overlay_start_1:
0x0: {  	(tag) =	ssettag $0x1  }
0x1: {  	s1 =	rddreg [dreg:$0x0]  }
0x2: {  	s0 =	rddreg [dreg:$0x1]  }
0x3: {  	s2 =	rddreg [dreg:$0x2]  }
0x4: {  	s3 =	srdreg.scid;
	s14 =	stileid.u32  }
0x5: {  	s4 =	simm.s32 $0x0;
	s3 =	sand.u32 $0x1, s3;
	s22 =	smul.u32 $0x4E000, s14  }
0x6: {  	s5 =	sshll.u32 s14, $0x1;
	[smem:$0x7FF] =	sst s4;
	s24 =	smul.u32 $0x13800, s14  }
0x7: {  	s6 =	sadd.s32 $0xE400, s0;
	s7 =	sadd.s32 $0x4600, s0;
	s26 =	smul.u32 $0x4E20, s14  }
0x8: {  	s0 =	sadd.s32 $0x18200, s0;
	p0 =	sne.s32 s14, $0x0;
	s11 =	smul.u32 $0x138800, s3  }
0x9: {  	s5 =	sor.u32 s3, s5;
	s8 =	ssub.s32 $0x2, s3;
	s3 =	smul.u32 $0x2710, s3  }
0xa: {  	s14 =	simm.s32 $0x7C00;
	s5 =	smul.u32 $0x2710, s5;
	s9 =	sshrl.u32 s8, $0x1  }
0xb: {  	_ =	strace $0x8000004D;
	s8 =	ssub.s32 s8, s9;
	s3 =	sadd.s32 s3, s26  }
0xc: {  	s29 =	sshrl.u32 s11, $0x3;
	s5 =	sshrl.u32 s5, $0x3;
	s30 =	sshrl.u32 s3, $0x3  }
0xd: {  	s19 =	sadd.s32 s6, s5;
	s20 =	sadd.s32 $0xA, s5;
	s10 =	sadd.s32 s7, s5  }
0xe: {  	s23 =	sadd.s32 $0x14, s5;
	s5 =	sadd.s32 $0x1E, s5;
	[dreg:$0x4] =	wrdreg s19  }
0xf: {  	s15 =	sadd.s32 s30, s7;
	[dreg:$0x5] =	wrdreg s10;
	s21 =	sadd.s32 s6, s20  }
0x10: {  	s16 =	sadd.s32 s30, s6;
	s9 =	sadd.s32 s7, s20;
	[dreg:$0x6] =	wrdreg s21  }
0x11: {  	s12 =	sadd.s32 s6, s23;
	s25 =	sadd.s32 s6, s5;
	[dreg:$0x7] =	wrdreg s9  }
0x12: {  	s10 =	sshrl.u32 s22, $0x2;
	s5 =	sadd.s32 s7, s5;
	[dreg:$0x8] =	wrdreg s12  }
0x13: {  	s9 =	sadd.s32 s7, s23;
	[dreg:$0xa] =	wrdreg s25;
	s12 =	sadd.s32 s24, s11  }
0x14: {  	[dreg:$0xb] =	wrdreg s5;
	s31 =	sadd.s32 s10, s2;
	s11 =	sadd.s32 $0xA0, s3  }
0x15: {  	s23 =	smax.u32 s8, $0x1;
	s8 =	simm.s32 $0x1;
	[dreg:$0x9] =	wrdreg s9  }
0x16: {  	s28 =	sshrl.u32 s12, $0x3;
	s9 =	sadd.s32 $0xF0, s3;
	s3 =	sadd.s32 $0x50, s3  }
0x17: {  	s12 =	sshrl.u32 s11, $0x3;
	s13 =	sadd.s32 $0x2800, s31;
	[dreg:$0xf] =	wrdreg s23  }
0x18: {  	s24 =	sadd.s32 $0x5000, s31;
	s25 =	sadd.s32 $0x7800, s31;
	s26 =	sadd.s32 $0xA000, s31  }
0x19: {  	s30 =	sadd.s32 $0x11800, s31;
	s11 =	simm.s32 $0x2;
	[dreg:$0x16] =	wrdreg s31  }
0x1a: {  	s23 =	simm.s32 $0x9;
	s5 =	sadd.s32 s0, s28;
	[dreg:$0xd] =	wrdreg s13  }
0x1b: {  	s0 =	sadd.s32 s0, s29;
	s10 =	sshrl.u32 s9, $0x3;
	[dreg:$0x10] =	wrdreg s24  }
0x1c: {  	s3 =	sshrl.u32 s3, $0x3;
	s19 =	sadd.s32 s12, s7;
	[dreg:$0x11] =	wrdreg s25  }
0x1d: {  	s20 =	sadd.s32 s12, s6;
	[dreg:$0x12] =	wrdreg s26;
	s28 =	sadd.s32 $0xC800, s31  }
0x1e: {  	s29 =	sadd.s32 $0xF000, s31;
	[dreg:$0x15] =	wrdreg s30;
	s13 =	simm.s32 $0x100  }
0x1f: {  	s9 =	simm.s32 $0x50;
	s12 =	simm.s32 $0x3;
	s24 =	simm.s32 $0x5  }
.Ltmp0:
0x20: {  	s25 =	simm.s32 $0x0;
	[dreg:$0xc] =	wrdreg s5;
	(pc) =	sbr.rel .LBB2_1-.Ltmp0, $4  }
0x21: {  	s17 =	sadd.s32 s10, s7;
	s18 =	sadd.s32 s10, s6;
	s21 =	sadd.s32 s3, s7  }
0x22: {  	s22 =	sadd.s32 s3, s6;
	s0 =	sadd.s32 $0x27000, s0;
	[dreg:$0x13] =	wrdreg s28  }
0x23: {  	[dreg:$0x14] =	wrdreg s29;
	s7 =	sadd.s32 $0x138000, s2;
	s5 =	simm.s32 $0x200  }
0x24: {  	v0 =	vimm.f32 $0.0e+00;
	s3 =	simm.s32 $0x80;
	s10 =	simm.s32 $0x400;
	[dreg:$0xe] =	wrdreg s0  }
.LBB2_6:
0x25: {  	s0 =	stileid.u32;
	[bflag:$0x0] =	sbarrier.arrive $0xFFFF  }
0x26: {  	s0 =	sshll.u32 s0, $0x6;
	s31 =	rddreg [dreg:$0x16]  }
0x27: {  	s6 =	rddreg [dreg:$0xc];
	s0 =	sor.u32 $0x1C09, s0;
	s3 =	sshrl.u32 s31, $0x3  }
0x28: {  	[hbm:s6], [sflag:s0] =	dma.local [spmem:s3], $0x2700  }
0x29: {  	_ =	swait.ge [sflag:s23], $0x2700  }
0x2a: {  	[sflag:s23] =	ssyncset.done $0x0  }
0x2b: {  	s3 =	sshrl.u32 @!p0 s13, $0x3;
	s6 =	rddreg [dreg:$0xe];
	[sflag:s23] =	ssyncadd.s32 $0xFFFFD900  }
0x2c: {  	[hbm:s6], [sflag:s0] =	dma.local @!p0 [spmem:s3], $0x100  }
0x2d: {  	s0 =	simm.s32 @!p0 $0x9  }
0x2e: {  	_ =	swait.ge @!p0 [sflag:s0], $0x100  }
0x2f: {  	s25 =	sadd.s32 $0x1, s25;
	s30 =	rddreg [dreg:$0xf]  }
0x30: {  	p1 =	sne.s32 s25, s30  }
.Ltmp1:
0x31: {  	_ = 	snop;
	(pc) =	sbr.rel @!p1 .LBB2_7-.Ltmp1, $3  }
0x32: {  	_ =	sdelay $0x1  }
0x33: {  	s7 =	smov.u32 s13;
	[sflag:s0] =	ssyncset.done @!p0 $0x0  }
0x34: {  	s13 =	simm.s32 $0x100;
	s3 =	simm.s32 $0x80;
	[sflag:s0] =	ssyncadd.s32 @!p0 $0xFFFFFF00  }
.LBB2_1:
0x35: {  	s0 =	rddreg [dreg:$0x4]  }
0x36: {  	[tilespmem:s4], [sflag:$0x1] =	stream.linear.gather [hbm4b:s0+s4], $0x50, $0x38;
	[tilespmem:$0x1DC80] =	vst v63  }
0x37: {  	s6 =	rddreg [dreg:$0x5]  }
0x38: {  	[tilespmem:s5], [sflag:$0x1] =	stream.linear.gather [hbm4b:s6+s4], $0x50, $0x38;
	[tilespmem:$0x1DC80] =	vst v63  }
0x39: {  	s26 =	rddreg [dreg:$0x6]  }
0x3a: {  	[tilespmem:s3], [sflag:$0x2] =	stream.linear.gather [hbm4b:s26+s4], $0x50, $0x38;
	[tilespmem:$0x1DC80] =	vst v63  }
0x3b: {  	s30 =	rddreg [dreg:$0x7];
	s6 =	simm.s32 $0x280  }
0x3c: {  	[tilespmem:s6], [sflag:$0x2] =	stream.linear.gather [hbm4b:s30+s4], $0x50, $0x38;
	[tilespmem:$0x1DC80] =	vst v63  }
0x3d: {  	s6 =	rddreg [dreg:$0x8]  }
0x3e: {  	[tilespmem:s13], [sflag:$0x3] =	stream.linear.gather [hbm4b:s6+s4], $0x50, $0x38;
	[tilespmem:$0x1DC80] =	vst v63  }
0x3f: {  	s26 =	rddreg [dreg:$0x9];
	s30 =	simm.s32 $0x300  }
0x40: {  	[tilespmem:s30], [sflag:$0x3] =	stream.linear.gather [hbm4b:s26+s4], $0x50, $0x38;
	[tilespmem:$0x1DC80] =	vst v63  }
0x41: {  	s26 =	rddreg [dreg:$0xa];
	s30 =	simm.s32 $0x180  }
0x42: {  	[tilespmem:s30], [sflag:$0x4] =	stream.linear.gather [hbm4b:s26+s4], $0x50, $0x38;
	[tilespmem:$0x1DC80] =	vst v63  }
0x43: {  	s26 =	rddreg [dreg:$0xb];
	s30 =	simm.s32 $0x380  }
0x44: {  	[tilespmem:s30], [sflag:$0x4] =	stream.linear.gather [hbm4b:s26+s4], $0x50, $0x38;
	[tilespmem:$0x1DC80] =	vst v63  }
0x45: {  	s26 =	sand.u32 $0xFE00, s4  }
0x46: {  	s28 =	sand.u32 $0x70, s4;
	s29 =	sshrl.u32 s26, $0x2  }
0x47: {  	s26 =	simm.s32 $0x40;
	s29 =	sor.u32 s28, s29;
	s28 =	simm.s32 $0x0  }
.LBB2_2:
0x48: {  	p1 =	sne.s32 s26, $0x9FC0  }
0x49: {  	[tilespmem:s29+$0x7C00] =	vst v0;
	s28 =	sadd.s32 $0x10, s28;
	s29 =	smov.u32 s26;
	s26 =	sadd.s32 $0x40, s26  }
.Ltmp2:
0x4a: {  	(pc) =	sbr.rel @p1 .LBB2_2-.Ltmp2, $4  }
0x4b: {  	_ = 	snop  }
0x4c: {  	s29 =	sand.u32 $0xFE00, s29  }
0x4d: {  	s30 =	sand.u32 $0x70, s28;
	s29 =	sshrl.u32 s29, $0x2  }
0x4e: {  	s29 =	sor.u32 s30, s29  }
0x4f: {  	[tilespmem:s29+$0x7C00] =	vst v0  }
0x50: {  	_ =	swait.ge [sflag:s8], $0x50  }
0x51: {  	[sflag:s8] =	ssyncset.done $0x0  }
0x52: {  	[sflag:s8] =	ssyncadd.s32 $0xFFFFFFB0  }
0x53: {  	_ =	swait.ge [sflag:s8], $0x50  }
0x54: {  	[sflag:s8] =	ssyncset.done $0x0  }
0x55: {  	[sflag:s8] =	ssyncadd.s32 $0xFFFFFFB0  }
0x56: {  	[tilespmem:s10], [sflag:$0x5] =	stream.indirect.gather [hbm4b:s1+s9], $0x80, s4, s9, $0xb8;
	[tilespmem:$0x1DC80] =	vst v63  }
0x57: {  	_ =	swait.ge [sflag:s11], $0x50  }
0x58: {  	[sflag:s11] =	ssyncset.done $0x0  }
0x59: {  	[sflag:s11] =	ssyncadd.s32 $0xFFFFFFB0  }
0x5a: {  	_ =	swait.ge [sflag:s11], $0x50  }
0x5b: {  	[sflag:s11] =	ssyncset.done $0x0  }
0x5c: {  	s0 =	simm.s32 $0x2C00;
	[sflag:s11] =	ssyncadd.s32 $0xFFFFFFB0  }
0x5d: {  	[tilespmem:s0], [sflag:$0x6] =	stream.indirect.gather [hbm4b:s1+s9], $0x80, s3, s9, $0xb8;
	[tilespmem:$0x1DC80] =	vst v63  }
0x5e: {  	_ =	swait.ge [sflag:s12], $0x50  }
0x5f: {  	[sflag:s12] =	ssyncset.done $0x0  }
0x60: {  	[sflag:s12] =	ssyncadd.s32 $0xFFFFFFB0  }
0x61: {  	_ =	swait.ge [sflag:s12], $0x50  }
0x62: {  	[sflag:s12] =	ssyncset.done $0x0  }
0x63: {  	s30 =	simm.s32 $0x5400;
	[sflag:s12] =	ssyncadd.s32 $0xFFFFFFB0  }
0x64: {  	[tilespmem:s30], [sflag:$0x7] =	stream.indirect.gather [hbm4b:s1+s9], $0x80, s13, s9, $0xb8;
	[tilespmem:$0x1DC80] =	vst v63  }
0x65: {  	_ = 	snop  }
0x66: {  	[spmem:s31] =	stream.linear.scatter [tilespmem:s14], [sflag:$0x9], $0x2800, $0x38;
	[tilespmem:$0x1DC80] =	vst v63  }
0x67: {  	_ =	swait.ge [sflag:s23], $0x2800  }
0x68: {  	[sflag:s23] =	ssyncset.done $0x0  }
0x69: {  	s31 =	rddreg [dreg:$0xd];
	[sflag:s23] =	ssyncadd.s32 $0xFFFFD800  }
0x6a: {  	[spmem:s31] =	stream.linear.scatter [tilespmem:s14], [sflag:$0x9], $0x2800, $0x38;
	[tilespmem:$0x1DC80] =	vst v63  }
0x6b: {  	_ =	swait.ge [sflag:s23], $0x2800  }
0x6c: {  	[sflag:s23] =	ssyncset.done $0x0  }
0x6d: {  	s3 =	rddreg [dreg:$0x10];
	[sflag:s23] =	ssyncadd.s32 $0xFFFFD800  }
0x6e: {  	[spmem:s3] =	stream.linear.scatter [tilespmem:s14], [sflag:$0x9], $0x2800, $0x38;
	[tilespmem:$0x1DC80] =	vst v63  }
0x6f: {  	_ =	swait.ge [sflag:s23], $0x2800  }
0x70: {  	[sflag:s23] =	ssyncset.done $0x0  }
0x71: {  	s6 =	rddreg [dreg:$0x11];
	[sflag:s23] =	ssyncadd.s32 $0xFFFFD800  }
0x72: {  	[spmem:s6] =	stream.linear.scatter [tilespmem:s14], [sflag:$0x9], $0x2800, $0x38;
	[tilespmem:$0x1DC80] =	vst v63  }
0x73: {  	_ =	swait.ge [sflag:s23], $0x2800  }
0x74: {  	[sflag:s23] =	ssyncset.done $0x0  }
0x75: {  	s13 =	rddreg [dreg:$0x12];
	[sflag:s23] =	ssyncadd.s32 $0xFFFFD800  }
0x76: {  	[spmem:s13] =	stream.linear.scatter [tilespmem:s14], [sflag:$0x9], $0x2800, $0x38;
	[tilespmem:$0x1DC80] =	vst v63  }
0x77: {  	_ =	swait.ge [sflag:s23], $0x2800  }
0x78: {  	[sflag:s23] =	ssyncset.done $0x0  }
0x79: {  	s26 =	rddreg [dreg:$0x13];
	[sflag:s23] =	ssyncadd.s32 $0xFFFFD800  }
0x7a: {  	[spmem:s26] =	stream.linear.scatter [tilespmem:s14], [sflag:$0x9], $0x2800, $0x38;
	[tilespmem:$0x1DC80] =	vst v63  }
0x7b: {  	_ =	swait.ge [sflag:s23], $0x2800  }
0x7c: {  	[sflag:s23] =	ssyncset.done $0x0  }
0x7d: {  	s30 =	rddreg [dreg:$0x14];
	[sflag:s23] =	ssyncadd.s32 $0xFFFFD800  }
0x7e: {  	[spmem:s30] =	stream.linear.scatter [tilespmem:s14], [sflag:$0x9], $0x2800, $0x38;
	[tilespmem:$0x1DC80] =	vst v63  }
0x7f: {  	_ =	swait.ge [sflag:s23], $0x2800  }
0x80: {  	[sflag:s23] =	ssyncset.done $0x0  }
0x81: {  	s31 =	rddreg [dreg:$0x15];
	[sflag:s23] =	ssyncadd.s32 $0xFFFFD800  }
0x82: {  	[spmem:s31] =	stream.linear.scatter [tilespmem:s14], [sflag:$0x9], $0x2000, $0x38;
	[tilespmem:$0x1DC80] =	vst v63  }
0x83: {  	_ =	swait.ge [sflag:s23], $0x2000  }
0x84: {  	[sflag:s23] =	ssyncset.done $0x0  }
0x85: {  	s26 =	simm.s32 @!p0 $0x7C00;
	[sflag:s23] =	ssyncadd.s32 $0xFFFFE000  }
0x86: {  	[spmem:s7] =	stream.linear.scatter @!p0 [tilespmem:s26], [sflag:$0x9], $0x800, $0x38;
	[tilespmem:$0x1DC80] =	vst v63  }
0x87: {  	s26 =	simm.s32 @!p0 $0x9  }
0x88: {  	_ =	swait.ge @!p0 [sflag:s26], $0x800  }
0x89: {  	[sflag:s26] =	ssyncset.done @!p0 $0x0  }
0x8a: {  	s28 =	simm.s32 $0x3;
	s29 =	simm.s32 $0x0;
	[sflag:s26] =	ssyncadd.s32 @!p0 $0xFFFFF800  }
0x8b: {  	s13 =	smov.u32 s7;
	s26 =	simm.s32 $0x0;
	[bflag:$0x0] =	sbarrier.arrive $0xFFFF  }
.LBB2_4:
0x8c: {  	s30 =	sadd.s32 $0xFFFFFFF9, s28  }
0x8d: {  	p1 =	sgt.u32 s30, $0x78  }
0x8e: {  	s30 =	sadd.s32 @!p1 s26, s16;
	s6 =	simm.s32 @!p1 $0x0  }
0x8f: {  	[tilespmem:s6], [sflag:$0x1] =	stream.linear.gather @!p1 [hbm4b:s30+s6], $0x50, $0x38;
	[tilespmem:$0x1DC80] =	vst v63  }
0x90: {  	s31 =	simm.s32 @!p1 $0x200;
	s30 =	sadd.s32 @!p1 s26, s15  }
0x91: {  	[tilespmem:s31], [sflag:$0x1] =	stream.linear.gather @!p1 [hbm4b:s30+s6], $0x50, $0x38;
	[tilespmem:$0x1DC80] =	vst v63  }
0x92: {  	s30 =	simm.s32 @!p1 $0x4  }
0x93: {  	_ =	swait.ge @!p1 [sflag:s30], $0x50  }
0x94: {  	[sflag:s30] =	ssyncset.done @!p1 $0x0  }
0x95: {  	[sflag:s30] =	ssyncadd.s32 @!p1 $0xFFFFFFB0  }
0x96: {  	s3 =	sadd.s32 $0xFFFFFFFA, s28;
	_ =	swait.ge @!p1 [sflag:s30], $0x50  }
0x97: {  	p2 =	sgt.u32 s3, $0x7C;
	s0 =	simm.s32 @!p1 $0x180;
	[sflag:s30] =	ssyncset.done @!p1 $0x0  }
0x98: {  	s7 =	simm.s32 @!p1 $0x7C00;
	[sflag:s30] =	ssyncadd.s32 @!p1 $0xFFFFFFB0;
	s30 =	simm.s32 @!p1 $0x50  }
0x99: {  	[tilespmem:s7], [sflag:$0x8] =	stream.indirect.gather @!p1 [hbm4b:s1+s30], $0x80, s0, s30, $0xb8;
	[tilespmem:$0x1DC80] =	vst v63  }
0x9a: {  	s0 =	simm.s32 @!p2 $0x6  }
0x9b: {  	_ =	swait.ge @!p2 [sflag:s0], $0x2800  }
0x9c: {  	s31 =	simm.s32 @!p2 $0x2C00;
	[sflag:s0] =	ssyncset.done @!p2 $0x0  }
0x9d: {  	s7 =	simm.s32 @!p2 $0x280;
	[sflag:s0] =	ssyncadd.s32 @!p2 $0xFFFFD800;
	s0 =	simm.s32 @!p2 $0x50  }
0x9e: {  	[spmem:s2] =	stream.indirect.scatter.add.f32 @!p2 [tilespmem:s31], [sflag:$0xA], $0x80, s7, s0, $0xb8;
	[tilespmem:$0x1DC80] =	vst v63  }
0x9f: {  	s3 =	sadd.s32 $0xFFFFFFFE, s28;
	s0 =	simm.s32 @!p2 $0xA  }
0xa0: {  	p3 =	sne.s32 s26, $0x0;
	p4 =	slt.u32 s3, $0x7D;
	_ =	swait.ge @!p2 [sflag:s0], $0x2800  }
0xa1: {  	p3 =	por !p3, !p4;
	[sflag:s0] =	ssyncset.done @!p2 $0x0  }
0xa2: {  	[sflag:s0] =	ssyncadd.s32 @!p2 $0xFFFFD800;
	p2 =	por !p3, !p3  }
0xa3: {  	s0 =	sadd.s32 @p2 s26, s22;
	s7 =	simm.s32 @p2 $0x0;
	s31 =	simm.s32 @p2 $0x80  }
0xa4: {  	[tilespmem:s31], [sflag:$0x2] =	stream.linear.gather @p2 [hbm4b:s0+s7], $0x50, $0x38;
	[tilespmem:$0x1DC80] =	vst v63  }
0xa5: {  	s3 =	simm.s32 @p2 $0x280;
	s0 =	sadd.s32 @p2 s26, s21  }
0xa6: {  	[tilespmem:s3], [sflag:$0x2] =	stream.linear.gather @p2 [hbm4b:s0+s7], $0x50, $0x38;
	[tilespmem:$0x1DC80] =	vst v63  }
0xa7: {  	s0 =	simm.s32 @!p1 $0x1  }
0xa8: {  	_ =	swait.ge @!p1 [sflag:s0], $0x50  }
0xa9: {  	[sflag:s0] =	ssyncset.done @!p1 $0x0  }
0xaa: {  	[sflag:s0] =	ssyncadd.s32 @!p1 $0xFFFFFFB0  }
0xab: {  	_ =	swait.ge @!p1 [sflag:s0], $0x50  }
0xac: {  	[sflag:s0] =	ssyncset.done @!p1 $0x0  }
0xad: {  	s7 =	sadd.s32 $0xFFFFFFFB, s28;
	[sflag:s0] =	ssyncadd.s32 @!p1 $0xFFFFFFB0;
	s0 =	simm.s32 @!p1 $0x400  }
0xae: {  	[tilespmem:s0], [sflag:$0x5] =	stream.indirect.gather @!p1 [hbm4b:s1+s30], $0x80, s6, s30, $0xb8;
	[tilespmem:$0x1DC80] =	vst v63  }
0xaf: {  	p1 =	slt.u32 s7, $0x7D  }
0xb0: {  	s0 =	simm.s32 @p1 $0x7  }
0xb1: {  	_ =	swait.ge @p1 [sflag:s0], $0x2800  }
0xb2: {  	s3 =	simm.s32 @p1 $0x300;
	[sflag:s0] =	ssyncset.done @p1 $0x0  }
0xb3: {  	s6 =	simm.s32 @p1 $0x5400;
	[sflag:s0] =	ssyncadd.s32 @p1 $0xFFFFD800;
	s0 =	simm.s32 @p1 $0x50  }
0xb4: {  	[spmem:s2] =	stream.indirect.scatter.add.f32 @p1 [tilespmem:s6], [sflag:$0xA], $0x80, s3, s0, $0xb8;
	[tilespmem:$0x1DC80] =	vst v63  }
0xb5: {  	p3 =	sgt.u32 @p1 s29, $0x1E;
	s0 =	simm.s32 @p1 $0xA  }
0xb6: {  	p3 =	por p3, !p1;
	_ =	swait.ge @p1 [sflag:s0], $0x2800  }
0xb7: {  	s3 =	simm.s32 @!p3 $0x0;
	[sflag:s0] =	ssyncset.done @p1 $0x0  }
0xb8: {  	s6 =	simm.s32 @!p3 $0x100;
	[sflag:s0] =	ssyncadd.s32 @p1 $0xFFFFD800;
	s0 =	sadd.s32 @!p3 s26, s20  }
0xb9: {  	[tilespmem:s6], [sflag:$0x3] =	stream.linear.gather @!p3 [hbm4b:s0+s3], $0x50, $0x38;
	[tilespmem:$0x1DC80] =	vst v63  }
0xba: {  	s0 =	sadd.s32 @!p3 s26, s19;
	s6 =	simm.s32 @!p3 $0x300  }
0xbb: {  	[tilespmem:s6], [sflag:$0x3] =	stream.linear.gather @!p3 [hbm4b:s0+s3], $0x50, $0x38;
	[tilespmem:$0x1DC80] =	vst v63  }
0xbc: {  	s0 =	simm.s32 @p2 $0x2  }
0xbd: {  	_ =	swait.ge @p2 [sflag:s0], $0x50  }
0xbe: {  	[sflag:s0] =	ssyncset.done @p2 $0x0  }
0xbf: {  	[sflag:s0] =	ssyncadd.s32 @p2 $0xFFFFFFB0  }
0xc0: {  	_ =	swait.ge @p2 [sflag:s0], $0x50  }
0xc1: {  	s30 =	sadd.s32 $0xFFFFFFFC, s28;
	[sflag:s0] =	ssyncset.done @p2 $0x0  }
0xc2: {  	s6 =	simm.s32 @p2 $0x2C00;
	[sflag:s0] =	ssyncadd.s32 @p2 $0xFFFFFFB0;
	s0 =	simm.s32 @p2 $0x50  }
0xc3: {  	[tilespmem:s6], [sflag:$0x6] =	stream.indirect.gather @p2 [hbm4b:s1+s0], $0x80, s31, s0, $0xb8;
	[tilespmem:$0x1DC80] =	vst v63  }
0xc4: {  	p2 =	sgt.u32 s30, $0x7C  }
0xc5: {  	s0 =	simm.s32 @!p2 $0x8  }
0xc6: {  	p3 =	seq.s32 s26, $0x0;
	_ =	swait.ge @!p2 [sflag:s0], $0x2800  }
0xc7: {  	p5 =	sgt.u32 @!p3 s28, $0x7C;
	s3 =	simm.s32 @!p2 $0x380;
	[sflag:s0] =	ssyncset.done @!p2 $0x0  }
0xc8: {  	s6 =	simm.s32 @!p2 $0x7C00;
	[sflag:s0] =	ssyncadd.s32 @!p2 $0xFFFFD800;
	s0 =	simm.s32 @!p2 $0x50  }
0xc9: {  	[spmem:s2] =	stream.indirect.scatter.add.f32 @!p2 [tilespmem:s6], [sflag:$0xA], $0x80, s3, s0, $0xb8;
	[tilespmem:$0x1DC80] =	vst v63  }
0xca: {  	p5 =	por p5, p3;
	s0 =	simm.s32 @!p2 $0xA  }
0xcb: {  	s3 =	sadd.s32 @p1 $0xFFFFFFFF, s28;
	s6 =	simm.s32 @!p5 $0x180;
	_ =	swait.ge @!p2 [sflag:s0], $0x2800  }
0xcc: {  	p4 =	slt.u32 @p1 s3, $0x7D;
	s3 =	simm.s32 @!p5 $0x0;
	[sflag:s0] =	ssyncset.done @!p2 $0x0  }
0xcd: {  	[sflag:s0] =	ssyncadd.s32 @!p2 $0xFFFFD800;
	p2 =	slt.u32 @!p1 s29, $0x1F;
	s0 =	sadd.s32 @!p5 s26, s18  }
0xce: {  	[tilespmem:s6], [sflag:$0x4] =	stream.linear.gather @!p5 [hbm4b:s0+s3], $0x50, $0x38;
	[tilespmem:$0x1DC80] =	vst v63  }
0xcf: {  	p4 =	por @!p1 p2, p2  }
0xd0: {  	s0 =	sadd.s32 @!p5 s26, s17;
	s6 =	simm.s32 @!p5 $0x380;
	p1 =	por !p4, !p4  }
0xd1: {  	[tilespmem:s6], [sflag:$0x4] =	stream.linear.gather @!p5 [hbm4b:s0+s3], $0x50, $0x38;
	[tilespmem:$0x1DC80] =	vst v63  }
0xd2: {  	p1 =	por p3, p1  }
0xd3: {  	s0 =	simm.s32 @!p1 $0x3  }
0xd4: {  	_ =	swait.ge @!p1 [sflag:s0], $0x50  }
0xd5: {  	[sflag:s0] =	ssyncset.done @!p1 $0x0  }
0xd6: {  	[sflag:s0] =	ssyncadd.s32 @!p1 $0xFFFFFFB0  }
0xd7: {  	_ =	swait.ge @!p1 [sflag:s0], $0x50  }
0xd8: {  	s3 =	simm.s32 @!p1 $0x100;
	[sflag:s0] =	ssyncset.done @!p1 $0x0  }
0xd9: {  	s6 =	simm.s32 @!p1 $0x5400;
	[sflag:s0] =	ssyncadd.s32 @!p1 $0xFFFFFFB0;
	s0 =	simm.s32 @!p1 $0x50  }
0xda: {  	[tilespmem:s6], [sflag:$0x7] =	stream.indirect.gather @!p1 [hbm4b:s1+s0], $0x80, s3, s0, $0xb8;
	[tilespmem:$0x1DC80] =	vst v63  }
0xdb: {  	p1 =	seq.s32 s26, $0x500  }
.Ltmp3:
0xdc: {  	_ = 	snop;
	(pc) =	sbr.rel @p1 .LBB2_6-.Ltmp3, $1  }
0xdd: {  	_ =	sdelay $0x3  }
0xde: {  	_ =	swait.ge [sflag:s24], $0x2800  }
0xdf: {  	[sflag:s24] =	ssyncset.done $0x0  }
.Ltmp4:
0xe0: {  	[sflag:s24] =	ssyncadd.s32 $0xFFFFD800;
	(pc) =	sbr.rel .LBB2_4-.Ltmp4, $4  }
0xe1: {  	[spmem:s2] =	stream.indirect.scatter.add.f32 [tilespmem:s10], [sflag:$0x9], $0x80, s5, s9, $0xb8;
	[tilespmem:$0x1DC80] =	vst v63  }
0xe2: {  	_ =	swait.ge [sflag:s23], $0x2800  }
0xe3: {  	s29 =	sadd.s32 $0x1, s29;
	[sflag:s23] =	ssyncset.done $0x0  }
0xe4: {  	s26 =	sadd.s32 $0x28, s26;
	s28 =	sadd.s32 $0x4, s28;
	[sflag:s23] =	ssyncadd.s32 $0xFFFFD800  }
.LBB2_7:
0xe5: {  	_ =	sfence.sel $0x180000  }
0xe6: {  	[bflag:$0x0] =	sbarrier.arrive $0xFFFF  }
0xe7: {  	_ =	strace $0x9000004D  }
0xe8: {  	[bflag:$0x2] =	sbarrier.arrive $0xFFFF  }
0xe9: {  	s0 =	rddreg [dreg:$0x3]  }
0xea: {  	s0 =	sadd.s32 @!p0 $0x100000, s0  }
0xeb: {  	[sflag:s0] =	ssyncadd.tile.s32 @!p0 $0x1;
	_ =	shalt  }
.Lfunc_end2:
_tile_overlayer_lowered:
.L_overlay_start_2:
0xec: {  	(tag) =	ssettag $0x2  }
0xed: {  	s0 =	rddreg [dreg:$0x0];
	s2 =	stileid.u32  }
0xee: {  	s1 =	rddreg [dreg:$0x1];
	p0 =	sne.s32 s2, $0x0  }
0xef: {  	s3 =	rddreg [dreg:$0x2];
	[bflag:$0x3] =	sbarrier.arrive $0xFFFF;
	s2 =	simm.s32 @!p0 $0x1C09  }
0xf0: {  	[timem:s3], [sflag:s2] =	dma.local @!p0 [hbm:s0], s1  }
0xf1: {  	s0 =	simm.s32 @!p0 $0x9  }
0xf2: {  	_ =	swait.ge @!p0 [sflag:s0], s1  }
0xf3: {  	s1 =	ssub.s32 @!p0 $0x0, s1;
	[sflag:s0] =	ssyncset.done @!p0 $0x0  }
0xf4: {  	[sflag:s0] =	ssyncadd.s32 @!p0 s1  }
0xf5: {  	[bflag:$0x3] =	sbarrier.arrive $0xFFFF  }
0xf6: {  	_ =	shalt  }

// kernel: kernel.8.cloned.1.call-start
scs
__scs_entry_jumppad:
0x0: {  	(pc) =	sbr.rel $0x88, $3  }
0x1: {  	(tag) =	ssettag $0x0;
	lr =	simm.s32 $0x1  }
0x2: {  	[smem:$0x3F86] =	sst lr;
	_ =	strace $0xD0000000  }
0x3: {  	_ = 	snop  }
0x4: {  	_ = 	snop  }
0x5: {  	_ = 	snop  }
0x6: {  	_ = 	snop  }
0x7: {  	_ = 	snop  }
__scs_overlays_trampoline_lowered:
0x8: {  	[smem:$0x3F95] =	sst s0  }
0x9: {  	[smem:$0x3F96] =	sst s1  }
0xa: {  	[smem:$0x3F97] =	sst s2  }
0xb: {  	[smem:$0x3F98] =	sst s3  }
0xc: {  	[smem:$0x3F99] =	sst s4  }
0xd: {  	[smem:$0x3F9A] =	sst s5  }
0xe: {  	[smem:$0x3F9B] =	sst s6  }
0xf: {  	[smem:$0x3F9C] =	sst s7  }
0x10: {  	[smem:$0x3F9D] =	sst s8  }
0x11: {  	[smem:$0x3F9E] =	sst s9;
	s0 =	simm.s32 @!p0 $0x0  }
0x12: {  	s1 =	sld [smem:$0x3F84];
	s0 =	simm.s32 @p0 $0x1  }
0x13: {  	[smem:$0x3F9F] =	sst s0;
	s0 =	simm.s32 @!p1 $0x0  }
0x14: {  	s2 =	sld [smem:$0x3F83];
	s0 =	simm.s32 @p1 $0x1  }
0x15: {  	[smem:$0x3FA0] =	sst s0;
	s0 =	simm.s32 @!p2 $0x0  }
0x16: {  	s3 =	sld [smem:$0x3FDB];
	s0 =	simm.s32 @p2 $0x1  }
0x17: {  	s4 =	simm.s32 $0x1BF5;
	[smem:$0x3FA2] =	sst s0  }
0x18: {  	s0 =	sld [smem:$0x3F85];
	_ =	swait.ge [sflag:s4], $0x0  }
0x19: {  	s7 =	sld [smem:$0x3F86]  }
0x1a: {  	s8 =	sadd.s32 $0xFFFFE003, lr  }
0x1b: {  	s9 =	sadd.s32 $0xFFFFFEF7, lr;
	s5 =	simm.s32 $0xFFFFFFFF;
	p2 =	slt.u32 s8, $0xFFFFF086  }
0x1c: {  	p1 =	slt.u32 s9, $0xF7A;
	s5 =	simm.s32 @!p2 $0x0  }
0x1d: {  	s5 =	simm.s32 @p1 $0x1;
	p0 =	seq.s32 s7, s2  }
0x1e: {  	s7 =	smul.u32 @!p0 $0xF7A, s2;
	p2 =	seq.s32 @!p0 s5, $0x0  }
0x1f: {  	s9 =	smul.u32 $0xF7A, s1;
	s8 =	simm.s32 @!p0 $0x1BF5;
	p2 =	por !p2, p0  }
0x20: {  	[sflag:s8] =	ssyncset.s32 @!p0 $0xFFFFF086;
	s6 =	sadd.s32 @!p0 s3, s7;
	s7 =	simm.s32 @!p0 $0x108  }
0x21: {  	s3 =	sadd.s32 s3, s9;
	s6 =	sadd.s32 @!p0 $0x88, s6;
	s7 =	simm.s32 @p2 $0x1082  }
0x22: {  	[simem:s7], [sflag:s8] =	dma.local @!p0 [hbm:s6], $0xF7A  }
0x23: {  	s9 =	sor.u32 $0xD0000000, s2;
	s6 =	simm.s32 $0x108;
	_ =	swait.ge @!p0 [sflag:s8], $0x0  }
0x24: {  	s3 =	sadd.s32 $0x88, s3;
	s6 =	simm.s32 @!p1 $0x1082;
	[sflag:s4] =	ssyncset.s32 $0xFFFFF086  }
0x25: {  	[simem:s6], [sflag:s4] =	dma.local [hbm:s3], $0xF7A  }
0x26: {  	[smem:$0x3F86] =	sst s1;
	(tag) =	ssettag s2;
	_ =	strace s9  }
0x27: {  	s1 =	sld [smem:$0x3F96]  }
0x28: {  	s2 =	sld [smem:$0x3F97]  }
0x29: {  	s4 =	sld [smem:$0x3F99]  }
0x2a: {  	p0 =	seq.s32 s5, $0x0;
	s5 =	sld [smem:$0x3F9A]  }
0x2b: {  	s6 =	sld [smem:$0x3F9B]  }
0x2c: {  	s7 =	sld [smem:$0x3F9C]  }
0x2d: {  	s3 =	simm.s32 $0x108;
	s8 =	sld [smem:$0x3F9D]  }
0x2e: {  	s3 =	simm.s32 @!p0 $0x1082;
	s9 =	sld [smem:$0x3F9E]  }
0x2f: {  	lr =	sadd.s32 s0, s3;
	s0 =	sld [smem:$0x3F95]  }
0x30: {  	s3 =	sld [smem:$0x3F98]  }
0x31: {  	[smem:$0x3FA1] =	sst s10  }
0x32: {  	s10 =	sld [smem:$0x3F9F];
	_ =	sdelay $0x3  }
0x33: {  	p0 =	seq.s32 s10, $0x1;
	s10 =	sld [smem:$0x3FA1];
	_ =	sdelay $0x3  }
0x34: {  	[smem:$0x3FA1] =	sst s10  }
0x35: {  	s10 =	sld [smem:$0x3FA0];
	_ =	sdelay $0x3  }
0x36: {  	p1 =	seq.s32 s10, $0x1;
	s10 =	sld [smem:$0x3FA1];
	_ =	sdelay $0x3  }
0x37: {  	[smem:$0x3FA1] =	sst s10  }
0x38: {  	s10 =	sld [smem:$0x3FA2]  }
0x39: {  	_ = 	snop;
	(pc) =	sbr.ind lr, $3  }
0x3a: {  	_ = 	snop  }
0x3b: {  	_ = 	snop  }
0x3c: {  	p2 =	seq.s32 s10, $0x1;
	s10 =	sld [smem:$0x3FA1]  }
0x3d: {  	_ =	shalt  }
0x3e: {  	_ =	shalt  }
0x3f: {  	_ =	shalt  }
0x40: {  	_ =	shalt  }
0x41: {  	_ =	shalt  }
0x42: {  	_ =	shalt  }
0x43: {  	_ =	shalt  }
0x44: {  	_ =	shalt  }
0x45: {  	_ =	shalt  }
0x46: {  	_ =	shalt  }
0x47: {  	_ =	shalt  }
0x48: {  	_ =	shalt  }
0x49: {  	_ =	shalt  }
0x4a: {  	_ =	shalt  }
0x4b: {  	_ =	shalt  }
0x4c: {  	_ =	shalt  }
0x4d: {  	_ =	shalt  }
0x4e: {  	_ =	shalt  }
0x4f: {  	_ =	shalt  }
0x50: {  	_ =	shalt  }
0x51: {  	_ =	shalt  }
0x52: {  	_ =	shalt  }
0x53: {  	_ =	shalt  }
0x54: {  	_ =	shalt  }
0x55: {  	_ =	shalt  }
0x56: {  	_ =	shalt  }
0x57: {  	_ =	shalt  }
0x58: {  	_ =	shalt  }
0x59: {  	_ =	shalt  }
0x5a: {  	_ =	shalt  }
0x5b: {  	_ =	shalt  }
0x5c: {  	_ =	shalt  }
0x5d: {  	_ =	shalt  }
0x5e: {  	_ =	shalt  }
0x5f: {  	_ =	shalt  }
0x60: {  	_ =	shalt  }
0x61: {  	_ =	shalt  }
0x62: {  	_ =	shalt  }
0x63: {  	_ =	shalt  }
0x64: {  	_ =	shalt  }
0x65: {  	_ =	shalt  }
0x66: {  	_ =	shalt  }
0x67: {  	_ =	shalt  }
0x68: {  	_ =	shalt  }
0x69: {  	_ =	shalt  }
0x6a: {  	_ =	shalt  }
0x6b: {  	_ =	shalt  }
0x6c: {  	_ =	shalt  }
0x6d: {  	_ =	shalt  }
0x6e: {  	_ =	shalt  }
0x6f: {  	_ =	shalt  }
0x70: {  	_ =	shalt  }
0x71: {  	_ =	shalt  }
0x72: {  	_ =	shalt  }
0x73: {  	_ =	shalt  }
0x74: {  	_ =	shalt  }
0x75: {  	_ =	shalt  }
0x76: {  	_ =	shalt  }
0x77: {  	_ =	shalt  }
0x78: {  	_ =	shalt  }
0x79: {  	_ =	shalt  }
0x7a: {  	_ =	shalt  }
0x7b: {  	_ =	shalt  }
0x7c: {  	_ =	shalt  }
0x7d: {  	_ =	shalt  }
0x7e: {  	_ =	shalt  }
0x7f: {  	_ =	shalt  }
0x80: {  	_ =	shalt  }
0x81: {  	_ =	shalt  }
0x82: {  	_ =	shalt  }
0x83: {  	_ =	shalt  }
0x84: {  	_ =	shalt  }
0x85: {  	_ =	shalt  }
0x86: {  	_ =	shalt  }
0x87: {  	_ =	shalt  }
.Lfunc_end0:
.L_simem_size_0:
called_computation_lowered:
.L_overlay_start_0:
0x88: {  	s2 =	sld [smem:$0x3FD9]  }
0x89: {  	s3 =	sld [smem:$0x3FFE];
	_ =	sdelay $0x1  }
0x8a: {  	s1 =	srdreg.scid  }
0x8b: {  	s0 =	sand.u32 $0x1, s1  }
0x8c: {  	s17 =	sshll.u32 s0, $0xA;
	s2 =	sadd.s32 s3, s2  }
0x8d: {  	s2 =	sadd.s32 s2, s17  }
0x8e: {  	[smem:$0x3FAD] =	sst s2  }
0x8f: {  	_ = 	snop  }
0x90: {  	s2 =	sld [smem:$0x3FC9];
	(tm) =	ssettm $0x1  }
0x91: {  	s18 =	sld [smem:$0x3FFB];
	_ =	sdelay $0x3  }
0x92: {  	_ =	strace s18  }
0x93: {  	s3 =	sld [smem:$0x3FFC];
	_ =	sdelay $0x3  }
0x94: {  	_ =	strace s3  }
0x95: {  	s3 =	sld [smem:$0x3FFD];
	_ =	sdelay $0x3  }
0x96: {  	_ =	strace s3  }
0x97: {  	_ =	strace $0x8FFFFFFF  }
0x98: {  	s19 =	sld [smem:$0x3FDB];
	_ =	sdelay $0x1  }
0x99: {  	s4 =	simm.s32 $_scs_section_size  }
0x9a: {  	s5 =	simm.s32 $_size__tile_overlayer_lowered;
	s6 =	simm.s32 $_tile_overlayer_lowered  }
0x9b: {  	s22 =	simm.s32 $0x1BFF;
	s21 =	sshll.u32 s6, $0x1;
	s3 =	sadd.s32 s4, s19  }
0x9c: {  	s7 =	simm.s32 $0x0;
	s20 =	sshll.u32 s5, $0x1;
	s5 =	sadd.s32 s21, s3  }
0x9d: {  	[timem:s7], [sflag:s22] =	dma.local [hbm:s5], s20  }
0x9e: {  	_ =	swait.ge [sflag:s22], s20  }
0x9f: {  	s4 =	ssub.s32 $0x0, s20;
	[sflag:s22] =	ssyncset.done $0x0  }
0xa0: {  	[sflag:s22] =	ssyncadd.s32 s4;
	_ =	sdelay $0x1  }
0xa1: {  	s23 =	simm.s32 $0x1B8B  }
0xa2: {  	_ =	swait.ge [sflag:s23], $0x1  }
0xa3: {  	[sflag:s23] =	ssyncset.done $0x0  }
0xa4: {  	s25 =	simm.s32 $0x1B8E;
	s24 =	sld [smem:$0x3FFE];
	[sflag:s23] =	ssyncadd.s32 $0xFFFFFFFF  }
0xa5: {  	s26 =	simm.s32 $execute0_lowered;
	[smem:$0x3FD2] =	sst s25  }
0xa6: {  	s5 =	sshll.u32 s26, $0x1;
	_ =	strace $0x80000046;
	[dreg:$0x1] =	wrdreg $0xFFFFFFFF  }
0xa7: {  	s28 =	simm.s32 $_size_execute0_lowered;
	s3 =	sadd.s32 s3, s5;
	[dreg:$0x0] =	wrdreg $0x0  }
0xa8: {  	s5 =	sshll.u32 s28, $0x1;
	[dreg:$0x2] =	wrdreg s3  }
0xa9: {  	[dreg:$0x3] =	wrdreg s5  }
0xaa: {  	[dreg:$0x4] =	wrdreg $0xC0  }
0xab: {  	_ =	task [dreg:s7], $0x5FFFF  }
0xac: {  	[dreg:$0x1] =	wrdreg $0xFFFFFFFF  }
0xad: {  	[dreg:$0x0] =	wrdreg $0x60  }
0xae: {  	[dreg:$0x2] =	wrdreg s2  }
0xaf: {  	[dreg:$0x3] =	wrdreg s24  }
0xb0: {  	[dreg:$0x4] =	wrdreg $0xA4000  }
0xb1: {  	[dreg:$0x5] =	wrdreg $0x9  }
0xb2: {  	_ =	task.clear_ibuf [dreg:s7], $0x6FFFF;
	_ =	strace $0x90000046  }
0xb3: {  	s29 =	simm.s32 $0x9;
	_ =	strace $0x80000048  }
0xb4: {  	_ =	swait.ge [sflag:s29], $0x1  }
0xb5: {  	[sflag:s29] =	ssyncadd.s32 $0xFFFFFFFF  }
0xb6: {  	_ =	strace $0x90000048  }
0xb7: {  	_ =	sfence  }
0xb8: {  	s30 =	sld [smem:$0x0];
	_ =	sdelay $0x2  }
0xb9: {  	s31 =	sshll.u32 s1, $0xD;
	s1 =	sshrl.u32 s1, $0x2  }
0xba: {  	s3 =	sand.u32 $0x4000, s31;
	s1 =	sadd.s32 s1, s30  }
0xbb: {  	s0 =	sor.u32 s3, s0;
	s1 =	sshll.u32 s1, $0x11  }
0xbc: {  	s0 =	sor.u32 s1, s0  }
0xbd: {  	s0 =	sadd.s32 $0x8F2B, s0  }
0xbe: {  	[sflag:s0] =	ssyncadd.remote.s32 $0x1  }
0xbf: {  	_ =	sfence.sel $0xFFFF  }
0xc0: {  	[dreg:$0x0] =	wrdreg $0xFFFFFFFF;
	(pc) =	sbr.abs _section_cstart, $3  }
0xc1: {  	[dreg:$0x1] =	wrdreg $0xFFFFFFFF  }
0xc2: {  	_ =	task.clear_ibuf [dreg:s7], $0x2FFFF;
	_ =	strace $0x9FFFFFFF  }
0xc3: {  	(tm) =	ssettm $0x7FFFFFFF  }
tec
execute0_lowered:
.L_overlay_start_1:
0x0: {  	(tag) =	ssettag $0x1  }
0x1: {  	s1 =	rddreg [dreg:$0x0]  }
0x2: {  	s0 =	rddreg [dreg:$0x1]  }
0x3: {  	s2 =	rddreg [dreg:$0x2]  }
0x4: {  	s3 =	srdreg.scid;
	s14 =	stileid.u32  }
0x5: {  	s4 =	simm.s32 $0x0;
	s3 =	sand.u32 $0x1, s3;
	s22 =	smul.u32 $0x4E000, s14  }
0x6: {  	s5 =	sshll.u32 s14, $0x1;
	[smem:$0x7FF] =	sst s4;
	s24 =	smul.u32 $0x13800, s14  }
0x7: {  	s6 =	sadd.s32 $0xE400, s0;
	s7 =	sadd.s32 $0x4600, s0;
	s26 =	smul.u32 $0x4E20, s14  }
0x8: {  	s0 =	sadd.s32 $0x18200, s0;
	p0 =	sne.s32 s14, $0x0;
	s11 =	smul.u32 $0x138800, s3  }
0x9: {  	s5 =	sor.u32 s3, s5;
	s8 =	ssub.s32 $0x2, s3;
	s3 =	smul.u32 $0x2710, s3  }
0xa: {  	s14 =	simm.s32 $0x7C00;
	s5 =	smul.u32 $0x2710, s5;
	s9 =	sshrl.u32 s8, $0x1  }
0xb: {  	_ =	strace $0x80000047;
	s8 =	ssub.s32 s8, s9;
	s3 =	sadd.s32 s3, s26  }
0xc: {  	s29 =	sshrl.u32 s11, $0x3;
	s5 =	sshrl.u32 s5, $0x3;
	s30 =	sshrl.u32 s3, $0x3  }
0xd: {  	s19 =	sadd.s32 s6, s5;
	s20 =	sadd.s32 $0xA, s5;
	s10 =	sadd.s32 s7, s5  }
0xe: {  	s23 =	sadd.s32 $0x14, s5;
	s5 =	sadd.s32 $0x1E, s5;
	[dreg:$0x4] =	wrdreg s19  }
0xf: {  	s15 =	sadd.s32 s30, s7;
	[dreg:$0x5] =	wrdreg s10;
	s21 =	sadd.s32 s6, s20  }
0x10: {  	s16 =	sadd.s32 s30, s6;
	s9 =	sadd.s32 s7, s20;
	[dreg:$0x6] =	wrdreg s21  }
0x11: {  	s12 =	sadd.s32 s6, s23;
	s25 =	sadd.s32 s6, s5;
	[dreg:$0x7] =	wrdreg s9  }
0x12: {  	s10 =	sshrl.u32 s22, $0x2;
	s5 =	sadd.s32 s7, s5;
	[dreg:$0x8] =	wrdreg s12  }
0x13: {  	s9 =	sadd.s32 s7, s23;
	[dreg:$0xa] =	wrdreg s25;
	s12 =	sadd.s32 s24, s11  }
0x14: {  	[dreg:$0xb] =	wrdreg s5;
	s31 =	sadd.s32 s10, s2;
	s11 =	sadd.s32 $0xA0, s3  }
0x15: {  	s23 =	smax.u32 s8, $0x1;
	s8 =	simm.s32 $0x1;
	[dreg:$0x9] =	wrdreg s9  }
0x16: {  	s28 =	sshrl.u32 s12, $0x3;
	s9 =	sadd.s32 $0xF0, s3;
	s3 =	sadd.s32 $0x50, s3  }
0x17: {  	s12 =	sshrl.u32 s11, $0x3;
	s13 =	sadd.s32 $0x2800, s31;
	[dreg:$0xf] =	wrdreg s23  }
0x18: {  	s24 =	sadd.s32 $0x5000, s31;
	s25 =	sadd.s32 $0x7800, s31;
	s26 =	sadd.s32 $0xA000, s31  }
0x19: {  	s30 =	sadd.s32 $0x11800, s31;
	s11 =	simm.s32 $0x2;
	[dreg:$0x16] =	wrdreg s31  }
0x1a: {  	s23 =	simm.s32 $0x9;
	s5 =	sadd.s32 s0, s28;
	[dreg:$0xd] =	wrdreg s13  }
0x1b: {  	s0 =	sadd.s32 s0, s29;
	s10 =	sshrl.u32 s9, $0x3;
	[dreg:$0x10] =	wrdreg s24  }
0x1c: {  	s3 =	sshrl.u32 s3, $0x3;
	s19 =	sadd.s32 s12, s7;
	[dreg:$0x11] =	wrdreg s25  }
0x1d: {  	s20 =	sadd.s32 s12, s6;
	[dreg:$0x12] =	wrdreg s26;
	s28 =	sadd.s32 $0xC800, s31  }
0x1e: {  	s29 =	sadd.s32 $0xF000, s31;
	[dreg:$0x15] =	wrdreg s30;
	s13 =	simm.s32 $0x100  }
0x1f: {  	s9 =	simm.s32 $0x50;
	s12 =	simm.s32 $0x3;
	s24 =	simm.s32 $0x5  }
.Ltmp0:
0x20: {  	s25 =	simm.s32 $0x0;
	[dreg:$0xc] =	wrdreg s5;
	(pc) =	sbr.rel .LBB2_1-.Ltmp0, $4  }
0x21: {  	s17 =	sadd.s32 s10, s7;
	s18 =	sadd.s32 s10, s6;
	s21 =	sadd.s32 s3, s7  }
0x22: {  	s22 =	sadd.s32 s3, s6;
	s0 =	sadd.s32 $0x27000, s0;
	[dreg:$0x13] =	wrdreg s28  }
0x23: {  	[dreg:$0x14] =	wrdreg s29;
	s7 =	sadd.s32 $0x138000, s2;
	s5 =	simm.s32 $0x200  }
0x24: {  	v0 =	vimm.f32 $0.0e+00;
	s3 =	simm.s32 $0x80;
	s10 =	simm.s32 $0x400;
	[dreg:$0xe] =	wrdreg s0  }
.LBB2_6:
0x25: {  	s0 =	stileid.u32;
	[bflag:$0x0] =	sbarrier.arrive $0xFFFF  }
0x26: {  	s0 =	sshll.u32 s0, $0x6;
	s31 =	rddreg [dreg:$0x16]  }
0x27: {  	s6 =	rddreg [dreg:$0xc];
	s0 =	sor.u32 $0x1C09, s0;
	s3 =	sshrl.u32 s31, $0x3  }
0x28: {  	[hbm:s6], [sflag:s0] =	dma.local [spmem:s3], $0x2700  }
0x29: {  	_ =	swait.ge [sflag:s23], $0x2700  }
0x2a: {  	[sflag:s23] =	ssyncset.done $0x0  }
0x2b: {  	s3 =	sshrl.u32 @!p0 s13, $0x3;
	s6 =	rddreg [dreg:$0xe];
	[sflag:s23] =	ssyncadd.s32 $0xFFFFD900  }
0x2c: {  	[hbm:s6], [sflag:s0] =	dma.local @!p0 [spmem:s3], $0x100  }
0x2d: {  	s0 =	simm.s32 @!p0 $0x9  }
0x2e: {  	_ =	swait.ge @!p0 [sflag:s0], $0x100  }
0x2f: {  	s25 =	sadd.s32 $0x1, s25;
	s30 =	rddreg [dreg:$0xf]  }
0x30: {  	p1 =	sne.s32 s25, s30  }
.Ltmp1:
0x31: {  	_ = 	snop;
	(pc) =	sbr.rel @!p1 .LBB2_7-.Ltmp1, $3  }
0x32: {  	_ =	sdelay $0x1  }
0x33: {  	s7 =	smov.u32 s13;
	[sflag:s0] =	ssyncset.done @!p0 $0x0  }
0x34: {  	s13 =	simm.s32 $0x100;
	s3 =	simm.s32 $0x80;
	[sflag:s0] =	ssyncadd.s32 @!p0 $0xFFFFFF00  }
.LBB2_1:
0x35: {  	s0 =	rddreg [dreg:$0x4]  }
0x36: {  	[tilespmem:s4], [sflag:$0x1] =	stream.linear.gather [hbm4b:s0+s4], $0x50, $0x38;
	[tilespmem:$0x1DC80] =	vst v63  }
0x37: {  	s6 =	rddreg [dreg:$0x5]  }
0x38: {  	[tilespmem:s5], [sflag:$0x1] =	stream.linear.gather [hbm4b:s6+s4], $0x50, $0x38;
	[tilespmem:$0x1DC80] =	vst v63  }
0x39: {  	s26 =	rddreg [dreg:$0x6]  }
0x3a: {  	[tilespmem:s3], [sflag:$0x2] =	stream.linear.gather [hbm4b:s26+s4], $0x50, $0x38;
	[tilespmem:$0x1DC80] =	vst v63  }
0x3b: {  	s30 =	rddreg [dreg:$0x7];
	s6 =	simm.s32 $0x280  }
0x3c: {  	[tilespmem:s6], [sflag:$0x2] =	stream.linear.gather [hbm4b:s30+s4], $0x50, $0x38;
	[tilespmem:$0x1DC80] =	vst v63  }
0x3d: {  	s6 =	rddreg [dreg:$0x8]  }
0x3e: {  	[tilespmem:s13], [sflag:$0x3] =	stream.linear.gather [hbm4b:s6+s4], $0x50, $0x38;
	[tilespmem:$0x1DC80] =	vst v63  }
0x3f: {  	s26 =	rddreg [dreg:$0x9];
	s30 =	simm.s32 $0x300  }
0x40: {  	[tilespmem:s30], [sflag:$0x3] =	stream.linear.gather [hbm4b:s26+s4], $0x50, $0x38;
	[tilespmem:$0x1DC80] =	vst v63  }
0x41: {  	s26 =	rddreg [dreg:$0xa];
	s30 =	simm.s32 $0x180  }
0x42: {  	[tilespmem:s30], [sflag:$0x4] =	stream.linear.gather [hbm4b:s26+s4], $0x50, $0x38;
	[tilespmem:$0x1DC80] =	vst v63  }
0x43: {  	s26 =	rddreg [dreg:$0xb];
	s30 =	simm.s32 $0x380  }
0x44: {  	[tilespmem:s30], [sflag:$0x4] =	stream.linear.gather [hbm4b:s26+s4], $0x50, $0x38;
	[tilespmem:$0x1DC80] =	vst v63  }
0x45: {  	s26 =	sand.u32 $0xFE00, s4  }
0x46: {  	s28 =	sand.u32 $0x70, s4;
	s29 =	sshrl.u32 s26, $0x2  }
0x47: {  	s26 =	simm.s32 $0x40;
	s29 =	sor.u32 s28, s29;
	s28 =	simm.s32 $0x0  }
.LBB2_2:
0x48: {  	p1 =	sne.s32 s26, $0x9FC0  }
0x49: {  	[tilespmem:s29+$0x7C00] =	vst v0;
	s28 =	sadd.s32 $0x10, s28;
	s29 =	smov.u32 s26;
	s26 =	sadd.s32 $0x40, s26  }
.Ltmp2:
0x4a: {  	(pc) =	sbr.rel @p1 .LBB2_2-.Ltmp2, $4  }
0x4b: {  	_ = 	snop  }
0x4c: {  	s29 =	sand.u32 $0xFE00, s29  }
0x4d: {  	s30 =	sand.u32 $0x70, s28;
	s29 =	sshrl.u32 s29, $0x2  }
0x4e: {  	s29 =	sor.u32 s30, s29  }
0x4f: {  	[tilespmem:s29+$0x7C00] =	vst v0  }
0x50: {  	_ =	swait.ge [sflag:s8], $0x50  }
0x51: {  	[sflag:s8] =	ssyncset.done $0x0  }
0x52: {  	[sflag:s8] =	ssyncadd.s32 $0xFFFFFFB0  }
0x53: {  	_ =	swait.ge [sflag:s8], $0x50  }
0x54: {  	[sflag:s8] =	ssyncset.done $0x0  }
0x55: {  	[sflag:s8] =	ssyncadd.s32 $0xFFFFFFB0  }
0x56: {  	[tilespmem:s10], [sflag:$0x5] =	stream.indirect.gather [hbm4b:s1+s9], $0x80, s4, s9, $0xb8;
	[tilespmem:$0x1DC80] =	vst v63  }
0x57: {  	_ =	swait.ge [sflag:s11], $0x50  }
0x58: {  	[sflag:s11] =	ssyncset.done $0x0  }
0x59: {  	[sflag:s11] =	ssyncadd.s32 $0xFFFFFFB0  }
0x5a: {  	_ =	swait.ge [sflag:s11], $0x50  }
0x5b: {  	[sflag:s11] =	ssyncset.done $0x0  }
0x5c: {  	s0 =	simm.s32 $0x2C00;
	[sflag:s11] =	ssyncadd.s32 $0xFFFFFFB0  }
0x5d: {  	[tilespmem:s0], [sflag:$0x6] =	stream.indirect.gather [hbm4b:s1+s9], $0x80, s3, s9, $0xb8;
	[tilespmem:$0x1DC80] =	vst v63  }
0x5e: {  	_ =	swait.ge [sflag:s12], $0x50  }
0x5f: {  	[sflag:s12] =	ssyncset.done $0x0  }
0x60: {  	[sflag:s12] =	ssyncadd.s32 $0xFFFFFFB0  }
0x61: {  	_ =	swait.ge [sflag:s12], $0x50  }
0x62: {  	[sflag:s12] =	ssyncset.done $0x0  }
0x63: {  	s30 =	simm.s32 $0x5400;
	[sflag:s12] =	ssyncadd.s32 $0xFFFFFFB0  }
0x64: {  	[tilespmem:s30], [sflag:$0x7] =	stream.indirect.gather [hbm4b:s1+s9], $0x80, s13, s9, $0xb8;
	[tilespmem:$0x1DC80] =	vst v63  }
0x65: {  	_ = 	snop  }
0x66: {  	[spmem:s31] =	stream.linear.scatter [tilespmem:s14], [sflag:$0x9], $0x2800, $0x38;
	[tilespmem:$0x1DC80] =	vst v63  }
0x67: {  	_ =	swait.ge [sflag:s23], $0x2800  }
0x68: {  	[sflag:s23] =	ssyncset.done $0x0  }
0x69: {  	s31 =	rddreg [dreg:$0xd];
	[sflag:s23] =	ssyncadd.s32 $0xFFFFD800  }
0x6a: {  	[spmem:s31] =	stream.linear.scatter [tilespmem:s14], [sflag:$0x9], $0x2800, $0x38;
	[tilespmem:$0x1DC80] =	vst v63  }
0x6b: {  	_ =	swait.ge [sflag:s23], $0x2800  }
0x6c: {  	[sflag:s23] =	ssyncset.done $0x0  }
0x6d: {  	s3 =	rddreg [dreg:$0x10];
	[sflag:s23] =	ssyncadd.s32 $0xFFFFD800  }
0x6e: {  	[spmem:s3] =	stream.linear.scatter [tilespmem:s14], [sflag:$0x9], $0x2800, $0x38;
	[tilespmem:$0x1DC80] =	vst v63  }
0x6f: {  	_ =	swait.ge [sflag:s23], $0x2800  }
0x70: {  	[sflag:s23] =	ssyncset.done $0x0  }
0x71: {  	s6 =	rddreg [dreg:$0x11];
	[sflag:s23] =	ssyncadd.s32 $0xFFFFD800  }
0x72: {  	[spmem:s6] =	stream.linear.scatter [tilespmem:s14], [sflag:$0x9], $0x2800, $0x38;
	[tilespmem:$0x1DC80] =	vst v63  }
0x73: {  	_ =	swait.ge [sflag:s23], $0x2800  }
0x74: {  	[sflag:s23] =	ssyncset.done $0x0  }
0x75: {  	s13 =	rddreg [dreg:$0x12];
	[sflag:s23] =	ssyncadd.s32 $0xFFFFD800  }
0x76: {  	[spmem:s13] =	stream.linear.scatter [tilespmem:s14], [sflag:$0x9], $0x2800, $0x38;
	[tilespmem:$0x1DC80] =	vst v63  }
0x77: {  	_ =	swait.ge [sflag:s23], $0x2800  }
0x78: {  	[sflag:s23] =	ssyncset.done $0x0  }
0x79: {  	s26 =	rddreg [dreg:$0x13];
	[sflag:s23] =	ssyncadd.s32 $0xFFFFD800  }
0x7a: {  	[spmem:s26] =	stream.linear.scatter [tilespmem:s14], [sflag:$0x9], $0x2800, $0x38;
	[tilespmem:$0x1DC80] =	vst v63  }
0x7b: {  	_ =	swait.ge [sflag:s23], $0x2800  }
0x7c: {  	[sflag:s23] =	ssyncset.done $0x0  }
0x7d: {  	s30 =	rddreg [dreg:$0x14];
	[sflag:s23] =	ssyncadd.s32 $0xFFFFD800  }
0x7e: {  	[spmem:s30] =	stream.linear.scatter [tilespmem:s14], [sflag:$0x9], $0x2800, $0x38;
	[tilespmem:$0x1DC80] =	vst v63  }
0x7f: {  	_ =	swait.ge [sflag:s23], $0x2800  }
0x80: {  	[sflag:s23] =	ssyncset.done $0x0  }
0x81: {  	s31 =	rddreg [dreg:$0x15];
	[sflag:s23] =	ssyncadd.s32 $0xFFFFD800  }
0x82: {  	[spmem:s31] =	stream.linear.scatter [tilespmem:s14], [sflag:$0x9], $0x2000, $0x38;
	[tilespmem:$0x1DC80] =	vst v63  }
0x83: {  	_ =	swait.ge [sflag:s23], $0x2000  }
0x84: {  	[sflag:s23] =	ssyncset.done $0x0  }
0x85: {  	s26 =	simm.s32 @!p0 $0x7C00;
	[sflag:s23] =	ssyncadd.s32 $0xFFFFE000  }
0x86: {  	[spmem:s7] =	stream.linear.scatter @!p0 [tilespmem:s26], [sflag:$0x9], $0x800, $0x38;
	[tilespmem:$0x1DC80] =	vst v63  }
0x87: {  	s26 =	simm.s32 @!p0 $0x9  }
0x88: {  	_ =	swait.ge @!p0 [sflag:s26], $0x800  }
0x89: {  	[sflag:s26] =	ssyncset.done @!p0 $0x0  }
0x8a: {  	s28 =	simm.s32 $0x3;
	s29 =	simm.s32 $0x0;
	[sflag:s26] =	ssyncadd.s32 @!p0 $0xFFFFF800  }
0x8b: {  	s13 =	smov.u32 s7;
	s26 =	simm.s32 $0x0;
	[bflag:$0x0] =	sbarrier.arrive $0xFFFF  }
.LBB2_4:
0x8c: {  	s30 =	sadd.s32 $0xFFFFFFF9, s28  }
0x8d: {  	p1 =	sgt.u32 s30, $0x78  }
0x8e: {  	s30 =	sadd.s32 @!p1 s26, s16;
	s6 =	simm.s32 @!p1 $0x0  }
0x8f: {  	[tilespmem:s6], [sflag:$0x1] =	stream.linear.gather @!p1 [hbm4b:s30+s6], $0x50, $0x38;
	[tilespmem:$0x1DC80] =	vst v63  }
0x90: {  	s31 =	simm.s32 @!p1 $0x200;
	s30 =	sadd.s32 @!p1 s26, s15  }
0x91: {  	[tilespmem:s31], [sflag:$0x1] =	stream.linear.gather @!p1 [hbm4b:s30+s6], $0x50, $0x38;
	[tilespmem:$0x1DC80] =	vst v63  }
0x92: {  	s30 =	simm.s32 @!p1 $0x4  }
0x93: {  	_ =	swait.ge @!p1 [sflag:s30], $0x50  }
0x94: {  	[sflag:s30] =	ssyncset.done @!p1 $0x0  }
0x95: {  	[sflag:s30] =	ssyncadd.s32 @!p1 $0xFFFFFFB0  }
0x96: {  	s3 =	sadd.s32 $0xFFFFFFFA, s28;
	_ =	swait.ge @!p1 [sflag:s30], $0x50  }
0x97: {  	p2 =	sgt.u32 s3, $0x7C;
	s0 =	simm.s32 @!p1 $0x180;
	[sflag:s30] =	ssyncset.done @!p1 $0x0  }
0x98: {  	s7 =	simm.s32 @!p1 $0x7C00;
	[sflag:s30] =	ssyncadd.s32 @!p1 $0xFFFFFFB0;
	s30 =	simm.s32 @!p1 $0x50  }
0x99: {  	[tilespmem:s7], [sflag:$0x8] =	stream.indirect.gather @!p1 [hbm4b:s1+s30], $0x80, s0, s30, $0xb8;
	[tilespmem:$0x1DC80] =	vst v63  }
0x9a: {  	s0 =	simm.s32 @!p2 $0x6  }
0x9b: {  	_ =	swait.ge @!p2 [sflag:s0], $0x2800  }
0x9c: {  	s31 =	simm.s32 @!p2 $0x2C00;
	[sflag:s0] =	ssyncset.done @!p2 $0x0  }
0x9d: {  	s7 =	simm.s32 @!p2 $0x280;
	[sflag:s0] =	ssyncadd.s32 @!p2 $0xFFFFD800;
	s0 =	simm.s32 @!p2 $0x50  }
0x9e: {  	[spmem:s2] =	stream.indirect.scatter.add.f32 @!p2 [tilespmem:s31], [sflag:$0xA], $0x80, s7, s0, $0xb8;
	[tilespmem:$0x1DC80] =	vst v63  }
0x9f: {  	s3 =	sadd.s32 $0xFFFFFFFE, s28;
	s0 =	simm.s32 @!p2 $0xA  }
0xa0: {  	p3 =	sne.s32 s26, $0x0;
	p4 =	slt.u32 s3, $0x7D;
	_ =	swait.ge @!p2 [sflag:s0], $0x2800  }
0xa1: {  	p3 =	por !p3, !p4;
	[sflag:s0] =	ssyncset.done @!p2 $0x0  }
0xa2: {  	[sflag:s0] =	ssyncadd.s32 @!p2 $0xFFFFD800;
	p2 =	por !p3, !p3  }
0xa3: {  	s0 =	sadd.s32 @p2 s26, s22;
	s7 =	simm.s32 @p2 $0x0;
	s31 =	simm.s32 @p2 $0x80  }
0xa4: {  	[tilespmem:s31], [sflag:$0x2] =	stream.linear.gather @p2 [hbm4b:s0+s7], $0x50, $0x38;
	[tilespmem:$0x1DC80] =	vst v63  }
0xa5: {  	s3 =	simm.s32 @p2 $0x280;
	s0 =	sadd.s32 @p2 s26, s21  }
0xa6: {  	[tilespmem:s3], [sflag:$0x2] =	stream.linear.gather @p2 [hbm4b:s0+s7], $0x50, $0x38;
	[tilespmem:$0x1DC80] =	vst v63  }
0xa7: {  	s0 =	simm.s32 @!p1 $0x1  }
0xa8: {  	_ =	swait.ge @!p1 [sflag:s0], $0x50  }
0xa9: {  	[sflag:s0] =	ssyncset.done @!p1 $0x0  }
0xaa: {  	[sflag:s0] =	ssyncadd.s32 @!p1 $0xFFFFFFB0  }
0xab: {  	_ =	swait.ge @!p1 [sflag:s0], $0x50  }
0xac: {  	[sflag:s0] =	ssyncset.done @!p1 $0x0  }
0xad: {  	s7 =	sadd.s32 $0xFFFFFFFB, s28;
	[sflag:s0] =	ssyncadd.s32 @!p1 $0xFFFFFFB0;
	s0 =	simm.s32 @!p1 $0x400  }
0xae: {  	[tilespmem:s0], [sflag:$0x5] =	stream.indirect.gather @!p1 [hbm4b:s1+s30], $0x80, s6, s30, $0xb8;
	[tilespmem:$0x1DC80] =	vst v63  }
0xaf: {  	p1 =	slt.u32 s7, $0x7D  }
0xb0: {  	s0 =	simm.s32 @p1 $0x7  }
0xb1: {  	_ =	swait.ge @p1 [sflag:s0], $0x2800  }
0xb2: {  	s3 =	simm.s32 @p1 $0x300;
	[sflag:s0] =	ssyncset.done @p1 $0x0  }
0xb3: {  	s6 =	simm.s32 @p1 $0x5400;
	[sflag:s0] =	ssyncadd.s32 @p1 $0xFFFFD800;
	s0 =	simm.s32 @p1 $0x50  }
0xb4: {  	[spmem:s2] =	stream.indirect.scatter.add.f32 @p1 [tilespmem:s6], [sflag:$0xA], $0x80, s3, s0, $0xb8;
	[tilespmem:$0x1DC80] =	vst v63  }
0xb5: {  	p3 =	sgt.u32 @p1 s29, $0x1E;
	s0 =	simm.s32 @p1 $0xA  }
0xb6: {  	p3 =	por p3, !p1;
	_ =	swait.ge @p1 [sflag:s0], $0x2800  }
0xb7: {  	s3 =	simm.s32 @!p3 $0x0;
	[sflag:s0] =	ssyncset.done @p1 $0x0  }
0xb8: {  	s6 =	simm.s32 @!p3 $0x100;
	[sflag:s0] =	ssyncadd.s32 @p1 $0xFFFFD800;
	s0 =	sadd.s32 @!p3 s26, s20  }
0xb9: {  	[tilespmem:s6], [sflag:$0x3] =	stream.linear.gather @!p3 [hbm4b:s0+s3], $0x50, $0x38;
	[tilespmem:$0x1DC80] =	vst v63  }
0xba: {  	s0 =	sadd.s32 @!p3 s26, s19;
	s6 =	simm.s32 @!p3 $0x300  }
0xbb: {  	[tilespmem:s6], [sflag:$0x3] =	stream.linear.gather @!p3 [hbm4b:s0+s3], $0x50, $0x38;
	[tilespmem:$0x1DC80] =	vst v63  }
0xbc: {  	s0 =	simm.s32 @p2 $0x2  }
0xbd: {  	_ =	swait.ge @p2 [sflag:s0], $0x50  }
0xbe: {  	[sflag:s0] =	ssyncset.done @p2 $0x0  }
0xbf: {  	[sflag:s0] =	ssyncadd.s32 @p2 $0xFFFFFFB0  }
0xc0: {  	_ =	swait.ge @p2 [sflag:s0], $0x50  }
0xc1: {  	s30 =	sadd.s32 $0xFFFFFFFC, s28;
	[sflag:s0] =	ssyncset.done @p2 $0x0  }
0xc2: {  	s6 =	simm.s32 @p2 $0x2C00;
	[sflag:s0] =	ssyncadd.s32 @p2 $0xFFFFFFB0;
	s0 =	simm.s32 @p2 $0x50  }
0xc3: {  	[tilespmem:s6], [sflag:$0x6] =	stream.indirect.gather @p2 [hbm4b:s1+s0], $0x80, s31, s0, $0xb8;
	[tilespmem:$0x1DC80] =	vst v63  }
0xc4: {  	p2 =	sgt.u32 s30, $0x7C  }
0xc5: {  	s0 =	simm.s32 @!p2 $0x8  }
0xc6: {  	p3 =	seq.s32 s26, $0x0;
	_ =	swait.ge @!p2 [sflag:s0], $0x2800  }
0xc7: {  	p5 =	sgt.u32 @!p3 s28, $0x7C;
	s3 =	simm.s32 @!p2 $0x380;
	[sflag:s0] =	ssyncset.done @!p2 $0x0  }
0xc8: {  	s6 =	simm.s32 @!p2 $0x7C00;
	[sflag:s0] =	ssyncadd.s32 @!p2 $0xFFFFD800;
	s0 =	simm.s32 @!p2 $0x50  }
0xc9: {  	[spmem:s2] =	stream.indirect.scatter.add.f32 @!p2 [tilespmem:s6], [sflag:$0xA], $0x80, s3, s0, $0xb8;
	[tilespmem:$0x1DC80] =	vst v63  }
0xca: {  	p5 =	por p5, p3;
	s0 =	simm.s32 @!p2 $0xA  }
0xcb: {  	s3 =	sadd.s32 @p1 $0xFFFFFFFF, s28;
	s6 =	simm.s32 @!p5 $0x180;
	_ =	swait.ge @!p2 [sflag:s0], $0x2800  }
0xcc: {  	p4 =	slt.u32 @p1 s3, $0x7D;
	s3 =	simm.s32 @!p5 $0x0;
	[sflag:s0] =	ssyncset.done @!p2 $0x0  }
0xcd: {  	[sflag:s0] =	ssyncadd.s32 @!p2 $0xFFFFD800;
	p2 =	slt.u32 @!p1 s29, $0x1F;
	s0 =	sadd.s32 @!p5 s26, s18  }
0xce: {  	[tilespmem:s6], [sflag:$0x4] =	stream.linear.gather @!p5 [hbm4b:s0+s3], $0x50, $0x38;
	[tilespmem:$0x1DC80] =	vst v63  }
0xcf: {  	p4 =	por @!p1 p2, p2  }
0xd0: {  	s0 =	sadd.s32 @!p5 s26, s17;
	s6 =	simm.s32 @!p5 $0x380;
	p1 =	por !p4, !p4  }
0xd1: {  	[tilespmem:s6], [sflag:$0x4] =	stream.linear.gather @!p5 [hbm4b:s0+s3], $0x50, $0x38;
	[tilespmem:$0x1DC80] =	vst v63  }
0xd2: {  	p1 =	por p3, p1  }
0xd3: {  	s0 =	simm.s32 @!p1 $0x3  }
0xd4: {  	_ =	swait.ge @!p1 [sflag:s0], $0x50  }
0xd5: {  	[sflag:s0] =	ssyncset.done @!p1 $0x0  }
0xd6: {  	[sflag:s0] =	ssyncadd.s32 @!p1 $0xFFFFFFB0  }
0xd7: {  	_ =	swait.ge @!p1 [sflag:s0], $0x50  }
0xd8: {  	s3 =	simm.s32 @!p1 $0x100;
	[sflag:s0] =	ssyncset.done @!p1 $0x0  }
0xd9: {  	s6 =	simm.s32 @!p1 $0x5400;
	[sflag:s0] =	ssyncadd.s32 @!p1 $0xFFFFFFB0;
	s0 =	simm.s32 @!p1 $0x50  }
0xda: {  	[tilespmem:s6], [sflag:$0x7] =	stream.indirect.gather @!p1 [hbm4b:s1+s0], $0x80, s3, s0, $0xb8;
	[tilespmem:$0x1DC80] =	vst v63  }
0xdb: {  	p1 =	seq.s32 s26, $0x500  }
.Ltmp3:
0xdc: {  	_ = 	snop;
	(pc) =	sbr.rel @p1 .LBB2_6-.Ltmp3, $1  }
0xdd: {  	_ =	sdelay $0x3  }
0xde: {  	_ =	swait.ge [sflag:s24], $0x2800  }
0xdf: {  	[sflag:s24] =	ssyncset.done $0x0  }
.Ltmp4:
0xe0: {  	[sflag:s24] =	ssyncadd.s32 $0xFFFFD800;
	(pc) =	sbr.rel .LBB2_4-.Ltmp4, $4  }
0xe1: {  	[spmem:s2] =	stream.indirect.scatter.add.f32 [tilespmem:s10], [sflag:$0x9], $0x80, s5, s9, $0xb8;
	[tilespmem:$0x1DC80] =	vst v63  }
0xe2: {  	_ =	swait.ge [sflag:s23], $0x2800  }
0xe3: {  	s29 =	sadd.s32 $0x1, s29;
	[sflag:s23] =	ssyncset.done $0x0  }
0xe4: {  	s26 =	sadd.s32 $0x28, s26;
	s28 =	sadd.s32 $0x4, s28;
	[sflag:s23] =	ssyncadd.s32 $0xFFFFD800  }
.LBB2_7:
0xe5: {  	_ =	sfence.sel $0x180000  }
0xe6: {  	[bflag:$0x0] =	sbarrier.arrive $0xFFFF  }
0xe7: {  	_ =	strace $0x90000047  }
0xe8: {  	[bflag:$0x2] =	sbarrier.arrive $0xFFFF  }
0xe9: {  	s0 =	rddreg [dreg:$0x3]  }
0xea: {  	s0 =	sadd.s32 @!p0 $0x100000, s0  }
0xeb: {  	[sflag:s0] =	ssyncadd.tile.s32 @!p0 $0x1;
	_ =	shalt  }
.Lfunc_end2:
_tile_overlayer_lowered:
.L_overlay_start_2:
0xec: {  	(tag) =	ssettag $0x2  }
0xed: {  	s0 =	rddreg [dreg:$0x0];
	s2 =	stileid.u32  }
0xee: {  	s1 =	rddreg [dreg:$0x1];
	p0 =	sne.s32 s2, $0x0  }
0xef: {  	s3 =	rddreg [dreg:$0x2];
	[bflag:$0x3] =	sbarrier.arrive $0xFFFF;
	s2 =	simm.s32 @!p0 $0x1C09  }
0xf0: {  	[timem:s3], [sflag:s2] =	dma.local @!p0 [hbm:s0], s1  }
0xf1: {  	s0 =	simm.s32 @!p0 $0x9  }
0xf2: {  	_ =	swait.ge @!p0 [sflag:s0], s1  }
0xf3: {  	s1 =	ssub.s32 @!p0 $0x0, s1;
	[sflag:s0] =	ssyncset.done @!p0 $0x0  }
0xf4: {  	[sflag:s0] =	ssyncadd.s32 @!p0 s1  }
0xf5: {  	[bflag:$0x3] =	sbarrier.arrive $0xFFFF  }
0xf6: {  	_ =	shalt  }

</sc_bundles>
